<compile_context>
chip_gen: v7x
topology: tpu7x:2x2x1
jax: 0.10.2.dev20260603
libtpu: 0.0.44.dev20260713+nightly
codegen_flags: <defaults>
</compile_context>

<pallas_src>
import functools

import jax
import jax.numpy as jnp
from jax import lax
from jax.experimental import pallas as pl
from jax.experimental.pallas import tpu as pltpu
from jax.experimental.pallas import tpu_sc as plsc

N = 10000
E = 160000
NPAD = 10240
BR = 512
W_EDGE = 128
NC = 2
NS = 16
RPT = NPAD // NS
E_PADA = 163840
FW = 128
EPS = 1e-5
FN = float(N)


def _sc_mesh():
    return plsc.VectorSubcoreMesh(core_axis_name="c", subcore_axis_name="s")


def _sc_degree(dst_p):
    chunk = E_PADA // (NC * NS)
    nwin = chunk // W_EDGE

    @functools.partial(
        pl.kernel,
        out_type=jax.ShapeDtypeStruct((NC, NPAD), jnp.float32),
        mesh=_sc_mesh(),
        scratch_types=[
            pltpu.VMEM((chunk,), jnp.int32),
            pltpu.VMEM((W_EDGE,), jnp.float32),
            pltpu.VMEM((RPT,), jnp.float32),
            pltpu.VMEM_SHARED((NPAD,), jnp.float32),
            pltpu.SemaphoreType.DMA,
        ],
    )
    def deg_kernel(dst_hbm, out, dst_v, ones_v, dbounce, dacc, sem):
        c = lax.axis_index("c")
        s = lax.axis_index("s")
        for i in range(W_EDGE // 16):
            ones_v[pl.ds(16 * i, 16)] = jnp.ones((16,), jnp.float32)
        for i in range(RPT // 16):
            dbounce[pl.ds(16 * i, 16)] = jnp.zeros((16,), jnp.float32)
        pltpu.sync_copy(dbounce, dacc.at[pl.ds(s * RPT, RPT)])
        wid = c * NS + s
        pltpu.sync_copy(dst_hbm.at[pl.ds(wid * chunk, chunk)], dst_v)
        plsc.subcore_barrier()

        def win(w, carry):
            pltpu.sync_copy(
                ones_v, dacc.at[dst_v.at[pl.ds(w * W_EDGE, W_EDGE)]], add=True)
            return carry

        lax.fori_loop(0, nwin, win, 0)
        plsc.subcore_barrier()
        pltpu.sync_copy(dacc.at[pl.ds(s * RPT, RPT)], out.at[c, pl.ds(s * RPT, RPT)])

    return deg_kernel(dst_p)


def _sc_agg(src_p, dst_p, gtab, split_edges):
    chunk = E_PADA // (NC * NS) if split_edges else E_PADA // NS
    nwin = chunk // W_EDGE
    WG = 128
    NPH = 2
    pchunk = chunk // NPH
    nit = pchunk // (2 * WG)

    @functools.partial(
        pl.kernel,
        out_type=jax.ShapeDtypeStruct((NC, NPAD, FW), jnp.float32),
        mesh=_sc_mesh(),
        scratch_types=[
            pltpu.VMEM((pchunk,), jnp.int32),
            pltpu.VMEM((pchunk,), jnp.int32),
            pltpu.VMEM((WG, FW), jnp.float32),
            pltpu.VMEM((WG, FW), jnp.float32),
            pltpu.VMEM_SHARED((NPAD, FW), jnp.float32),
            pltpu.SemaphoreType.DMA,
            pltpu.SemaphoreType.DMA,
        ],
    )
    def agg(src_hbm, dst_hbm, g_hbm, out, src_v, dst_v, buf_a, buf_b, acc,
            sem_a, sem_b):
        c = lax.axis_index("c")
        s = lax.axis_index("s")

        def run(tab):
            wid = (c * NS + s) if split_edges else s
            pltpu.sync_copy(tab.at[pl.ds(s * RPT, RPT)], acc.at[pl.ds(s * RPT, RPT)])
            plsc.subcore_barrier()

            def start(e, buf, sem):
                return pltpu.async_copy(tab.at[src_v.at[pl.ds(e, WG)]], buf, sem)

            def wait(buf, sem):
                pltpu.make_async_copy(tab.at[src_v.at[pl.ds(0, WG)]], buf, sem).wait()

            def scat(w, buf):
                pltpu.sync_copy(
                    buf, acc.at[dst_v.at[pl.ds(w * W_EDGE, W_EDGE)]], add=True)

            for ph in range(NPH):
                pltpu.sync_copy(
                    src_hbm.at[pl.ds(wid * chunk + ph * pchunk, pchunk)], src_v)
                pltpu.sync_copy(
                    dst_hbm.at[pl.ds(wid * chunk + ph * pchunk, pchunk)], dst_v)
                start(0, buf_a, sem_a)
                start(WG, buf_b, sem_b)

                def it(i, carry):
                    e0 = i * 2 * WG
                    wait(buf_a, sem_a)
                    scat(2 * i, buf_a)

                    @pl.when(i < nit - 1)
                    def _():
                        start(e0 + 2 * WG, buf_a, sem_a)

                    wait(buf_b, sem_b)
                    scat(2 * i + 1, buf_b)

                    @pl.when(i < nit - 1)
                    def _():
                        start(e0 + 3 * WG, buf_b, sem_b)

                    return carry

                lax.fori_loop(0, nit, it, 0)
            plsc.subcore_barrier()
            pltpu.sync_copy(
                acc.at[pl.ds(s * RPT, RPT)], out.at[c, pl.ds(s * RPT, RPT)])

        if split_edges:
            run(g_hbm)
        else:
            pl.when(c == 0)(lambda: run(g_hbm.at[0]))
            pl.when(c == 1)(lambda: run(g_hbm.at[1]))

    return agg(src_p, dst_p, gtab)


def _dis_block(d0_ref, d1_ref):
    return lax.rsqrt(d0_ref[...] + d1_ref[...] + 1.0)


def _mm_scale(xin, Wm, deg0, deg1, split):
    K = xin.shape[1]
    F = Wm.shape[1]
    if split:
        out_shape = jax.ShapeDtypeStruct((2, NPAD, F // 2), jnp.float32)
        out_spec = pl.BlockSpec((2, BR, F // 2), lambda i: (0, i, 0))
    else:
        out_shape = jax.ShapeDtypeStruct((NPAD, F), jnp.float32)
        out_spec = pl.BlockSpec((BR, F), lambda i: (i, 0))

    def body(x_ref, w_ref, d0_ref, d1_ref, o_ref):
        dis = _dis_block(d0_ref, d1_ref)
        p = jnp.dot(x_ref[...].astype(jnp.bfloat16), w_ref[...].astype(jnp.bfloat16),
                    preferred_element_type=jnp.float32)
        g = p * dis
        if split:
            o_ref[0] = g[:, : F // 2]
            o_ref[1] = g[:, F // 2 :]
        else:
            o_ref[...] = g

    return pl.pallas_call(
        body,
        grid=(NPAD // BR,),
        in_specs=[
            pl.BlockSpec((BR, K), lambda i: (i, 0)),
            pl.BlockSpec((K, F), lambda i: (0, 0)),
            pl.BlockSpec((BR, 1), lambda i: (i, 0)),
            pl.BlockSpec((BR, 1), lambda i: (i, 0)),
        ],
        out_specs=out_spec,
        out_shape=out_shape,
    )(xin, Wm, deg0, deg1)


def _bn_mm(A, deg0, deg1, brow, grow, berow, Wn, split):
    F = 2 * A.shape[2]
    Fn = Wn.shape[1]
    nb = NPAD // BR
    if split:
        out_shape = jax.ShapeDtypeStruct((2, NPAD, Fn // 2), jnp.float32)
        out_spec = pl.BlockSpec((2, BR, Fn // 2), lambda p, i: (0, i * p, 0))
    else:
        out_shape = jax.ShapeDtypeStruct((NPAD, Fn), jnp.float32)
        out_spec = pl.BlockSpec((BR, Fn), lambda p, i: (i * p, 0))

    def body(a_ref, d0_ref, d1_ref, b_ref, ga_ref, be_ref, w_ref, o_ref, st_ref):
        ph = pl.program_id(0)
        i = pl.program_id(1)
        dis = _dis_block(d0_ref, d1_ref)
        conv = jnp.concatenate([a_ref[0], a_ref[1]], axis=1) * dis + b_ref[...]
        rows = i * BR + lax.broadcasted_iota(jnp.int32, (BR, 1), 0)
        mask = rows < N

        @pl.when(ph == 0)
        def _():
            @pl.when(i == 0)
            def _():
                st_ref[...] = jnp.zeros((2, F), jnp.float32)

            s1 = jnp.sum(jnp.where(mask, conv, 0.0), axis=0, keepdims=True)
            s2 = jnp.sum(jnp.where(mask, conv * conv, 0.0), axis=0, keepdims=True)
            st_ref[...] += jnp.concatenate([s1, s2], axis=0)

        @pl.when(ph == 1)
        def _():
            m = st_ref[0:1, :] * (1.0 / FN)
            var = st_ref[1:2, :] * (1.0 / FN) - m * m
            y = ga_ref[...] * (conv - m) * lax.rsqrt(var + EPS) + be_ref[...]
            y = jnp.maximum(y, 0.0)
            y = jnp.where(mask, y, 0.0)
            p = jnp.dot(y.astype(jnp.bfloat16), w_ref[...].astype(jnp.bfloat16),
                        preferred_element_type=jnp.float32)
            g = p * dis
            if split:
                o_ref[0] = g[:, : Fn // 2]
                o_ref[1] = g[:, Fn // 2 :]
            else:
                o_ref[...] = g

    return pl.pallas_call(
        body,
        grid=(2, nb),
        in_specs=[
            pl.BlockSpec((2, BR, A.shape[2]), lambda p, i: (0, i, 0)),
            pl.BlockSpec((BR, 1), lambda p, i: (i, 0)),
            pl.BlockSpec((BR, 1), lambda p, i: (i, 0)),
            pl.BlockSpec((1, F), lambda p, i: (0, 0)),
            pl.BlockSpec((1, F), lambda p, i: (0, 0)),
            pl.BlockSpec((1, F), lambda p, i: (0, 0)),
            pl.BlockSpec((F, Fn), lambda p, i: (0, 0)),
        ],
        out_specs=out_spec,
        out_shape=out_shape,
        scratch_shapes=[pltpu.VMEM((2, F), jnp.float32)],
    )(A, deg0, deg1, brow, grow, berow, Wn)


def _final(P, g3, deg0, deg1, brow):
    F = P.shape[2]

    def body(p_ref, g3_ref, d0_ref, d1_ref, b_ref, o_ref):
        dis = _dis_block(d0_ref, d1_ref)
        o_ref[...] = (p_ref[0] + p_ref[1] - g3_ref[...]) * dis + b_ref[...]

    return pl.pallas_call(
        body,
        grid=(NPAD // BR,),
        in_specs=[
            pl.BlockSpec((2, BR, F), lambda i: (0, i, 0)),
            pl.BlockSpec((BR, F), lambda i: (i, 0)),
            pl.BlockSpec((BR, 1), lambda i: (i, 0)),
            pl.BlockSpec((BR, 1), lambda i: (i, 0)),
            pl.BlockSpec((1, F), lambda i: (0, 0)),
        ],
        out_specs=pl.BlockSpec((BR, F), lambda i: (i, 0)),
        out_shape=jax.ShapeDtypeStruct((N, F), jnp.float32),
    )(P, g3, deg0, deg1, brow)


def kernel(x, edge_index, W1, b1, g1, be1, W2, b2, g2, be2, W3, b3):
    src = edge_index[0]
    dst = edge_index[1]
    padidx = (jnp.arange(E_PADA - E, dtype=jnp.int32) % (NPAD - N)) + N
    src_p = jnp.concatenate([src, padidx])
    dst_p = jnp.concatenate([dst, padidx])
    xp = jnp.pad(x, ((0, NPAD - N), (0, 0)))

    degp = _sc_degree(dst_p)
    deg0 = degp[0].reshape(NPAD, 1)
    deg1 = degp[1].reshape(NPAD, 1)

    b1r, g1r, be1r = b1.reshape(1, -1), g1.reshape(1, -1), be1.reshape(1, -1)
    b2r, g2r, be2r = b2.reshape(1, -1), g2.reshape(1, -1), be2.reshape(1, -1)
    b3r = b3.reshape(1, -1)

    gt1 = _mm_scale(xp, W1, deg0, deg1, split=True)
    A1 = _sc_agg(src_p, dst_p, gt1, split_edges=False)
    gt2 = _bn_mm(A1, deg0, deg1, b1r, g1r, be1r, W2, split=True)
    A2 = _sc_agg(src_p, dst_p, gt2, split_edges=False)
    gt3 = _bn_mm(A2, deg0, deg1, b2r, g2r, be2r, W3, split=False)
    P3 = _sc_agg(src_p, dst_p, gt3, split_edges=True)
    return _final(P3, gt3, deg0, deg1, b3r)

# --- scband reference (transcript-rebuilt; emitter-appended) ---
"""Pipeline reference for scband-gcn-multilayer-7567732376249 (READ-ONLY COPY).

The authoritative reference and input builder live on the scoring server;
editing this copy changes nothing except your own understanding.
"""

import jax, jax.numpy as jnp
import numpy as np

N = 10000
E = 160000
IN = 256
HID = 256
OUT = 128
EPS = 1e-5


def setup_inputs(seed: int = 0) -> dict:
    key = jax.random.key(seed)
    ks = jax.random.split(key, 8)
    x = jax.random.normal(ks[0], (N, IN), dtype=jnp.float32)
    edge_index = jax.random.randint(ks[1], (2, E), 0, N, dtype=jnp.int32)
    # GCNConv weights (glorot-ish init) + biases
    W1 = jax.random.normal(ks[2], (IN, HID), dtype=jnp.float32) * (1.0 / np.sqrt(IN))
    b1 = jnp.zeros((HID,), dtype=jnp.float32)
    W2 = jax.random.normal(ks[3], (HID, HID), dtype=jnp.float32) * (1.0 / np.sqrt(HID))
    b2 = jnp.zeros((HID,), dtype=jnp.float32)
    W3 = jax.random.normal(ks[4], (HID, OUT), dtype=jnp.float32) * (1.0 / np.sqrt(HID))
    b3 = jnp.zeros((OUT,), dtype=jnp.float32)
    # BatchNorm affine params
    g1 = jnp.ones((HID,), dtype=jnp.float32)
    be1 = jnp.zeros((HID,), dtype=jnp.float32)
    g2 = jnp.ones((HID,), dtype=jnp.float32)
    be2 = jnp.zeros((HID,), dtype=jnp.float32)
    return {"x": x, "edge_index": edge_index, "W1": W1, "b1": b1, "g1": g1,
            "be1": be1, "W2": W2, "b2": b2, "g2": g2, "be2": be2,
            "W3": W3, "b3": b3}


def _gcn_conv(x, W, b, src, dst, norm):
    # x @ W then symmetric-normalized scatter-add aggregation (self-loops included in src/dst)
    h = x @ W
    msg = h[src] * norm[:, None]
    out = jax.ops.segment_sum(msg, dst, num_segments=N)
    return out + b


def _batch_norm(x, gamma, beta):
    m = jnp.mean(x, axis=0)
    v = jnp.var(x, axis=0)
    return gamma * (x - m) / jnp.sqrt(v + EPS) + beta


def reference(x, edge_index, W1, b1, g1, be1, W2, b2, g2, be2, W3, b3):
    src = edge_index[0]
    dst = edge_index[1]
    loop = jnp.arange(N, dtype=src.dtype)
    src_f = jnp.concatenate([src, loop])
    dst_f = jnp.concatenate([dst, loop])
    deg = jax.ops.segment_sum(jnp.ones((E + N,), dtype=jnp.float32), dst_f, num_segments=N)
    dis = jax.lax.rsqrt(deg)  # deg >= 1 because of self-loops
    norm = dis[src_f] * dis[dst_f]
    # layer 1
    h = _gcn_conv(x, W1, b1, src_f, dst_f, norm)
    h = _batch_norm(h, g1, be1)
    h = jax.nn.relu(h)
    # dropout is identity in eval mode
    # layer 2
    h = _gcn_conv(h, W2, b2, src_f, dst_f, norm)
    h = _batch_norm(h, g2, be2)
    h = jax.nn.relu(h)
    # layer 3 (no bn/relu)
    out = _gcn_conv(h, W3, b3, src_f, dst_f, norm)
    return out

if __name__ == "__main__":
    import jax
    _d = setup_inputs()
    print(jax.jit(kernel)(*tuple(_d.values())))

</pallas_src>

<mosaic_0001>
#map = affine_map<(d0, d1) -> (0)>
#map1 = affine_map<(d0, d1) -> (0, 0)>
module attributes {stable_mosaic.version = 14 : i64} {
  func.func @deg_kernel(%arg0: i32, %arg1: i32, %arg2: memref<163840xi32, #tpu.memory_space<hbm>>, %arg3: memref<2x10240xf32, #tpu.memory_space<hbm>>, %arg4: memref<5120xi32, #tpu.memory_space<vmem>>, %arg5: memref<128xf32, #tpu.memory_space<vmem>>, %arg6: memref<640xf32, #tpu.memory_space<vmem>>, %arg7: memref<10240xf32, #tpu.memory_space<vmem_shared>>, %arg8: memref<!tpu.dma_semaphore, #tpu.memory_space<semaphore_mem>>) attributes {dimension_semantics = [#tpu.dimension_semantics<core_parallel>, #tpu.dimension_semantics<subcore_parallel>], iteration_bounds = array<i64: 2, 16>, scalar_prefetch = 0 : i64, scratch_operands = 5 : i64, tpu.core_type = #tpu.core_type<sc_vector_subcore>, window_params = [{transform_indices = #map}, {transform_indices = #map1}]} {
    %broadcast_in_dim3A = arith.constant 1.000000e+00 : f32
    %broadcast_in_dim3A_0 = vector.broadcast %broadcast_in_dim3A : f32 to vector<16xf32>
    %swap3A = arith.constant 0 : index
    %swap3A_1 = tpu.vector_load %arg5[%swap3A] {strides = array<i32>} : memref<128xf32, #tpu.memory_space<vmem>>, vector<16xf32>,
    %swap3A_2 = vector.shape_cast %swap3A_1 : vector<16xf32> to vector<16xf32>
    %swap3A_3 = vector.shape_cast %broadcast_in_dim3A_0 : vector<16xf32> to vector<16xf32>
    tpu.vector_store %arg5[%swap3A], %swap3A_3 {strides = array<i32>} : memref<128xf32, #tpu.memory_space<vmem>>, vector<16xf32>,
    %broadcast_in_dim3A_4 = arith.constant 1.000000e+00 : f32
    %broadcast_in_dim3A_5 = vector.broadcast %broadcast_in_dim3A_4 : f32 to vector<16xf32>
    %swap3A_6 = arith.constant 16 : index
    %swap3A_7 = tpu.vector_load %arg5[%swap3A_6] {strides = array<i32>} : memref<128xf32, #tpu.memory_space<vmem>>, vector<16xf32>,
    %swap3A_8 = vector.shape_cast %swap3A_7 : vector<16xf32> to vector<16xf32>
    %swap3A_9 = vector.shape_cast %broadcast_in_dim3A_5 : vector<16xf32> to vector<16xf32>
    tpu.vector_store %arg5[%swap3A_6], %swap3A_9 {strides = array<i32>} : memref<128xf32, #tpu.memory_space<vmem>>, vector<16xf32>,
    %broadcast_in_dim3A_10 = arith.constant 1.000000e+00 : f32
    %broadcast_in_dim3A_11 = vector.broadcast %broadcast_in_dim3A_10 : f32 to vector<16xf32>
    %swap3A_12 = arith.constant 32 : index
    %swap3A_13 = tpu.vector_load %arg5[%swap3A_12] {strides = array<i32>} : memref<128xf32, #tpu.memory_space<vmem>>, vector<16xf32>,
    %swap3A_14 = vector.shape_cast %swap3A_13 : vector<16xf32> to vector<16xf32>
    %swap3A_15 = vector.shape_cast %broadcast_in_dim3A_11 : vector<16xf32> to vector<16xf32>
    tpu.vector_store %arg5[%swap3A_12], %swap3A_15 {strides = array<i32>} : memref<128xf32, #tpu.memory_space<vmem>>, vector<16xf32>,
    %broadcast_in_dim3A_16 = arith.constant 1.000000e+00 : f32
    %broadcast_in_dim3A_17 = vector.broadcast %broadcast_in_dim3A_16 : f32 to vector<16xf32>
    %swap3A_18 = arith.constant 48 : index
    %swap3A_19 = tpu.vector_load %arg5[%swap3A_18] {strides = array<i32>} : memref<128xf32, #tpu.memory_space<vmem>>, vector<16xf32>,
    %swap3A_20 = vector.shape_cast %swap3A_19 : vector<16xf32> to vector<16xf32>
    %swap3A_21 = vector.shape_cast %broadcast_in_dim3A_17 : vector<16xf32> to vector<16xf32>
    tpu.vector_store %arg5[%swap3A_18], %swap3A_21 {strides = array<i32>} : memref<128xf32, #tpu.memory_space<vmem>>, vector<16xf32>,
    %broadcast_in_dim3A_22 = arith.constant 1.000000e+00 : f32
    %broadcast_in_dim3A_23 = vector.broadcast %broadcast_in_dim3A_22 : f32 to vector<16xf32>
    %swap3A_24 = arith.constant 64 : index
    %swap3A_25 = tpu.vector_load %arg5[%swap3A_24] {strides = array<i32>} : memref<128xf32, #tpu.memory_space<vmem>>, vector<16xf32>,
    %swap3A_26 = vector.shape_cast %swap3A_25 : vector<16xf32> to vector<16xf32>
    %swap3A_27 = vector.shape_cast %broadcast_in_dim3A_23 : vector<16xf32> to vector<16xf32>
    tpu.vector_store %arg5[%swap3A_24], %swap3A_27 {strides = array<i32>} : memref<128xf32, #tpu.memory_space<vmem>>, vector<16xf32>,
    %broadcast_in_dim3A_28 = arith.constant 1.000000e+00 : f32
    %broadcast_in_dim3A_29 = vector.broadcast %broadcast_in_dim3A_28 : f32 to vector<16xf32>
    %swap3A_30 = arith.constant 80 : index
    %swap3A_31 = tpu.vector_load %arg5[%swap3A_30] {strides = array<i32>} : memref<128xf32, #tpu.memory_space<vmem>>, vector<16xf32>,
    %swap3A_32 = vector.shape_cast %swap3A_31 : vector<16xf32> to vector<16xf32>
    %swap3A_33 = vector.shape_cast %broadcast_in_dim3A_29 : vector<16xf32> to vector<16xf32>
    tpu.vector_store %arg5[%swap3A_30], %swap3A_33 {strides = array<i32>} : memref<128xf32, #tpu.memory_space<vmem>>, vector<16xf32>,
    %broadcast_in_dim3A_34 = arith.constant 1.000000e+00 : f32
    %broadcast_in_dim3A_35 = vector.broadcast %broadcast_in_dim3A_34 : f32 to vector<16xf32>
    %swap3A_36 = arith.constant 96 : index
    %swap3A_37 = tpu.vector_load %arg5[%swap3A_36] {strides = array<i32>} : memref<128xf32, #tpu.memory_space<vmem>>, vector<16xf32>,
    %swap3A_38 = vector.shape_cast %swap3A_37 : vector<16xf32> to vector<16xf32>
    %swap3A_39 = vector.shape_cast %broadcast_in_dim3A_35 : vector<16xf32> to vector<16xf32>
    tpu.vector_store %arg5[%swap3A_36], %swap3A_39 {strides = array<i32>} : memref<128xf32, #tpu.memory_space<vmem>>, vector<16xf32>,
    %broadcast_in_dim3A_40 = arith.constant 1.000000e+00 : f32
    %broadcast_in_dim3A_41 = vector.broadcast %broadcast_in_dim3A_40 : f32 to vector<16xf32>
    %swap3A_42 = arith.constant 112 : index
    %swap3A_43 = tpu.vector_load %arg5[%swap3A_42] {strides = array<i32>} : memref<128xf32, #tpu.memory_space<vmem>>, vector<16xf32>,
    %swap3A_44 = vector.shape_cast %swap3A_43 : vector<16xf32> to vector<16xf32>
    %swap3A_45 = vector.shape_cast %broadcast_in_dim3A_41 : vector<16xf32> to vector<16xf32>
    tpu.vector_store %arg5[%swap3A_42], %swap3A_45 {strides = array<i32>} : memref<128xf32, #tpu.memory_space<vmem>>, vector<16xf32>,
    %broadcast_in_dim3A_46 = arith.constant 0.000000e+00 : f32
    %broadcast_in_dim3A_47 = vector.broadcast %broadcast_in_dim3A_46 : f32 to vector<16xf32>
    %swap3A_48 = arith.constant 0 : index
    %swap3A_49 = tpu.vector_load %arg6[%swap3A_48] {strides = array<i32>} : memref<640xf32, #tpu.memory_space<vmem>>, vector<16xf32>,
    %swap3A_50 = vector.shape_cast %swap3A_49 : vector<16xf32> to vector<16xf32>
    %swap3A_51 = vector.shape_cast %broadcast_in_dim3A_47 : vector<16xf32> to vector<16xf32>
    tpu.vector_store %arg6[%swap3A_48], %swap3A_51 {strides = array<i32>} : memref<640xf32, #tpu.memory_space<vmem>>, vector<16xf32>,
    %broadcast_in_dim3A_52 = arith.constant 0.000000e+00 : f32
    %broadcast_in_dim3A_53 = vector.broadcast %broadcast_in_dim3A_52 : f32 to vector<16xf32>
    %swap3A_54 = arith.constant 16 : index
    %swap3A_55 = tpu.vector_load %arg6[%swap3A_54] {strides = array<i32>} : memref<640xf32, #tpu.memory_space<vmem>>, vector<16xf32>,
    %swap3A_56 = vector.shape_cast %swap3A_55 : vector<16xf32> to vector<16xf32>
    %swap3A_57 = vector.shape_cast %broadcast_in_dim3A_53 : vector<16xf32> to vector<16xf32>
    tpu.vector_store %arg6[%swap3A_54], %swap3A_57 {strides = array<i32>} : memref<640xf32, #tpu.memory_space<vmem>>, vector<16xf32>,
    %broadcast_in_dim3A_58 = arith.constant 0.000000e+00 : f32
    %broadcast_in_dim3A_59 = vector.broadcast %broadcast_in_dim3A_58 : f32 to vector<16xf32>
    %swap3A_60 = arith.constant 32 : index
    %swap3A_61 = tpu.vector_load %arg6[%swap3A_60] {strides = array<i32>} : memref<640xf32, #tpu.memory_space<vmem>>, vector<16xf32>,
    %swap3A_62 = vector.shape_cast %swap3A_61 : vector<16xf32> to vector<16xf32>
    %swap3A_63 = vector.shape_cast %broadcast_in_dim3A_59 : vector<16xf32> to vector<16xf32>
    tpu.vector_store %arg6[%swap3A_60], %swap3A_63 {strides = array<i32>} : memref<640xf32, #tpu.memory_space<vmem>>, vector<16xf32>,
    %broadcast_in_dim3A_64 = arith.constant 0.000000e+00 : f32
    %broadcast_in_dim3A_65 = vector.broadcast %broadcast_in_dim3A_64 : f32 to vector<16xf32>
    %swap3A_66 = arith.constant 48 : index
    %swap3A_67 = tpu.vector_load %arg6[%swap3A_66] {strides = array<i32>} : memref<640xf32, #tpu.memory_space<vmem>>, vector<16xf32>,
    %swap3A_68 = vector.shape_cast %swap3A_67 : vector<16xf32> to vector<16xf32>
    %swap3A_69 = vector.shape_cast %broadcast_in_dim3A_65 : vector<16xf32> to vector<16xf32>
    tpu.vector_store %arg6[%swap3A_66], %swap3A_69 {strides = array<i32>} : memref<640xf32, #tpu.memory_space<vmem>>, vector<16xf32>,
    %broadcast_in_dim3A_70 = arith.constant 0.000000e+00 : f32
    %broadcast_in_dim3A_71 = vector.broadcast %broadcast_in_dim3A_70 : f32 to vector<16xf32>
    %swap3A_72 = arith.constant 64 : index
    %swap3A_73 = tpu.vector_load %arg6[%swap3A_72] {strides = array<i32>} : memref<640xf32, #tpu.memory_space<vmem>>, vector<16xf32>,
    %swap3A_74 = vector.shape_cast %swap3A_73 : vector<16xf32> to vector<16xf32>
    %swap3A_75 = vector.shape_cast %broadcast_in_dim3A_71 : vector<16xf32> to vector<16xf32>
    tpu.vector_store %arg6[%swap3A_72], %swap3A_75 {strides = array<i32>} : memref<640xf32, #tpu.memory_space<vmem>>, vector<16xf32>,
    %broadcast_in_dim3A_76 = arith.constant 0.000000e+00 : f32
    %broadcast_in_dim3A_77 = vector.broadcast %broadcast_in_dim3A_76 : f32 to vector<16xf32>
    %swap3A_78 = arith.constant 80 : index
    %swap3A_79 = tpu.vector_load %arg6[%swap3A_78] {strides = array<i32>} : memref<640xf32, #tpu.memory_space<vmem>>, vector<16xf32>,
    %swap3A_80 = vector.shape_cast %swap3A_79 : vector<16xf32> to vector<16xf32>
    %swap3A_81 = vector.shape_cast %broadcast_in_dim3A_77 : vector<16xf32> to vector<16xf32>
    tpu.vector_store %arg6[%swap3A_78], %swap3A_81 {strides = array<i32>} : memref<640xf32, #tpu.memory_space<vmem>>, vector<16xf32>,
    %broadcast_in_dim3A_82 = arith.constant 0.000000e+00 : f32
    %broadcast_in_dim3A_83 = vector.broadcast %broadcast_in_dim3A_82 : f32 to vector<16xf32>
    %swap3A_84 = arith.constant 96 : index
    %swap3A_85 = tpu.vector_load %arg6[%swap3A_84] {strides = array<i32>} : memref<640xf32, #tpu.memory_space<vmem>>, vector<16xf32>,
    %swap3A_86 = vector.shape_cast %swap3A_85 : vector<16xf32> to vector<16xf32>
    %swap3A_87 = vector.shape_cast %broadcast_in_dim3A_83 : vector<16xf32> to vector<16xf32>
    tpu.vector_store %arg6[%swap3A_84], %swap3A_87 {strides = array<i32>} : memref<640xf32, #tpu.memory_space<vmem>>, vector<16xf32>,
    %broadcast_in_dim3A_88 = arith.constant 0.000000e+00 : f32
    %broadcast_in_dim3A_89 = vector.broadcast %broadcast_in_dim3A_88 : f32 to vector<16xf32>
    %swap3A_90 = arith.constant 112 : index
    %swap3A_91 = tpu.vector_load %arg6[%swap3A_90] {strides = array<i32>} : memref<640xf32, #tpu.memory_space<vmem>>, vector<16xf32>,
    %swap3A_92 = vector.shape_cast %swap3A_91 : vector<16xf32> to vector<16xf32>
    %swap3A_93 = vector.shape_cast %broadcast_in_dim3A_89 : vector<16xf32> to vector<16xf32>
    tpu.vector_store %arg6[%swap3A_90], %swap3A_93 {strides = array<i32>} : memref<640xf32, #tpu.memory_space<vmem>>, vector<16xf32>,
    %broadcast_in_dim3A_94 = arith.constant 0.000000e+00 : f32
    %broadcast_in_dim3A_95 = vector.broadcast %broadcast_in_dim3A_94 : f32 to vector<16xf32>
    %swap3A_96 = arith.constant 128 : index
    %swap3A_97 = tpu.vector_load %arg6[%swap3A_96] {strides = array<i32>} : memref<640xf32, #tpu.memory_space<vmem>>, vector<16xf32>,
    %swap3A_98 = vector.shape_cast %swap3A_97 : vector<16xf32> to vector<16xf32>
    %swap3A_99 = vector.shape_cast %broadcast_in_dim3A_95 : vector<16xf32> to vector<16xf32>
    tpu.vector_store %arg6[%swap3A_96], %swap3A_99 {strides = array<i32>} : memref<640xf32, #tpu.memory_space<vmem>>, vector<16xf32>,
    %broadcast_in_dim3A_100 = arith.constant 0.000000e+00 : f32
    %broadcast_in_dim3A_101 = vector.broadcast %broadcast_in_dim3A_100 : f32 to vector<16xf32>
    %swap3A_102 = arith.constant 144 : index
    %swap3A_103 = tpu.vector_load %arg6[%swap3A_102] {strides = array<i32>} : memref<640xf32, #tpu.memory_space<vmem>>, vector<16xf32>,
    %swap3A_104 = vector.shape_cast %swap3A_103 : vector<16xf32> to vector<16xf32>
    %swap3A_105 = vector.shape_cast %broadcast_in_dim3A_101 : vector<16xf32> to vector<16xf32>
    tpu.vector_store %arg6[%swap3A_102], %swap3A_105 {strides = array<i32>} : memref<640xf32, #tpu.memory_space<vmem>>, vector<16xf32>,
    %broadcast_in_dim3A_106 = arith.constant 0.000000e+00 : f32
    %broadcast_in_dim3A_107 = vector.broadcast %broadcast_in_dim3A_106 : f32 to vector<16xf32>
    %swap3A_108 = arith.constant 160 : index
    %swap3A_109 = tpu.vector_load %arg6[%swap3A_108] {strides = array<i32>} : memref<640xf32, #tpu.memory_space<vmem>>, vector<16xf32>,
    %swap3A_110 = vector.shape_cast %swap3A_109 : vector<16xf32> to vector<16xf32>
    %swap3A_111 = vector.shape_cast %broadcast_in_dim3A_107 : vector<16xf32> to vector<16xf32>
    tpu.vector_store %arg6[%swap3A_108], %swap3A_111 {strides = array<i32>} : memref<640xf32, #tpu.memory_space<vmem>>, vector<16xf32>,
    %broadcast_in_dim3A_112 = arith.constant 0.000000e+00 : f32
    %broadcast_in_dim3A_113 = vector.broadcast %broadcast_in_dim3A_112 : f32 to vector<16xf32>
    %swap3A_114 = arith.constant 176 : index
    %swap3A_115 = tpu.vector_load %arg6[%swap3A_114] {strides = array<i32>} : memref<640xf32, #tpu.memory_space<vmem>>, vector<16xf32>,
    %swap3A_116 = vector.shape_cast %swap3A_115 : vector<16xf32> to vector<16xf32>
    %swap3A_117 = vector.shape_cast %broadcast_in_dim3A_113 : vector<16xf32> to vector<16xf32>
    tpu.vector_store %arg6[%swap3A_114], %swap3A_117 {strides = array<i32>} : memref<640xf32, #tpu.memory_space<vmem>>, vector<16xf32>,
    %broadcast_in_dim3A_118 = arith.constant 0.000000e+00 : f32
    %broadcast_in_dim3A_119 = vector.broadcast %broadcast_in_dim3A_118 : f32 to vector<16xf32>
    %swap3A_120 = arith.constant 192 : index
    %swap3A_121 = tpu.vector_load %arg6[%swap3A_120] {strides = array<i32>} : memref<640xf32, #tpu.memory_space<vmem>>, vector<16xf32>,
    %swap3A_122 = vector.shape_cast %swap3A_121 : vector<16xf32> to vector<16xf32>
    %swap3A_123 = vector.shape_cast %broadcast_in_dim3A_119 : vector<16xf32> to vector<16xf32>
    tpu.vector_store %arg6[%swap3A_120], %swap3A_123 {strides = array<i32>} : memref<640xf32, #tpu.memory_space<vmem>>, vector<16xf32>,
    %broadcast_in_dim3A_124 = arith.constant 0.000000e+00 : f32
    %broadcast_in_dim3A_125 = vector.broadcast %broadcast_in_dim3A_124 : f32 to vector<16xf32>
    %swap3A_126 = arith.constant 208 : index
    %swap3A_127 = tpu.vector_load %arg6[%swap3A_126] {strides = array<i32>} : memref<640xf32, #tpu.memory_space<vmem>>, vector<16xf32>,
    %swap3A_128 = vector.shape_cast %swap3A_127 : vector<16xf32> to vector<16xf32>
    %swap3A_129 = vector.shape_cast %broadcast_in_dim3A_125 : vector<16xf32> to vector<16xf32>
    tpu.vector_store %arg6[%swap3A_126], %swap3A_129 {strides = array<i32>} : memref<640xf32, #tpu.memory_space<vmem>>, vector<16xf32>,
    %broadcast_in_dim3A_130 = arith.constant 0.000000e+00 : f32
    %broadcast_in_dim3A_131 = vector.broadcast %broadcast_in_dim3A_130 : f32 to vector<16xf32>
    %swap3A_132 = arith.constant 224 : index
    %swap3A_133 = tpu.vector_load %arg6[%swap3A_132] {strides = array<i32>} : memref<640xf32, #tpu.memory_space<vmem>>, vector<16xf32>,
    %swap3A_134 = vector.shape_cast %swap3A_133 : vector<16xf32> to vector<16xf32>
    %swap3A_135 = vector.shape_cast %broadcast_in_dim3A_131 : vector<16xf32> to vector<16xf32>
    tpu.vector_store %arg6[%swap3A_132], %swap3A_135 {strides = array<i32>} : memref<640xf32, #tpu.memory_space<vmem>>, vector<16xf32>,
    %broadcast_in_dim3A_136 = arith.constant 0.000000e+00 : f32
    %broadcast_in_dim3A_137 = vector.broadcast %broadcast_in_dim3A_136 : f32 to vector<16xf32>
    %swap3A_138 = arith.constant 240 : index
    %swap3A_139 = tpu.vector_load %arg6[%swap3A_138] {strides = array<i32>} : memref<640xf32, #tpu.memory_space<vmem>>, vector<16xf32>,
    %swap3A_140 = vector.shape_cast %swap3A_139 : vector<16xf32> to vector<16xf32>
    %swap3A_141 = vector.shape_cast %broadcast_in_dim3A_137 : vector<16xf32> to vector<16xf32>
    tpu.vector_store %arg6[%swap3A_138], %swap3A_141 {strides = array<i32>} : memref<640xf32, #tpu.memory_space<vmem>>, vector<16xf32>,
    %broadcast_in_dim3A_142 = arith.constant 0.000000e+00 : f32
    %broadcast_in_dim3A_143 = vector.broadcast %broadcast_in_dim3A_142 : f32 to vector<16xf32>
    %swap3A_144 = arith.constant 256 : index
    %swap3A_145 = tpu.vector_load %arg6[%swap3A_144] {strides = array<i32>} : memref<640xf32, #tpu.memory_space<vmem>>, vector<16xf32>,
    %swap3A_146 = vector.shape_cast %swap3A_145 : vector<16xf32> to vector<16xf32>
    %swap3A_147 = vector.shape_cast %broadcast_in_dim3A_143 : vector<16xf32> to vector<16xf32>
    tpu.vector_store %arg6[%swap3A_144], %swap3A_147 {strides = array<i32>} : memref<640xf32, #tpu.memory_space<vmem>>, vector<16xf32>,
    %broadcast_in_dim3A_148 = arith.constant 0.000000e+00 : f32
    %broadcast_in_dim3A_149 = vector.broadcast %broadcast_in_dim3A_148 : f32 to vector<16xf32>
    %swap3A_150 = arith.constant 272 : index
    %swap3A_151 = tpu.vector_load %arg6[%swap3A_150] {strides = array<i32>} : memref<640xf32, #tpu.memory_space<vmem>>, vector<16xf32>,
    %swap3A_152 = vector.shape_cast %swap3A_151 : vector<16xf32> to vector<16xf32>
    %swap3A_153 = vector.shape_cast %broadcast_in_dim3A_149 : vector<16xf32> to vector<16xf32>
    tpu.vector_store %arg6[%swap3A_150], %swap3A_153 {strides = array<i32>} : memref<640xf32, #tpu.memory_space<vmem>>, vector<16xf32>,
    %broadcast_in_dim3A_154 = arith.constant 0.000000e+00 : f32
    %broadcast_in_dim3A_155 = vector.broadcast %broadcast_in_dim3A_154 : f32 to vector<16xf32>
    %swap3A_156 = arith.constant 288 : index
    %swap3A_157 = tpu.vector_load %arg6[%swap3A_156] {strides = array<i32>} : memref<640xf32, #tpu.memory_space<vmem>>, vector<16xf32>,
    %swap3A_158 = vector.shape_cast %swap3A_157 : vector<16xf32> to vector<16xf32>
    %swap3A_159 = vector.shape_cast %broadcast_in_dim3A_155 : vector<16xf32> to vector<16xf32>
    tpu.vector_store %arg6[%swap3A_156], %swap3A_159 {strides = array<i32>} : memref<640xf32, #tpu.memory_space<vmem>>, vector<16xf32>,
    %broadcast_in_dim3A_160 = arith.constant 0.000000e+00 : f32
    %broadcast_in_dim3A_161 = vector.broadcast %broadcast_in_dim3A_160 : f32 to vector<16xf32>
    %swap3A_162 = arith.constant 304 : index
    %swap3A_163 = tpu.vector_load %arg6[%swap3A_162] {strides = array<i32>} : memref<640xf32, #tpu.memory_space<vmem>>, vector<16xf32>,
    %swap3A_164 = vector.shape_cast %swap3A_163 : vector<16xf32> to vector<16xf32>
    %swap3A_165 = vector.shape_cast %broadcast_in_dim3A_161 : vector<16xf32> to vector<16xf32>
    tpu.vector_store %arg6[%swap3A_162], %swap3A_165 {strides = array<i32>} : memref<640xf32, #tpu.memory_space<vmem>>, vector<16xf32>,
    %broadcast_in_dim3A_166 = arith.constant 0.000000e+00 : f32
    %broadcast_in_dim3A_167 = vector.broadcast %broadcast_in_dim3A_166 : f32 to vector<16xf32>
    %swap3A_168 = arith.constant 320 : index
    %swap3A_169 = tpu.vector_load %arg6[%swap3A_168] {strides = array<i32>} : memref<640xf32, #tpu.memory_space<vmem>>, vector<16xf32>,
    %swap3A_170 = vector.shape_cast %swap3A_169 : vector<16xf32> to vector<16xf32>
    %swap3A_171 = vector.shape_cast %broadcast_in_dim3A_167 : vector<16xf32> to vector<16xf32>
    tpu.vector_store %arg6[%swap3A_168], %swap3A_171 {strides = array<i32>} : memref<640xf32, #tpu.memory_space<vmem>>, vector<16xf32>,
    %broadcast_in_dim3A_172 = arith.constant 0.000000e+00 : f32
    %broadcast_in_dim3A_173 = vector.broadcast %broadcast_in_dim3A_172 : f32 to vector<16xf32>
    %swap3A_174 = arith.constant 336 : index
    %swap3A_175 = tpu.vector_load %arg6[%swap3A_174] {strides = array<i32>} : memref<640xf32, #tpu.memory_space<vmem>>, vector<16xf32>,
    %swap3A_176 = vector.shape_cast %swap3A_175 : vector<16xf32> to vector<16xf32>
    %swap3A_177 = vector.shape_cast %broadcast_in_dim3A_173 : vector<16xf32> to vector<16xf32>
    tpu.vector_store %arg6[%swap3A_174], %swap3A_177 {strides = array<i32>} : memref<640xf32, #tpu.memory_space<vmem>>, vector<16xf32>,
    %broadcast_in_dim3A_178 = arith.constant 0.000000e+00 : f32
    %broadcast_in_dim3A_179 = vector.broadcast %broadcast_in_dim3A_178 : f32 to vector<16xf32>
    %swap3A_180 = arith.constant 352 : index
    %swap3A_181 = tpu.vector_load %arg6[%swap3A_180] {strides = array<i32>} : memref<640xf32, #tpu.memory_space<vmem>>, vector<16xf32>,
    %swap3A_182 = vector.shape_cast %swap3A_181 : vector<16xf32> to vector<16xf32>
    %swap3A_183 = vector.shape_cast %broadcast_in_dim3A_179 : vector<16xf32> to vector<16xf32>
    tpu.vector_store %arg6[%swap3A_180], %swap3A_183 {strides = array<i32>} : memref<640xf32, #tpu.memory_space<vmem>>, vector<16xf32>,
    %broadcast_in_dim3A_184 = arith.constant 0.000000e+00 : f32
    %broadcast_in_dim3A_185 = vector.broadcast %broadcast_in_dim3A_184 : f32 to vector<16xf32>
    %swap3A_186 = arith.constant 368 : index
    %swap3A_187 = tpu.vector_load %arg6[%swap3A_186] {strides = array<i32>} : memref<640xf32, #tpu.memory_space<vmem>>, vector<16xf32>,
    %swap3A_188 = vector.shape_cast %swap3A_187 : vector<16xf32> to vector<16xf32>
    %swap3A_189 = vector.shape_cast %broadcast_in_dim3A_185 : vector<16xf32> to vector<16xf32>
    tpu.vector_store %arg6[%swap3A_186], %swap3A_189 {strides = array<i32>} : memref<640xf32, #tpu.memory_space<vmem>>, vector<16xf32>,
    %broadcast_in_dim3A_190 = arith.constant 0.000000e+00 : f32
    %broadcast_in_dim3A_191 = vector.broadcast %broadcast_in_dim3A_190 : f32 to vector<16xf32>
    %swap3A_192 = arith.constant 384 : index
    %swap3A_193 = tpu.vector_load %arg6[%swap3A_192] {strides = array<i32>} : memref<640xf32, #tpu.memory_space<vmem>>, vector<16xf32>,
    %swap3A_194 = vector.shape_cast %swap3A_193 : vector<16xf32> to vector<16xf32>
    %swap3A_195 = vector.shape_cast %broadcast_in_dim3A_191 : vector<16xf32> to vector<16xf32>
    tpu.vector_store %arg6[%swap3A_192], %swap3A_195 {strides = array<i32>} : memref<640xf32, #tpu.memory_space<vmem>>, vector<16xf32>,
    %broadcast_in_dim3A_196 = arith.constant 0.000000e+00 : f32
    %broadcast_in_dim3A_197 = vector.broadcast %broadcast_in_dim3A_196 : f32 to vector<16xf32>
    %swap3A_198 = arith.constant 400 : index
    %swap3A_199 = tpu.vector_load %arg6[%swap3A_198] {strides = array<i32>} : memref<640xf32, #tpu.memory_space<vmem>>, vector<16xf32>,
    %swap3A_200 = vector.shape_cast %swap3A_199 : vector<16xf32> to vector<16xf32>
    %swap3A_201 = vector.shape_cast %broadcast_in_dim3A_197 : vector<16xf32> to vector<16xf32>
    tpu.vector_store %arg6[%swap3A_198], %swap3A_201 {strides = array<i32>} : memref<640xf32, #tpu.memory_space<vmem>>, vector<16xf32>,
    %broadcast_in_dim3A_202 = arith.constant 0.000000e+00 : f32
    %broadcast_in_dim3A_203 = vector.broadcast %broadcast_in_dim3A_202 : f32 to vector<16xf32>
    %swap3A_204 = arith.constant 416 : index
    %swap3A_205 = tpu.vector_load %arg6[%swap3A_204] {strides = array<i32>} : memref<640xf32, #tpu.memory_space<vmem>>, vector<16xf32>,
    %swap3A_206 = vector.shape_cast %swap3A_205 : vector<16xf32> to vector<16xf32>
    %swap3A_207 = vector.shape_cast %broadcast_in_dim3A_203 : vector<16xf32> to vector<16xf32>
    tpu.vector_store %arg6[%swap3A_204], %swap3A_207 {strides = array<i32>} : memref<640xf32, #tpu.memory_space<vmem>>, vector<16xf32>,
    %broadcast_in_dim3A_208 = arith.constant 0.000000e+00 : f32
    %broadcast_in_dim3A_209 = vector.broadcast %broadcast_in_dim3A_208 : f32 to vector<16xf32>
    %swap3A_210 = arith.constant 432 : index
    %swap3A_211 = tpu.vector_load %arg6[%swap3A_210] {strides = array<i32>} : memref<640xf32, #tpu.memory_space<vmem>>, vector<16xf32>,
    %swap3A_212 = vector.shape_cast %swap3A_211 : vector<16xf32> to vector<16xf32>
    %swap3A_213 = vector.shape_cast %broadcast_in_dim3A_209 : vector<16xf32> to vector<16xf32>
    tpu.vector_store %arg6[%swap3A_210], %swap3A_213 {strides = array<i32>} : memref<640xf32, #tpu.memory_space<vmem>>, vector<16xf32>,
    %broadcast_in_dim3A_214 = arith.constant 0.000000e+00 : f32
    %broadcast_in_dim3A_215 = vector.broadcast %broadcast_in_dim3A_214 : f32 to vector<16xf32>
    %swap3A_216 = arith.constant 448 : index
    %swap3A_217 = tpu.vector_load %arg6[%swap3A_216] {strides = array<i32>} : memref<640xf32, #tpu.memory_space<vmem>>, vector<16xf32>,
    %swap3A_218 = vector.shape_cast %swap3A_217 : vector<16xf32> to vector<16xf32>
    %swap3A_219 = vector.shape_cast %broadcast_in_dim3A_215 : vector<16xf32> to vector<16xf32>
    tpu.vector_store %arg6[%swap3A_216], %swap3A_219 {strides = array<i32>} : memref<640xf32, #tpu.memory_space<vmem>>, vector<16xf32>,
    %broadcast_in_dim3A_220 = arith.constant 0.000000e+00 : f32
    %broadcast_in_dim3A_221 = vector.broadcast %broadcast_in_dim3A_220 : f32 to vector<16xf32>
    %swap3A_222 = arith.constant 464 : index
    %swap3A_223 = tpu.vector_load %arg6[%swap3A_222] {strides = array<i32>} : memref<640xf32, #tpu.memory_space<vmem>>, vector<16xf32>,
    %swap3A_224 = vector.shape_cast %swap3A_223 : vector<16xf32> to vector<16xf32>
    %swap3A_225 = vector.shape_cast %broadcast_in_dim3A_221 : vector<16xf32> to vector<16xf32>
    tpu.vector_store %arg6[%swap3A_222], %swap3A_225 {strides = array<i32>} : memref<640xf32, #tpu.memory_space<vmem>>, vector<16xf32>,
    %broadcast_in_dim3A_226 = arith.constant 0.000000e+00 : f32
    %broadcast_in_dim3A_227 = vector.broadcast %broadcast_in_dim3A_226 : f32 to vector<16xf32>
    %swap3A_228 = arith.constant 480 : index
    %swap3A_229 = tpu.vector_load %arg6[%swap3A_228] {strides = array<i32>} : memref<640xf32, #tpu.memory_space<vmem>>, vector<16xf32>,
    %swap3A_230 = vector.shape_cast %swap3A_229 : vector<16xf32> to vector<16xf32>
    %swap3A_231 = vector.shape_cast %broadcast_in_dim3A_227 : vector<16xf32> to vector<16xf32>
    tpu.vector_store %arg6[%swap3A_228], %swap3A_231 {strides = array<i32>} : memref<640xf32, #tpu.memory_space<vmem>>, vector<16xf32>,
    %broadcast_in_dim3A_232 = arith.constant 0.000000e+00 : f32
    %broadcast_in_dim3A_233 = vector.broadcast %broadcast_in_dim3A_232 : f32 to vector<16xf32>
    %swap3A_234 = arith.constant 496 : index
    %swap3A_235 = tpu.vector_load %arg6[%swap3A_234] {strides = array<i32>} : memref<640xf32, #tpu.memory_space<vmem>>, vector<16xf32>,
    %swap3A_236 = vector.shape_cast %swap3A_235 : vector<16xf32> to vector<16xf32>
    %swap3A_237 = vector.shape_cast %broadcast_in_dim3A_233 : vector<16xf32> to vector<16xf32>
    tpu.vector_store %arg6[%swap3A_234], %swap3A_237 {strides = array<i32>} : memref<640xf32, #tpu.memory_space<vmem>>, vector<16xf32>,
    %broadcast_in_dim3A_238 = arith.constant 0.000000e+00 : f32
    %broadcast_in_dim3A_239 = vector.broadcast %broadcast_in_dim3A_238 : f32 to vector<16xf32>
    %swap3A_240 = arith.constant 512 : index
    %swap3A_241 = tpu.vector_load %arg6[%swap3A_240] {strides = array<i32>} : memref<640xf32, #tpu.memory_space<vmem>>, vector<16xf32>,
    %swap3A_242 = vector.shape_cast %swap3A_241 : vector<16xf32> to vector<16xf32>
    %swap3A_243 = vector.shape_cast %broadcast_in_dim3A_239 : vector<16xf32> to vector<16xf32>
    tpu.vector_store %arg6[%swap3A_240], %swap3A_243 {strides = array<i32>} : memref<640xf32, #tpu.memory_space<vmem>>, vector<16xf32>,
    %broadcast_in_dim3A_244 = arith.constant 0.000000e+00 : f32
    %broadcast_in_dim3A_245 = vector.broadcast %broadcast_in_dim3A_244 : f32 to vector<16xf32>
    %swap3A_246 = arith.constant 528 : index
    %swap3A_247 = tpu.vector_load %arg6[%swap3A_246] {strides = array<i32>} : memref<640xf32, #tpu.memory_space<vmem>>, vector<16xf32>,
    %swap3A_248 = vector.shape_cast %swap3A_247 : vector<16xf32> to vector<16xf32>
    %swap3A_249 = vector.shape_cast %broadcast_in_dim3A_245 : vector<16xf32> to vector<16xf32>
    tpu.vector_store %arg6[%swap3A_246], %swap3A_249 {strides = array<i32>} : memref<640xf32, #tpu.memory_space<vmem>>, vector<16xf32>,
    %broadcast_in_dim3A_250 = arith.constant 0.000000e+00 : f32
    %broadcast_in_dim3A_251 = vector.broadcast %broadcast_in_dim3A_250 : f32 to vector<16xf32>
    %swap3A_252 = arith.constant 544 : index
    %swap3A_253 = tpu.vector_load %arg6[%swap3A_252] {strides = array<i32>} : memref<640xf32, #tpu.memory_space<vmem>>, vector<16xf32>,
    %swap3A_254 = vector.shape_cast %swap3A_253 : vector<16xf32> to vector<16xf32>
    %swap3A_255 = vector.shape_cast %broadcast_in_dim3A_251 : vector<16xf32> to vector<16xf32>
    tpu.vector_store %arg6[%swap3A_252], %swap3A_255 {strides = array<i32>} : memref<640xf32, #tpu.memory_space<vmem>>, vector<16xf32>,
    %broadcast_in_dim3A_256 = arith.constant 0.000000e+00 : f32
    %broadcast_in_dim3A_257 = vector.broadcast %broadcast_in_dim3A_256 : f32 to vector<16xf32>
    %swap3A_258 = arith.constant 560 : index
    %swap3A_259 = tpu.vector_load %arg6[%swap3A_258] {strides = array<i32>} : memref<640xf32, #tpu.memory_space<vmem>>, vector<16xf32>,
    %swap3A_260 = vector.shape_cast %swap3A_259 : vector<16xf32> to vector<16xf32>
    %swap3A_261 = vector.shape_cast %broadcast_in_dim3A_257 : vector<16xf32> to vector<16xf32>
    tpu.vector_store %arg6[%swap3A_258], %swap3A_261 {strides = array<i32>} : memref<640xf32, #tpu.memory_space<vmem>>, vector<16xf32>,
    %broadcast_in_dim3A_262 = arith.constant 0.000000e+00 : f32
    %broadcast_in_dim3A_263 = vector.broadcast %broadcast_in_dim3A_262 : f32 to vector<16xf32>
    %swap3A_264 = arith.constant 576 : index
    %swap3A_265 = tpu.vector_load %arg6[%swap3A_264] {strides = array<i32>} : memref<640xf32, #tpu.memory_space<vmem>>, vector<16xf32>,
    %swap3A_266 = vector.shape_cast %swap3A_265 : vector<16xf32> to vector<16xf32>
    %swap3A_267 = vector.shape_cast %broadcast_in_dim3A_263 : vector<16xf32> to vector<16xf32>
    tpu.vector_store %arg6[%swap3A_264], %swap3A_267 {strides = array<i32>} : memref<640xf32, #tpu.memory_space<vmem>>, vector<16xf32>,
    %broadcast_in_dim3A_268 = arith.constant 0.000000e+00 : f32
    %broadcast_in_dim3A_269 = vector.broadcast %broadcast_in_dim3A_268 : f32 to vector<16xf32>
    %swap3A_270 = arith.constant 592 : index
    %swap3A_271 = tpu.vector_load %arg6[%swap3A_270] {strides = array<i32>} : memref<640xf32, #tpu.memory_space<vmem>>, vector<16xf32>,
    %swap3A_272 = vector.shape_cast %swap3A_271 : vector<16xf32> to vector<16xf32>
    %swap3A_273 = vector.shape_cast %broadcast_in_dim3A_269 : vector<16xf32> to vector<16xf32>
    tpu.vector_store %arg6[%swap3A_270], %swap3A_273 {strides = array<i32>} : memref<640xf32, #tpu.memory_space<vmem>>, vector<16xf32>,
    %broadcast_in_dim3A_274 = arith.constant 0.000000e+00 : f32
    %broadcast_in_dim3A_275 = vector.broadcast %broadcast_in_dim3A_274 : f32 to vector<16xf32>
    %swap3A_276 = arith.constant 608 : index
    %swap3A_277 = tpu.vector_load %arg6[%swap3A_276] {strides = array<i32>} : memref<640xf32, #tpu.memory_space<vmem>>, vector<16xf32>,
    %swap3A_278 = vector.shape_cast %swap3A_277 : vector<16xf32> to vector<16xf32>
    %swap3A_279 = vector.shape_cast %broadcast_in_dim3A_275 : vector<16xf32> to vector<16xf32>
    tpu.vector_store %arg6[%swap3A_276], %swap3A_279 {strides = array<i32>} : memref<640xf32, #tpu.memory_space<vmem>>, vector<16xf32>,
    %broadcast_in_dim3A_280 = arith.constant 0.000000e+00 : f32
    %broadcast_in_dim3A_281 = vector.broadcast %broadcast_in_dim3A_280 : f32 to vector<16xf32>
    %swap3A_282 = arith.constant 624 : index
    %swap3A_283 = tpu.vector_load %arg6[%swap3A_282] {strides = array<i32>} : memref<640xf32, #tpu.memory_space<vmem>>, vector<16xf32>,
    %swap3A_284 = vector.shape_cast %swap3A_283 : vector<16xf32> to vector<16xf32>
    %swap3A_285 = vector.shape_cast %broadcast_in_dim3A_281 : vector<16xf32> to vector<16xf32>
    tpu.vector_store %arg6[%swap3A_282], %swap3A_285 {strides = array<i32>} : memref<640xf32, #tpu.memory_space<vmem>>, vector<16xf32>,
    %mul3A = arith.constant 640 : i32
    %mul3A_286 = arith.muli %arg1, %mul3A : i32
    "tpu.region"() ({
      %run_scoped3A = tpu.sem_alloc : memref<!tpu.dma_semaphore, #tpu.memory_space<semaphore_mem>>
      %dma_start3A = tpu.memref_slice %arg7[%mul3A_286] : memref<10240xf32, #tpu.memory_space<vmem_shared>> -> memref<640xf32, #tpu.memory_space<vmem_shared>>
      %dma_start3A_301 = tpu.memref_slice %arg7[%mul3A_286] : memref<10240xf32, #tpu.memory_space<vmem_shared>> -> memref<640xf32, #tpu.memory_space<vmem_shared>>
      tpu.enqueue_dma source(%arg6 : memref<640xf32, #tpu.memory_space<vmem>>) target(%dma_start3A_301 : memref<640xf32, #tpu.memory_space<vmem_shared>>) target_semaphore(%run_scoped3A : memref<!tpu.dma_semaphore, #tpu.memory_space<semaphore_mem>>)
      %dma_wait3A = tpu.memref_slice %arg7[%mul3A_286] : memref<10240xf32, #tpu.memory_space<vmem_shared>> -> memref<640xf32, #tpu.memory_space<vmem_shared>>
      %dma_wait3A_302 = tpu.memref_slice %arg7[%mul3A_286] : memref<10240xf32, #tpu.memory_space<vmem_shared>> -> memref<640xf32, #tpu.memory_space<vmem_shared>>
      tpu.wait_dma2 semaphore(%run_scoped3A : memref<!tpu.dma_semaphore, #tpu.memory_space<semaphore_mem>>) src(%arg6 : memref<640xf32, #tpu.memory_space<vmem>>) dst(%dma_wait3A_302 : memref<640xf32, #tpu.memory_space<vmem_shared>>)
      tpu.yield
    }) : () -> ()
    %mul3A_287 = arith.constant 16 : i32
    %mul3A_288 = arith.muli %arg0, %mul3A_287 : i32
    %add3A = arith.addi %mul3A_288, %arg1 : i32
    %mul3A_289 = arith.constant 5120 : i32
    %mul3A_290 = arith.muli %add3A, %mul3A_289 : i32
    "tpu.region"() ({
      %run_scoped3A = tpu.sem_alloc : memref<!tpu.dma_semaphore, #tpu.memory_space<semaphore_mem>>
      %dma_start3A = tpu.memref_slice %arg2[%mul3A_290] : memref<163840xi32, #tpu.memory_space<hbm>> -> memref<5120xi32, #tpu.memory_space<hbm>>
      %dma_start3A_301 = tpu.memref_slice %arg2[%mul3A_290] : memref<163840xi32, #tpu.memory_space<hbm>> -> memref<5120xi32, #tpu.memory_space<hbm>>
      tpu.enqueue_dma source(%dma_start3A_301 : memref<5120xi32, #tpu.memory_space<hbm>>) target(%arg4 : memref<5120xi32, #tpu.memory_space<vmem>>) target_semaphore(%run_scoped3A : memref<!tpu.dma_semaphore, #tpu.memory_space<semaphore_mem>>)
      %dma_wait3A = tpu.memref_slice %arg2[%mul3A_290] : memref<163840xi32, #tpu.memory_space<hbm>> -> memref<5120xi32, #tpu.memory_space<hbm>>
      %dma_wait3A_302 = tpu.memref_slice %arg2[%mul3A_290] : memref<163840xi32, #tpu.memory_space<hbm>> -> memref<5120xi32, #tpu.memory_space<hbm>>
      tpu.wait_dma2 semaphore(%run_scoped3A : memref<!tpu.dma_semaphore, #tpu.memory_space<semaphore_mem>>) src(%dma_wait3A_302 : memref<5120xi32, #tpu.memory_space<hbm>>) dst(%arg4 : memref<5120xi32, #tpu.memory_space<vmem>>)
      tpu.yield
    }) : () -> ()
    %barrier3A = arith.constant 0 : index
    tpu.barrier barrier_id(%barrier3A)
    %scan3A = arith.constant 0 : i32
    %scan3A_291 = arith.constant 0 : i32
    %scan3A_292 = arith.constant 40 : i32
    %scan3A_293 = arith.addi %scan3A_291, %scan3A_292 : i32
    %scan3A_294 = arith.constant 1 : i32
    scf.for %scan3A_301 = %scan3A_291 to %scan3A_293 step %scan3A_294  : i32 {
      %mul3A_302 = arith.constant 128 : i32
      %mul3A_303 = arith.muli %scan3A_301, %mul3A_302 : i32
      "tpu.region"() ({
        %run_scoped3A = tpu.sem_alloc : memref<!tpu.dma_semaphore, #tpu.memory_space<semaphore_mem>>
        %dma_start3A = tpu.memref_slice %arg4[%mul3A_303] : memref<5120xi32, #tpu.memory_space<vmem>> -> memref<128xi32, #tpu.memory_space<vmem>>
        %dma_start3A_304 = arith.constant 0 : i32
        %dma_start3A_305 = tpu.memref_slice %arg7[%dma_start3A_304] : memref<10240xf32, #tpu.memory_space<vmem_shared>> -> memref<10240xf32, #tpu.memory_space<vmem_shared>>
        tpu.enqueue_indirect_dma source(%arg5 : memref<128xf32, #tpu.memory_space<vmem>>) target(%dma_start3A_305 : memref<10240xf32, #tpu.memory_space<vmem_shared>>) offsets(%dma_start3A : memref<128xi32, #tpu.memory_space<vmem>>) semaphore(%run_scoped3A : memref<!tpu.dma_semaphore, #tpu.memory_space<semaphore_mem>>) {add = true}
        %dma_wait3A = tpu.memref_slice %arg4[%mul3A_303] : memref<5120xi32, #tpu.memory_space<vmem>> -> memref<128xi32, #tpu.memory_space<vmem>>
        %dma_wait3A_306 = arith.constant 0 : i32
        %dma_wait3A_307 = tpu.memref_slice %arg7[%dma_wait3A_306] : memref<10240xf32, #tpu.memory_space<vmem_shared>> -> memref<10240xf32, #tpu.memory_space<vmem_shared>>
        tpu.wait_indirect_dma semaphore(%run_scoped3A : memref<!tpu.dma_semaphore, #tpu.memory_space<semaphore_mem>>) src(%arg5 : memref<128xf32, #tpu.memory_space<vmem>>) dst(%dma_wait3A_307 : memref<10240xf32, #tpu.memory_space<vmem_shared>>)
        tpu.yield
      }) : () -> ()
    }
    %scan3A_295 = arith.constant 40 : i32
    %barrier3A_296 = arith.constant 0 : index
    tpu.barrier barrier_id(%barrier3A_296)
    %mul3A_297 = arith.constant 640 : i32
    %mul3A_298 = arith.muli %arg1, %mul3A_297 : i32
    %mul3A_299 = arith.constant 640 : i32
    %mul3A_300 = arith.muli %arg1, %mul3A_299 : i32
    "tpu.region"() ({
      %run_scoped3A = tpu.sem_alloc : memref<!tpu.dma_semaphore, #tpu.memory_space<semaphore_mem>>
      %dma_start3A = tpu.memref_slice %arg3[%arg0, %mul3A_300] : memref<2x10240xf32, #tpu.memory_space<hbm>> -> memref<1x640xf32, #tpu.memory_space<hbm>>
      %dma_start3A_301 = tpu.memref_squeeze %dma_start3A : memref<1x640xf32, #tpu.memory_space<hbm>> -> memref<640xf32, #tpu.memory_space<hbm>>
      %dma_start3A_302 = tpu.memref_slice %arg7[%mul3A_298] : memref<10240xf32, #tpu.memory_space<vmem_shared>> -> memref<640xf32, #tpu.memory_space<vmem_shared>>
      tpu.enqueue_dma source(%dma_start3A_302 : memref<640xf32, #tpu.memory_space<vmem_shared>>) target(%dma_start3A_301 : memref<640xf32, #tpu.memory_space<hbm>>) target_semaphore(%run_scoped3A : memref<!tpu.dma_semaphore, #tpu.memory_space<semaphore_mem>>)
      %dma_wait3A = tpu.memref_slice %arg3[%arg0, %mul3A_300] : memref<2x10240xf32, #tpu.memory_space<hbm>> -> memref<1x640xf32, #tpu.memory_space<hbm>>
      %dma_wait3A_303 = tpu.memref_squeeze %dma_wait3A : memref<1x640xf32, #tpu.memory_space<hbm>> -> memref<640xf32, #tpu.memory_space<hbm>>
      %dma_wait3A_304 = tpu.memref_slice %arg7[%mul3A_298] : memref<10240xf32, #tpu.memory_space<vmem_shared>> -> memref<640xf32, #tpu.memory_space<vmem_shared>>
      tpu.wait_dma2 semaphore(%run_scoped3A : memref<!tpu.dma_semaphore, #tpu.memory_space<semaphore_mem>>) src(%dma_wait3A_304 : memref<640xf32, #tpu.memory_space<vmem_shared>>) dst(%dma_wait3A_303 : memref<640xf32, #tpu.memory_space<hbm>>)
      tpu.yield
    }) : () -> ()
    return
  }
}

#map = affine_map<(d0, d1) -> (0)>
#map1 = affine_map<(d0, d1) -> (0, 0)>
#map2 = affine_map<(d0, d1) -> (0, 0, 0)>
module attributes {stable_mosaic.version = 14 : i64} {
  func.func @agg(%arg0: i32, %arg1: i32, %arg2: memref<163840xi32, #tpu.memory_space<hbm>>, %arg3: memref<163840xi32, #tpu.memory_space<hbm>>, %arg4: memref<10240x128xf32, #tpu.memory_space<hbm>>, %arg5: memref<2x10240x128xf32, #tpu.memory_space<hbm>>, %arg6: memref<2560xi32, #tpu.memory_space<vmem>>, %arg7: memref<2560xi32, #tpu.memory_space<vmem>>, %arg8: memref<128x128xf32, #tpu.memory_space<vmem>>, %arg9: memref<128x128xf32, #tpu.memory_space<vmem>>, %arg10: memref<10240x128xf32, #tpu.memory_space<vmem_shared>>, %arg11: memref<!tpu.dma_semaphore, #tpu.memory_space<semaphore_mem>>, %arg12: memref<!tpu.dma_semaphore, #tpu.memory_space<semaphore_mem>>) attributes {dimension_semantics = [#tpu.dimension_semantics<core_parallel>, #tpu.dimension_semantics<subcore_parallel>], iteration_bounds = array<i64: 2, 16>, scalar_prefetch = 0 : i64, scratch_operands = 7 : i64, tpu.core_type = #tpu.core_type<sc_vector_subcore>, window_params = [{transform_indices = #map}, {transform_indices = #map}, {transform_indices = #map1}, {transform_indices = #map2}]} {
    %mul3A = arith.constant 16 : i32
    %mul3A_0 = arith.muli %arg0, %mul3A : i32
    %add3A = arith.addi %mul3A_0, %arg1 : i32
    %mul3A_1 = arith.constant 640 : i32
    %mul3A_2 = arith.muli %arg1, %mul3A_1 : i32
    %mul3A_3 = arith.constant 640 : i32
    %mul3A_4 = arith.muli %arg1, %mul3A_3 : i32
    "tpu.region"() ({
      %run_scoped3A = tpu.sem_alloc : memref<!tpu.dma_semaphore, #tpu.memory_space<semaphore_mem>>
      %dma_start3A_56 = arith.constant 0 : i32
      %dma_start3A_57 = tpu.memref_slice %arg10[%mul3A_4, %dma_start3A_56] : memref<10240x128xf32, #tpu.memory_space<vmem_shared>> -> memref<640x128xf32, #tpu.memory_space<vmem_shared>>
      %dma_start3A_58 = arith.constant 0 : i32
      %dma_start3A_59 = tpu.memref_slice %arg4[%mul3A_2, %dma_start3A_58] : memref<10240x128xf32, #tpu.memory_space<hbm>> -> memref<640x128xf32, #tpu.memory_space<hbm>>
      tpu.enqueue_dma source(%dma_start3A_59 : memref<640x128xf32, #tpu.memory_space<hbm>>) target(%dma_start3A_57 : memref<640x128xf32, #tpu.memory_space<vmem_shared>>) target_semaphore(%run_scoped3A : memref<!tpu.dma_semaphore, #tpu.memory_space<semaphore_mem>>)
      %dma_wait3A = arith.constant 0 : i32
      %dma_wait3A_60 = tpu.memref_slice %arg10[%mul3A_4, %dma_wait3A] : memref<10240x128xf32, #tpu.memory_space<vmem_shared>> -> memref<640x128xf32, #tpu.memory_space<vmem_shared>>
      %dma_wait3A_61 = arith.constant 0 : i32
      %dma_wait3A_62 = tpu.memref_slice %arg4[%mul3A_2, %dma_wait3A_61] : memref<10240x128xf32, #tpu.memory_space<hbm>> -> memref<640x128xf32, #tpu.memory_space<hbm>>
      tpu.wait_dma2 semaphore(%run_scoped3A : memref<!tpu.dma_semaphore, #tpu.memory_space<semaphore_mem>>) src(%dma_wait3A_62 : memref<640x128xf32, #tpu.memory_space<hbm>>) dst(%dma_wait3A_60 : memref<640x128xf32, #tpu.memory_space<vmem_shared>>)
      tpu.yield
    }) : () -> ()
    %barrier3A = arith.constant 0 : index
    tpu.barrier barrier_id(%barrier3A)
    %mul3A_5 = arith.constant 5120 : i32
    %mul3A_6 = arith.muli %add3A, %mul3A_5 : i32
    %add3A_7 = arith.constant 0 : i32
    %add3A_8 = arith.addi %mul3A_6, %add3A_7 : i32
    "tpu.region"() ({
      %run_scoped3A = tpu.sem_alloc : memref<!tpu.dma_semaphore, #tpu.memory_space<semaphore_mem>>
      %dma_start3A_56 = tpu.memref_slice %arg2[%add3A_8] : memref<163840xi32, #tpu.memory_space<hbm>> -> memref<2560xi32, #tpu.memory_space<hbm>>
      %dma_start3A_57 = tpu.memref_slice %arg2[%add3A_8] : memref<163840xi32, #tpu.memory_space<hbm>> -> memref<2560xi32, #tpu.memory_space<hbm>>
      tpu.enqueue_dma source(%dma_start3A_57 : memref<2560xi32, #tpu.memory_space<hbm>>) target(%arg6 : memref<2560xi32, #tpu.memory_space<vmem>>) target_semaphore(%run_scoped3A : memref<!tpu.dma_semaphore, #tpu.memory_space<semaphore_mem>>)
      %dma_wait3A = tpu.memref_slice %arg2[%add3A_8] : memref<163840xi32, #tpu.memory_space<hbm>> -> memref<2560xi32, #tpu.memory_space<hbm>>
      %dma_wait3A_58 = tpu.memref_slice %arg2[%add3A_8] : memref<163840xi32, #tpu.memory_space<hbm>> -> memref<2560xi32, #tpu.memory_space<hbm>>
      tpu.wait_dma2 semaphore(%run_scoped3A : memref<!tpu.dma_semaphore, #tpu.memory_space<semaphore_mem>>) src(%dma_wait3A_58 : memref<2560xi32, #tpu.memory_space<hbm>>) dst(%arg6 : memref<2560xi32, #tpu.memory_space<vmem>>)
      tpu.yield
    }) : () -> ()
    %mul3A_9 = arith.constant 5120 : i32
    %mul3A_10 = arith.muli %add3A, %mul3A_9 : i32
    %add3A_11 = arith.constant 0 : i32
    %add3A_12 = arith.addi %mul3A_10, %add3A_11 : i32
    "tpu.region"() ({
      %run_scoped3A = tpu.sem_alloc : memref<!tpu.dma_semaphore, #tpu.memory_space<semaphore_mem>>
      %dma_start3A_56 = tpu.memref_slice %arg3[%add3A_12] : memref<163840xi32, #tpu.memory_space<hbm>> -> memref<2560xi32, #tpu.memory_space<hbm>>
      %dma_start3A_57 = tpu.memref_slice %arg3[%add3A_12] : memref<163840xi32, #tpu.memory_space<hbm>> -> memref<2560xi32, #tpu.memory_space<hbm>>
      tpu.enqueue_dma source(%dma_start3A_57 : memref<2560xi32, #tpu.memory_space<hbm>>) target(%arg7 : memref<2560xi32, #tpu.memory_space<vmem>>) target_semaphore(%run_scoped3A : memref<!tpu.dma_semaphore, #tpu.memory_space<semaphore_mem>>)
      %dma_wait3A = tpu.memref_slice %arg3[%add3A_12] : memref<163840xi32, #tpu.memory_space<hbm>> -> memref<2560xi32, #tpu.memory_space<hbm>>
      %dma_wait3A_58 = tpu.memref_slice %arg3[%add3A_12] : memref<163840xi32, #tpu.memory_space<hbm>> -> memref<2560xi32, #tpu.memory_space<hbm>>
      tpu.wait_dma2 semaphore(%run_scoped3A : memref<!tpu.dma_semaphore, #tpu.memory_space<semaphore_mem>>) src(%dma_wait3A_58 : memref<2560xi32, #tpu.memory_space<hbm>>) dst(%arg7 : memref<2560xi32, #tpu.memory_space<vmem>>)
      tpu.yield
    }) : () -> ()
    %dma_start3A = arith.constant 0 : i32
    %dma_start3A_13 = tpu.memref_slice %arg6[%dma_start3A] : memref<2560xi32, #tpu.memory_space<vmem>> -> memref<128xi32, #tpu.memory_space<vmem>>
    %dma_start3A_14 = arith.constant 0 : i32
    %dma_start3A_15 = arith.constant 0 : i32
    %dma_start3A_16 = tpu.memref_slice %arg4[%dma_start3A_14, %dma_start3A_15] : memref<10240x128xf32, #tpu.memory_space<hbm>> -> memref<10240x128xf32, #tpu.memory_space<hbm>>
    tpu.enqueue_indirect_dma source(%dma_start3A_16 : memref<10240x128xf32, #tpu.memory_space<hbm>>) target(%arg8 : memref<128x128xf32, #tpu.memory_space<vmem>>) offsets(%dma_start3A_13 : memref<128xi32, #tpu.memory_space<vmem>>) semaphore(%arg11 : memref<!tpu.dma_semaphore, #tpu.memory_space<semaphore_mem>>)
    %dma_start3A_17 = arith.constant 128 : i32
    %dma_start3A_18 = tpu.memref_slice %arg6[%dma_start3A_17] : memref<2560xi32, #tpu.memory_space<vmem>> -> memref<128xi32, #tpu.memory_space<vmem>>
    %dma_start3A_19 = arith.constant 0 : i32
    %dma_start3A_20 = arith.constant 0 : i32
    %dma_start3A_21 = tpu.memref_slice %arg4[%dma_start3A_19, %dma_start3A_20] : memref<10240x128xf32, #tpu.memory_space<hbm>> -> memref<10240x128xf32, #tpu.memory_space<hbm>>
    tpu.enqueue_indirect_dma source(%dma_start3A_21 : memref<10240x128xf32, #tpu.memory_space<hbm>>) target(%arg9 : memref<128x128xf32, #tpu.memory_space<vmem>>) offsets(%dma_start3A_18 : memref<128xi32, #tpu.memory_space<vmem>>) semaphore(%arg12 : memref<!tpu.dma_semaphore, #tpu.memory_space<semaphore_mem>>)
    %scan3A = arith.constant 0 : i32
    %scan3A_22 = arith.constant 0 : i32
    %scan3A_23 = arith.constant 10 : i32
    %scan3A_24 = arith.addi %scan3A_22, %scan3A_23 : i32
    %scan3A_25 = arith.constant 1 : i32
    scf.for %scan3A_56 = %scan3A_22 to %scan3A_24 step %scan3A_25  : i32 {
      %mul3A_57 = arith.constant 2 : i32
      %mul3A_58 = arith.muli %scan3A_56, %mul3A_57 : i32
      %mul3A_59 = arith.constant 128 : i32
      %mul3A_60 = arith.muli %mul3A_58, %mul3A_59 : i32
      %dma_wait3A = arith.constant 0 : i32
      %dma_wait3A_61 = tpu.memref_slice %arg6[%dma_wait3A] : memref<2560xi32, #tpu.memory_space<vmem>> -> memref<128xi32, #tpu.memory_space<vmem>>
      %dma_wait3A_62 = arith.constant 0 : i32
      %dma_wait3A_63 = arith.constant 0 : i32
      %dma_wait3A_64 = tpu.memref_slice %arg4[%dma_wait3A_62, %dma_wait3A_63] : memref<10240x128xf32, #tpu.memory_space<hbm>> -> memref<10240x128xf32, #tpu.memory_space<hbm>>
      tpu.wait_indirect_dma semaphore(%arg11 : memref<!tpu.dma_semaphore, #tpu.memory_space<semaphore_mem>>) src(%dma_wait3A_64 : memref<10240x128xf32, #tpu.memory_space<hbm>>) dst(%arg8 : memref<128x128xf32, #tpu.memory_space<vmem>>)
      %mul3A_65 = arith.constant 2 : i32
      %mul3A_66 = arith.muli %mul3A_65, %scan3A_56 : i32
      %mul3A_67 = arith.constant 128 : i32
      %mul3A_68 = arith.muli %mul3A_66, %mul3A_67 : i32
      "tpu.region"() ({
        %run_scoped3A = tpu.sem_alloc : memref<!tpu.dma_semaphore, #tpu.memory_space<semaphore_mem>>
        %dma_start3A_87 = tpu.memref_slice %arg7[%mul3A_68] : memref<2560xi32, #tpu.memory_space<vmem>> -> memref<128xi32, #tpu.memory_space<vmem>>
        %dma_start3A_88 = arith.constant 0 : i32
        %dma_start3A_89 = arith.constant 0 : i32
        %dma_start3A_90 = tpu.memref_slice %arg10[%dma_start3A_88, %dma_start3A_89] : memref<10240x128xf32, #tpu.memory_space<vmem_shared>> -> memref<10240x128xf32, #tpu.memory_space<vmem_shared>>
        tpu.enqueue_indirect_dma source(%arg8 : memref<128x128xf32, #tpu.memory_space<vmem>>) target(%dma_start3A_90 : memref<10240x128xf32, #tpu.memory_space<vmem_shared>>) offsets(%dma_start3A_87 : memref<128xi32, #tpu.memory_space<vmem>>) semaphore(%run_scoped3A : memref<!tpu.dma_semaphore, #tpu.memory_space<semaphore_mem>>) {add = true}
        %dma_wait3A_91 = tpu.memref_slice %arg7[%mul3A_68] : memref<2560xi32, #tpu.memory_space<vmem>> -> memref<128xi32, #tpu.memory_space<vmem>>
        %dma_wait3A_92 = arith.constant 0 : i32
        %dma_wait3A_93 = arith.constant 0 : i32
        %dma_wait3A_94 = tpu.memref_slice %arg10[%dma_wait3A_92, %dma_wait3A_93] : memref<10240x128xf32, #tpu.memory_space<vmem_shared>> -> memref<10240x128xf32, #tpu.memory_space<vmem_shared>>
        tpu.wait_indirect_dma semaphore(%run_scoped3A : memref<!tpu.dma_semaphore, #tpu.memory_space<semaphore_mem>>) src(%arg8 : memref<128x128xf32, #tpu.memory_space<vmem>>) dst(%dma_wait3A_94 : memref<10240x128xf32, #tpu.memory_space<vmem_shared>>)
        tpu.yield
      }) : () -> ()
      %lt3A = arith.constant 9 : i32
      %lt3A_69 = arith.cmpi slt, %scan3A_56, %lt3A : i32
      %convert_element_type3A = arith.extui %lt3A_69 : i1 to i32
      %cond3A = arith.constant 0 : i32
      %cond3A_70 = arith.cmpi ne, %convert_element_type3A, %cond3A : i32
      scf.if %cond3A_70 {
        %add3A_87 = arith.constant 256 : i32
        %add3A_88 = arith.addi %mul3A_60, %add3A_87 : i32
        %dma_start3A_89 = tpu.memref_slice %arg6[%add3A_88] : memref<2560xi32, #tpu.memory_space<vmem>> -> memref<128xi32, #tpu.memory_space<vmem>>
        %dma_start3A_90 = arith.constant 0 : i32
        %dma_start3A_91 = arith.constant 0 : i32
        %dma_start3A_92 = tpu.memref_slice %arg4[%dma_start3A_90, %dma_start3A_91] : memref<10240x128xf32, #tpu.memory_space<hbm>> -> memref<10240x128xf32, #tpu.memory_space<hbm>>
        tpu.enqueue_indirect_dma source(%dma_start3A_92 : memref<10240x128xf32, #tpu.memory_space<hbm>>) target(%arg8 : memref<128x128xf32, #tpu.memory_space<vmem>>) offsets(%dma_start3A_89 : memref<128xi32, #tpu.memory_space<vmem>>) semaphore(%arg11 : memref<!tpu.dma_semaphore, #tpu.memory_space<semaphore_mem>>)
      } else {
      }
      %dma_wait3A_71 = arith.constant 0 : i32
      %dma_wait3A_72 = tpu.memref_slice %arg6[%dma_wait3A_71] : memref<2560xi32, #tpu.memory_space<vmem>> -> memref<128xi32, #tpu.memory_space<vmem>>
      %dma_wait3A_73 = arith.constant 0 : i32
      %dma_wait3A_74 = arith.constant 0 : i32
      %dma_wait3A_75 = tpu.memref_slice %arg4[%dma_wait3A_73, %dma_wait3A_74] : memref<10240x128xf32, #tpu.memory_space<hbm>> -> memref<10240x128xf32, #tpu.memory_space<hbm>>
      tpu.wait_indirect_dma semaphore(%arg12 : memref<!tpu.dma_semaphore, #tpu.memory_space<semaphore_mem>>) src(%dma_wait3A_75 : memref<10240x128xf32, #tpu.memory_space<hbm>>) dst(%arg9 : memref<128x128xf32, #tpu.memory_space<vmem>>)
      %mul3A_76 = arith.constant 2 : i32
      %mul3A_77 = arith.muli %mul3A_76, %scan3A_56 : i32
      %add3A_78 = arith.constant 1 : i32
      %add3A_79 = arith.addi %mul3A_77, %add3A_78 : i32
      %mul3A_80 = arith.constant 128 : i32
      %mul3A_81 = arith.muli %add3A_79, %mul3A_80 : i32
      "tpu.region"() ({
        %run_scoped3A = tpu.sem_alloc : memref<!tpu.dma_semaphore, #tpu.memory_space<semaphore_mem>>
        %dma_start3A_87 = tpu.memref_slice %arg7[%mul3A_81] : memref<2560xi32, #tpu.memory_space<vmem>> -> memref<128xi32, #tpu.memory_space<vmem>>
        %dma_start3A_88 = arith.constant 0 : i32
        %dma_start3A_89 = arith.constant 0 : i32
        %dma_start3A_90 = tpu.memref_slice %arg10[%dma_start3A_88, %dma_start3A_89] : memref<10240x128xf32, #tpu.memory_space<vmem_shared>> -> memref<10240x128xf32, #tpu.memory_space<vmem_shared>>
        tpu.enqueue_indirect_dma source(%arg9 : memref<128x128xf32, #tpu.memory_space<vmem>>) target(%dma_start3A_90 : memref<10240x128xf32, #tpu.memory_space<vmem_shared>>) offsets(%dma_start3A_87 : memref<128xi32, #tpu.memory_space<vmem>>) semaphore(%run_scoped3A : memref<!tpu.dma_semaphore, #tpu.memory_space<semaphore_mem>>) {add = true}
        %dma_wait3A_91 = tpu.memref_slice %arg7[%mul3A_81] : memref<2560xi32, #tpu.memory_space<vmem>> -> memref<128xi32, #tpu.memory_space<vmem>>
        %dma_wait3A_92 = arith.constant 0 : i32
        %dma_wait3A_93 = arith.constant 0 : i32
        %dma_wait3A_94 = tpu.memref_slice %arg10[%dma_wait3A_92, %dma_wait3A_93] : memref<10240x128xf32, #tpu.memory_space<vmem_shared>> -> memref<10240x128xf32, #tpu.memory_space<vmem_shared>>
        tpu.wait_indirect_dma semaphore(%run_scoped3A : memref<!tpu.dma_semaphore, #tpu.memory_space<semaphore_mem>>) src(%arg9 : memref<128x128xf32, #tpu.memory_space<vmem>>) dst(%dma_wait3A_94 : memref<10240x128xf32, #tpu.memory_space<vmem_shared>>)
        tpu.yield
      }) : () -> ()
      %lt3A_82 = arith.constant 9 : i32
      %lt3A_83 = arith.cmpi slt, %scan3A_56, %lt3A_82 : i32
      %convert_element_type3A_84 = arith.extui %lt3A_83 : i1 to i32
      %cond3A_85 = arith.constant 0 : i32
      %cond3A_86 = arith.cmpi ne, %convert_element_type3A_84, %cond3A_85 : i32
      scf.if %cond3A_86 {
        %add3A_87 = arith.constant 384 : i32
        %add3A_88 = arith.addi %mul3A_60, %add3A_87 : i32
        %dma_start3A_89 = tpu.memref_slice %arg6[%add3A_88] : memref<2560xi32, #tpu.memory_space<vmem>> -> memref<128xi32, #tpu.memory_space<vmem>>
        %dma_start3A_90 = arith.constant 0 : i32
        %dma_start3A_91 = arith.constant 0 : i32
        %dma_start3A_92 = tpu.memref_slice %arg4[%dma_start3A_90, %dma_start3A_91] : memref<10240x128xf32, #tpu.memory_space<hbm>> -> memref<10240x128xf32, #tpu.memory_space<hbm>>
        tpu.enqueue_indirect_dma source(%dma_start3A_92 : memref<10240x128xf32, #tpu.memory_space<hbm>>) target(%arg9 : memref<128x128xf32, #tpu.memory_space<vmem>>) offsets(%dma_start3A_89 : memref<128xi32, #tpu.memory_space<vmem>>) semaphore(%arg12 : memref<!tpu.dma_semaphore, #tpu.memory_space<semaphore_mem>>)
      } else {
      }
    }
    %scan3A_26 = arith.constant 10 : i32
    %mul3A_27 = arith.constant 5120 : i32
    %mul3A_28 = arith.muli %add3A, %mul3A_27 : i32
    %add3A_29 = arith.constant 2560 : i32
    %add3A_30 = arith.addi %mul3A_28, %add3A_29 : i32
    "tpu.region"() ({
      %run_scoped3A = tpu.sem_alloc : memref<!tpu.dma_semaphore, #tpu.memory_space<semaphore_mem>>
      %dma_start3A_56 = tpu.memref_slice %arg2[%add3A_30] : memref<163840xi32, #tpu.memory_space<hbm>> -> memref<2560xi32, #tpu.memory_space<hbm>>
      %dma_start3A_57 = tpu.memref_slice %arg2[%add3A_30] : memref<163840xi32, #tpu.memory_space<hbm>> -> memref<2560xi32, #tpu.memory_space<hbm>>
      tpu.enqueue_dma source(%dma_start3A_57 : memref<2560xi32, #tpu.memory_space<hbm>>) target(%arg6 : memref<2560xi32, #tpu.memory_space<vmem>>) target_semaphore(%run_scoped3A : memref<!tpu.dma_semaphore, #tpu.memory_space<semaphore_mem>>)
      %dma_wait3A = tpu.memref_slice %arg2[%add3A_30] : memref<163840xi32, #tpu.memory_space<hbm>> -> memref<2560xi32, #tpu.memory_space<hbm>>
      %dma_wait3A_58 = tpu.memref_slice %arg2[%add3A_30] : memref<163840xi32, #tpu.memory_space<hbm>> -> memref<2560xi32, #tpu.memory_space<hbm>>
      tpu.wait_dma2 semaphore(%run_scoped3A : memref<!tpu.dma_semaphore, #tpu.memory_space<semaphore_mem>>) src(%dma_wait3A_58 : memref<2560xi32, #tpu.memory_space<hbm>>) dst(%arg6 : memref<2560xi32, #tpu.memory_space<vmem>>)
      tpu.yield
    }) : () -> ()
    %mul3A_31 = arith.constant 5120 : i32
    %mul3A_32 = arith.muli %add3A, %mul3A_31 : i32
    %add3A_33 = arith.constant 2560 : i32
    %add3A_34 = arith.addi %mul3A_32, %add3A_33 : i32
    "tpu.region"() ({
      %run_scoped3A = tpu.sem_alloc : memref<!tpu.dma_semaphore, #tpu.memory_space<semaphore_mem>>
      %dma_start3A_56 = tpu.memref_slice %arg3[%add3A_34] : memref<163840xi32, #tpu.memory_space<hbm>> -> memref<2560xi32, #tpu.memory_space<hbm>>
      %dma_start3A_57 = tpu.memref_slice %arg3[%add3A_34] : memref<163840xi32, #tpu.memory_space<hbm>> -> memref<2560xi32, #tpu.memory_space<hbm>>
      tpu.enqueue_dma source(%dma_start3A_57 : memref<2560xi32, #tpu.memory_space<hbm>>) target(%arg7 : memref<2560xi32, #tpu.memory_space<vmem>>) target_semaphore(%run_scoped3A : memref<!tpu.dma_semaphore, #tpu.memory_space<semaphore_mem>>)
      %dma_wait3A = tpu.memref_slice %arg3[%add3A_34] : memref<163840xi32, #tpu.memory_space<hbm>> -> memref<2560xi32, #tpu.memory_space<hbm>>
      %dma_wait3A_58 = tpu.memref_slice %arg3[%add3A_34] : memref<163840xi32, #tpu.memory_space<hbm>> -> memref<2560xi32, #tpu.memory_space<hbm>>
      tpu.wait_dma2 semaphore(%run_scoped3A : memref<!tpu.dma_semaphore, #tpu.memory_space<semaphore_mem>>) src(%dma_wait3A_58 : memref<2560xi32, #tpu.memory_space<hbm>>) dst(%arg7 : memref<2560xi32, #tpu.memory_space<vmem>>)
      tpu.yield
    }) : () -> ()
    %dma_start3A_35 = arith.constant 0 : i32
    %dma_start3A_36 = tpu.memref_slice %arg6[%dma_start3A_35] : memref<2560xi32, #tpu.memory_space<vmem>> -> memref<128xi32, #tpu.memory_space<vmem>>
    %dma_start3A_37 = arith.constant 0 : i32
    %dma_start3A_38 = arith.constant 0 : i32
    %dma_start3A_39 = tpu.memref_slice %arg4[%dma_start3A_37, %dma_start3A_38] : memref<10240x128xf32, #tpu.memory_space<hbm>> -> memref<10240x128xf32, #tpu.memory_space<hbm>>
    tpu.enqueue_indirect_dma source(%dma_start3A_39 : memref<10240x128xf32, #tpu.memory_space<hbm>>) target(%arg8 : memref<128x128xf32, #tpu.memory_space<vmem>>) offsets(%dma_start3A_36 : memref<128xi32, #tpu.memory_space<vmem>>) semaphore(%arg11 : memref<!tpu.dma_semaphore, #tpu.memory_space<semaphore_mem>>)
    %dma_start3A_40 = arith.constant 128 : i32
    %dma_start3A_41 = tpu.memref_slice %arg6[%dma_start3A_40] : memref<2560xi32, #tpu.memory_space<vmem>> -> memref<128xi32, #tpu.memory_space<vmem>>
    %dma_start3A_42 = arith.constant 0 : i32
    %dma_start3A_43 = arith.constant 0 : i32
    %dma_start3A_44 = tpu.memref_slice %arg4[%dma_start3A_42, %dma_start3A_43] : memref<10240x128xf32, #tpu.memory_space<hbm>> -> memref<10240x128xf32, #tpu.memory_space<hbm>>
    tpu.enqueue_indirect_dma source(%dma_start3A_44 : memref<10240x128xf32, #tpu.memory_space<hbm>>) target(%arg9 : memref<128x128xf32, #tpu.memory_space<vmem>>) offsets(%dma_start3A_41 : memref<128xi32, #tpu.memory_space<vmem>>) semaphore(%arg12 : memref<!tpu.dma_semaphore, #tpu.memory_space<semaphore_mem>>)
    %scan3A_45 = arith.constant 0 : i32
    %scan3A_46 = arith.constant 0 : i32
    %scan3A_47 = arith.constant 10 : i32
    %scan3A_48 = arith.addi %scan3A_46, %scan3A_47 : i32
    %scan3A_49 = arith.constant 1 : i32
    scf.for %scan3A_56 = %scan3A_46 to %scan3A_48 step %scan3A_49  : i32 {
      %mul3A_57 = arith.constant 2 : i32
      %mul3A_58 = arith.muli %scan3A_56, %mul3A_57 : i32
      %mul3A_59 = arith.constant 128 : i32
      %mul3A_60 = arith.muli %mul3A_58, %mul3A_59 : i32
      %dma_wait3A = arith.constant 0 : i32
      %dma_wait3A_61 = tpu.memref_slice %arg6[%dma_wait3A] : memref<2560xi32, #tpu.memory_space<vmem>> -> memref<128xi32, #tpu.memory_space<vmem>>
      %dma_wait3A_62 = arith.constant 0 : i32
      %dma_wait3A_63 = arith.constant 0 : i32
      %dma_wait3A_64 = tpu.memref_slice %arg4[%dma_wait3A_62, %dma_wait3A_63] : memref<10240x128xf32, #tpu.memory_space<hbm>> -> memref<10240x128xf32, #tpu.memory_space<hbm>>
      tpu.wait_indirect_dma semaphore(%arg11 : memref<!tpu.dma_semaphore, #tpu.memory_space<semaphore_mem>>) src(%dma_wait3A_64 : memref<10240x128xf32, #tpu.memory_space<hbm>>) dst(%arg8 : memref<128x128xf32, #tpu.memory_space<vmem>>)
      %mul3A_65 = arith.constant 2 : i32
      %mul3A_66 = arith.muli %mul3A_65, %scan3A_56 : i32
      %mul3A_67 = arith.constant 128 : i32
      %mul3A_68 = arith.muli %mul3A_66, %mul3A_67 : i32
      "tpu.region"() ({
        %run_scoped3A = tpu.sem_alloc : memref<!tpu.dma_semaphore, #tpu.memory_space<semaphore_mem>>
        %dma_start3A_87 = tpu.memref_slice %arg7[%mul3A_68] : memref<2560xi32, #tpu.memory_space<vmem>> -> memref<128xi32, #tpu.memory_space<vmem>>
        %dma_start3A_88 = arith.constant 0 : i32
        %dma_start3A_89 = arith.constant 0 : i32
        %dma_start3A_90 = tpu.memref_slice %arg10[%dma_start3A_88, %dma_start3A_89] : memref<10240x128xf32, #tpu.memory_space<vmem_shared>> -> memref<10240x128xf32, #tpu.memory_space<vmem_shared>>
        tpu.enqueue_indirect_dma source(%arg8 : memref<128x128xf32, #tpu.memory_space<vmem>>) target(%dma_start3A_90 : memref<10240x128xf32, #tpu.memory_space<vmem_shared>>) offsets(%dma_start3A_87 : memref<128xi32, #tpu.memory_space<vmem>>) semaphore(%run_scoped3A : memref<!tpu.dma_semaphore, #tpu.memory_space<semaphore_mem>>) {add = true}
        %dma_wait3A_91 = tpu.memref_slice %arg7[%mul3A_68] : memref<2560xi32, #tpu.memory_space<vmem>> -> memref<128xi32, #tpu.memory_space<vmem>>
        %dma_wait3A_92 = arith.constant 0 : i32
        %dma_wait3A_93 = arith.constant 0 : i32
        %dma_wait3A_94 = tpu.memref_slice %arg10[%dma_wait3A_92, %dma_wait3A_93] : memref<10240x128xf32, #tpu.memory_space<vmem_shared>> -> memref<10240x128xf32, #tpu.memory_space<vmem_shared>>
        tpu.wait_indirect_dma semaphore(%run_scoped3A : memref<!tpu.dma_semaphore, #tpu.memory_space<semaphore_mem>>) src(%arg8 : memref<128x128xf32, #tpu.memory_space<vmem>>) dst(%dma_wait3A_94 : memref<10240x128xf32, #tpu.memory_space<vmem_shared>>)
        tpu.yield
      }) : () -> ()
      %lt3A = arith.constant 9 : i32
      %lt3A_69 = arith.cmpi slt, %scan3A_56, %lt3A : i32
      %convert_element_type3A = arith.extui %lt3A_69 : i1 to i32
      %cond3A = arith.constant 0 : i32
      %cond3A_70 = arith.cmpi ne, %convert_element_type3A, %cond3A : i32
      scf.if %cond3A_70 {
        %add3A_87 = arith.constant 256 : i32
        %add3A_88 = arith.addi %mul3A_60, %add3A_87 : i32
        %dma_start3A_89 = tpu.memref_slice %arg6[%add3A_88] : memref<2560xi32, #tpu.memory_space<vmem>> -> memref<128xi32, #tpu.memory_space<vmem>>
        %dma_start3A_90 = arith.constant 0 : i32
        %dma_start3A_91 = arith.constant 0 : i32
        %dma_start3A_92 = tpu.memref_slice %arg4[%dma_start3A_90, %dma_start3A_91] : memref<10240x128xf32, #tpu.memory_space<hbm>> -> memref<10240x128xf32, #tpu.memory_space<hbm>>
        tpu.enqueue_indirect_dma source(%dma_start3A_92 : memref<10240x128xf32, #tpu.memory_space<hbm>>) target(%arg8 : memref<128x128xf32, #tpu.memory_space<vmem>>) offsets(%dma_start3A_89 : memref<128xi32, #tpu.memory_space<vmem>>) semaphore(%arg11 : memref<!tpu.dma_semaphore, #tpu.memory_space<semaphore_mem>>)
      } else {
      }
      %dma_wait3A_71 = arith.constant 0 : i32
      %dma_wait3A_72 = tpu.memref_slice %arg6[%dma_wait3A_71] : memref<2560xi32, #tpu.memory_space<vmem>> -> memref<128xi32, #tpu.memory_space<vmem>>
      %dma_wait3A_73 = arith.constant 0 : i32
      %dma_wait3A_74 = arith.constant 0 : i32
      %dma_wait3A_75 = tpu.memref_slice %arg4[%dma_wait3A_73, %dma_wait3A_74] : memref<10240x128xf32, #tpu.memory_space<hbm>> -> memref<10240x128xf32, #tpu.memory_space<hbm>>
      tpu.wait_indirect_dma semaphore(%arg12 : memref<!tpu.dma_semaphore, #tpu.memory_space<semaphore_mem>>) src(%dma_wait3A_75 : memref<10240x128xf32, #tpu.memory_space<hbm>>) dst(%arg9 : memref<128x128xf32, #tpu.memory_space<vmem>>)
      %mul3A_76 = arith.constant 2 : i32
      %mul3A_77 = arith.muli %mul3A_76, %scan3A_56 : i32
      %add3A_78 = arith.constant 1 : i32
      %add3A_79 = arith.addi %mul3A_77, %add3A_78 : i32
      %mul3A_80 = arith.constant 128 : i32
      %mul3A_81 = arith.muli %add3A_79, %mul3A_80 : i32
      "tpu.region"() ({
        %run_scoped3A = tpu.sem_alloc : memref<!tpu.dma_semaphore, #tpu.memory_space<semaphore_mem>>
        %dma_start3A_87 = tpu.memref_slice %arg7[%mul3A_81] : memref<2560xi32, #tpu.memory_space<vmem>> -> memref<128xi32, #tpu.memory_space<vmem>>
        %dma_start3A_88 = arith.constant 0 : i32
        %dma_start3A_89 = arith.constant 0 : i32
        %dma_start3A_90 = tpu.memref_slice %arg10[%dma_start3A_88, %dma_start3A_89] : memref<10240x128xf32, #tpu.memory_space<vmem_shared>> -> memref<10240x128xf32, #tpu.memory_space<vmem_shared>>
        tpu.enqueue_indirect_dma source(%arg9 : memref<128x128xf32, #tpu.memory_space<vmem>>) target(%dma_start3A_90 : memref<10240x128xf32, #tpu.memory_space<vmem_shared>>) offsets(%dma_start3A_87 : memref<128xi32, #tpu.memory_space<vmem>>) semaphore(%run_scoped3A : memref<!tpu.dma_semaphore, #tpu.memory_space<semaphore_mem>>) {add = true}
        %dma_wait3A_91 = tpu.memref_slice %arg7[%mul3A_81] : memref<2560xi32, #tpu.memory_space<vmem>> -> memref<128xi32, #tpu.memory_space<vmem>>
        %dma_wait3A_92 = arith.constant 0 : i32
        %dma_wait3A_93 = arith.constant 0 : i32
        %dma_wait3A_94 = tpu.memref_slice %arg10[%dma_wait3A_92, %dma_wait3A_93] : memref<10240x128xf32, #tpu.memory_space<vmem_shared>> -> memref<10240x128xf32, #tpu.memory_space<vmem_shared>>
        tpu.wait_indirect_dma semaphore(%run_scoped3A : memref<!tpu.dma_semaphore, #tpu.memory_space<semaphore_mem>>) src(%arg9 : memref<128x128xf32, #tpu.memory_space<vmem>>) dst(%dma_wait3A_94 : memref<10240x128xf32, #tpu.memory_space<vmem_shared>>)
        tpu.yield
      }) : () -> ()
      %lt3A_82 = arith.constant 9 : i32
      %lt3A_83 = arith.cmpi slt, %scan3A_56, %lt3A_82 : i32
      %convert_element_type3A_84 = arith.extui %lt3A_83 : i1 to i32
      %cond3A_85 = arith.constant 0 : i32
      %cond3A_86 = arith.cmpi ne, %convert_element_type3A_84, %cond3A_85 : i32
      scf.if %cond3A_86 {
        %add3A_87 = arith.constant 384 : i32
        %add3A_88 = arith.addi %mul3A_60, %add3A_87 : i32
        %dma_start3A_89 = tpu.memref_slice %arg6[%add3A_88] : memref<2560xi32, #tpu.memory_space<vmem>> -> memref<128xi32, #tpu.memory_space<vmem>>
        %dma_start3A_90 = arith.constant 0 : i32
        %dma_start3A_91 = arith.constant 0 : i32
        %dma_start3A_92 = tpu.memref_slice %arg4[%dma_start3A_90, %dma_start3A_91] : memref<10240x128xf32, #tpu.memory_space<hbm>> -> memref<10240x128xf32, #tpu.memory_space<hbm>>
        tpu.enqueue_indirect_dma source(%dma_start3A_92 : memref<10240x128xf32, #tpu.memory_space<hbm>>) target(%arg9 : memref<128x128xf32, #tpu.memory_space<vmem>>) offsets(%dma_start3A_89 : memref<128xi32, #tpu.memory_space<vmem>>) semaphore(%arg12 : memref<!tpu.dma_semaphore, #tpu.memory_space<semaphore_mem>>)
      } else {
      }
    }
    %scan3A_50 = arith.constant 10 : i32
    %barrier3A_51 = arith.constant 0 : index
    tpu.barrier barrier_id(%barrier3A_51)
    %mul3A_52 = arith.constant 640 : i32
    %mul3A_53 = arith.muli %arg1, %mul3A_52 : i32
    %mul3A_54 = arith.constant 640 : i32
    %mul3A_55 = arith.muli %arg1, %mul3A_54 : i32
    "tpu.region"() ({
      %run_scoped3A = tpu.sem_alloc : memref<!tpu.dma_semaphore, #tpu.memory_space<semaphore_mem>>
      %dma_start3A_56 = arith.constant 0 : i32
      %dma_start3A_57 = tpu.memref_slice %arg5[%arg0, %mul3A_55, %dma_start3A_56] : memref<2x10240x128xf32, #tpu.memory_space<hbm>> -> memref<1x640x128xf32, #tpu.memory_space<hbm>>
      %dma_start3A_58 = tpu.memref_squeeze %dma_start3A_57 : memref<1x640x128xf32, #tpu.memory_space<hbm>> -> memref<640x128xf32, #tpu.memory_space<hbm>>
      %dma_start3A_59 = arith.constant 0 : i32
      %dma_start3A_60 = tpu.memref_slice %arg10[%mul3A_53, %dma_start3A_59] : memref<10240x128xf32, #tpu.memory_space<vmem_shared>> -> memref<640x128xf32, #tpu.memory_space<vmem_shared>>
      tpu.enqueue_dma source(%dma_start3A_60 : memref<640x128xf32, #tpu.memory_space<vmem_shared>>) target(%dma_start3A_58 : memref<640x128xf32, #tpu.memory_space<hbm>>) target_semaphore(%run_scoped3A : memref<!tpu.dma_semaphore, #tpu.memory_space<semaphore_mem>>)
      %dma_wait3A = arith.constant 0 : i32
      %dma_wait3A_61 = tpu.memref_slice %arg5[%arg0, %mul3A_55, %dma_wait3A] : memref<2x10240x128xf32, #tpu.memory_space<hbm>> -> memref<1x640x128xf32, #tpu.memory_space<hbm>>
      %dma_wait3A_62 = tpu.memref_squeeze %dma_wait3A_61 : memref<1x640x128xf32, #tpu.memory_space<hbm>> -> memref<640x128xf32, #tpu.memory_space<hbm>>
      %dma_wait3A_63 = arith.constant 0 : i32
      %dma_wait3A_64 = tpu.memref_slice %arg10[%mul3A_53, %dma_wait3A_63] : memref<10240x128xf32, #tpu.memory_space<vmem_shared>> -> memref<640x128xf32, #tpu.memory_space<vmem_shared>>
      tpu.wait_dma2 semaphore(%run_scoped3A : memref<!tpu.dma_semaphore, #tpu.memory_space<semaphore_mem>>) src(%dma_wait3A_64 : memref<640x128xf32, #tpu.memory_space<vmem_shared>>) dst(%dma_wait3A_62 : memref<640x128xf32, #tpu.memory_space<hbm>>)
      tpu.yield
    }) : () -> ()
    return
  }
}

#map = affine_map<(d0, d1) -> (0)>
#map1 = affine_map<(d0, d1) -> (0, 0, 0)>
module attributes {stable_mosaic.version = 14 : i64} {
  func.func @agg(%arg0: i32, %arg1: i32, %arg2: memref<163840xi32, #tpu.memory_space<hbm>>, %arg3: memref<163840xi32, #tpu.memory_space<hbm>>, %arg4: memref<2x10240x128xf32, #tpu.memory_space<hbm>>, %arg5: memref<2x10240x128xf32, #tpu.memory_space<hbm>>, %arg6: memref<5120xi32, #tpu.memory_space<vmem>>, %arg7: memref<5120xi32, #tpu.memory_space<vmem>>, %arg8: memref<128x128xf32, #tpu.memory_space<vmem>>, %arg9: memref<128x128xf32, #tpu.memory_space<vmem>>, %arg10: memref<10240x128xf32, #tpu.memory_space<vmem_shared>>, %arg11: memref<!tpu.dma_semaphore, #tpu.memory_space<semaphore_mem>>, %arg12: memref<!tpu.dma_semaphore, #tpu.memory_space<semaphore_mem>>) attributes {dimension_semantics = [#tpu.dimension_semantics<core_parallel>, #tpu.dimension_semantics<subcore_parallel>], iteration_bounds = array<i64: 2, 16>, scalar_prefetch = 0 : i64, scratch_operands = 7 : i64, tpu.core_type = #tpu.core_type<sc_vector_subcore>, window_params = [{transform_indices = #map}, {transform_indices = #map}, {transform_indices = #map1}, {transform_indices = #map1}]} {
    %eq3A = arith.constant 0 : i32
    %eq3A_0 = arith.cmpi eq, %arg0, %eq3A : i32
    %convert_element_type3A = arith.extui %eq3A_0 : i1 to i32
    %cond3A = arith.constant 0 : i32
    %cond3A_1 = arith.cmpi ne, %convert_element_type3A, %cond3A : i32
    scf.if %cond3A_1 {
      %mul3A = arith.constant 640 : i32
      %mul3A_7 = arith.muli %arg1, %mul3A : i32
      %mul3A_8 = arith.constant 640 : i32
      %mul3A_9 = arith.muli %arg1, %mul3A_8 : i32
      %run_scoped3A = arith.constant 0 : i32
      "tpu.region"() ({
        %run_scoped3A_82 = tpu.sem_alloc : memref<!tpu.dma_semaphore, #tpu.memory_space<semaphore_mem>>
        %dma_start3A_83 = arith.constant 0 : i32
        %dma_start3A_84 = tpu.memref_slice %arg10[%mul3A_9, %dma_start3A_83] : memref<10240x128xf32, #tpu.memory_space<vmem_shared>> -> memref<640x128xf32, #tpu.memory_space<vmem_shared>>
        %dma_start3A_85 = arith.constant 0 : i32
        %dma_start3A_86 = arith.constant 0 : i32
        %dma_start3A_87 = tpu.memref_slice %arg4[%run_scoped3A, %dma_start3A_85, %dma_start3A_86] : memref<2x10240x128xf32, #tpu.memory_space<hbm>> -> memref<1x10240x128xf32, #tpu.memory_space<hbm>>
        %dma_start3A_88 = tpu.memref_squeeze %dma_start3A_87 : memref<1x10240x128xf32, #tpu.memory_space<hbm>> -> memref<10240x128xf32, #tpu.memory_space<hbm>>
        %dma_start3A_89 = arith.constant 0 : i32
        %dma_start3A_90 = tpu.memref_slice %dma_start3A_88[%mul3A_7, %dma_start3A_89] : memref<10240x128xf32, #tpu.memory_space<hbm>> -> memref<640x128xf32, #tpu.memory_space<hbm>>
        tpu.enqueue_dma source(%dma_start3A_90 : memref<640x128xf32, #tpu.memory_space<hbm>>) target(%dma_start3A_84 : memref<640x128xf32, #tpu.memory_space<vmem_shared>>) target_semaphore(%run_scoped3A_82 : memref<!tpu.dma_semaphore, #tpu.memory_space<semaphore_mem>>)
        %dma_wait3A = arith.constant 0 : i32
        %dma_wait3A_91 = tpu.memref_slice %arg10[%mul3A_9, %dma_wait3A] : memref<10240x128xf32, #tpu.memory_space<vmem_shared>> -> memref<640x128xf32, #tpu.memory_space<vmem_shared>>
        %dma_wait3A_92 = arith.constant 0 : i32
        %dma_wait3A_93 = arith.constant 0 : i32
        %dma_wait3A_94 = tpu.memref_slice %arg4[%run_scoped3A, %dma_wait3A_92, %dma_wait3A_93] : memref<2x10240x128xf32, #tpu.memory_space<hbm>> -> memref<1x10240x128xf32, #tpu.memory_space<hbm>>
        %dma_wait3A_95 = tpu.memref_squeeze %dma_wait3A_94 : memref<1x10240x128xf32, #tpu.memory_space<hbm>> -> memref<10240x128xf32, #tpu.memory_space<hbm>>
        %dma_wait3A_96 = arith.constant 0 : i32
        %dma_wait3A_97 = tpu.memref_slice %dma_wait3A_95[%mul3A_7, %dma_wait3A_96] : memref<10240x128xf32, #tpu.memory_space<hbm>> -> memref<640x128xf32, #tpu.memory_space<hbm>>
        tpu.wait_dma2 semaphore(%run_scoped3A_82 : memref<!tpu.dma_semaphore, #tpu.memory_space<semaphore_mem>>) src(%dma_wait3A_97 : memref<640x128xf32, #tpu.memory_space<hbm>>) dst(%dma_wait3A_91 : memref<640x128xf32, #tpu.memory_space<vmem_shared>>)
        tpu.yield
      }) : () -> ()
      %barrier3A = arith.constant 0 : index
      tpu.barrier barrier_id(%barrier3A)
      %mul3A_10 = arith.constant 10240 : i32
      %mul3A_11 = arith.muli %arg1, %mul3A_10 : i32
      %add3A = arith.constant 0 : i32
      %add3A_12 = arith.addi %mul3A_11, %add3A : i32
      "tpu.region"() ({
        %run_scoped3A_82 = tpu.sem_alloc : memref<!tpu.dma_semaphore, #tpu.memory_space<semaphore_mem>>
        %dma_start3A_83 = tpu.memref_slice %arg2[%add3A_12] : memref<163840xi32, #tpu.memory_space<hbm>> -> memref<5120xi32, #tpu.memory_space<hbm>>
        %dma_start3A_84 = tpu.memref_slice %arg2[%add3A_12] : memref<163840xi32, #tpu.memory_space<hbm>> -> memref<5120xi32, #tpu.memory_space<hbm>>
        tpu.enqueue_dma source(%dma_start3A_84 : memref<5120xi32, #tpu.memory_space<hbm>>) target(%arg6 : memref<5120xi32, #tpu.memory_space<vmem>>) target_semaphore(%run_scoped3A_82 : memref<!tpu.dma_semaphore, #tpu.memory_space<semaphore_mem>>)
        %dma_wait3A = tpu.memref_slice %arg2[%add3A_12] : memref<163840xi32, #tpu.memory_space<hbm>> -> memref<5120xi32, #tpu.memory_space<hbm>>
        %dma_wait3A_85 = tpu.memref_slice %arg2[%add3A_12] : memref<163840xi32, #tpu.memory_space<hbm>> -> memref<5120xi32, #tpu.memory_space<hbm>>
        tpu.wait_dma2 semaphore(%run_scoped3A_82 : memref<!tpu.dma_semaphore, #tpu.memory_space<semaphore_mem>>) src(%dma_wait3A_85 : memref<5120xi32, #tpu.memory_space<hbm>>) dst(%arg6 : memref<5120xi32, #tpu.memory_space<vmem>>)
        tpu.yield
      }) : () -> ()
      %mul3A_13 = arith.constant 10240 : i32
      %mul3A_14 = arith.muli %arg1, %mul3A_13 : i32
      %add3A_15 = arith.constant 0 : i32
      %add3A_16 = arith.addi %mul3A_14, %add3A_15 : i32
      "tpu.region"() ({
        %run_scoped3A_82 = tpu.sem_alloc : memref<!tpu.dma_semaphore, #tpu.memory_space<semaphore_mem>>
        %dma_start3A_83 = tpu.memref_slice %arg3[%add3A_16] : memref<163840xi32, #tpu.memory_space<hbm>> -> memref<5120xi32, #tpu.memory_space<hbm>>
        %dma_start3A_84 = tpu.memref_slice %arg3[%add3A_16] : memref<163840xi32, #tpu.memory_space<hbm>> -> memref<5120xi32, #tpu.memory_space<hbm>>
        tpu.enqueue_dma source(%dma_start3A_84 : memref<5120xi32, #tpu.memory_space<hbm>>) target(%arg7 : memref<5120xi32, #tpu.memory_space<vmem>>) target_semaphore(%run_scoped3A_82 : memref<!tpu.dma_semaphore, #tpu.memory_space<semaphore_mem>>)
        %dma_wait3A = tpu.memref_slice %arg3[%add3A_16] : memref<163840xi32, #tpu.memory_space<hbm>> -> memref<5120xi32, #tpu.memory_space<hbm>>
        %dma_wait3A_85 = tpu.memref_slice %arg3[%add3A_16] : memref<163840xi32, #tpu.memory_space<hbm>> -> memref<5120xi32, #tpu.memory_space<hbm>>
        tpu.wait_dma2 semaphore(%run_scoped3A_82 : memref<!tpu.dma_semaphore, #tpu.memory_space<semaphore_mem>>) src(%dma_wait3A_85 : memref<5120xi32, #tpu.memory_space<hbm>>) dst(%arg7 : memref<5120xi32, #tpu.memory_space<vmem>>)
        tpu.yield
      }) : () -> ()
      %dma_start3A = arith.constant 0 : i32
      %dma_start3A_17 = arith.constant 0 : i32
      %dma_start3A_18 = tpu.memref_slice %arg6[%dma_start3A_17] : memref<5120xi32, #tpu.memory_space<vmem>> -> memref<128xi32, #tpu.memory_space<vmem>>
      %dma_start3A_19 = arith.constant 0 : i32
      %dma_start3A_20 = arith.constant 0 : i32
      %dma_start3A_21 = tpu.memref_slice %arg4[%dma_start3A, %dma_start3A_19, %dma_start3A_20] : memref<2x10240x128xf32, #tpu.memory_space<hbm>> -> memref<1x10240x128xf32, #tpu.memory_space<hbm>>
      %dma_start3A_22 = tpu.memref_squeeze %dma_start3A_21 : memref<1x10240x128xf32, #tpu.memory_space<hbm>> -> memref<10240x128xf32, #tpu.memory_space<hbm>>
      %dma_start3A_23 = arith.constant 0 : i32
      %dma_start3A_24 = arith.constant 0 : i32
      %dma_start3A_25 = tpu.memref_slice %dma_start3A_22[%dma_start3A_23, %dma_start3A_24] : memref<10240x128xf32, #tpu.memory_space<hbm>> -> memref<10240x128xf32, #tpu.memory_space<hbm>>
      tpu.enqueue_indirect_dma source(%dma_start3A_25 : memref<10240x128xf32, #tpu.memory_space<hbm>>) target(%arg8 : memref<128x128xf32, #tpu.memory_space<vmem>>) offsets(%dma_start3A_18 : memref<128xi32, #tpu.memory_space<vmem>>) semaphore(%arg11 : memref<!tpu.dma_semaphore, #tpu.memory_space<semaphore_mem>>)
      %dma_start3A_26 = arith.constant 0 : i32
      %dma_start3A_27 = arith.constant 128 : i32
      %dma_start3A_28 = tpu.memref_slice %arg6[%dma_start3A_27] : memref<5120xi32, #tpu.memory_space<vmem>> -> memref<128xi32, #tpu.memory_space<vmem>>
      %dma_start3A_29 = arith.constant 0 : i32
      %dma_start3A_30 = arith.constant 0 : i32
      %dma_start3A_31 = tpu.memref_slice %arg4[%dma_start3A_26, %dma_start3A_29, %dma_start3A_30] : memref<2x10240x128xf32, #tpu.memory_space<hbm>> -> memref<1x10240x128xf32, #tpu.memory_space<hbm>>
      %dma_start3A_32 = tpu.memref_squeeze %dma_start3A_31 : memref<1x10240x128xf32, #tpu.memory_space<hbm>> -> memref<10240x128xf32, #tpu.memory_space<hbm>>
      %dma_start3A_33 = arith.constant 0 : i32
      %dma_start3A_34 = arith.constant 0 : i32
      %dma_start3A_35 = tpu.memref_slice %dma_start3A_32[%dma_start3A_33, %dma_start3A_34] : memref<10240x128xf32, #tpu.memory_space<hbm>> -> memref<10240x128xf32, #tpu.memory_space<hbm>>
      tpu.enqueue_indirect_dma source(%dma_start3A_35 : memref<10240x128xf32, #tpu.memory_space<hbm>>) target(%arg9 : memref<128x128xf32, #tpu.memory_space<vmem>>) offsets(%dma_start3A_28 : memref<128xi32, #tpu.memory_space<vmem>>) semaphore(%arg12 : memref<!tpu.dma_semaphore, #tpu.memory_space<semaphore_mem>>)
      %scan3A = arith.constant 0 : i32
      %scan3A_36 = arith.constant 0 : i32
      %scan3A_37 = arith.constant 0 : i32
      %scan3A_38 = arith.constant 20 : i32
      %scan3A_39 = arith.addi %scan3A_37, %scan3A_38 : i32
      %scan3A_40 = arith.constant 1 : i32
      scf.for %scan3A_82 = %scan3A_37 to %scan3A_39 step %scan3A_40  : i32 {
        %mul3A_83 = arith.constant 2 : i32
        %mul3A_84 = arith.muli %scan3A_82, %mul3A_83 : i32
        %mul3A_85 = arith.constant 128 : i32
        %mul3A_86 = arith.muli %mul3A_84, %mul3A_85 : i32
        %dma_wait3A = arith.constant 0 : i32
        %dma_wait3A_87 = tpu.memref_slice %arg6[%dma_wait3A] : memref<5120xi32, #tpu.memory_space<vmem>> -> memref<128xi32, #tpu.memory_space<vmem>>
        %dma_wait3A_88 = arith.constant 0 : i32
        %dma_wait3A_89 = arith.constant 0 : i32
        %dma_wait3A_90 = tpu.memref_slice %arg4[%scan3A_36, %dma_wait3A_88, %dma_wait3A_89] : memref<2x10240x128xf32, #tpu.memory_space<hbm>> -> memref<1x10240x128xf32, #tpu.memory_space<hbm>>
        %dma_wait3A_91 = tpu.memref_squeeze %dma_wait3A_90 : memref<1x10240x128xf32, #tpu.memory_space<hbm>> -> memref<10240x128xf32, #tpu.memory_space<hbm>>
        %dma_wait3A_92 = arith.constant 0 : i32
        %dma_wait3A_93 = arith.constant 0 : i32
        %dma_wait3A_94 = tpu.memref_slice %dma_wait3A_91[%dma_wait3A_92, %dma_wait3A_93] : memref<10240x128xf32, #tpu.memory_space<hbm>> -> memref<10240x128xf32, #tpu.memory_space<hbm>>
        tpu.wait_indirect_dma semaphore(%arg11 : memref<!tpu.dma_semaphore, #tpu.memory_space<semaphore_mem>>) src(%dma_wait3A_94 : memref<10240x128xf32, #tpu.memory_space<hbm>>) dst(%arg8 : memref<128x128xf32, #tpu.memory_space<vmem>>)
        %mul3A_95 = arith.constant 2 : i32
        %mul3A_96 = arith.muli %mul3A_95, %scan3A_82 : i32
        %mul3A_97 = arith.constant 128 : i32
        %mul3A_98 = arith.muli %mul3A_96, %mul3A_97 : i32
        "tpu.region"() ({
          %run_scoped3A_123 = tpu.sem_alloc : memref<!tpu.dma_semaphore, #tpu.memory_space<semaphore_mem>>
          %dma_start3A_124 = tpu.memref_slice %arg7[%mul3A_98] : memref<5120xi32, #tpu.memory_space<vmem>> -> memref<128xi32, #tpu.memory_space<vmem>>
          %dma_start3A_125 = arith.constant 0 : i32
          %dma_start3A_126 = arith.constant 0 : i32
          %dma_start3A_127 = tpu.memref_slice %arg10[%dma_start3A_125, %dma_start3A_126] : memref<10240x128xf32, #tpu.memory_space<vmem_shared>> -> memref<10240x128xf32, #tpu.memory_space<vmem_shared>>
          tpu.enqueue_indirect_dma source(%arg8 : memref<128x128xf32, #tpu.memory_space<vmem>>) target(%dma_start3A_127 : memref<10240x128xf32, #tpu.memory_space<vmem_shared>>) offsets(%dma_start3A_124 : memref<128xi32, #tpu.memory_space<vmem>>) semaphore(%run_scoped3A_123 : memref<!tpu.dma_semaphore, #tpu.memory_space<semaphore_mem>>) {add = true}
          %dma_wait3A_128 = tpu.memref_slice %arg7[%mul3A_98] : memref<5120xi32, #tpu.memory_space<vmem>> -> memref<128xi32, #tpu.memory_space<vmem>>
          %dma_wait3A_129 = arith.constant 0 : i32
          %dma_wait3A_130 = arith.constant 0 : i32
          %dma_wait3A_131 = tpu.memref_slice %arg10[%dma_wait3A_129, %dma_wait3A_130] : memref<10240x128xf32, #tpu.memory_space<vmem_shared>> -> memref<10240x128xf32, #tpu.memory_space<vmem_shared>>
          tpu.wait_indirect_dma semaphore(%run_scoped3A_123 : memref<!tpu.dma_semaphore, #tpu.memory_space<semaphore_mem>>) src(%arg8 : memref<128x128xf32, #tpu.memory_space<vmem>>) dst(%dma_wait3A_131 : memref<10240x128xf32, #tpu.memory_space<vmem_shared>>)
          tpu.yield
        }) : () -> ()
        %lt3A = arith.constant 19 : i32
        %lt3A_99 = arith.cmpi slt, %scan3A_82, %lt3A : i32
        %convert_element_type3A_100 = arith.extui %lt3A_99 : i1 to i32
        %cond3A_101 = arith.constant 0 : i32
        %cond3A_102 = arith.cmpi ne, %convert_element_type3A_100, %cond3A_101 : i32
        scf.if %cond3A_102 {
          %add3A_123 = arith.constant 256 : i32
          %add3A_124 = arith.addi %mul3A_86, %add3A_123 : i32
          %dma_start3A_125 = tpu.memref_slice %arg6[%add3A_124] : memref<5120xi32, #tpu.memory_space<vmem>> -> memref<128xi32, #tpu.memory_space<vmem>>
          %dma_start3A_126 = arith.constant 0 : i32
          %dma_start3A_127 = arith.constant 0 : i32
          %dma_start3A_128 = tpu.memref_slice %arg4[%scan3A_36, %dma_start3A_126, %dma_start3A_127] : memref<2x10240x128xf32, #tpu.memory_space<hbm>> -> memref<1x10240x128xf32, #tpu.memory_space<hbm>>
          %dma_start3A_129 = tpu.memref_squeeze %dma_start3A_128 : memref<1x10240x128xf32, #tpu.memory_space<hbm>> -> memref<10240x128xf32, #tpu.memory_space<hbm>>
          %dma_start3A_130 = arith.constant 0 : i32
          %dma_start3A_131 = arith.constant 0 : i32
          %dma_start3A_132 = tpu.memref_slice %dma_start3A_129[%dma_start3A_130, %dma_start3A_131] : memref<10240x128xf32, #tpu.memory_space<hbm>> -> memref<10240x128xf32, #tpu.memory_space<hbm>>
          tpu.enqueue_indirect_dma source(%dma_start3A_132 : memref<10240x128xf32, #tpu.memory_space<hbm>>) target(%arg8 : memref<128x128xf32, #tpu.memory_space<vmem>>) offsets(%dma_start3A_125 : memref<128xi32, #tpu.memory_space<vmem>>) semaphore(%arg11 : memref<!tpu.dma_semaphore, #tpu.memory_space<semaphore_mem>>)
        } else {
        }
        %dma_wait3A_103 = arith.constant 0 : i32
        %dma_wait3A_104 = tpu.memref_slice %arg6[%dma_wait3A_103] : memref<5120xi32, #tpu.memory_space<vmem>> -> memref<128xi32, #tpu.memory_space<vmem>>
        %dma_wait3A_105 = arith.constant 0 : i32
        %dma_wait3A_106 = arith.constant 0 : i32
        %dma_wait3A_107 = tpu.memref_slice %arg4[%scan3A_36, %dma_wait3A_105, %dma_wait3A_106] : memref<2x10240x128xf32, #tpu.memory_space<hbm>> -> memref<1x10240x128xf32, #tpu.memory_space<hbm>>
        %dma_wait3A_108 = tpu.memref_squeeze %dma_wait3A_107 : memref<1x10240x128xf32, #tpu.memory_space<hbm>> -> memref<10240x128xf32, #tpu.memory_space<hbm>>
        %dma_wait3A_109 = arith.constant 0 : i32
        %dma_wait3A_110 = arith.constant 0 : i32
        %dma_wait3A_111 = tpu.memref_slice %dma_wait3A_108[%dma_wait3A_109, %dma_wait3A_110] : memref<10240x128xf32, #tpu.memory_space<hbm>> -> memref<10240x128xf32, #tpu.memory_space<hbm>>
        tpu.wait_indirect_dma semaphore(%arg12 : memref<!tpu.dma_semaphore, #tpu.memory_space<semaphore_mem>>) src(%dma_wait3A_111 : memref<10240x128xf32, #tpu.memory_space<hbm>>) dst(%arg9 : memref<128x128xf32, #tpu.memory_space<vmem>>)
        %mul3A_112 = arith.constant 2 : i32
        %mul3A_113 = arith.muli %mul3A_112, %scan3A_82 : i32
        %add3A_114 = arith.constant 1 : i32
        %add3A_115 = arith.addi %mul3A_113, %add3A_114 : i32
        %mul3A_116 = arith.constant 128 : i32
        %mul3A_117 = arith.muli %add3A_115, %mul3A_116 : i32
        "tpu.region"() ({
          %run_scoped3A_123 = tpu.sem_alloc : memref<!tpu.dma_semaphore, #tpu.memory_space<semaphore_mem>>
          %dma_start3A_124 = tpu.memref_slice %arg7[%mul3A_117] : memref<5120xi32, #tpu.memory_space<vmem>> -> memref<128xi32, #tpu.memory_space<vmem>>
          %dma_start3A_125 = arith.constant 0 : i32
          %dma_start3A_126 = arith.constant 0 : i32
          %dma_start3A_127 = tpu.memref_slice %arg10[%dma_start3A_125, %dma_start3A_126] : memref<10240x128xf32, #tpu.memory_space<vmem_shared>> -> memref<10240x128xf32, #tpu.memory_space<vmem_shared>>
          tpu.enqueue_indirect_dma source(%arg9 : memref<128x128xf32, #tpu.memory_space<vmem>>) target(%dma_start3A_127 : memref<10240x128xf32, #tpu.memory_space<vmem_shared>>) offsets(%dma_start3A_124 : memref<128xi32, #tpu.memory_space<vmem>>) semaphore(%run_scoped3A_123 : memref<!tpu.dma_semaphore, #tpu.memory_space<semaphore_mem>>) {add = true}
          %dma_wait3A_128 = tpu.memref_slice %arg7[%mul3A_117] : memref<5120xi32, #tpu.memory_space<vmem>> -> memref<128xi32, #tpu.memory_space<vmem>>
          %dma_wait3A_129 = arith.constant 0 : i32
          %dma_wait3A_130 = arith.constant 0 : i32
          %dma_wait3A_131 = tpu.memref_slice %arg10[%dma_wait3A_129, %dma_wait3A_130] : memref<10240x128xf32, #tpu.memory_space<vmem_shared>> -> memref<10240x128xf32, #tpu.memory_space<vmem_shared>>
          tpu.wait_indirect_dma semaphore(%run_scoped3A_123 : memref<!tpu.dma_semaphore, #tpu.memory_space<semaphore_mem>>) src(%arg9 : memref<128x128xf32, #tpu.memory_space<vmem>>) dst(%dma_wait3A_131 : memref<10240x128xf32, #tpu.memory_space<vmem_shared>>)
          tpu.yield
        }) : () -> ()
        %lt3A_118 = arith.constant 19 : i32
        %lt3A_119 = arith.cmpi slt, %scan3A_82, %lt3A_118 : i32
        %convert_element_type3A_120 = arith.extui %lt3A_119 : i1 to i32
        %cond3A_121 = arith.constant 0 : i32
        %cond3A_122 = arith.cmpi ne, %convert_element_type3A_120, %cond3A_121 : i32
        scf.if %cond3A_122 {
          %add3A_123 = arith.constant 384 : i32
          %add3A_124 = arith.addi %mul3A_86, %add3A_123 : i32
          %dma_start3A_125 = tpu.memref_slice %arg6[%add3A_124] : memref<5120xi32, #tpu.memory_space<vmem>> -> memref<128xi32, #tpu.memory_space<vmem>>
          %dma_start3A_126 = arith.constant 0 : i32
          %dma_start3A_127 = arith.constant 0 : i32
          %dma_start3A_128 = tpu.memref_slice %arg4[%scan3A_36, %dma_start3A_126, %dma_start3A_127] : memref<2x10240x128xf32, #tpu.memory_space<hbm>> -> memref<1x10240x128xf32, #tpu.memory_space<hbm>>
          %dma_start3A_129 = tpu.memref_squeeze %dma_start3A_128 : memref<1x10240x128xf32, #tpu.memory_space<hbm>> -> memref<10240x128xf32, #tpu.memory_space<hbm>>
          %dma_start3A_130 = arith.constant 0 : i32
          %dma_start3A_131 = arith.constant 0 : i32
          %dma_start3A_132 = tpu.memref_slice %dma_start3A_129[%dma_start3A_130, %dma_start3A_131] : memref<10240x128xf32, #tpu.memory_space<hbm>> -> memref<10240x128xf32, #tpu.memory_space<hbm>>
          tpu.enqueue_indirect_dma source(%dma_start3A_132 : memref<10240x128xf32, #tpu.memory_space<hbm>>) target(%arg9 : memref<128x128xf32, #tpu.memory_space<vmem>>) offsets(%dma_start3A_125 : memref<128xi32, #tpu.memory_space<vmem>>) semaphore(%arg12 : memref<!tpu.dma_semaphore, #tpu.memory_space<semaphore_mem>>)
        } else {
        }
      }
      %scan3A_41 = arith.constant 20 : i32
      %mul3A_42 = arith.constant 10240 : i32
      %mul3A_43 = arith.muli %arg1, %mul3A_42 : i32
      %add3A_44 = arith.constant 5120 : i32
      %add3A_45 = arith.addi %mul3A_43, %add3A_44 : i32
      "tpu.region"() ({
        %run_scoped3A_82 = tpu.sem_alloc : memref<!tpu.dma_semaphore, #tpu.memory_space<semaphore_mem>>
        %dma_start3A_83 = tpu.memref_slice %arg2[%add3A_45] : memref<163840xi32, #tpu.memory_space<hbm>> -> memref<5120xi32, #tpu.memory_space<hbm>>
        %dma_start3A_84 = tpu.memref_slice %arg2[%add3A_45] : memref<163840xi32, #tpu.memory_space<hbm>> -> memref<5120xi32, #tpu.memory_space<hbm>>
        tpu.enqueue_dma source(%dma_start3A_84 : memref<5120xi32, #tpu.memory_space<hbm>>) target(%arg6 : memref<5120xi32, #tpu.memory_space<vmem>>) target_semaphore(%run_scoped3A_82 : memref<!tpu.dma_semaphore, #tpu.memory_space<semaphore_mem>>)
        %dma_wait3A = tpu.memref_slice %arg2[%add3A_45] : memref<163840xi32, #tpu.memory_space<hbm>> -> memref<5120xi32, #tpu.memory_space<hbm>>
        %dma_wait3A_85 = tpu.memref_slice %arg2[%add3A_45] : memref<163840xi32, #tpu.memory_space<hbm>> -> memref<5120xi32, #tpu.memory_space<hbm>>
        tpu.wait_dma2 semaphore(%run_scoped3A_82 : memref<!tpu.dma_semaphore, #tpu.memory_space<semaphore_mem>>) src(%dma_wait3A_85 : memref<5120xi32, #tpu.memory_space<hbm>>) dst(%arg6 : memref<5120xi32, #tpu.memory_space<vmem>>)
        tpu.yield
      }) : () -> ()
      %mul3A_46 = arith.constant 10240 : i32
      %mul3A_47 = arith.muli %arg1, %mul3A_46 : i32
      %add3A_48 = arith.constant 5120 : i32
      %add3A_49 = arith.addi %mul3A_47, %add3A_48 : i32
      "tpu.region"() ({
        %run_scoped3A_82 = tpu.sem_alloc : memref<!tpu.dma_semaphore, #tpu.memory_space<semaphore_mem>>
        %dma_start3A_83 = tpu.memref_slice %arg3[%add3A_49] : memref<163840xi32, #tpu.memory_space<hbm>> -> memref<5120xi32, #tpu.memory_space<hbm>>
        %dma_start3A_84 = tpu.memref_slice %arg3[%add3A_49] : memref<163840xi32, #tpu.memory_space<hbm>> -> memref<5120xi32, #tpu.memory_space<hbm>>
        tpu.enqueue_dma source(%dma_start3A_84 : memref<5120xi32, #tpu.memory_space<hbm>>) target(%arg7 : memref<5120xi32, #tpu.memory_space<vmem>>) target_semaphore(%run_scoped3A_82 : memref<!tpu.dma_semaphore, #tpu.memory_space<semaphore_mem>>)
        %dma_wait3A = tpu.memref_slice %arg3[%add3A_49] : memref<163840xi32, #tpu.memory_space<hbm>> -> memref<5120xi32, #tpu.memory_space<hbm>>
        %dma_wait3A_85 = tpu.memref_slice %arg3[%add3A_49] : memref<163840xi32, #tpu.memory_space<hbm>> -> memref<5120xi32, #tpu.memory_space<hbm>>
        tpu.wait_dma2 semaphore(%run_scoped3A_82 : memref<!tpu.dma_semaphore, #tpu.memory_space<semaphore_mem>>) src(%dma_wait3A_85 : memref<5120xi32, #tpu.memory_space<hbm>>) dst(%arg7 : memref<5120xi32, #tpu.memory_space<vmem>>)
        tpu.yield
      }) : () -> ()
      %dma_start3A_50 = arith.constant 0 : i32
      %dma_start3A_51 = arith.constant 0 : i32
      %dma_start3A_52 = tpu.memref_slice %arg6[%dma_start3A_51] : memref<5120xi32, #tpu.memory_space<vmem>> -> memref<128xi32, #tpu.memory_space<vmem>>
      %dma_start3A_53 = arith.constant 0 : i32
      %dma_start3A_54 = arith.constant 0 : i32
      %dma_start3A_55 = tpu.memref_slice %arg4[%dma_start3A_50, %dma_start3A_53, %dma_start3A_54] : memref<2x10240x128xf32, #tpu.memory_space<hbm>> -> memref<1x10240x128xf32, #tpu.memory_space<hbm>>
      %dma_start3A_56 = tpu.memref_squeeze %dma_start3A_55 : memref<1x10240x128xf32, #tpu.memory_space<hbm>> -> memref<10240x128xf32, #tpu.memory_space<hbm>>
      %dma_start3A_57 = arith.constant 0 : i32
      %dma_start3A_58 = arith.constant 0 : i32
      %dma_start3A_59 = tpu.memref_slice %dma_start3A_56[%dma_start3A_57, %dma_start3A_58] : memref<10240x128xf32, #tpu.memory_space<hbm>> -> memref<10240x128xf32, #tpu.memory_space<hbm>>
      tpu.enqueue_indirect_dma source(%dma_start3A_59 : memref<10240x128xf32, #tpu.memory_space<hbm>>) target(%arg8 : memref<128x128xf32, #tpu.memory_space<vmem>>) offsets(%dma_start3A_52 : memref<128xi32, #tpu.memory_space<vmem>>) semaphore(%arg11 : memref<!tpu.dma_semaphore, #tpu.memory_space<semaphore_mem>>)
      %dma_start3A_60 = arith.constant 0 : i32
      %dma_start3A_61 = arith.constant 128 : i32
      %dma_start3A_62 = tpu.memref_slice %arg6[%dma_start3A_61] : memref<5120xi32, #tpu.memory_space<vmem>> -> memref<128xi32, #tpu.memory_space<vmem>>
      %dma_start3A_63 = arith.constant 0 : i32
      %dma_start3A_64 = arith.constant 0 : i32
      %dma_start3A_65 = tpu.memref_slice %arg4[%dma_start3A_60, %dma_start3A_63, %dma_start3A_64] : memref<2x10240x128xf32, #tpu.memory_space<hbm>> -> memref<1x10240x128xf32, #tpu.memory_space<hbm>>
      %dma_start3A_66 = tpu.memref_squeeze %dma_start3A_65 : memref<1x10240x128xf32, #tpu.memory_space<hbm>> -> memref<10240x128xf32, #tpu.memory_space<hbm>>
      %dma_start3A_67 = arith.constant 0 : i32
      %dma_start3A_68 = arith.constant 0 : i32
      %dma_start3A_69 = tpu.memref_slice %dma_start3A_66[%dma_start3A_67, %dma_start3A_68] : memref<10240x128xf32, #tpu.memory_space<hbm>> -> memref<10240x128xf32, #tpu.memory_space<hbm>>
      tpu.enqueue_indirect_dma source(%dma_start3A_69 : memref<10240x128xf32, #tpu.memory_space<hbm>>) target(%arg9 : memref<128x128xf32, #tpu.memory_space<vmem>>) offsets(%dma_start3A_62 : memref<128xi32, #tpu.memory_space<vmem>>) semaphore(%arg12 : memref<!tpu.dma_semaphore, #tpu.memory_space<semaphore_mem>>)
      %scan3A_70 = arith.constant 0 : i32
      %scan3A_71 = arith.constant 0 : i32
      %scan3A_72 = arith.constant 0 : i32
      %scan3A_73 = arith.constant 20 : i32
      %scan3A_74 = arith.addi %scan3A_72, %scan3A_73 : i32
      %scan3A_75 = arith.constant 1 : i32
      scf.for %scan3A_82 = %scan3A_72 to %scan3A_74 step %scan3A_75  : i32 {
        %mul3A_83 = arith.constant 2 : i32
        %mul3A_84 = arith.muli %scan3A_82, %mul3A_83 : i32
        %mul3A_85 = arith.constant 128 : i32
        %mul3A_86 = arith.muli %mul3A_84, %mul3A_85 : i32
        %dma_wait3A = arith.constant 0 : i32
        %dma_wait3A_87 = tpu.memref_slice %arg6[%dma_wait3A] : memref<5120xi32, #tpu.memory_space<vmem>> -> memref<128xi32, #tpu.memory_space<vmem>>
        %dma_wait3A_88 = arith.constant 0 : i32
        %dma_wait3A_89 = arith.constant 0 : i32
        %dma_wait3A_90 = tpu.memref_slice %arg4[%scan3A_71, %dma_wait3A_88, %dma_wait3A_89] : memref<2x10240x128xf32, #tpu.memory_space<hbm>> -> memref<1x10240x128xf32, #tpu.memory_space<hbm>>
        %dma_wait3A_91 = tpu.memref_squeeze %dma_wait3A_90 : memref<1x10240x128xf32, #tpu.memory_space<hbm>> -> memref<10240x128xf32, #tpu.memory_space<hbm>>
        %dma_wait3A_92 = arith.constant 0 : i32
        %dma_wait3A_93 = arith.constant 0 : i32
        %dma_wait3A_94 = tpu.memref_slice %dma_wait3A_91[%dma_wait3A_92, %dma_wait3A_93] : memref<10240x128xf32, #tpu.memory_space<hbm>> -> memref<10240x128xf32, #tpu.memory_space<hbm>>
        tpu.wait_indirect_dma semaphore(%arg11 : memref<!tpu.dma_semaphore, #tpu.memory_space<semaphore_mem>>) src(%dma_wait3A_94 : memref<10240x128xf32, #tpu.memory_space<hbm>>) dst(%arg8 : memref<128x128xf32, #tpu.memory_space<vmem>>)
        %mul3A_95 = arith.constant 2 : i32
        %mul3A_96 = arith.muli %mul3A_95, %scan3A_82 : i32
        %mul3A_97 = arith.constant 128 : i32
        %mul3A_98 = arith.muli %mul3A_96, %mul3A_97 : i32
        "tpu.region"() ({
          %run_scoped3A_123 = tpu.sem_alloc : memref<!tpu.dma_semaphore, #tpu.memory_space<semaphore_mem>>
          %dma_start3A_124 = tpu.memref_slice %arg7[%mul3A_98] : memref<5120xi32, #tpu.memory_space<vmem>> -> memref<128xi32, #tpu.memory_space<vmem>>
          %dma_start3A_125 = arith.constant 0 : i32
          %dma_start3A_126 = arith.constant 0 : i32
          %dma_start3A_127 = tpu.memref_slice %arg10[%dma_start3A_125, %dma_start3A_126] : memref<10240x128xf32, #tpu.memory_space<vmem_shared>> -> memref<10240x128xf32, #tpu.memory_space<vmem_shared>>
          tpu.enqueue_indirect_dma source(%arg8 : memref<128x128xf32, #tpu.memory_space<vmem>>) target(%dma_start3A_127 : memref<10240x128xf32, #tpu.memory_space<vmem_shared>>) offsets(%dma_start3A_124 : memref<128xi32, #tpu.memory_space<vmem>>) semaphore(%run_scoped3A_123 : memref<!tpu.dma_semaphore, #tpu.memory_space<semaphore_mem>>) {add = true}
          %dma_wait3A_128 = tpu.memref_slice %arg7[%mul3A_98] : memref<5120xi32, #tpu.memory_space<vmem>> -> memref<128xi32, #tpu.memory_space<vmem>>
          %dma_wait3A_129 = arith.constant 0 : i32
          %dma_wait3A_130 = arith.constant 0 : i32
          %dma_wait3A_131 = tpu.memref_slice %arg10[%dma_wait3A_129, %dma_wait3A_130] : memref<10240x128xf32, #tpu.memory_space<vmem_shared>> -> memref<10240x128xf32, #tpu.memory_space<vmem_shared>>
          tpu.wait_indirect_dma semaphore(%run_scoped3A_123 : memref<!tpu.dma_semaphore, #tpu.memory_space<semaphore_mem>>) src(%arg8 : memref<128x128xf32, #tpu.memory_space<vmem>>) dst(%dma_wait3A_131 : memref<10240x128xf32, #tpu.memory_space<vmem_shared>>)
          tpu.yield
        }) : () -> ()
        %lt3A = arith.constant 19 : i32
        %lt3A_99 = arith.cmpi slt, %scan3A_82, %lt3A : i32
        %convert_element_type3A_100 = arith.extui %lt3A_99 : i1 to i32
        %cond3A_101 = arith.constant 0 : i32
        %cond3A_102 = arith.cmpi ne, %convert_element_type3A_100, %cond3A_101 : i32
        scf.if %cond3A_102 {
          %add3A_123 = arith.constant 256 : i32
          %add3A_124 = arith.addi %mul3A_86, %add3A_123 : i32
          %dma_start3A_125 = tpu.memref_slice %arg6[%add3A_124] : memref<5120xi32, #tpu.memory_space<vmem>> -> memref<128xi32, #tpu.memory_space<vmem>>
          %dma_start3A_126 = arith.constant 0 : i32
          %dma_start3A_127 = arith.constant 0 : i32
          %dma_start3A_128 = tpu.memref_slice %arg4[%scan3A_71, %dma_start3A_126, %dma_start3A_127] : memref<2x10240x128xf32, #tpu.memory_space<hbm>> -> memref<1x10240x128xf32, #tpu.memory_space<hbm>>
          %dma_start3A_129 = tpu.memref_squeeze %dma_start3A_128 : memref<1x10240x128xf32, #tpu.memory_space<hbm>> -> memref<10240x128xf32, #tpu.memory_space<hbm>>
          %dma_start3A_130 = arith.constant 0 : i32
          %dma_start3A_131 = arith.constant 0 : i32
          %dma_start3A_132 = tpu.memref_slice %dma_start3A_129[%dma_start3A_130, %dma_start3A_131] : memref<10240x128xf32, #tpu.memory_space<hbm>> -> memref<10240x128xf32, #tpu.memory_space<hbm>>
          tpu.enqueue_indirect_dma source(%dma_start3A_132 : memref<10240x128xf32, #tpu.memory_space<hbm>>) target(%arg8 : memref<128x128xf32, #tpu.memory_space<vmem>>) offsets(%dma_start3A_125 : memref<128xi32, #tpu.memory_space<vmem>>) semaphore(%arg11 : memref<!tpu.dma_semaphore, #tpu.memory_space<semaphore_mem>>)
        } else {
        }
        %dma_wait3A_103 = arith.constant 0 : i32
        %dma_wait3A_104 = tpu.memref_slice %arg6[%dma_wait3A_103] : memref<5120xi32, #tpu.memory_space<vmem>> -> memref<128xi32, #tpu.memory_space<vmem>>
        %dma_wait3A_105 = arith.constant 0 : i32
        %dma_wait3A_106 = arith.constant 0 : i32
        %dma_wait3A_107 = tpu.memref_slice %arg4[%scan3A_71, %dma_wait3A_105, %dma_wait3A_106] : memref<2x10240x128xf32, #tpu.memory_space<hbm>> -> memref<1x10240x128xf32, #tpu.memory_space<hbm>>
        %dma_wait3A_108 = tpu.memref_squeeze %dma_wait3A_107 : memref<1x10240x128xf32, #tpu.memory_space<hbm>> -> memref<10240x128xf32, #tpu.memory_space<hbm>>
        %dma_wait3A_109 = arith.constant 0 : i32
        %dma_wait3A_110 = arith.constant 0 : i32
        %dma_wait3A_111 = tpu.memref_slice %dma_wait3A_108[%dma_wait3A_109, %dma_wait3A_110] : memref<10240x128xf32, #tpu.memory_space<hbm>> -> memref<10240x128xf32, #tpu.memory_space<hbm>>
        tpu.wait_indirect_dma semaphore(%arg12 : memref<!tpu.dma_semaphore, #tpu.memory_space<semaphore_mem>>) src(%dma_wait3A_111 : memref<10240x128xf32, #tpu.memory_space<hbm>>) dst(%arg9 : memref<128x128xf32, #tpu.memory_space<vmem>>)
        %mul3A_112 = arith.constant 2 : i32
        %mul3A_113 = arith.muli %mul3A_112, %scan3A_82 : i32
        %add3A_114 = arith.constant 1 : i32
        %add3A_115 = arith.addi %mul3A_113, %add3A_114 : i32
        %mul3A_116 = arith.constant 128 : i32
        %mul3A_117 = arith.muli %add3A_115, %mul3A_116 : i32
        "tpu.region"() ({
          %run_scoped3A_123 = tpu.sem_alloc : memref<!tpu.dma_semaphore, #tpu.memory_space<semaphore_mem>>
          %dma_start3A_124 = tpu.memref_slice %arg7[%mul3A_117] : memref<5120xi32, #tpu.memory_space<vmem>> -> memref<128xi32, #tpu.memory_space<vmem>>
          %dma_start3A_125 = arith.constant 0 : i32
          %dma_start3A_126 = arith.constant 0 : i32
          %dma_start3A_127 = tpu.memref_slice %arg10[%dma_start3A_125, %dma_start3A_126] : memref<10240x128xf32, #tpu.memory_space<vmem_shared>> -> memref<10240x128xf32, #tpu.memory_space<vmem_shared>>
          tpu.enqueue_indirect_dma source(%arg9 : memref<128x128xf32, #tpu.memory_space<vmem>>) target(%dma_start3A_127 : memref<10240x128xf32, #tpu.memory_space<vmem_shared>>) offsets(%dma_start3A_124 : memref<128xi32, #tpu.memory_space<vmem>>) semaphore(%run_scoped3A_123 : memref<!tpu.dma_semaphore, #tpu.memory_space<semaphore_mem>>) {add = true}
          %dma_wait3A_128 = tpu.memref_slice %arg7[%mul3A_117] : memref<5120xi32, #tpu.memory_space<vmem>> -> memref<128xi32, #tpu.memory_space<vmem>>
          %dma_wait3A_129 = arith.constant 0 : i32
          %dma_wait3A_130 = arith.constant 0 : i32
          %dma_wait3A_131 = tpu.memref_slice %arg10[%dma_wait3A_129, %dma_wait3A_130] : memref<10240x128xf32, #tpu.memory_space<vmem_shared>> -> memref<10240x128xf32, #tpu.memory_space<vmem_shared>>
          tpu.wait_indirect_dma semaphore(%run_scoped3A_123 : memref<!tpu.dma_semaphore, #tpu.memory_space<semaphore_mem>>) src(%arg9 : memref<128x128xf32, #tpu.memory_space<vmem>>) dst(%dma_wait3A_131 : memref<10240x128xf32, #tpu.memory_space<vmem_shared>>)
          tpu.yield
        }) : () -> ()
        %lt3A_118 = arith.constant 19 : i32
        %lt3A_119 = arith.cmpi slt, %scan3A_82, %lt3A_118 : i32
        %convert_element_type3A_120 = arith.extui %lt3A_119 : i1 to i32
        %cond3A_121 = arith.constant 0 : i32
        %cond3A_122 = arith.cmpi ne, %convert_element_type3A_120, %cond3A_121 : i32
        scf.if %cond3A_122 {
          %add3A_123 = arith.constant 384 : i32
          %add3A_124 = arith.addi %mul3A_86, %add3A_123 : i32
          %dma_start3A_125 = tpu.memref_slice %arg6[%add3A_124] : memref<5120xi32, #tpu.memory_space<vmem>> -> memref<128xi32, #tpu.memory_space<vmem>>
          %dma_start3A_126 = arith.constant 0 : i32
          %dma_start3A_127 = arith.constant 0 : i32
          %dma_start3A_128 = tpu.memref_slice %arg4[%scan3A_71, %dma_start3A_126, %dma_start3A_127] : memref<2x10240x128xf32, #tpu.memory_space<hbm>> -> memref<1x10240x128xf32, #tpu.memory_space<hbm>>
          %dma_start3A_129 = tpu.memref_squeeze %dma_start3A_128 : memref<1x10240x128xf32, #tpu.memory_space<hbm>> -> memref<10240x128xf32, #tpu.memory_space<hbm>>
          %dma_start3A_130 = arith.constant 0 : i32
          %dma_start3A_131 = arith.constant 0 : i32
          %dma_start3A_132 = tpu.memref_slice %dma_start3A_129[%dma_start3A_130, %dma_start3A_131] : memref<10240x128xf32, #tpu.memory_space<hbm>> -> memref<10240x128xf32, #tpu.memory_space<hbm>>
          tpu.enqueue_indirect_dma source(%dma_start3A_132 : memref<10240x128xf32, #tpu.memory_space<hbm>>) target(%arg9 : memref<128x128xf32, #tpu.memory_space<vmem>>) offsets(%dma_start3A_125 : memref<128xi32, #tpu.memory_space<vmem>>) semaphore(%arg12 : memref<!tpu.dma_semaphore, #tpu.memory_space<semaphore_mem>>)
        } else {
        }
      }
      %scan3A_76 = arith.constant 20 : i32
      %barrier3A_77 = arith.constant 0 : index
      tpu.barrier barrier_id(%barrier3A_77)
      %mul3A_78 = arith.constant 640 : i32
      %mul3A_79 = arith.muli %arg1, %mul3A_78 : i32
      %mul3A_80 = arith.constant 640 : i32
      %mul3A_81 = arith.muli %arg1, %mul3A_80 : i32
      "tpu.region"() ({
        %run_scoped3A_82 = tpu.sem_alloc : memref<!tpu.dma_semaphore, #tpu.memory_space<semaphore_mem>>
        %dma_start3A_83 = arith.constant 0 : i32
        %dma_start3A_84 = tpu.memref_slice %arg5[%arg0, %mul3A_81, %dma_start3A_83] : memref<2x10240x128xf32, #tpu.memory_space<hbm>> -> memref<1x640x128xf32, #tpu.memory_space<hbm>>
        %dma_start3A_85 = tpu.memref_squeeze %dma_start3A_84 : memref<1x640x128xf32, #tpu.memory_space<hbm>> -> memref<640x128xf32, #tpu.memory_space<hbm>>
        %dma_start3A_86 = arith.constant 0 : i32
        %dma_start3A_87 = tpu.memref_slice %arg10[%mul3A_79, %dma_start3A_86] : memref<10240x128xf32, #tpu.memory_space<vmem_shared>> -> memref<640x128xf32, #tpu.memory_space<vmem_shared>>
        tpu.enqueue_dma source(%dma_start3A_87 : memref<640x128xf32, #tpu.memory_space<vmem_shared>>) target(%dma_start3A_85 : memref<640x128xf32, #tpu.memory_space<hbm>>) target_semaphore(%run_scoped3A_82 : memref<!tpu.dma_semaphore, #tpu.memory_space<semaphore_mem>>)
        %dma_wait3A = arith.constant 0 : i32
        %dma_wait3A_88 = tpu.memref_slice %arg5[%arg0, %mul3A_81, %dma_wait3A] : memref<2x10240x128xf32, #tpu.memory_space<hbm>> -> memref<1x640x128xf32, #tpu.memory_space<hbm>>
        %dma_wait3A_89 = tpu.memref_squeeze %dma_wait3A_88 : memref<1x640x128xf32, #tpu.memory_space<hbm>> -> memref<640x128xf32, #tpu.memory_space<hbm>>
        %dma_wait3A_90 = arith.constant 0 : i32
        %dma_wait3A_91 = tpu.memref_slice %arg10[%mul3A_79, %dma_wait3A_90] : memref<10240x128xf32, #tpu.memory_space<vmem_shared>> -> memref<640x128xf32, #tpu.memory_space<vmem_shared>>
        tpu.wait_dma2 semaphore(%run_scoped3A_82 : memref<!tpu.dma_semaphore, #tpu.memory_space<semaphore_mem>>) src(%dma_wait3A_91 : memref<640x128xf32, #tpu.memory_space<vmem_shared>>) dst(%dma_wait3A_89 : memref<640x128xf32, #tpu.memory_space<hbm>>)
        tpu.yield
      }) : () -> ()
    } else {
    }
    %eq3A_2 = arith.constant 1 : i32
    %eq3A_3 = arith.cmpi eq, %arg0, %eq3A_2 : i32
    %convert_element_type3A_4 = arith.extui %eq3A_3 : i1 to i32
    %cond3A_5 = arith.constant 0 : i32
    %cond3A_6 = arith.cmpi ne, %convert_element_type3A_4, %cond3A_5 : i32
    scf.if %cond3A_6 {
      %mul3A = arith.constant 640 : i32
      %mul3A_7 = arith.muli %arg1, %mul3A : i32
      %mul3A_8 = arith.constant 640 : i32
      %mul3A_9 = arith.muli %arg1, %mul3A_8 : i32
      %run_scoped3A = arith.constant 1 : i32
      "tpu.region"() ({
        %run_scoped3A_82 = tpu.sem_alloc : memref<!tpu.dma_semaphore, #tpu.memory_space<semaphore_mem>>
        %dma_start3A_83 = arith.constant 0 : i32
        %dma_start3A_84 = tpu.memref_slice %arg10[%mul3A_9, %dma_start3A_83] : memref<10240x128xf32, #tpu.memory_space<vmem_shared>> -> memref<640x128xf32, #tpu.memory_space<vmem_shared>>
        %dma_start3A_85 = arith.constant 0 : i32
        %dma_start3A_86 = arith.constant 0 : i32
        %dma_start3A_87 = tpu.memref_slice %arg4[%run_scoped3A, %dma_start3A_85, %dma_start3A_86] : memref<2x10240x128xf32, #tpu.memory_space<hbm>> -> memref<1x10240x128xf32, #tpu.memory_space<hbm>>
        %dma_start3A_88 = tpu.memref_squeeze %dma_start3A_87 : memref<1x10240x128xf32, #tpu.memory_space<hbm>> -> memref<10240x128xf32, #tpu.memory_space<hbm>>
        %dma_start3A_89 = arith.constant 0 : i32
        %dma_start3A_90 = tpu.memref_slice %dma_start3A_88[%mul3A_7, %dma_start3A_89] : memref<10240x128xf32, #tpu.memory_space<hbm>> -> memref<640x128xf32, #tpu.memory_space<hbm>>
        tpu.enqueue_dma source(%dma_start3A_90 : memref<640x128xf32, #tpu.memory_space<hbm>>) target(%dma_start3A_84 : memref<640x128xf32, #tpu.memory_space<vmem_shared>>) target_semaphore(%run_scoped3A_82 : memref<!tpu.dma_semaphore, #tpu.memory_space<semaphore_mem>>)
        %dma_wait3A = arith.constant 0 : i32
        %dma_wait3A_91 = tpu.memref_slice %arg10[%mul3A_9, %dma_wait3A] : memref<10240x128xf32, #tpu.memory_space<vmem_shared>> -> memref<640x128xf32, #tpu.memory_space<vmem_shared>>
        %dma_wait3A_92 = arith.constant 0 : i32
        %dma_wait3A_93 = arith.constant 0 : i32
        %dma_wait3A_94 = tpu.memref_slice %arg4[%run_scoped3A, %dma_wait3A_92, %dma_wait3A_93] : memref<2x10240x128xf32, #tpu.memory_space<hbm>> -> memref<1x10240x128xf32, #tpu.memory_space<hbm>>
        %dma_wait3A_95 = tpu.memref_squeeze %dma_wait3A_94 : memref<1x10240x128xf32, #tpu.memory_space<hbm>> -> memref<10240x128xf32, #tpu.memory_space<hbm>>
        %dma_wait3A_96 = arith.constant 0 : i32
        %dma_wait3A_97 = tpu.memref_slice %dma_wait3A_95[%mul3A_7, %dma_wait3A_96] : memref<10240x128xf32, #tpu.memory_space<hbm>> -> memref<640x128xf32, #tpu.memory_space<hbm>>
        tpu.wait_dma2 semaphore(%run_scoped3A_82 : memref<!tpu.dma_semaphore, #tpu.memory_space<semaphore_mem>>) src(%dma_wait3A_97 : memref<640x128xf32, #tpu.memory_space<hbm>>) dst(%dma_wait3A_91 : memref<640x128xf32, #tpu.memory_space<vmem_shared>>)
        tpu.yield
      }) : () -> ()
      %barrier3A = arith.constant 0 : index
      tpu.barrier barrier_id(%barrier3A)
      %mul3A_10 = arith.constant 10240 : i32
      %mul3A_11 = arith.muli %arg1, %mul3A_10 : i32
      %add3A = arith.constant 0 : i32
      %add3A_12 = arith.addi %mul3A_11, %add3A : i32
      "tpu.region"() ({
        %run_scoped3A_82 = tpu.sem_alloc : memref<!tpu.dma_semaphore, #tpu.memory_space<semaphore_mem>>
        %dma_start3A_83 = tpu.memref_slice %arg2[%add3A_12] : memref<163840xi32, #tpu.memory_space<hbm>> -> memref<5120xi32, #tpu.memory_space<hbm>>
        %dma_start3A_84 = tpu.memref_slice %arg2[%add3A_12] : memref<163840xi32, #tpu.memory_space<hbm>> -> memref<5120xi32, #tpu.memory_space<hbm>>
        tpu.enqueue_dma source(%dma_start3A_84 : memref<5120xi32, #tpu.memory_space<hbm>>) target(%arg6 : memref<5120xi32, #tpu.memory_space<vmem>>) target_semaphore(%run_scoped3A_82 : memref<!tpu.dma_semaphore, #tpu.memory_space<semaphore_mem>>)
        %dma_wait3A = tpu.memref_slice %arg2[%add3A_12] : memref<163840xi32, #tpu.memory_space<hbm>> -> memref<5120xi32, #tpu.memory_space<hbm>>
        %dma_wait3A_85 = tpu.memref_slice %arg2[%add3A_12] : memref<163840xi32, #tpu.memory_space<hbm>> -> memref<5120xi32, #tpu.memory_space<hbm>>
        tpu.wait_dma2 semaphore(%run_scoped3A_82 : memref<!tpu.dma_semaphore, #tpu.memory_space<semaphore_mem>>) src(%dma_wait3A_85 : memref<5120xi32, #tpu.memory_space<hbm>>) dst(%arg6 : memref<5120xi32, #tpu.memory_space<vmem>>)
        tpu.yield
      }) : () -> ()
      %mul3A_13 = arith.constant 10240 : i32
      %mul3A_14 = arith.muli %arg1, %mul3A_13 : i32
      %add3A_15 = arith.constant 0 : i32
      %add3A_16 = arith.addi %mul3A_14, %add3A_15 : i32
      "tpu.region"() ({
        %run_scoped3A_82 = tpu.sem_alloc : memref<!tpu.dma_semaphore, #tpu.memory_space<semaphore_mem>>
        %dma_start3A_83 = tpu.memref_slice %arg3[%add3A_16] : memref<163840xi32, #tpu.memory_space<hbm>> -> memref<5120xi32, #tpu.memory_space<hbm>>
        %dma_start3A_84 = tpu.memref_slice %arg3[%add3A_16] : memref<163840xi32, #tpu.memory_space<hbm>> -> memref<5120xi32, #tpu.memory_space<hbm>>
        tpu.enqueue_dma source(%dma_start3A_84 : memref<5120xi32, #tpu.memory_space<hbm>>) target(%arg7 : memref<5120xi32, #tpu.memory_space<vmem>>) target_semaphore(%run_scoped3A_82 : memref<!tpu.dma_semaphore, #tpu.memory_space<semaphore_mem>>)
        %dma_wait3A = tpu.memref_slice %arg3[%add3A_16] : memref<163840xi32, #tpu.memory_space<hbm>> -> memref<5120xi32, #tpu.memory_space<hbm>>
        %dma_wait3A_85 = tpu.memref_slice %arg3[%add3A_16] : memref<163840xi32, #tpu.memory_space<hbm>> -> memref<5120xi32, #tpu.memory_space<hbm>>
        tpu.wait_dma2 semaphore(%run_scoped3A_82 : memref<!tpu.dma_semaphore, #tpu.memory_space<semaphore_mem>>) src(%dma_wait3A_85 : memref<5120xi32, #tpu.memory_space<hbm>>) dst(%arg7 : memref<5120xi32, #tpu.memory_space<vmem>>)
        tpu.yield
      }) : () -> ()
      %dma_start3A = arith.constant 1 : i32
      %dma_start3A_17 = arith.constant 0 : i32
      %dma_start3A_18 = tpu.memref_slice %arg6[%dma_start3A_17] : memref<5120xi32, #tpu.memory_space<vmem>> -> memref<128xi32, #tpu.memory_space<vmem>>
      %dma_start3A_19 = arith.constant 0 : i32
      %dma_start3A_20 = arith.constant 0 : i32
      %dma_start3A_21 = tpu.memref_slice %arg4[%dma_start3A, %dma_start3A_19, %dma_start3A_20] : memref<2x10240x128xf32, #tpu.memory_space<hbm>> -> memref<1x10240x128xf32, #tpu.memory_space<hbm>>
      %dma_start3A_22 = tpu.memref_squeeze %dma_start3A_21 : memref<1x10240x128xf32, #tpu.memory_space<hbm>> -> memref<10240x128xf32, #tpu.memory_space<hbm>>
      %dma_start3A_23 = arith.constant 0 : i32
      %dma_start3A_24 = arith.constant 0 : i32
      %dma_start3A_25 = tpu.memref_slice %dma_start3A_22[%dma_start3A_23, %dma_start3A_24] : memref<10240x128xf32, #tpu.memory_space<hbm>> -> memref<10240x128xf32, #tpu.memory_space<hbm>>
      tpu.enqueue_indirect_dma source(%dma_start3A_25 : memref<10240x128xf32, #tpu.memory_space<hbm>>) target(%arg8 : memref<128x128xf32, #tpu.memory_space<vmem>>) offsets(%dma_start3A_18 : memref<128xi32, #tpu.memory_space<vmem>>) semaphore(%arg11 : memref<!tpu.dma_semaphore, #tpu.memory_space<semaphore_mem>>)
      %dma_start3A_26 = arith.constant 1 : i32
      %dma_start3A_27 = arith.constant 128 : i32
      %dma_start3A_28 = tpu.memref_slice %arg6[%dma_start3A_27] : memref<5120xi32, #tpu.memory_space<vmem>> -> memref<128xi32, #tpu.memory_space<vmem>>
      %dma_start3A_29 = arith.constant 0 : i32
      %dma_start3A_30 = arith.constant 0 : i32
      %dma_start3A_31 = tpu.memref_slice %arg4[%dma_start3A_26, %dma_start3A_29, %dma_start3A_30] : memref<2x10240x128xf32, #tpu.memory_space<hbm>> -> memref<1x10240x128xf32, #tpu.memory_space<hbm>>
      %dma_start3A_32 = tpu.memref_squeeze %dma_start3A_31 : memref<1x10240x128xf32, #tpu.memory_space<hbm>> -> memref<10240x128xf32, #tpu.memory_space<hbm>>
      %dma_start3A_33 = arith.constant 0 : i32
      %dma_start3A_34 = arith.constant 0 : i32
      %dma_start3A_35 = tpu.memref_slice %dma_start3A_32[%dma_start3A_33, %dma_start3A_34] : memref<10240x128xf32, #tpu.memory_space<hbm>> -> memref<10240x128xf32, #tpu.memory_space<hbm>>
      tpu.enqueue_indirect_dma source(%dma_start3A_35 : memref<10240x128xf32, #tpu.memory_space<hbm>>) target(%arg9 : memref<128x128xf32, #tpu.memory_space<vmem>>) offsets(%dma_start3A_28 : memref<128xi32, #tpu.memory_space<vmem>>) semaphore(%arg12 : memref<!tpu.dma_semaphore, #tpu.memory_space<semaphore_mem>>)
      %scan3A = arith.constant 0 : i32
      %scan3A_36 = arith.constant 1 : i32
      %scan3A_37 = arith.constant 0 : i32
      %scan3A_38 = arith.constant 20 : i32
      %scan3A_39 = arith.addi %scan3A_37, %scan3A_38 : i32
      %scan3A_40 = arith.constant 1 : i32
      scf.for %scan3A_82 = %scan3A_37 to %scan3A_39 step %scan3A_40  : i32 {
        %mul3A_83 = arith.constant 2 : i32
        %mul3A_84 = arith.muli %scan3A_82, %mul3A_83 : i32
        %mul3A_85 = arith.constant 128 : i32
        %mul3A_86 = arith.muli %mul3A_84, %mul3A_85 : i32
        %dma_wait3A = arith.constant 0 : i32
        %dma_wait3A_87 = tpu.memref_slice %arg6[%dma_wait3A] : memref<5120xi32, #tpu.memory_space<vmem>> -> memref<128xi32, #tpu.memory_space<vmem>>
        %dma_wait3A_88 = arith.constant 0 : i32
        %dma_wait3A_89 = arith.constant 0 : i32
        %dma_wait3A_90 = tpu.memref_slice %arg4[%scan3A_36, %dma_wait3A_88, %dma_wait3A_89] : memref<2x10240x128xf32, #tpu.memory_space<hbm>> -> memref<1x10240x128xf32, #tpu.memory_space<hbm>>
        %dma_wait3A_91 = tpu.memref_squeeze %dma_wait3A_90 : memref<1x10240x128xf32, #tpu.memory_space<hbm>> -> memref<10240x128xf32, #tpu.memory_space<hbm>>
        %dma_wait3A_92 = arith.constant 0 : i32
        %dma_wait3A_93 = arith.constant 0 : i32
        %dma_wait3A_94 = tpu.memref_slice %dma_wait3A_91[%dma_wait3A_92, %dma_wait3A_93] : memref<10240x128xf32, #tpu.memory_space<hbm>> -> memref<10240x128xf32, #tpu.memory_space<hbm>>
        tpu.wait_indirect_dma semaphore(%arg11 : memref<!tpu.dma_semaphore, #tpu.memory_space<semaphore_mem>>) src(%dma_wait3A_94 : memref<10240x128xf32, #tpu.memory_space<hbm>>) dst(%arg8 : memref<128x128xf32, #tpu.memory_space<vmem>>)
        %mul3A_95 = arith.constant 2 : i32
        %mul3A_96 = arith.muli %mul3A_95, %scan3A_82 : i32
        %mul3A_97 = arith.constant 128 : i32
        %mul3A_98 = arith.muli %mul3A_96, %mul3A_97 : i32
        "tpu.region"() ({
          %run_scoped3A_123 = tpu.sem_alloc : memref<!tpu.dma_semaphore, #tpu.memory_space<semaphore_mem>>
          %dma_start3A_124 = tpu.memref_slice %arg7[%mul3A_98] : memref<5120xi32, #tpu.memory_space<vmem>> -> memref<128xi32, #tpu.memory_space<vmem>>
          %dma_start3A_125 = arith.constant 0 : i32
          %dma_start3A_126 = arith.constant 0 : i32
          %dma_start3A_127 = tpu.memref_slice %arg10[%dma_start3A_125, %dma_start3A_126] : memref<10240x128xf32, #tpu.memory_space<vmem_shared>> -> memref<10240x128xf32, #tpu.memory_space<vmem_shared>>
          tpu.enqueue_indirect_dma source(%arg8 : memref<128x128xf32, #tpu.memory_space<vmem>>) target(%dma_start3A_127 : memref<10240x128xf32, #tpu.memory_space<vmem_shared>>) offsets(%dma_start3A_124 : memref<128xi32, #tpu.memory_space<vmem>>) semaphore(%run_scoped3A_123 : memref<!tpu.dma_semaphore, #tpu.memory_space<semaphore_mem>>) {add = true}
          %dma_wait3A_128 = tpu.memref_slice %arg7[%mul3A_98] : memref<5120xi32, #tpu.memory_space<vmem>> -> memref<128xi32, #tpu.memory_space<vmem>>
          %dma_wait3A_129 = arith.constant 0 : i32
          %dma_wait3A_130 = arith.constant 0 : i32
          %dma_wait3A_131 = tpu.memref_slice %arg10[%dma_wait3A_129, %dma_wait3A_130] : memref<10240x128xf32, #tpu.memory_space<vmem_shared>> -> memref<10240x128xf32, #tpu.memory_space<vmem_shared>>
          tpu.wait_indirect_dma semaphore(%run_scoped3A_123 : memref<!tpu.dma_semaphore, #tpu.memory_space<semaphore_mem>>) src(%arg8 : memref<128x128xf32, #tpu.memory_space<vmem>>) dst(%dma_wait3A_131 : memref<10240x128xf32, #tpu.memory_space<vmem_shared>>)
          tpu.yield
        }) : () -> ()
        %lt3A = arith.constant 19 : i32
        %lt3A_99 = arith.cmpi slt, %scan3A_82, %lt3A : i32
        %convert_element_type3A_100 = arith.extui %lt3A_99 : i1 to i32
        %cond3A_101 = arith.constant 0 : i32
        %cond3A_102 = arith.cmpi ne, %convert_element_type3A_100, %cond3A_101 : i32
        scf.if %cond3A_102 {
          %add3A_123 = arith.constant 256 : i32
          %add3A_124 = arith.addi %mul3A_86, %add3A_123 : i32
          %dma_start3A_125 = tpu.memref_slice %arg6[%add3A_124] : memref<5120xi32, #tpu.memory_space<vmem>> -> memref<128xi32, #tpu.memory_space<vmem>>
          %dma_start3A_126 = arith.constant 0 : i32
          %dma_start3A_127 = arith.constant 0 : i32
          %dma_start3A_128 = tpu.memref_slice %arg4[%scan3A_36, %dma_start3A_126, %dma_start3A_127] : memref<2x10240x128xf32, #tpu.memory_space<hbm>> -> memref<1x10240x128xf32, #tpu.memory_space<hbm>>
          %dma_start3A_129 = tpu.memref_squeeze %dma_start3A_128 : memref<1x10240x128xf32, #tpu.memory_space<hbm>> -> memref<10240x128xf32, #tpu.memory_space<hbm>>
          %dma_start3A_130 = arith.constant 0 : i32
          %dma_start3A_131 = arith.constant 0 : i32
          %dma_start3A_132 = tpu.memref_slice %dma_start3A_129[%dma_start3A_130, %dma_start3A_131] : memref<10240x128xf32, #tpu.memory_space<hbm>> -> memref<10240x128xf32, #tpu.memory_space<hbm>>
          tpu.enqueue_indirect_dma source(%dma_start3A_132 : memref<10240x128xf32, #tpu.memory_space<hbm>>) target(%arg8 : memref<128x128xf32, #tpu.memory_space<vmem>>) offsets(%dma_start3A_125 : memref<128xi32, #tpu.memory_space<vmem>>) semaphore(%arg11 : memref<!tpu.dma_semaphore, #tpu.memory_space<semaphore_mem>>)
        } else {
        }
        %dma_wait3A_103 = arith.constant 0 : i32
        %dma_wait3A_104 = tpu.memref_slice %arg6[%dma_wait3A_103] : memref<5120xi32, #tpu.memory_space<vmem>> -> memref<128xi32, #tpu.memory_space<vmem>>
        %dma_wait3A_105 = arith.constant 0 : i32
        %dma_wait3A_106 = arith.constant 0 : i32
        %dma_wait3A_107 = tpu.memref_slice %arg4[%scan3A_36, %dma_wait3A_105, %dma_wait3A_106] : memref<2x10240x128xf32, #tpu.memory_space<hbm>> -> memref<1x10240x128xf32, #tpu.memory_space<hbm>>
        %dma_wait3A_108 = tpu.memref_squeeze %dma_wait3A_107 : memref<1x10240x128xf32, #tpu.memory_space<hbm>> -> memref<10240x128xf32, #tpu.memory_space<hbm>>
        %dma_wait3A_109 = arith.constant 0 : i32
        %dma_wait3A_110 = arith.constant 0 : i32
        %dma_wait3A_111 = tpu.memref_slice %dma_wait3A_108[%dma_wait3A_109, %dma_wait3A_110] : memref<10240x128xf32, #tpu.memory_space<hbm>> -> memref<10240x128xf32, #tpu.memory_space<hbm>>
        tpu.wait_indirect_dma semaphore(%arg12 : memref<!tpu.dma_semaphore, #tpu.memory_space<semaphore_mem>>) src(%dma_wait3A_111 : memref<10240x128xf32, #tpu.memory_space<hbm>>) dst(%arg9 : memref<128x128xf32, #tpu.memory_space<vmem>>)
        %mul3A_112 = arith.constant 2 : i32
        %mul3A_113 = arith.muli %mul3A_112, %scan3A_82 : i32
        %add3A_114 = arith.constant 1 : i32
        %add3A_115 = arith.addi %mul3A_113, %add3A_114 : i32
        %mul3A_116 = arith.constant 128 : i32
        %mul3A_117 = arith.muli %add3A_115, %mul3A_116 : i32
        "tpu.region"() ({
          %run_scoped3A_123 = tpu.sem_alloc : memref<!tpu.dma_semaphore, #tpu.memory_space<semaphore_mem>>
          %dma_start3A_124 = tpu.memref_slice %arg7[%mul3A_117] : memref<5120xi32, #tpu.memory_space<vmem>> -> memref<128xi32, #tpu.memory_space<vmem>>
          %dma_start3A_125 = arith.constant 0 : i32
          %dma_start3A_126 = arith.constant 0 : i32
          %dma_start3A_127 = tpu.memref_slice %arg10[%dma_start3A_125, %dma_start3A_126] : memref<10240x128xf32, #tpu.memory_space<vmem_shared>> -> memref<10240x128xf32, #tpu.memory_space<vmem_shared>>
          tpu.enqueue_indirect_dma source(%arg9 : memref<128x128xf32, #tpu.memory_space<vmem>>) target(%dma_start3A_127 : memref<10240x128xf32, #tpu.memory_space<vmem_shared>>) offsets(%dma_start3A_124 : memref<128xi32, #tpu.memory_space<vmem>>) semaphore(%run_scoped3A_123 : memref<!tpu.dma_semaphore, #tpu.memory_space<semaphore_mem>>) {add = true}
          %dma_wait3A_128 = tpu.memref_slice %arg7[%mul3A_117] : memref<5120xi32, #tpu.memory_space<vmem>> -> memref<128xi32, #tpu.memory_space<vmem>>
          %dma_wait3A_129 = arith.constant 0 : i32
          %dma_wait3A_130 = arith.constant 0 : i32
          %dma_wait3A_131 = tpu.memref_slice %arg10[%dma_wait3A_129, %dma_wait3A_130] : memref<10240x128xf32, #tpu.memory_space<vmem_shared>> -> memref<10240x128xf32, #tpu.memory_space<vmem_shared>>
          tpu.wait_indirect_dma semaphore(%run_scoped3A_123 : memref<!tpu.dma_semaphore, #tpu.memory_space<semaphore_mem>>) src(%arg9 : memref<128x128xf32, #tpu.memory_space<vmem>>) dst(%dma_wait3A_131 : memref<10240x128xf32, #tpu.memory_space<vmem_shared>>)
          tpu.yield
        }) : () -> ()
        %lt3A_118 = arith.constant 19 : i32
        %lt3A_119 = arith.cmpi slt, %scan3A_82, %lt3A_118 : i32
        %convert_element_type3A_120 = arith.extui %lt3A_119 : i1 to i32
        %cond3A_121 = arith.constant 0 : i32
        %cond3A_122 = arith.cmpi ne, %convert_element_type3A_120, %cond3A_121 : i32
        scf.if %cond3A_122 {
          %add3A_123 = arith.constant 384 : i32
          %add3A_124 = arith.addi %mul3A_86, %add3A_123 : i32
          %dma_start3A_125 = tpu.memref_slice %arg6[%add3A_124] : memref<5120xi32, #tpu.memory_space<vmem>> -> memref<128xi32, #tpu.memory_space<vmem>>
          %dma_start3A_126 = arith.constant 0 : i32
          %dma_start3A_127 = arith.constant 0 : i32
          %dma_start3A_128 = tpu.memref_slice %arg4[%scan3A_36, %dma_start3A_126, %dma_start3A_127] : memref<2x10240x128xf32, #tpu.memory_space<hbm>> -> memref<1x10240x128xf32, #tpu.memory_space<hbm>>
          %dma_start3A_129 = tpu.memref_squeeze %dma_start3A_128 : memref<1x10240x128xf32, #tpu.memory_space<hbm>> -> memref<10240x128xf32, #tpu.memory_space<hbm>>
          %dma_start3A_130 = arith.constant 0 : i32
          %dma_start3A_131 = arith.constant 0 : i32
          %dma_start3A_132 = tpu.memref_slice %dma_start3A_129[%dma_start3A_130, %dma_start3A_131] : memref<10240x128xf32, #tpu.memory_space<hbm>> -> memref<10240x128xf32, #tpu.memory_space<hbm>>
          tpu.enqueue_indirect_dma source(%dma_start3A_132 : memref<10240x128xf32, #tpu.memory_space<hbm>>) target(%arg9 : memref<128x128xf32, #tpu.memory_space<vmem>>) offsets(%dma_start3A_125 : memref<128xi32, #tpu.memory_space<vmem>>) semaphore(%arg12 : memref<!tpu.dma_semaphore, #tpu.memory_space<semaphore_mem>>)
        } else {
        }
      }
      %scan3A_41 = arith.constant 20 : i32
      %mul3A_42 = arith.constant 10240 : i32
      %mul3A_43 = arith.muli %arg1, %mul3A_42 : i32
      %add3A_44 = arith.constant 5120 : i32
      %add3A_45 = arith.addi %mul3A_43, %add3A_44 : i32
      "tpu.region"() ({
        %run_scoped3A_82 = tpu.sem_alloc : memref<!tpu.dma_semaphore, #tpu.memory_space<semaphore_mem>>
        %dma_start3A_83 = tpu.memref_slice %arg2[%add3A_45] : memref<163840xi32, #tpu.memory_space<hbm>> -> memref<5120xi32, #tpu.memory_space<hbm>>
        %dma_start3A_84 = tpu.memref_slice %arg2[%add3A_45] : memref<163840xi32, #tpu.memory_space<hbm>> -> memref<5120xi32, #tpu.memory_space<hbm>>
        tpu.enqueue_dma source(%dma_start3A_84 : memref<5120xi32, #tpu.memory_space<hbm>>) target(%arg6 : memref<5120xi32, #tpu.memory_space<vmem>>) target_semaphore(%run_scoped3A_82 : memref<!tpu.dma_semaphore, #tpu.memory_space<semaphore_mem>>)
        %dma_wait3A = tpu.memref_slice %arg2[%add3A_45] : memref<163840xi32, #tpu.memory_space<hbm>> -> memref<5120xi32, #tpu.memory_space<hbm>>
        %dma_wait3A_85 = tpu.memref_slice %arg2[%add3A_45] : memref<163840xi32, #tpu.memory_space<hbm>> -> memref<5120xi32, #tpu.memory_space<hbm>>
        tpu.wait_dma2 semaphore(%run_scoped3A_82 : memref<!tpu.dma_semaphore, #tpu.memory_space<semaphore_mem>>) src(%dma_wait3A_85 : memref<5120xi32, #tpu.memory_space<hbm>>) dst(%arg6 : memref<5120xi32, #tpu.memory_space<vmem>>)
        tpu.yield
      }) : () -> ()
      %mul3A_46 = arith.constant 10240 : i32
      %mul3A_47 = arith.muli %arg1, %mul3A_46 : i32
      %add3A_48 = arith.constant 5120 : i32
      %add3A_49 = arith.addi %mul3A_47, %add3A_48 : i32
      "tpu.region"() ({
        %run_scoped3A_82 = tpu.sem_alloc : memref<!tpu.dma_semaphore, #tpu.memory_space<semaphore_mem>>
        %dma_start3A_83 = tpu.memref_slice %arg3[%add3A_49] : memref<163840xi32, #tpu.memory_space<hbm>> -> memref<5120xi32, #tpu.memory_space<hbm>>
        %dma_start3A_84 = tpu.memref_slice %arg3[%add3A_49] : memref<163840xi32, #tpu.memory_space<hbm>> -> memref<5120xi32, #tpu.memory_space<hbm>>
        tpu.enqueue_dma source(%dma_start3A_84 : memref<5120xi32, #tpu.memory_space<hbm>>) target(%arg7 : memref<5120xi32, #tpu.memory_space<vmem>>) target_semaphore(%run_scoped3A_82 : memref<!tpu.dma_semaphore, #tpu.memory_space<semaphore_mem>>)
        %dma_wait3A = tpu.memref_slice %arg3[%add3A_49] : memref<163840xi32, #tpu.memory_space<hbm>> -> memref<5120xi32, #tpu.memory_space<hbm>>
        %dma_wait3A_85 = tpu.memref_slice %arg3[%add3A_49] : memref<163840xi32, #tpu.memory_space<hbm>> -> memref<5120xi32, #tpu.memory_space<hbm>>
        tpu.wait_dma2 semaphore(%run_scoped3A_82 : memref<!tpu.dma_semaphore, #tpu.memory_space<semaphore_mem>>) src(%dma_wait3A_85 : memref<5120xi32, #tpu.memory_space<hbm>>) dst(%arg7 : memref<5120xi32, #tpu.memory_space<vmem>>)
        tpu.yield
      }) : () -> ()
      %dma_start3A_50 = arith.constant 1 : i32
      %dma_start3A_51 = arith.constant 0 : i32
      %dma_start3A_52 = tpu.memref_slice %arg6[%dma_start3A_51] : memref<5120xi32, #tpu.memory_space<vmem>> -> memref<128xi32, #tpu.memory_space<vmem>>
      %dma_start3A_53 = arith.constant 0 : i32
      %dma_start3A_54 = arith.constant 0 : i32
      %dma_start3A_55 = tpu.memref_slice %arg4[%dma_start3A_50, %dma_start3A_53, %dma_start3A_54] : memref<2x10240x128xf32, #tpu.memory_space<hbm>> -> memref<1x10240x128xf32, #tpu.memory_space<hbm>>
      %dma_start3A_56 = tpu.memref_squeeze %dma_start3A_55 : memref<1x10240x128xf32, #tpu.memory_space<hbm>> -> memref<10240x128xf32, #tpu.memory_space<hbm>>
      %dma_start3A_57 = arith.constant 0 : i32
      %dma_start3A_58 = arith.constant 0 : i32
      %dma_start3A_59 = tpu.memref_slice %dma_start3A_56[%dma_start3A_57, %dma_start3A_58] : memref<10240x128xf32, #tpu.memory_space<hbm>> -> memref<10240x128xf32, #tpu.memory_space<hbm>>
      tpu.enqueue_indirect_dma source(%dma_start3A_59 : memref<10240x128xf32, #tpu.memory_space<hbm>>) target(%arg8 : memref<128x128xf32, #tpu.memory_space<vmem>>) offsets(%dma_start3A_52 : memref<128xi32, #tpu.memory_space<vmem>>) semaphore(%arg11 : memref<!tpu.dma_semaphore, #tpu.memory_space<semaphore_mem>>)
      %dma_start3A_60 = arith.constant 1 : i32
      %dma_start3A_61 = arith.constant 128 : i32
      %dma_start3A_62 = tpu.memref_slice %arg6[%dma_start3A_61] : memref<5120xi32, #tpu.memory_space<vmem>> -> memref<128xi32, #tpu.memory_space<vmem>>
      %dma_start3A_63 = arith.constant 0 : i32
      %dma_start3A_64 = arith.constant 0 : i32
      %dma_start3A_65 = tpu.memref_slice %arg4[%dma_start3A_60, %dma_start3A_63, %dma_start3A_64] : memref<2x10240x128xf32, #tpu.memory_space<hbm>> -> memref<1x10240x128xf32, #tpu.memory_space<hbm>>
      %dma_start3A_66 = tpu.memref_squeeze %dma_start3A_65 : memref<1x10240x128xf32, #tpu.memory_space<hbm>> -> memref<10240x128xf32, #tpu.memory_space<hbm>>
      %dma_start3A_67 = arith.constant 0 : i32
      %dma_start3A_68 = arith.constant 0 : i32
      %dma_start3A_69 = tpu.memref_slice %dma_start3A_66[%dma_start3A_67, %dma_start3A_68] : memref<10240x128xf32, #tpu.memory_space<hbm>> -> memref<10240x128xf32, #tpu.memory_space<hbm>>
      tpu.enqueue_indirect_dma source(%dma_start3A_69 : memref<10240x128xf32, #tpu.memory_space<hbm>>) target(%arg9 : memref<128x128xf32, #tpu.memory_space<vmem>>) offsets(%dma_start3A_62 : memref<128xi32, #tpu.memory_space<vmem>>) semaphore(%arg12 : memref<!tpu.dma_semaphore, #tpu.memory_space<semaphore_mem>>)
      %scan3A_70 = arith.constant 0 : i32
      %scan3A_71 = arith.constant 1 : i32
      %scan3A_72 = arith.constant 0 : i32
      %scan3A_73 = arith.constant 20 : i32
      %scan3A_74 = arith.addi %scan3A_72, %scan3A_73 : i32
      %scan3A_75 = arith.constant 1 : i32
      scf.for %scan3A_82 = %scan3A_72 to %scan3A_74 step %scan3A_75  : i32 {
        %mul3A_83 = arith.constant 2 : i32
        %mul3A_84 = arith.muli %scan3A_82, %mul3A_83 : i32
        %mul3A_85 = arith.constant 128 : i32
        %mul3A_86 = arith.muli %mul3A_84, %mul3A_85 : i32
        %dma_wait3A = arith.constant 0 : i32
        %dma_wait3A_87 = tpu.memref_slice %arg6[%dma_wait3A] : memref<5120xi32, #tpu.memory_space<vmem>> -> memref<128xi32, #tpu.memory_space<vmem>>
        %dma_wait3A_88 = arith.constant 0 : i32
        %dma_wait3A_89 = arith.constant 0 : i32
        %dma_wait3A_90 = tpu.memref_slice %arg4[%scan3A_71, %dma_wait3A_88, %dma_wait3A_89] : memref<2x10240x128xf32, #tpu.memory_space<hbm>> -> memref<1x10240x128xf32, #tpu.memory_space<hbm>>
        %dma_wait3A_91 = tpu.memref_squeeze %dma_wait3A_90 : memref<1x10240x128xf32, #tpu.memory_space<hbm>> -> memref<10240x128xf32, #tpu.memory_space<hbm>>
        %dma_wait3A_92 = arith.constant 0 : i32
        %dma_wait3A_93 = arith.constant 0 : i32
        %dma_wait3A_94 = tpu.memref_slice %dma_wait3A_91[%dma_wait3A_92, %dma_wait3A_93] : memref<10240x128xf32, #tpu.memory_space<hbm>> -> memref<10240x128xf32, #tpu.memory_space<hbm>>
        tpu.wait_indirect_dma semaphore(%arg11 : memref<!tpu.dma_semaphore, #tpu.memory_space<semaphore_mem>>) src(%dma_wait3A_94 : memref<10240x128xf32, #tpu.memory_space<hbm>>) dst(%arg8 : memref<128x128xf32, #tpu.memory_space<vmem>>)
        %mul3A_95 = arith.constant 2 : i32
        %mul3A_96 = arith.muli %mul3A_95, %scan3A_82 : i32
        %mul3A_97 = arith.constant 128 : i32
        %mul3A_98 = arith.muli %mul3A_96, %mul3A_97 : i32
        "tpu.region"() ({
          %run_scoped3A_123 = tpu.sem_alloc : memref<!tpu.dma_semaphore, #tpu.memory_space<semaphore_mem>>
          %dma_start3A_124 = tpu.memref_slice %arg7[%mul3A_98] : memref<5120xi32, #tpu.memory_space<vmem>> -> memref<128xi32, #tpu.memory_space<vmem>>
          %dma_start3A_125 = arith.constant 0 : i32
          %dma_start3A_126 = arith.constant 0 : i32
          %dma_start3A_127 = tpu.memref_slice %arg10[%dma_start3A_125, %dma_start3A_126] : memref<10240x128xf32, #tpu.memory_space<vmem_shared>> -> memref<10240x128xf32, #tpu.memory_space<vmem_shared>>
          tpu.enqueue_indirect_dma source(%arg8 : memref<128x128xf32, #tpu.memory_space<vmem>>) target(%dma_start3A_127 : memref<10240x128xf32, #tpu.memory_space<vmem_shared>>) offsets(%dma_start3A_124 : memref<128xi32, #tpu.memory_space<vmem>>) semaphore(%run_scoped3A_123 : memref<!tpu.dma_semaphore, #tpu.memory_space<semaphore_mem>>) {add = true}
          %dma_wait3A_128 = tpu.memref_slice %arg7[%mul3A_98] : memref<5120xi32, #tpu.memory_space<vmem>> -> memref<128xi32, #tpu.memory_space<vmem>>
          %dma_wait3A_129 = arith.constant 0 : i32
          %dma_wait3A_130 = arith.constant 0 : i32
          %dma_wait3A_131 = tpu.memref_slice %arg10[%dma_wait3A_129, %dma_wait3A_130] : memref<10240x128xf32, #tpu.memory_space<vmem_shared>> -> memref<10240x128xf32, #tpu.memory_space<vmem_shared>>
          tpu.wait_indirect_dma semaphore(%run_scoped3A_123 : memref<!tpu.dma_semaphore, #tpu.memory_space<semaphore_mem>>) src(%arg8 : memref<128x128xf32, #tpu.memory_space<vmem>>) dst(%dma_wait3A_131 : memref<10240x128xf32, #tpu.memory_space<vmem_shared>>)
          tpu.yield
        }) : () -> ()
        %lt3A = arith.constant 19 : i32
        %lt3A_99 = arith.cmpi slt, %scan3A_82, %lt3A : i32
        %convert_element_type3A_100 = arith.extui %lt3A_99 : i1 to i32
        %cond3A_101 = arith.constant 0 : i32
        %cond3A_102 = arith.cmpi ne, %convert_element_type3A_100, %cond3A_101 : i32
        scf.if %cond3A_102 {
          %add3A_123 = arith.constant 256 : i32
          %add3A_124 = arith.addi %mul3A_86, %add3A_123 : i32
          %dma_start3A_125 = tpu.memref_slice %arg6[%add3A_124] : memref<5120xi32, #tpu.memory_space<vmem>> -> memref<128xi32, #tpu.memory_space<vmem>>
          %dma_start3A_126 = arith.constant 0 : i32
          %dma_start3A_127 = arith.constant 0 : i32
          %dma_start3A_128 = tpu.memref_slice %arg4[%scan3A_71, %dma_start3A_126, %dma_start3A_127] : memref<2x10240x128xf32, #tpu.memory_space<hbm>> -> memref<1x10240x128xf32, #tpu.memory_space<hbm>>
          %dma_start3A_129 = tpu.memref_squeeze %dma_start3A_128 : memref<1x10240x128xf32, #tpu.memory_space<hbm>> -> memref<10240x128xf32, #tpu.memory_space<hbm>>
          %dma_start3A_130 = arith.constant 0 : i32
          %dma_start3A_131 = arith.constant 0 : i32
          %dma_start3A_132 = tpu.memref_slice %dma_start3A_129[%dma_start3A_130, %dma_start3A_131] : memref<10240x128xf32, #tpu.memory_space<hbm>> -> memref<10240x128xf32, #tpu.memory_space<hbm>>
          tpu.enqueue_indirect_dma source(%dma_start3A_132 : memref<10240x128xf32, #tpu.memory_space<hbm>>) target(%arg8 : memref<128x128xf32, #tpu.memory_space<vmem>>) offsets(%dma_start3A_125 : memref<128xi32, #tpu.memory_space<vmem>>) semaphore(%arg11 : memref<!tpu.dma_semaphore, #tpu.memory_space<semaphore_mem>>)
        } else {
        }
        %dma_wait3A_103 = arith.constant 0 : i32
        %dma_wait3A_104 = tpu.memref_slice %arg6[%dma_wait3A_103] : memref<5120xi32, #tpu.memory_space<vmem>> -> memref<128xi32, #tpu.memory_space<vmem>>
        %dma_wait3A_105 = arith.constant 0 : i32
        %dma_wait3A_106 = arith.constant 0 : i32
        %dma_wait3A_107 = tpu.memref_slice %arg4[%scan3A_71, %dma_wait3A_105, %dma_wait3A_106] : memref<2x10240x128xf32, #tpu.memory_space<hbm>> -> memref<1x10240x128xf32, #tpu.memory_space<hbm>>
        %dma_wait3A_108 = tpu.memref_squeeze %dma_wait3A_107 : memref<1x10240x128xf32, #tpu.memory_space<hbm>> -> memref<10240x128xf32, #tpu.memory_space<hbm>>
        %dma_wait3A_109 = arith.constant 0 : i32
        %dma_wait3A_110 = arith.constant 0 : i32
        %dma_wait3A_111 = tpu.memref_slice %dma_wait3A_108[%dma_wait3A_109, %dma_wait3A_110] : memref<10240x128xf32, #tpu.memory_space<hbm>> -> memref<10240x128xf32, #tpu.memory_space<hbm>>
        tpu.wait_indirect_dma semaphore(%arg12 : memref<!tpu.dma_semaphore, #tpu.memory_space<semaphore_mem>>) src(%dma_wait3A_111 : memref<10240x128xf32, #tpu.memory_space<hbm>>) dst(%arg9 : memref<128x128xf32, #tpu.memory_space<vmem>>)
        %mul3A_112 = arith.constant 2 : i32
        %mul3A_113 = arith.muli %mul3A_112, %scan3A_82 : i32
        %add3A_114 = arith.constant 1 : i32
        %add3A_115 = arith.addi %mul3A_113, %add3A_114 : i32
        %mul3A_116 = arith.constant 128 : i32
        %mul3A_117 = arith.muli %add3A_115, %mul3A_116 : i32
        "tpu.region"() ({
          %run_scoped3A_123 = tpu.sem_alloc : memref<!tpu.dma_semaphore, #tpu.memory_space<semaphore_mem>>
          %dma_start3A_124 = tpu.memref_slice %arg7[%mul3A_117] : memref<5120xi32, #tpu.memory_space<vmem>> -> memref<128xi32, #tpu.memory_space<vmem>>
          %dma_start3A_125 = arith.constant 0 : i32
          %dma_start3A_126 = arith.constant 0 : i32
          %dma_start3A_127 = tpu.memref_slice %arg10[%dma_start3A_125, %dma_start3A_126] : memref<10240x128xf32, #tpu.memory_space<vmem_shared>> -> memref<10240x128xf32, #tpu.memory_space<vmem_shared>>
          tpu.enqueue_indirect_dma source(%arg9 : memref<128x128xf32, #tpu.memory_space<vmem>>) target(%dma_start3A_127 : memref<10240x128xf32, #tpu.memory_space<vmem_shared>>) offsets(%dma_start3A_124 : memref<128xi32, #tpu.memory_space<vmem>>) semaphore(%run_scoped3A_123 : memref<!tpu.dma_semaphore, #tpu.memory_space<semaphore_mem>>) {add = true}
          %dma_wait3A_128 = tpu.memref_slice %arg7[%mul3A_117] : memref<5120xi32, #tpu.memory_space<vmem>> -> memref<128xi32, #tpu.memory_space<vmem>>
          %dma_wait3A_129 = arith.constant 0 : i32
          %dma_wait3A_130 = arith.constant 0 : i32
          %dma_wait3A_131 = tpu.memref_slice %arg10[%dma_wait3A_129, %dma_wait3A_130] : memref<10240x128xf32, #tpu.memory_space<vmem_shared>> -> memref<10240x128xf32, #tpu.memory_space<vmem_shared>>
          tpu.wait_indirect_dma semaphore(%run_scoped3A_123 : memref<!tpu.dma_semaphore, #tpu.memory_space<semaphore_mem>>) src(%arg9 : memref<128x128xf32, #tpu.memory_space<vmem>>) dst(%dma_wait3A_131 : memref<10240x128xf32, #tpu.memory_space<vmem_shared>>)
          tpu.yield
        }) : () -> ()
        %lt3A_118 = arith.constant 19 : i32
        %lt3A_119 = arith.cmpi slt, %scan3A_82, %lt3A_118 : i32
        %convert_element_type3A_120 = arith.extui %lt3A_119 : i1 to i32
        %cond3A_121 = arith.constant 0 : i32
        %cond3A_122 = arith.cmpi ne, %convert_element_type3A_120, %cond3A_121 : i32
        scf.if %cond3A_122 {
          %add3A_123 = arith.constant 384 : i32
          %add3A_124 = arith.addi %mul3A_86, %add3A_123 : i32
          %dma_start3A_125 = tpu.memref_slice %arg6[%add3A_124] : memref<5120xi32, #tpu.memory_space<vmem>> -> memref<128xi32, #tpu.memory_space<vmem>>
          %dma_start3A_126 = arith.constant 0 : i32
          %dma_start3A_127 = arith.constant 0 : i32
          %dma_start3A_128 = tpu.memref_slice %arg4[%scan3A_71, %dma_start3A_126, %dma_start3A_127] : memref<2x10240x128xf32, #tpu.memory_space<hbm>> -> memref<1x10240x128xf32, #tpu.memory_space<hbm>>
          %dma_start3A_129 = tpu.memref_squeeze %dma_start3A_128 : memref<1x10240x128xf32, #tpu.memory_space<hbm>> -> memref<10240x128xf32, #tpu.memory_space<hbm>>
          %dma_start3A_130 = arith.constant 0 : i32
          %dma_start3A_131 = arith.constant 0 : i32
          %dma_start3A_132 = tpu.memref_slice %dma_start3A_129[%dma_start3A_130, %dma_start3A_131] : memref<10240x128xf32, #tpu.memory_space<hbm>> -> memref<10240x128xf32, #tpu.memory_space<hbm>>
          tpu.enqueue_indirect_dma source(%dma_start3A_132 : memref<10240x128xf32, #tpu.memory_space<hbm>>) target(%arg9 : memref<128x128xf32, #tpu.memory_space<vmem>>) offsets(%dma_start3A_125 : memref<128xi32, #tpu.memory_space<vmem>>) semaphore(%arg12 : memref<!tpu.dma_semaphore, #tpu.memory_space<semaphore_mem>>)
        } else {
        }
      }
      %scan3A_76 = arith.constant 20 : i32
      %barrier3A_77 = arith.constant 0 : index
      tpu.barrier barrier_id(%barrier3A_77)
      %mul3A_78 = arith.constant 640 : i32
      %mul3A_79 = arith.muli %arg1, %mul3A_78 : i32
      %mul3A_80 = arith.constant 640 : i32
      %mul3A_81 = arith.muli %arg1, %mul3A_80 : i32
      "tpu.region"() ({
        %run_scoped3A_82 = tpu.sem_alloc : memref<!tpu.dma_semaphore, #tpu.memory_space<semaphore_mem>>
        %dma_start3A_83 = arith.constant 0 : i32
        %dma_start3A_84 = tpu.memref_slice %arg5[%arg0, %mul3A_81, %dma_start3A_83] : memref<2x10240x128xf32, #tpu.memory_space<hbm>> -> memref<1x640x128xf32, #tpu.memory_space<hbm>>
        %dma_start3A_85 = tpu.memref_squeeze %dma_start3A_84 : memref<1x640x128xf32, #tpu.memory_space<hbm>> -> memref<640x128xf32, #tpu.memory_space<hbm>>
        %dma_start3A_86 = arith.constant 0 : i32
        %dma_start3A_87 = tpu.memref_slice %arg10[%mul3A_79, %dma_start3A_86] : memref<10240x128xf32, #tpu.memory_space<vmem_shared>> -> memref<640x128xf32, #tpu.memory_space<vmem_shared>>
        tpu.enqueue_dma source(%dma_start3A_87 : memref<640x128xf32, #tpu.memory_space<vmem_shared>>) target(%dma_start3A_85 : memref<640x128xf32, #tpu.memory_space<hbm>>) target_semaphore(%run_scoped3A_82 : memref<!tpu.dma_semaphore, #tpu.memory_space<semaphore_mem>>)
        %dma_wait3A = arith.constant 0 : i32
        %dma_wait3A_88 = tpu.memref_slice %arg5[%arg0, %mul3A_81, %dma_wait3A] : memref<2x10240x128xf32, #tpu.memory_space<hbm>> -> memref<1x640x128xf32, #tpu.memory_space<hbm>>
        %dma_wait3A_89 = tpu.memref_squeeze %dma_wait3A_88 : memref<1x640x128xf32, #tpu.memory_space<hbm>> -> memref<640x128xf32, #tpu.memory_space<hbm>>
        %dma_wait3A_90 = arith.constant 0 : i32
        %dma_wait3A_91 = tpu.memref_slice %arg10[%mul3A_79, %dma_wait3A_90] : memref<10240x128xf32, #tpu.memory_space<vmem_shared>> -> memref<640x128xf32, #tpu.memory_space<vmem_shared>>
        tpu.wait_dma2 semaphore(%run_scoped3A_82 : memref<!tpu.dma_semaphore, #tpu.memory_space<semaphore_mem>>) src(%dma_wait3A_91 : memref<640x128xf32, #tpu.memory_space<vmem_shared>>) dst(%dma_wait3A_89 : memref<640x128xf32, #tpu.memory_space<hbm>>)
        tpu.yield
      }) : () -> ()
    } else {
    }
    return
  }
}

#map = affine_map<(d0, d1) -> (0)>
#map1 = affine_map<(d0, d1) -> (0, 0, 0)>
module attributes {stable_mosaic.version = 14 : i64} {
  func.func @agg(%arg0: i32, %arg1: i32, %arg2: memref<163840xi32, #tpu.memory_space<hbm>>, %arg3: memref<163840xi32, #tpu.memory_space<hbm>>, %arg4: memref<2x10240x128xf32, #tpu.memory_space<hbm>>, %arg5: memref<2x10240x128xf32, #tpu.memory_space<hbm>>, %arg6: memref<5120xi32, #tpu.memory_space<vmem>>, %arg7: memref<5120xi32, #tpu.memory_space<vmem>>, %arg8: memref<128x128xf32, #tpu.memory_space<vmem>>, %arg9: memref<128x128xf32, #tpu.memory_space<vmem>>, %arg10: memref<10240x128xf32, #tpu.memory_space<vmem_shared>>, %arg11: memref<!tpu.dma_semaphore, #tpu.memory_space<semaphore_mem>>, %arg12: memref<!tpu.dma_semaphore, #tpu.memory_space<semaphore_mem>>) attributes {dimension_semantics = [#tpu.dimension_semantics<core_parallel>, #tpu.dimension_semantics<subcore_parallel>], iteration_bounds = array<i64: 2, 16>, scalar_prefetch = 0 : i64, scratch_operands = 7 : i64, tpu.core_type = #tpu.core_type<sc_vector_subcore>, window_params = [{transform_indices = #map}, {transform_indices = #map}, {transform_indices = #map1}, {transform_indices = #map1}]} {
    %eq3A = arith.constant 0 : i32
    %eq3A_0 = arith.cmpi eq, %arg0, %eq3A : i32
    %convert_element_type3A = arith.extui %eq3A_0 : i1 to i32
    %cond3A = arith.constant 0 : i32
    %cond3A_1 = arith.cmpi ne, %convert_element_type3A, %cond3A : i32
    scf.if %cond3A_1 {
      %mul3A = arith.constant 640 : i32
      %mul3A_7 = arith.muli %arg1, %mul3A : i32
      %mul3A_8 = arith.constant 640 : i32
      %mul3A_9 = arith.muli %arg1, %mul3A_8 : i32
      %run_scoped3A = arith.constant 0 : i32
      "tpu.region"() ({
        %run_scoped3A_82 = tpu.sem_alloc : memref<!tpu.dma_semaphore, #tpu.memory_space<semaphore_mem>>
        %dma_start3A_83 = arith.constant 0 : i32
        %dma_start3A_84 = tpu.memref_slice %arg10[%mul3A_9, %dma_start3A_83] : memref<10240x128xf32, #tpu.memory_space<vmem_shared>> -> memref<640x128xf32, #tpu.memory_space<vmem_shared>>
        %dma_start3A_85 = arith.constant 0 : i32
        %dma_start3A_86 = arith.constant 0 : i32
        %dma_start3A_87 = tpu.memref_slice %arg4[%run_scoped3A, %dma_start3A_85, %dma_start3A_86] : memref<2x10240x128xf32, #tpu.memory_space<hbm>> -> memref<1x10240x128xf32, #tpu.memory_space<hbm>>
        %dma_start3A_88 = tpu.memref_squeeze %dma_start3A_87 : memref<1x10240x128xf32, #tpu.memory_space<hbm>> -> memref<10240x128xf32, #tpu.memory_space<hbm>>
        %dma_start3A_89 = arith.constant 0 : i32
        %dma_start3A_90 = tpu.memref_slice %dma_start3A_88[%mul3A_7, %dma_start3A_89] : memref<10240x128xf32, #tpu.memory_space<hbm>> -> memref<640x128xf32, #tpu.memory_space<hbm>>
        tpu.enqueue_dma source(%dma_start3A_90 : memref<640x128xf32, #tpu.memory_space<hbm>>) target(%dma_start3A_84 : memref<640x128xf32, #tpu.memory_space<vmem_shared>>) target_semaphore(%run_scoped3A_82 : memref<!tpu.dma_semaphore, #tpu.memory_space<semaphore_mem>>)
        %dma_wait3A = arith.constant 0 : i32
        %dma_wait3A_91 = tpu.memref_slice %arg10[%mul3A_9, %dma_wait3A] : memref<10240x128xf32, #tpu.memory_space<vmem_shared>> -> memref<640x128xf32, #tpu.memory_space<vmem_shared>>
        %dma_wait3A_92 = arith.constant 0 : i32
        %dma_wait3A_93 = arith.constant 0 : i32
        %dma_wait3A_94 = tpu.memref_slice %arg4[%run_scoped3A, %dma_wait3A_92, %dma_wait3A_93] : memref<2x10240x128xf32, #tpu.memory_space<hbm>> -> memref<1x10240x128xf32, #tpu.memory_space<hbm>>
        %dma_wait3A_95 = tpu.memref_squeeze %dma_wait3A_94 : memref<1x10240x128xf32, #tpu.memory_space<hbm>> -> memref<10240x128xf32, #tpu.memory_space<hbm>>
        %dma_wait3A_96 = arith.constant 0 : i32
        %dma_wait3A_97 = tpu.memref_slice %dma_wait3A_95[%mul3A_7, %dma_wait3A_96] : memref<10240x128xf32, #tpu.memory_space<hbm>> -> memref<640x128xf32, #tpu.memory_space<hbm>>
        tpu.wait_dma2 semaphore(%run_scoped3A_82 : memref<!tpu.dma_semaphore, #tpu.memory_space<semaphore_mem>>) src(%dma_wait3A_97 : memref<640x128xf32, #tpu.memory_space<hbm>>) dst(%dma_wait3A_91 : memref<640x128xf32, #tpu.memory_space<vmem_shared>>)
        tpu.yield
      }) : () -> ()
      %barrier3A = arith.constant 0 : index
      tpu.barrier barrier_id(%barrier3A)
      %mul3A_10 = arith.constant 10240 : i32
      %mul3A_11 = arith.muli %arg1, %mul3A_10 : i32
      %add3A = arith.constant 0 : i32
      %add3A_12 = arith.addi %mul3A_11, %add3A : i32
      "tpu.region"() ({
        %run_scoped3A_82 = tpu.sem_alloc : memref<!tpu.dma_semaphore, #tpu.memory_space<semaphore_mem>>
        %dma_start3A_83 = tpu.memref_slice %arg2[%add3A_12] : memref<163840xi32, #tpu.memory_space<hbm>> -> memref<5120xi32, #tpu.memory_space<hbm>>
        %dma_start3A_84 = tpu.memref_slice %arg2[%add3A_12] : memref<163840xi32, #tpu.memory_space<hbm>> -> memref<5120xi32, #tpu.memory_space<hbm>>
        tpu.enqueue_dma source(%dma_start3A_84 : memref<5120xi32, #tpu.memory_space<hbm>>) target(%arg6 : memref<5120xi32, #tpu.memory_space<vmem>>) target_semaphore(%run_scoped3A_82 : memref<!tpu.dma_semaphore, #tpu.memory_space<semaphore_mem>>)
        %dma_wait3A = tpu.memref_slice %arg2[%add3A_12] : memref<163840xi32, #tpu.memory_space<hbm>> -> memref<5120xi32, #tpu.memory_space<hbm>>
        %dma_wait3A_85 = tpu.memref_slice %arg2[%add3A_12] : memref<163840xi32, #tpu.memory_space<hbm>> -> memref<5120xi32, #tpu.memory_space<hbm>>
        tpu.wait_dma2 semaphore(%run_scoped3A_82 : memref<!tpu.dma_semaphore, #tpu.memory_space<semaphore_mem>>) src(%dma_wait3A_85 : memref<5120xi32, #tpu.memory_space<hbm>>) dst(%arg6 : memref<5120xi32, #tpu.memory_space<vmem>>)
        tpu.yield
      }) : () -> ()
      %mul3A_13 = arith.constant 10240 : i32
      %mul3A_14 = arith.muli %arg1, %mul3A_13 : i32
      %add3A_15 = arith.constant 0 : i32
      %add3A_16 = arith.addi %mul3A_14, %add3A_15 : i32
      "tpu.region"() ({
        %run_scoped3A_82 = tpu.sem_alloc : memref<!tpu.dma_semaphore, #tpu.memory_space<semaphore_mem>>
        %dma_start3A_83 = tpu.memref_slice %arg3[%add3A_16] : memref<163840xi32, #tpu.memory_space<hbm>> -> memref<5120xi32, #tpu.memory_space<hbm>>
        %dma_start3A_84 = tpu.memref_slice %arg3[%add3A_16] : memref<163840xi32, #tpu.memory_space<hbm>> -> memref<5120xi32, #tpu.memory_space<hbm>>
        tpu.enqueue_dma source(%dma_start3A_84 : memref<5120xi32, #tpu.memory_space<hbm>>) target(%arg7 : memref<5120xi32, #tpu.memory_space<vmem>>) target_semaphore(%run_scoped3A_82 : memref<!tpu.dma_semaphore, #tpu.memory_space<semaphore_mem>>)
        %dma_wait3A = tpu.memref_slice %arg3[%add3A_16] : memref<163840xi32, #tpu.memory_space<hbm>> -> memref<5120xi32, #tpu.memory_space<hbm>>
        %dma_wait3A_85 = tpu.memref_slice %arg3[%add3A_16] : memref<163840xi32, #tpu.memory_space<hbm>> -> memref<5120xi32, #tpu.memory_space<hbm>>
        tpu.wait_dma2 semaphore(%run_scoped3A_82 : memref<!tpu.dma_semaphore, #tpu.memory_space<semaphore_mem>>) src(%dma_wait3A_85 : memref<5120xi32, #tpu.memory_space<hbm>>) dst(%arg7 : memref<5120xi32, #tpu.memory_space<vmem>>)
        tpu.yield
      }) : () -> ()
      %dma_start3A = arith.constant 0 : i32
      %dma_start3A_17 = arith.constant 0 : i32
      %dma_start3A_18 = tpu.memref_slice %arg6[%dma_start3A_17] : memref<5120xi32, #tpu.memory_space<vmem>> -> memref<128xi32, #tpu.memory_space<vmem>>
      %dma_start3A_19 = arith.constant 0 : i32
      %dma_start3A_20 = arith.constant 0 : i32
      %dma_start3A_21 = tpu.memref_slice %arg4[%dma_start3A, %dma_start3A_19, %dma_start3A_20] : memref<2x10240x128xf32, #tpu.memory_space<hbm>> -> memref<1x10240x128xf32, #tpu.memory_space<hbm>>
      %dma_start3A_22 = tpu.memref_squeeze %dma_start3A_21 : memref<1x10240x128xf32, #tpu.memory_space<hbm>> -> memref<10240x128xf32, #tpu.memory_space<hbm>>
      %dma_start3A_23 = arith.constant 0 : i32
      %dma_start3A_24 = arith.constant 0 : i32
      %dma_start3A_25 = tpu.memref_slice %dma_start3A_22[%dma_start3A_23, %dma_start3A_24] : memref<10240x128xf32, #tpu.memory_space<hbm>> -> memref<10240x128xf32, #tpu.memory_space<hbm>>
      tpu.enqueue_indirect_dma source(%dma_start3A_25 : memref<10240x128xf32, #tpu.memory_space<hbm>>) target(%arg8 : memref<128x128xf32, #tpu.memory_space<vmem>>) offsets(%dma_start3A_18 : memref<128xi32, #tpu.memory_space<vmem>>) semaphore(%arg11 : memref<!tpu.dma_semaphore, #tpu.memory_space<semaphore_mem>>)
      %dma_start3A_26 = arith.constant 0 : i32
      %dma_start3A_27 = arith.constant 128 : i32
      %dma_start3A_28 = tpu.memref_slice %arg6[%dma_start3A_27] : memref<5120xi32, #tpu.memory_space<vmem>> -> memref<128xi32, #tpu.memory_space<vmem>>
      %dma_start3A_29 = arith.constant 0 : i32
      %dma_start3A_30 = arith.constant 0 : i32
      %dma_start3A_31 = tpu.memref_slice %arg4[%dma_start3A_26, %dma_start3A_29, %dma_start3A_30] : memref<2x10240x128xf32, #tpu.memory_space<hbm>> -> memref<1x10240x128xf32, #tpu.memory_space<hbm>>
      %dma_start3A_32 = tpu.memref_squeeze %dma_start3A_31 : memref<1x10240x128xf32, #tpu.memory_space<hbm>> -> memref<10240x128xf32, #tpu.memory_space<hbm>>
      %dma_start3A_33 = arith.constant 0 : i32
      %dma_start3A_34 = arith.constant 0 : i32
      %dma_start3A_35 = tpu.memref_slice %dma_start3A_32[%dma_start3A_33, %dma_start3A_34] : memref<10240x128xf32, #tpu.memory_space<hbm>> -> memref<10240x128xf32, #tpu.memory_space<hbm>>
      tpu.enqueue_indirect_dma source(%dma_start3A_35 : memref<10240x128xf32, #tpu.memory_space<hbm>>) target(%arg9 : memref<128x128xf32, #tpu.memory_space<vmem>>) offsets(%dma_start3A_28 : memref<128xi32, #tpu.memory_space<vmem>>) semaphore(%arg12 : memref<!tpu.dma_semaphore, #tpu.memory_space<semaphore_mem>>)
      %scan3A = arith.constant 0 : i32
      %scan3A_36 = arith.constant 0 : i32
      %scan3A_37 = arith.constant 0 : i32
      %scan3A_38 = arith.constant 20 : i32
      %scan3A_39 = arith.addi %scan3A_37, %scan3A_38 : i32
      %scan3A_40 = arith.constant 1 : i32
      scf.for %scan3A_82 = %scan3A_37 to %scan3A_39 step %scan3A_40  : i32 {
        %mul3A_83 = arith.constant 2 : i32
        %mul3A_84 = arith.muli %scan3A_82, %mul3A_83 : i32
        %mul3A_85 = arith.constant 128 : i32
        %mul3A_86 = arith.muli %mul3A_84, %mul3A_85 : i32
        %dma_wait3A = arith.constant 0 : i32
        %dma_wait3A_87 = tpu.memref_slice %arg6[%dma_wait3A] : memref<5120xi32, #tpu.memory_space<vmem>> -> memref<128xi32, #tpu.memory_space<vmem>>
        %dma_wait3A_88 = arith.constant 0 : i32
        %dma_wait3A_89 = arith.constant 0 : i32
        %dma_wait3A_90 = tpu.memref_slice %arg4[%scan3A_36, %dma_wait3A_88, %dma_wait3A_89] : memref<2x10240x128xf32, #tpu.memory_space<hbm>> -> memref<1x10240x128xf32, #tpu.memory_space<hbm>>
        %dma_wait3A_91 = tpu.memref_squeeze %dma_wait3A_90 : memref<1x10240x128xf32, #tpu.memory_space<hbm>> -> memref<10240x128xf32, #tpu.memory_space<hbm>>
        %dma_wait3A_92 = arith.constant 0 : i32
        %dma_wait3A_93 = arith.constant 0 : i32
        %dma_wait3A_94 = tpu.memref_slice %dma_wait3A_91[%dma_wait3A_92, %dma_wait3A_93] : memref<10240x128xf32, #tpu.memory_space<hbm>> -> memref<10240x128xf32, #tpu.memory_space<hbm>>
        tpu.wait_indirect_dma semaphore(%arg11 : memref<!tpu.dma_semaphore, #tpu.memory_space<semaphore_mem>>) src(%dma_wait3A_94 : memref<10240x128xf32, #tpu.memory_space<hbm>>) dst(%arg8 : memref<128x128xf32, #tpu.memory_space<vmem>>)
        %mul3A_95 = arith.constant 2 : i32
        %mul3A_96 = arith.muli %mul3A_95, %scan3A_82 : i32
        %mul3A_97 = arith.constant 128 : i32
        %mul3A_98 = arith.muli %mul3A_96, %mul3A_97 : i32
        "tpu.region"() ({
          %run_scoped3A_123 = tpu.sem_alloc : memref<!tpu.dma_semaphore, #tpu.memory_space<semaphore_mem>>
          %dma_start3A_124 = tpu.memref_slice %arg7[%mul3A_98] : memref<5120xi32, #tpu.memory_space<vmem>> -> memref<128xi32, #tpu.memory_space<vmem>>
          %dma_start3A_125 = arith.constant 0 : i32
          %dma_start3A_126 = arith.constant 0 : i32
          %dma_start3A_127 = tpu.memref_slice %arg10[%dma_start3A_125, %dma_start3A_126] : memref<10240x128xf32, #tpu.memory_space<vmem_shared>> -> memref<10240x128xf32, #tpu.memory_space<vmem_shared>>
          tpu.enqueue_indirect_dma source(%arg8 : memref<128x128xf32, #tpu.memory_space<vmem>>) target(%dma_start3A_127 : memref<10240x128xf32, #tpu.memory_space<vmem_shared>>) offsets(%dma_start3A_124 : memref<128xi32, #tpu.memory_space<vmem>>) semaphore(%run_scoped3A_123 : memref<!tpu.dma_semaphore, #tpu.memory_space<semaphore_mem>>) {add = true}
          %dma_wait3A_128 = tpu.memref_slice %arg7[%mul3A_98] : memref<5120xi32, #tpu.memory_space<vmem>> -> memref<128xi32, #tpu.memory_space<vmem>>
          %dma_wait3A_129 = arith.constant 0 : i32
          %dma_wait3A_130 = arith.constant 0 : i32
          %dma_wait3A_131 = tpu.memref_slice %arg10[%dma_wait3A_129, %dma_wait3A_130] : memref<10240x128xf32, #tpu.memory_space<vmem_shared>> -> memref<10240x128xf32, #tpu.memory_space<vmem_shared>>
          tpu.wait_indirect_dma semaphore(%run_scoped3A_123 : memref<!tpu.dma_semaphore, #tpu.memory_space<semaphore_mem>>) src(%arg8 : memref<128x128xf32, #tpu.memory_space<vmem>>) dst(%dma_wait3A_131 : memref<10240x128xf32, #tpu.memory_space<vmem_shared>>)
          tpu.yield
        }) : () -> ()
        %lt3A = arith.constant 19 : i32
        %lt3A_99 = arith.cmpi slt, %scan3A_82, %lt3A : i32
        %convert_element_type3A_100 = arith.extui %lt3A_99 : i1 to i32
        %cond3A_101 = arith.constant 0 : i32
        %cond3A_102 = arith.cmpi ne, %convert_element_type3A_100, %cond3A_101 : i32
        scf.if %cond3A_102 {
          %add3A_123 = arith.constant 256 : i32
          %add3A_124 = arith.addi %mul3A_86, %add3A_123 : i32
          %dma_start3A_125 = tpu.memref_slice %arg6[%add3A_124] : memref<5120xi32, #tpu.memory_space<vmem>> -> memref<128xi32, #tpu.memory_space<vmem>>
          %dma_start3A_126 = arith.constant 0 : i32
          %dma_start3A_127 = arith.constant 0 : i32
          %dma_start3A_128 = tpu.memref_slice %arg4[%scan3A_36, %dma_start3A_126, %dma_start3A_127] : memref<2x10240x128xf32, #tpu.memory_space<hbm>> -> memref<1x10240x128xf32, #tpu.memory_space<hbm>>
          %dma_start3A_129 = tpu.memref_squeeze %dma_start3A_128 : memref<1x10240x128xf32, #tpu.memory_space<hbm>> -> memref<10240x128xf32, #tpu.memory_space<hbm>>
          %dma_start3A_130 = arith.constant 0 : i32
          %dma_start3A_131 = arith.constant 0 : i32
          %dma_start3A_132 = tpu.memref_slice %dma_start3A_129[%dma_start3A_130, %dma_start3A_131] : memref<10240x128xf32, #tpu.memory_space<hbm>> -> memref<10240x128xf32, #tpu.memory_space<hbm>>
          tpu.enqueue_indirect_dma source(%dma_start3A_132 : memref<10240x128xf32, #tpu.memory_space<hbm>>) target(%arg8 : memref<128x128xf32, #tpu.memory_space<vmem>>) offsets(%dma_start3A_125 : memref<128xi32, #tpu.memory_space<vmem>>) semaphore(%arg11 : memref<!tpu.dma_semaphore, #tpu.memory_space<semaphore_mem>>)
        } else {
        }
        %dma_wait3A_103 = arith.constant 0 : i32
        %dma_wait3A_104 = tpu.memref_slice %arg6[%dma_wait3A_103] : memref<5120xi32, #tpu.memory_space<vmem>> -> memref<128xi32, #tpu.memory_space<vmem>>
        %dma_wait3A_105 = arith.constant 0 : i32
        %dma_wait3A_106 = arith.constant 0 : i32
        %dma_wait3A_107 = tpu.memref_slice %arg4[%scan3A_36, %dma_wait3A_105, %dma_wait3A_106] : memref<2x10240x128xf32, #tpu.memory_space<hbm>> -> memref<1x10240x128xf32, #tpu.memory_space<hbm>>
        %dma_wait3A_108 = tpu.memref_squeeze %dma_wait3A_107 : memref<1x10240x128xf32, #tpu.memory_space<hbm>> -> memref<10240x128xf32, #tpu.memory_space<hbm>>
        %dma_wait3A_109 = arith.constant 0 : i32
        %dma_wait3A_110 = arith.constant 0 : i32
        %dma_wait3A_111 = tpu.memref_slice %dma_wait3A_108[%dma_wait3A_109, %dma_wait3A_110] : memref<10240x128xf32, #tpu.memory_space<hbm>> -> memref<10240x128xf32, #tpu.memory_space<hbm>>
        tpu.wait_indirect_dma semaphore(%arg12 : memref<!tpu.dma_semaphore, #tpu.memory_space<semaphore_mem>>) src(%dma_wait3A_111 : memref<10240x128xf32, #tpu.memory_space<hbm>>) dst(%arg9 : memref<128x128xf32, #tpu.memory_space<vmem>>)
        %mul3A_112 = arith.constant 2 : i32
        %mul3A_113 = arith.muli %mul3A_112, %scan3A_82 : i32
        %add3A_114 = arith.constant 1 : i32
        %add3A_115 = arith.addi %mul3A_113, %add3A_114 : i32
        %mul3A_116 = arith.constant 128 : i32
        %mul3A_117 = arith.muli %add3A_115, %mul3A_116 : i32
        "tpu.region"() ({
          %run_scoped3A_123 = tpu.sem_alloc : memref<!tpu.dma_semaphore, #tpu.memory_space<semaphore_mem>>
          %dma_start3A_124 = tpu.memref_slice %arg7[%mul3A_117] : memref<5120xi32, #tpu.memory_space<vmem>> -> memref<128xi32, #tpu.memory_space<vmem>>
          %dma_start3A_125 = arith.constant 0 : i32
          %dma_start3A_126 = arith.constant 0 : i32
          %dma_start3A_127 = tpu.memref_slice %arg10[%dma_start3A_125, %dma_start3A_126] : memref<10240x128xf32, #tpu.memory_space<vmem_shared>> -> memref<10240x128xf32, #tpu.memory_space<vmem_shared>>
          tpu.enqueue_indirect_dma source(%arg9 : memref<128x128xf32, #tpu.memory_space<vmem>>) target(%dma_start3A_127 : memref<10240x128xf32, #tpu.memory_space<vmem_shared>>) offsets(%dma_start3A_124 : memref<128xi32, #tpu.memory_space<vmem>>) semaphore(%run_scoped3A_123 : memref<!tpu.dma_semaphore, #tpu.memory_space<semaphore_mem>>) {add = true}
          %dma_wait3A_128 = tpu.memref_slice %arg7[%mul3A_117] : memref<5120xi32, #tpu.memory_space<vmem>> -> memref<128xi32, #tpu.memory_space<vmem>>
          %dma_wait3A_129 = arith.constant 0 : i32
          %dma_wait3A_130 = arith.constant 0 : i32
          %dma_wait3A_131 = tpu.memref_slice %arg10[%dma_wait3A_129, %dma_wait3A_130] : memref<10240x128xf32, #tpu.memory_space<vmem_shared>> -> memref<10240x128xf32, #tpu.memory_space<vmem_shared>>
          tpu.wait_indirect_dma semaphore(%run_scoped3A_123 : memref<!tpu.dma_semaphore, #tpu.memory_space<semaphore_mem>>) src(%arg9 : memref<128x128xf32, #tpu.memory_space<vmem>>) dst(%dma_wait3A_131 : memref<10240x128xf32, #tpu.memory_space<vmem_shared>>)
          tpu.yield
        }) : () -> ()
        %lt3A_118 = arith.constant 19 : i32
        %lt3A_119 = arith.cmpi slt, %scan3A_82, %lt3A_118 : i32
        %convert_element_type3A_120 = arith.extui %lt3A_119 : i1 to i32
        %cond3A_121 = arith.constant 0 : i32
        %cond3A_122 = arith.cmpi ne, %convert_element_type3A_120, %cond3A_121 : i32
        scf.if %cond3A_122 {
          %add3A_123 = arith.constant 384 : i32
          %add3A_124 = arith.addi %mul3A_86, %add3A_123 : i32
          %dma_start3A_125 = tpu.memref_slice %arg6[%add3A_124] : memref<5120xi32, #tpu.memory_space<vmem>> -> memref<128xi32, #tpu.memory_space<vmem>>
          %dma_start3A_126 = arith.constant 0 : i32
          %dma_start3A_127 = arith.constant 0 : i32
          %dma_start3A_128 = tpu.memref_slice %arg4[%scan3A_36, %dma_start3A_126, %dma_start3A_127] : memref<2x10240x128xf32, #tpu.memory_space<hbm>> -> memref<1x10240x128xf32, #tpu.memory_space<hbm>>
          %dma_start3A_129 = tpu.memref_squeeze %dma_start3A_128 : memref<1x10240x128xf32, #tpu.memory_space<hbm>> -> memref<10240x128xf32, #tpu.memory_space<hbm>>
          %dma_start3A_130 = arith.constant 0 : i32
          %dma_start3A_131 = arith.constant 0 : i32
          %dma_start3A_132 = tpu.memref_slice %dma_start3A_129[%dma_start3A_130, %dma_start3A_131] : memref<10240x128xf32, #tpu.memory_space<hbm>> -> memref<10240x128xf32, #tpu.memory_space<hbm>>
          tpu.enqueue_indirect_dma source(%dma_start3A_132 : memref<10240x128xf32, #tpu.memory_space<hbm>>) target(%arg9 : memref<128x128xf32, #tpu.memory_space<vmem>>) offsets(%dma_start3A_125 : memref<128xi32, #tpu.memory_space<vmem>>) semaphore(%arg12 : memref<!tpu.dma_semaphore, #tpu.memory_space<semaphore_mem>>)
        } else {
        }
      }
      %scan3A_41 = arith.constant 20 : i32
      %mul3A_42 = arith.constant 10240 : i32
      %mul3A_43 = arith.muli %arg1, %mul3A_42 : i32
      %add3A_44 = arith.constant 5120 : i32
      %add3A_45 = arith.addi %mul3A_43, %add3A_44 : i32
      "tpu.region"() ({
        %run_scoped3A_82 = tpu.sem_alloc : memref<!tpu.dma_semaphore, #tpu.memory_space<semaphore_mem>>
        %dma_start3A_83 = tpu.memref_slice %arg2[%add3A_45] : memref<163840xi32, #tpu.memory_space<hbm>> -> memref<5120xi32, #tpu.memory_space<hbm>>
        %dma_start3A_84 = tpu.memref_slice %arg2[%add3A_45] : memref<163840xi32, #tpu.memory_space<hbm>> -> memref<5120xi32, #tpu.memory_space<hbm>>
        tpu.enqueue_dma source(%dma_start3A_84 : memref<5120xi32, #tpu.memory_space<hbm>>) target(%arg6 : memref<5120xi32, #tpu.memory_space<vmem>>) target_semaphore(%run_scoped3A_82 : memref<!tpu.dma_semaphore, #tpu.memory_space<semaphore_mem>>)
        %dma_wait3A = tpu.memref_slice %arg2[%add3A_45] : memref<163840xi32, #tpu.memory_space<hbm>> -> memref<5120xi32, #tpu.memory_space<hbm>>
        %dma_wait3A_85 = tpu.memref_slice %arg2[%add3A_45] : memref<163840xi32, #tpu.memory_space<hbm>> -> memref<5120xi32, #tpu.memory_space<hbm>>
        tpu.wait_dma2 semaphore(%run_scoped3A_82 : memref<!tpu.dma_semaphore, #tpu.memory_space<semaphore_mem>>) src(%dma_wait3A_85 : memref<5120xi32, #tpu.memory_space<hbm>>) dst(%arg6 : memref<5120xi32, #tpu.memory_space<vmem>>)
        tpu.yield
      }) : () -> ()
      %mul3A_46 = arith.constant 10240 : i32
      %mul3A_47 = arith.muli %arg1, %mul3A_46 : i32
      %add3A_48 = arith.constant 5120 : i32
      %add3A_49 = arith.addi %mul3A_47, %add3A_48 : i32
      "tpu.region"() ({
        %run_scoped3A_82 = tpu.sem_alloc : memref<!tpu.dma_semaphore, #tpu.memory_space<semaphore_mem>>
        %dma_start3A_83 = tpu.memref_slice %arg3[%add3A_49] : memref<163840xi32, #tpu.memory_space<hbm>> -> memref<5120xi32, #tpu.memory_space<hbm>>
        %dma_start3A_84 = tpu.memref_slice %arg3[%add3A_49] : memref<163840xi32, #tpu.memory_space<hbm>> -> memref<5120xi32, #tpu.memory_space<hbm>>
        tpu.enqueue_dma source(%dma_start3A_84 : memref<5120xi32, #tpu.memory_space<hbm>>) target(%arg7 : memref<5120xi32, #tpu.memory_space<vmem>>) target_semaphore(%run_scoped3A_82 : memref<!tpu.dma_semaphore, #tpu.memory_space<semaphore_mem>>)
        %dma_wait3A = tpu.memref_slice %arg3[%add3A_49] : memref<163840xi32, #tpu.memory_space<hbm>> -> memref<5120xi32, #tpu.memory_space<hbm>>
        %dma_wait3A_85 = tpu.memref_slice %arg3[%add3A_49] : memref<163840xi32, #tpu.memory_space<hbm>> -> memref<5120xi32, #tpu.memory_space<hbm>>
        tpu.wait_dma2 semaphore(%run_scoped3A_82 : memref<!tpu.dma_semaphore, #tpu.memory_space<semaphore_mem>>) src(%dma_wait3A_85 : memref<5120xi32, #tpu.memory_space<hbm>>) dst(%arg7 : memref<5120xi32, #tpu.memory_space<vmem>>)
        tpu.yield
      }) : () -> ()
      %dma_start3A_50 = arith.constant 0 : i32
      %dma_start3A_51 = arith.constant 0 : i32
      %dma_start3A_52 = tpu.memref_slice %arg6[%dma_start3A_51] : memref<5120xi32, #tpu.memory_space<vmem>> -> memref<128xi32, #tpu.memory_space<vmem>>
      %dma_start3A_53 = arith.constant 0 : i32
      %dma_start3A_54 = arith.constant 0 : i32
      %dma_start3A_55 = tpu.memref_slice %arg4[%dma_start3A_50, %dma_start3A_53, %dma_start3A_54] : memref<2x10240x128xf32, #tpu.memory_space<hbm>> -> memref<1x10240x128xf32, #tpu.memory_space<hbm>>
      %dma_start3A_56 = tpu.memref_squeeze %dma_start3A_55 : memref<1x10240x128xf32, #tpu.memory_space<hbm>> -> memref<10240x128xf32, #tpu.memory_space<hbm>>
      %dma_start3A_57 = arith.constant 0 : i32
      %dma_start3A_58 = arith.constant 0 : i32
      %dma_start3A_59 = tpu.memref_slice %dma_start3A_56[%dma_start3A_57, %dma_start3A_58] : memref<10240x128xf32, #tpu.memory_space<hbm>> -> memref<10240x128xf32, #tpu.memory_space<hbm>>
      tpu.enqueue_indirect_dma source(%dma_start3A_59 : memref<10240x128xf32, #tpu.memory_space<hbm>>) target(%arg8 : memref<128x128xf32, #tpu.memory_space<vmem>>) offsets(%dma_start3A_52 : memref<128xi32, #tpu.memory_space<vmem>>) semaphore(%arg11 : memref<!tpu.dma_semaphore, #tpu.memory_space<semaphore_mem>>)
      %dma_start3A_60 = arith.constant 0 : i32
      %dma_start3A_61 = arith.constant 128 : i32
      %dma_start3A_62 = tpu.memref_slice %arg6[%dma_start3A_61] : memref<5120xi32, #tpu.memory_space<vmem>> -> memref<128xi32, #tpu.memory_space<vmem>>
      %dma_start3A_63 = arith.constant 0 : i32
      %dma_start3A_64 = arith.constant 0 : i32
      %dma_start3A_65 = tpu.memref_slice %arg4[%dma_start3A_60, %dma_start3A_63, %dma_start3A_64] : memref<2x10240x128xf32, #tpu.memory_space<hbm>> -> memref<1x10240x128xf32, #tpu.memory_space<hbm>>
      %dma_start3A_66 = tpu.memref_squeeze %dma_start3A_65 : memref<1x10240x128xf32, #tpu.memory_space<hbm>> -> memref<10240x128xf32, #tpu.memory_space<hbm>>
      %dma_start3A_67 = arith.constant 0 : i32
      %dma_start3A_68 = arith.constant 0 : i32
      %dma_start3A_69 = tpu.memref_slice %dma_start3A_66[%dma_start3A_67, %dma_start3A_68] : memref<10240x128xf32, #tpu.memory_space<hbm>> -> memref<10240x128xf32, #tpu.memory_space<hbm>>
      tpu.enqueue_indirect_dma source(%dma_start3A_69 : memref<10240x128xf32, #tpu.memory_space<hbm>>) target(%arg9 : memref<128x128xf32, #tpu.memory_space<vmem>>) offsets(%dma_start3A_62 : memref<128xi32, #tpu.memory_space<vmem>>) semaphore(%arg12 : memref<!tpu.dma_semaphore, #tpu.memory_space<semaphore_mem>>)
      %scan3A_70 = arith.constant 0 : i32
      %scan3A_71 = arith.constant 0 : i32
      %scan3A_72 = arith.constant 0 : i32
      %scan3A_73 = arith.constant 20 : i32
      %scan3A_74 = arith.addi %scan3A_72, %scan3A_73 : i32
      %scan3A_75 = arith.constant 1 : i32
      scf.for %scan3A_82 = %scan3A_72 to %scan3A_74 step %scan3A_75  : i32 {
        %mul3A_83 = arith.constant 2 : i32
        %mul3A_84 = arith.muli %scan3A_82, %mul3A_83 : i32
        %mul3A_85 = arith.constant 128 : i32
        %mul3A_86 = arith.muli %mul3A_84, %mul3A_85 : i32
        %dma_wait3A = arith.constant 0 : i32
        %dma_wait3A_87 = tpu.memref_slice %arg6[%dma_wait3A] : memref<5120xi32, #tpu.memory_space<vmem>> -> memref<128xi32, #tpu.memory_space<vmem>>
        %dma_wait3A_88 = arith.constant 0 : i32
        %dma_wait3A_89 = arith.constant 0 : i32
        %dma_wait3A_90 = tpu.memref_slice %arg4[%scan3A_71, %dma_wait3A_88, %dma_wait3A_89] : memref<2x10240x128xf32, #tpu.memory_space<hbm>> -> memref<1x10240x128xf32, #tpu.memory_space<hbm>>
        %dma_wait3A_91 = tpu.memref_squeeze %dma_wait3A_90 : memref<1x10240x128xf32, #tpu.memory_space<hbm>> -> memref<10240x128xf32, #tpu.memory_space<hbm>>
        %dma_wait3A_92 = arith.constant 0 : i32
        %dma_wait3A_93 = arith.constant 0 : i32
        %dma_wait3A_94 = tpu.memref_slice %dma_wait3A_91[%dma_wait3A_92, %dma_wait3A_93] : memref<10240x128xf32, #tpu.memory_space<hbm>> -> memref<10240x128xf32, #tpu.memory_space<hbm>>
        tpu.wait_indirect_dma semaphore(%arg11 : memref<!tpu.dma_semaphore, #tpu.memory_space<semaphore_mem>>) src(%dma_wait3A_94 : memref<10240x128xf32, #tpu.memory_space<hbm>>) dst(%arg8 : memref<128x128xf32, #tpu.memory_space<vmem>>)
        %mul3A_95 = arith.constant 2 : i32
        %mul3A_96 = arith.muli %mul3A_95, %scan3A_82 : i32
        %mul3A_97 = arith.constant 128 : i32
        %mul3A_98 = arith.muli %mul3A_96, %mul3A_97 : i32
        "tpu.region"() ({
          %run_scoped3A_123 = tpu.sem_alloc : memref<!tpu.dma_semaphore, #tpu.memory_space<semaphore_mem>>
          %dma_start3A_124 = tpu.memref_slice %arg7[%mul3A_98] : memref<5120xi32, #tpu.memory_space<vmem>> -> memref<128xi32, #tpu.memory_space<vmem>>
          %dma_start3A_125 = arith.constant 0 : i32
          %dma_start3A_126 = arith.constant 0 : i32
          %dma_start3A_127 = tpu.memref_slice %arg10[%dma_start3A_125, %dma_start3A_126] : memref<10240x128xf32, #tpu.memory_space<vmem_shared>> -> memref<10240x128xf32, #tpu.memory_space<vmem_shared>>
          tpu.enqueue_indirect_dma source(%arg8 : memref<128x128xf32, #tpu.memory_space<vmem>>) target(%dma_start3A_127 : memref<10240x128xf32, #tpu.memory_space<vmem_shared>>) offsets(%dma_start3A_124 : memref<128xi32, #tpu.memory_space<vmem>>) semaphore(%run_scoped3A_123 : memref<!tpu.dma_semaphore, #tpu.memory_space<semaphore_mem>>) {add = true}
          %dma_wait3A_128 = tpu.memref_slice %arg7[%mul3A_98] : memref<5120xi32, #tpu.memory_space<vmem>> -> memref<128xi32, #tpu.memory_space<vmem>>
          %dma_wait3A_129 = arith.constant 0 : i32
          %dma_wait3A_130 = arith.constant 0 : i32
          %dma_wait3A_131 = tpu.memref_slice %arg10[%dma_wait3A_129, %dma_wait3A_130] : memref<10240x128xf32, #tpu.memory_space<vmem_shared>> -> memref<10240x128xf32, #tpu.memory_space<vmem_shared>>
          tpu.wait_indirect_dma semaphore(%run_scoped3A_123 : memref<!tpu.dma_semaphore, #tpu.memory_space<semaphore_mem>>) src(%arg8 : memref<128x128xf32, #tpu.memory_space<vmem>>) dst(%dma_wait3A_131 : memref<10240x128xf32, #tpu.memory_space<vmem_shared>>)
          tpu.yield
        }) : () -> ()
        %lt3A = arith.constant 19 : i32
        %lt3A_99 = arith.cmpi slt, %scan3A_82, %lt3A : i32
        %convert_element_type3A_100 = arith.extui %lt3A_99 : i1 to i32
        %cond3A_101 = arith.constant 0 : i32
        %cond3A_102 = arith.cmpi ne, %convert_element_type3A_100, %cond3A_101 : i32
        scf.if %cond3A_102 {
          %add3A_123 = arith.constant 256 : i32
          %add3A_124 = arith.addi %mul3A_86, %add3A_123 : i32
          %dma_start3A_125 = tpu.memref_slice %arg6[%add3A_124] : memref<5120xi32, #tpu.memory_space<vmem>> -> memref<128xi32, #tpu.memory_space<vmem>>
          %dma_start3A_126 = arith.constant 0 : i32
          %dma_start3A_127 = arith.constant 0 : i32
          %dma_start3A_128 = tpu.memref_slice %arg4[%scan3A_71, %dma_start3A_126, %dma_start3A_127] : memref<2x10240x128xf32, #tpu.memory_space<hbm>> -> memref<1x10240x128xf32, #tpu.memory_space<hbm>>
          %dma_start3A_129 = tpu.memref_squeeze %dma_start3A_128 : memref<1x10240x128xf32, #tpu.memory_space<hbm>> -> memref<10240x128xf32, #tpu.memory_space<hbm>>
          %dma_start3A_130 = arith.constant 0 : i32
          %dma_start3A_131 = arith.constant 0 : i32
          %dma_start3A_132 = tpu.memref_slice %dma_start3A_129[%dma_start3A_130, %dma_start3A_131] : memref<10240x128xf32, #tpu.memory_space<hbm>> -> memref<10240x128xf32, #tpu.memory_space<hbm>>
          tpu.enqueue_indirect_dma source(%dma_start3A_132 : memref<10240x128xf32, #tpu.memory_space<hbm>>) target(%arg8 : memref<128x128xf32, #tpu.memory_space<vmem>>) offsets(%dma_start3A_125 : memref<128xi32, #tpu.memory_space<vmem>>) semaphore(%arg11 : memref<!tpu.dma_semaphore, #tpu.memory_space<semaphore_mem>>)
        } else {
        }
        %dma_wait3A_103 = arith.constant 0 : i32
        %dma_wait3A_104 = tpu.memref_slice %arg6[%dma_wait3A_103] : memref<5120xi32, #tpu.memory_space<vmem>> -> memref<128xi32, #tpu.memory_space<vmem>>
        %dma_wait3A_105 = arith.constant 0 : i32
        %dma_wait3A_106 = arith.constant 0 : i32
        %dma_wait3A_107 = tpu.memref_slice %arg4[%scan3A_71, %dma_wait3A_105, %dma_wait3A_106] : memref<2x10240x128xf32, #tpu.memory_space<hbm>> -> memref<1x10240x128xf32, #tpu.memory_space<hbm>>
        %dma_wait3A_108 = tpu.memref_squeeze %dma_wait3A_107 : memref<1x10240x128xf32, #tpu.memory_space<hbm>> -> memref<10240x128xf32, #tpu.memory_space<hbm>>
        %dma_wait3A_109 = arith.constant 0 : i32
        %dma_wait3A_110 = arith.constant 0 : i32
        %dma_wait3A_111 = tpu.memref_slice %dma_wait3A_108[%dma_wait3A_109, %dma_wait3A_110] : memref<10240x128xf32, #tpu.memory_space<hbm>> -> memref<10240x128xf32, #tpu.memory_space<hbm>>
        tpu.wait_indirect_dma semaphore(%arg12 : memref<!tpu.dma_semaphore, #tpu.memory_space<semaphore_mem>>) src(%dma_wait3A_111 : memref<10240x128xf32, #tpu.memory_space<hbm>>) dst(%arg9 : memref<128x128xf32, #tpu.memory_space<vmem>>)
        %mul3A_112 = arith.constant 2 : i32
        %mul3A_113 = arith.muli %mul3A_112, %scan3A_82 : i32
        %add3A_114 = arith.constant 1 : i32
        %add3A_115 = arith.addi %mul3A_113, %add3A_114 : i32
        %mul3A_116 = arith.constant 128 : i32
        %mul3A_117 = arith.muli %add3A_115, %mul3A_116 : i32
        "tpu.region"() ({
          %run_scoped3A_123 = tpu.sem_alloc : memref<!tpu.dma_semaphore, #tpu.memory_space<semaphore_mem>>
          %dma_start3A_124 = tpu.memref_slice %arg7[%mul3A_117] : memref<5120xi32, #tpu.memory_space<vmem>> -> memref<128xi32, #tpu.memory_space<vmem>>
          %dma_start3A_125 = arith.constant 0 : i32
          %dma_start3A_126 = arith.constant 0 : i32
          %dma_start3A_127 = tpu.memref_slice %arg10[%dma_start3A_125, %dma_start3A_126] : memref<10240x128xf32, #tpu.memory_space<vmem_shared>> -> memref<10240x128xf32, #tpu.memory_space<vmem_shared>>
          tpu.enqueue_indirect_dma source(%arg9 : memref<128x128xf32, #tpu.memory_space<vmem>>) target(%dma_start3A_127 : memref<10240x128xf32, #tpu.memory_space<vmem_shared>>) offsets(%dma_start3A_124 : memref<128xi32, #tpu.memory_space<vmem>>) semaphore(%run_scoped3A_123 : memref<!tpu.dma_semaphore, #tpu.memory_space<semaphore_mem>>) {add = true}
          %dma_wait3A_128 = tpu.memref_slice %arg7[%mul3A_117] : memref<5120xi32, #tpu.memory_space<vmem>> -> memref<128xi32, #tpu.memory_space<vmem>>
          %dma_wait3A_129 = arith.constant 0 : i32
          %dma_wait3A_130 = arith.constant 0 : i32
          %dma_wait3A_131 = tpu.memref_slice %arg10[%dma_wait3A_129, %dma_wait3A_130] : memref<10240x128xf32, #tpu.memory_space<vmem_shared>> -> memref<10240x128xf32, #tpu.memory_space<vmem_shared>>
          tpu.wait_indirect_dma semaphore(%run_scoped3A_123 : memref<!tpu.dma_semaphore, #tpu.memory_space<semaphore_mem>>) src(%arg9 : memref<128x128xf32, #tpu.memory_space<vmem>>) dst(%dma_wait3A_131 : memref<10240x128xf32, #tpu.memory_space<vmem_shared>>)
          tpu.yield
        }) : () -> ()
        %lt3A_118 = arith.constant 19 : i32
        %lt3A_119 = arith.cmpi slt, %scan3A_82, %lt3A_118 : i32
        %convert_element_type3A_120 = arith.extui %lt3A_119 : i1 to i32
        %cond3A_121 = arith.constant 0 : i32
        %cond3A_122 = arith.cmpi ne, %convert_element_type3A_120, %cond3A_121 : i32
        scf.if %cond3A_122 {
          %add3A_123 = arith.constant 384 : i32
          %add3A_124 = arith.addi %mul3A_86, %add3A_123 : i32
          %dma_start3A_125 = tpu.memref_slice %arg6[%add3A_124] : memref<5120xi32, #tpu.memory_space<vmem>> -> memref<128xi32, #tpu.memory_space<vmem>>
          %dma_start3A_126 = arith.constant 0 : i32
          %dma_start3A_127 = arith.constant 0 : i32
          %dma_start3A_128 = tpu.memref_slice %arg4[%scan3A_71, %dma_start3A_126, %dma_start3A_127] : memref<2x10240x128xf32, #tpu.memory_space<hbm>> -> memref<1x10240x128xf32, #tpu.memory_space<hbm>>
          %dma_start3A_129 = tpu.memref_squeeze %dma_start3A_128 : memref<1x10240x128xf32, #tpu.memory_space<hbm>> -> memref<10240x128xf32, #tpu.memory_space<hbm>>
          %dma_start3A_130 = arith.constant 0 : i32
          %dma_start3A_131 = arith.constant 0 : i32
          %dma_start3A_132 = tpu.memref_slice %dma_start3A_129[%dma_start3A_130, %dma_start3A_131] : memref<10240x128xf32, #tpu.memory_space<hbm>> -> memref<10240x128xf32, #tpu.memory_space<hbm>>
          tpu.enqueue_indirect_dma source(%dma_start3A_132 : memref<10240x128xf32, #tpu.memory_space<hbm>>) target(%arg9 : memref<128x128xf32, #tpu.memory_space<vmem>>) offsets(%dma_start3A_125 : memref<128xi32, #tpu.memory_space<vmem>>) semaphore(%arg12 : memref<!tpu.dma_semaphore, #tpu.memory_space<semaphore_mem>>)
        } else {
        }
      }
      %scan3A_76 = arith.constant 20 : i32
      %barrier3A_77 = arith.constant 0 : index
      tpu.barrier barrier_id(%barrier3A_77)
      %mul3A_78 = arith.constant 640 : i32
      %mul3A_79 = arith.muli %arg1, %mul3A_78 : i32
      %mul3A_80 = arith.constant 640 : i32
      %mul3A_81 = arith.muli %arg1, %mul3A_80 : i32
      "tpu.region"() ({
        %run_scoped3A_82 = tpu.sem_alloc : memref<!tpu.dma_semaphore, #tpu.memory_space<semaphore_mem>>
        %dma_start3A_83 = arith.constant 0 : i32
        %dma_start3A_84 = tpu.memref_slice %arg5[%arg0, %mul3A_81, %dma_start3A_83] : memref<2x10240x128xf32, #tpu.memory_space<hbm>> -> memref<1x640x128xf32, #tpu.memory_space<hbm>>
        %dma_start3A_85 = tpu.memref_squeeze %dma_start3A_84 : memref<1x640x128xf32, #tpu.memory_space<hbm>> -> memref<640x128xf32, #tpu.memory_space<hbm>>
        %dma_start3A_86 = arith.constant 0 : i32
        %dma_start3A_87 = tpu.memref_slice %arg10[%mul3A_79, %dma_start3A_86] : memref<10240x128xf32, #tpu.memory_space<vmem_shared>> -> memref<640x128xf32, #tpu.memory_space<vmem_shared>>
        tpu.enqueue_dma source(%dma_start3A_87 : memref<640x128xf32, #tpu.memory_space<vmem_shared>>) target(%dma_start3A_85 : memref<640x128xf32, #tpu.memory_space<hbm>>) target_semaphore(%run_scoped3A_82 : memref<!tpu.dma_semaphore, #tpu.memory_space<semaphore_mem>>)
        %dma_wait3A = arith.constant 0 : i32
        %dma_wait3A_88 = tpu.memref_slice %arg5[%arg0, %mul3A_81, %dma_wait3A] : memref<2x10240x128xf32, #tpu.memory_space<hbm>> -> memref<1x640x128xf32, #tpu.memory_space<hbm>>
        %dma_wait3A_89 = tpu.memref_squeeze %dma_wait3A_88 : memref<1x640x128xf32, #tpu.memory_space<hbm>> -> memref<640x128xf32, #tpu.memory_space<hbm>>
        %dma_wait3A_90 = arith.constant 0 : i32
        %dma_wait3A_91 = tpu.memref_slice %arg10[%mul3A_79, %dma_wait3A_90] : memref<10240x128xf32, #tpu.memory_space<vmem_shared>> -> memref<640x128xf32, #tpu.memory_space<vmem_shared>>
        tpu.wait_dma2 semaphore(%run_scoped3A_82 : memref<!tpu.dma_semaphore, #tpu.memory_space<semaphore_mem>>) src(%dma_wait3A_91 : memref<640x128xf32, #tpu.memory_space<vmem_shared>>) dst(%dma_wait3A_89 : memref<640x128xf32, #tpu.memory_space<hbm>>)
        tpu.yield
      }) : () -> ()
    } else {
    }
    %eq3A_2 = arith.constant 1 : i32
    %eq3A_3 = arith.cmpi eq, %arg0, %eq3A_2 : i32
    %convert_element_type3A_4 = arith.extui %eq3A_3 : i1 to i32
    %cond3A_5 = arith.constant 0 : i32
    %cond3A_6 = arith.cmpi ne, %convert_element_type3A_4, %cond3A_5 : i32
    scf.if %cond3A_6 {
      %mul3A = arith.constant 640 : i32
      %mul3A_7 = arith.muli %arg1, %mul3A : i32
      %mul3A_8 = arith.constant 640 : i32
      %mul3A_9 = arith.muli %arg1, %mul3A_8 : i32
      %run_scoped3A = arith.constant 1 : i32
      "tpu.region"() ({
        %run_scoped3A_82 = tpu.sem_alloc : memref<!tpu.dma_semaphore, #tpu.memory_space<semaphore_mem>>
        %dma_start3A_83 = arith.constant 0 : i32
        %dma_start3A_84 = tpu.memref_slice %arg10[%mul3A_9, %dma_start3A_83] : memref<10240x128xf32, #tpu.memory_space<vmem_shared>> -> memref<640x128xf32, #tpu.memory_space<vmem_shared>>
        %dma_start3A_85 = arith.constant 0 : i32
        %dma_start3A_86 = arith.constant 0 : i32
        %dma_start3A_87 = tpu.memref_slice %arg4[%run_scoped3A, %dma_start3A_85, %dma_start3A_86] : memref<2x10240x128xf32, #tpu.memory_space<hbm>> -> memref<1x10240x128xf32, #tpu.memory_space<hbm>>
        %dma_start3A_88 = tpu.memref_squeeze %dma_start3A_87 : memref<1x10240x128xf32, #tpu.memory_space<hbm>> -> memref<10240x128xf32, #tpu.memory_space<hbm>>
        %dma_start3A_89 = arith.constant 0 : i32
        %dma_start3A_90 = tpu.memref_slice %dma_start3A_88[%mul3A_7, %dma_start3A_89] : memref<10240x128xf32, #tpu.memory_space<hbm>> -> memref<640x128xf32, #tpu.memory_space<hbm>>
        tpu.enqueue_dma source(%dma_start3A_90 : memref<640x128xf32, #tpu.memory_space<hbm>>) target(%dma_start3A_84 : memref<640x128xf32, #tpu.memory_space<vmem_shared>>) target_semaphore(%run_scoped3A_82 : memref<!tpu.dma_semaphore, #tpu.memory_space<semaphore_mem>>)
        %dma_wait3A = arith.constant 0 : i32
        %dma_wait3A_91 = tpu.memref_slice %arg10[%mul3A_9, %dma_wait3A] : memref<10240x128xf32, #tpu.memory_space<vmem_shared>> -> memref<640x128xf32, #tpu.memory_space<vmem_shared>>
        %dma_wait3A_92 = arith.constant 0 : i32
        %dma_wait3A_93 = arith.constant 0 : i32
        %dma_wait3A_94 = tpu.memref_slice %arg4[%run_scoped3A, %dma_wait3A_92, %dma_wait3A_93] : memref<2x10240x128xf32, #tpu.memory_space<hbm>> -> memref<1x10240x128xf32, #tpu.memory_space<hbm>>
        %dma_wait3A_95 = tpu.memref_squeeze %dma_wait3A_94 : memref<1x10240x128xf32, #tpu.memory_space<hbm>> -> memref<10240x128xf32, #tpu.memory_space<hbm>>
        %dma_wait3A_96 = arith.constant 0 : i32
        %dma_wait3A_97 = tpu.memref_slice %dma_wait3A_95[%mul3A_7, %dma_wait3A_96] : memref<10240x128xf32, #tpu.memory_space<hbm>> -> memref<640x128xf32, #tpu.memory_space<hbm>>
        tpu.wait_dma2 semaphore(%run_scoped3A_82 : memref<!tpu.dma_semaphore, #tpu.memory_space<semaphore_mem>>) src(%dma_wait3A_97 : memref<640x128xf32, #tpu.memory_space<hbm>>) dst(%dma_wait3A_91 : memref<640x128xf32, #tpu.memory_space<vmem_shared>>)
        tpu.yield
      }) : () -> ()
      %barrier3A = arith.constant 0 : index
      tpu.barrier barrier_id(%barrier3A)
      %mul3A_10 = arith.constant 10240 : i32
      %mul3A_11 = arith.muli %arg1, %mul3A_10 : i32
      %add3A = arith.constant 0 : i32
      %add3A_12 = arith.addi %mul3A_11, %add3A : i32
      "tpu.region"() ({
        %run_scoped3A_82 = tpu.sem_alloc : memref<!tpu.dma_semaphore, #tpu.memory_space<semaphore_mem>>
        %dma_start3A_83 = tpu.memref_slice %arg2[%add3A_12] : memref<163840xi32, #tpu.memory_space<hbm>> -> memref<5120xi32, #tpu.memory_space<hbm>>
        %dma_start3A_84 = tpu.memref_slice %arg2[%add3A_12] : memref<163840xi32, #tpu.memory_space<hbm>> -> memref<5120xi32, #tpu.memory_space<hbm>>
        tpu.enqueue_dma source(%dma_start3A_84 : memref<5120xi32, #tpu.memory_space<hbm>>) target(%arg6 : memref<5120xi32, #tpu.memory_space<vmem>>) target_semaphore(%run_scoped3A_82 : memref<!tpu.dma_semaphore, #tpu.memory_space<semaphore_mem>>)
        %dma_wait3A = tpu.memref_slice %arg2[%add3A_12] : memref<163840xi32, #tpu.memory_space<hbm>> -> memref<5120xi32, #tpu.memory_space<hbm>>
        %dma_wait3A_85 = tpu.memref_slice %arg2[%add3A_12] : memref<163840xi32, #tpu.memory_space<hbm>> -> memref<5120xi32, #tpu.memory_space<hbm>>
        tpu.wait_dma2 semaphore(%run_scoped3A_82 : memref<!tpu.dma_semaphore, #tpu.memory_space<semaphore_mem>>) src(%dma_wait3A_85 : memref<5120xi32, #tpu.memory_space<hbm>>) dst(%arg6 : memref<5120xi32, #tpu.memory_space<vmem>>)
        tpu.yield
      }) : () -> ()
      %mul3A_13 = arith.constant 10240 : i32
      %mul3A_14 = arith.muli %arg1, %mul3A_13 : i32
      %add3A_15 = arith.constant 0 : i32
      %add3A_16 = arith.addi %mul3A_14, %add3A_15 : i32
      "tpu.region"() ({
        %run_scoped3A_82 = tpu.sem_alloc : memref<!tpu.dma_semaphore, #tpu.memory_space<semaphore_mem>>
        %dma_start3A_83 = tpu.memref_slice %arg3[%add3A_16] : memref<163840xi32, #tpu.memory_space<hbm>> -> memref<5120xi32, #tpu.memory_space<hbm>>
        %dma_start3A_84 = tpu.memref_slice %arg3[%add3A_16] : memref<163840xi32, #tpu.memory_space<hbm>> -> memref<5120xi32, #tpu.memory_space<hbm>>
        tpu.enqueue_dma source(%dma_start3A_84 : memref<5120xi32, #tpu.memory_space<hbm>>) target(%arg7 : memref<5120xi32, #tpu.memory_space<vmem>>) target_semaphore(%run_scoped3A_82 : memref<!tpu.dma_semaphore, #tpu.memory_space<semaphore_mem>>)
        %dma_wait3A = tpu.memref_slice %arg3[%add3A_16] : memref<163840xi32, #tpu.memory_space<hbm>> -> memref<5120xi32, #tpu.memory_space<hbm>>
        %dma_wait3A_85 = tpu.memref_slice %arg3[%add3A_16] : memref<163840xi32, #tpu.memory_space<hbm>> -> memref<5120xi32, #tpu.memory_space<hbm>>
        tpu.wait_dma2 semaphore(%run_scoped3A_82 : memref<!tpu.dma_semaphore, #tpu.memory_space<semaphore_mem>>) src(%dma_wait3A_85 : memref<5120xi32, #tpu.memory_space<hbm>>) dst(%arg7 : memref<5120xi32, #tpu.memory_space<vmem>>)
        tpu.yield
      }) : () -> ()
      %dma_start3A = arith.constant 1 : i32
      %dma_start3A_17 = arith.constant 0 : i32
      %dma_start3A_18 = tpu.memref_slice %arg6[%dma_start3A_17] : memref<5120xi32, #tpu.memory_space<vmem>> -> memref<128xi32, #tpu.memory_space<vmem>>
      %dma_start3A_19 = arith.constant 0 : i32
      %dma_start3A_20 = arith.constant 0 : i32
      %dma_start3A_21 = tpu.memref_slice %arg4[%dma_start3A, %dma_start3A_19, %dma_start3A_20] : memref<2x10240x128xf32, #tpu.memory_space<hbm>> -> memref<1x10240x128xf32, #tpu.memory_space<hbm>>
      %dma_start3A_22 = tpu.memref_squeeze %dma_start3A_21 : memref<1x10240x128xf32, #tpu.memory_space<hbm>> -> memref<10240x128xf32, #tpu.memory_space<hbm>>
      %dma_start3A_23 = arith.constant 0 : i32
      %dma_start3A_24 = arith.constant 0 : i32
      %dma_start3A_25 = tpu.memref_slice %dma_start3A_22[%dma_start3A_23, %dma_start3A_24] : memref<10240x128xf32, #tpu.memory_space<hbm>> -> memref<10240x128xf32, #tpu.memory_space<hbm>>
      tpu.enqueue_indirect_dma source(%dma_start3A_25 : memref<10240x128xf32, #tpu.memory_space<hbm>>) target(%arg8 : memref<128x128xf32, #tpu.memory_space<vmem>>) offsets(%dma_start3A_18 : memref<128xi32, #tpu.memory_space<vmem>>) semaphore(%arg11 : memref<!tpu.dma_semaphore, #tpu.memory_space<semaphore_mem>>)
      %dma_start3A_26 = arith.constant 1 : i32
      %dma_start3A_27 = arith.constant 128 : i32
      %dma_start3A_28 = tpu.memref_slice %arg6[%dma_start3A_27] : memref<5120xi32, #tpu.memory_space<vmem>> -> memref<128xi32, #tpu.memory_space<vmem>>
      %dma_start3A_29 = arith.constant 0 : i32
      %dma_start3A_30 = arith.constant 0 : i32
      %dma_start3A_31 = tpu.memref_slice %arg4[%dma_start3A_26, %dma_start3A_29, %dma_start3A_30] : memref<2x10240x128xf32, #tpu.memory_space<hbm>> -> memref<1x10240x128xf32, #tpu.memory_space<hbm>>
      %dma_start3A_32 = tpu.memref_squeeze %dma_start3A_31 : memref<1x10240x128xf32, #tpu.memory_space<hbm>> -> memref<10240x128xf32, #tpu.memory_space<hbm>>
      %dma_start3A_33 = arith.constant 0 : i32
      %dma_start3A_34 = arith.constant 0 : i32
      %dma_start3A_35 = tpu.memref_slice %dma_start3A_32[%dma_start3A_33, %dma_start3A_34] : memref<10240x128xf32, #tpu.memory_space<hbm>> -> memref<10240x128xf32, #tpu.memory_space<hbm>>
      tpu.enqueue_indirect_dma source(%dma_start3A_35 : memref<10240x128xf32, #tpu.memory_space<hbm>>) target(%arg9 : memref<128x128xf32, #tpu.memory_space<vmem>>) offsets(%dma_start3A_28 : memref<128xi32, #tpu.memory_space<vmem>>) semaphore(%arg12 : memref<!tpu.dma_semaphore, #tpu.memory_space<semaphore_mem>>)
      %scan3A = arith.constant 0 : i32
      %scan3A_36 = arith.constant 1 : i32
      %scan3A_37 = arith.constant 0 : i32
      %scan3A_38 = arith.constant 20 : i32
      %scan3A_39 = arith.addi %scan3A_37, %scan3A_38 : i32
      %scan3A_40 = arith.constant 1 : i32
      scf.for %scan3A_82 = %scan3A_37 to %scan3A_39 step %scan3A_40  : i32 {
        %mul3A_83 = arith.constant 2 : i32
        %mul3A_84 = arith.muli %scan3A_82, %mul3A_83 : i32
        %mul3A_85 = arith.constant 128 : i32
        %mul3A_86 = arith.muli %mul3A_84, %mul3A_85 : i32
        %dma_wait3A = arith.constant 0 : i32
        %dma_wait3A_87 = tpu.memref_slice %arg6[%dma_wait3A] : memref<5120xi32, #tpu.memory_space<vmem>> -> memref<128xi32, #tpu.memory_space<vmem>>
        %dma_wait3A_88 = arith.constant 0 : i32
        %dma_wait3A_89 = arith.constant 0 : i32
        %dma_wait3A_90 = tpu.memref_slice %arg4[%scan3A_36, %dma_wait3A_88, %dma_wait3A_89] : memref<2x10240x128xf32, #tpu.memory_space<hbm>> -> memref<1x10240x128xf32, #tpu.memory_space<hbm>>
        %dma_wait3A_91 = tpu.memref_squeeze %dma_wait3A_90 : memref<1x10240x128xf32, #tpu.memory_space<hbm>> -> memref<10240x128xf32, #tpu.memory_space<hbm>>
        %dma_wait3A_92 = arith.constant 0 : i32
        %dma_wait3A_93 = arith.constant 0 : i32
        %dma_wait3A_94 = tpu.memref_slice %dma_wait3A_91[%dma_wait3A_92, %dma_wait3A_93] : memref<10240x128xf32, #tpu.memory_space<hbm>> -> memref<10240x128xf32, #tpu.memory_space<hbm>>
        tpu.wait_indirect_dma semaphore(%arg11 : memref<!tpu.dma_semaphore, #tpu.memory_space<semaphore_mem>>) src(%dma_wait3A_94 : memref<10240x128xf32, #tpu.memory_space<hbm>>) dst(%arg8 : memref<128x128xf32, #tpu.memory_space<vmem>>)
        %mul3A_95 = arith.constant 2 : i32
        %mul3A_96 = arith.muli %mul3A_95, %scan3A_82 : i32
        %mul3A_97 = arith.constant 128 : i32
        %mul3A_98 = arith.muli %mul3A_96, %mul3A_97 : i32
        "tpu.region"() ({
          %run_scoped3A_123 = tpu.sem_alloc : memref<!tpu.dma_semaphore, #tpu.memory_space<semaphore_mem>>
          %dma_start3A_124 = tpu.memref_slice %arg7[%mul3A_98] : memref<5120xi32, #tpu.memory_space<vmem>> -> memref<128xi32, #tpu.memory_space<vmem>>
          %dma_start3A_125 = arith.constant 0 : i32
          %dma_start3A_126 = arith.constant 0 : i32
          %dma_start3A_127 = tpu.memref_slice %arg10[%dma_start3A_125, %dma_start3A_126] : memref<10240x128xf32, #tpu.memory_space<vmem_shared>> -> memref<10240x128xf32, #tpu.memory_space<vmem_shared>>
          tpu.enqueue_indirect_dma source(%arg8 : memref<128x128xf32, #tpu.memory_space<vmem>>) target(%dma_start3A_127 : memref<10240x128xf32, #tpu.memory_space<vmem_shared>>) offsets(%dma_start3A_124 : memref<128xi32, #tpu.memory_space<vmem>>) semaphore(%run_scoped3A_123 : memref<!tpu.dma_semaphore, #tpu.memory_space<semaphore_mem>>) {add = true}
          %dma_wait3A_128 = tpu.memref_slice %arg7[%mul3A_98] : memref<5120xi32, #tpu.memory_space<vmem>> -> memref<128xi32, #tpu.memory_space<vmem>>
          %dma_wait3A_129 = arith.constant 0 : i32
          %dma_wait3A_130 = arith.constant 0 : i32
          %dma_wait3A_131 = tpu.memref_slice %arg10[%dma_wait3A_129, %dma_wait3A_130] : memref<10240x128xf32, #tpu.memory_space<vmem_shared>> -> memref<10240x128xf32, #tpu.memory_space<vmem_shared>>
          tpu.wait_indirect_dma semaphore(%run_scoped3A_123 : memref<!tpu.dma_semaphore, #tpu.memory_space<semaphore_mem>>) src(%arg8 : memref<128x128xf32, #tpu.memory_space<vmem>>) dst(%dma_wait3A_131 : memref<10240x128xf32, #tpu.memory_space<vmem_shared>>)
          tpu.yield
        }) : () -> ()
        %lt3A = arith.constant 19 : i32
        %lt3A_99 = arith.cmpi slt, %scan3A_82, %lt3A : i32
        %convert_element_type3A_100 = arith.extui %lt3A_99 : i1 to i32
        %cond3A_101 = arith.constant 0 : i32
        %cond3A_102 = arith.cmpi ne, %convert_element_type3A_100, %cond3A_101 : i32
        scf.if %cond3A_102 {
          %add3A_123 = arith.constant 256 : i32
          %add3A_124 = arith.addi %mul3A_86, %add3A_123 : i32
          %dma_start3A_125 = tpu.memref_slice %arg6[%add3A_124] : memref<5120xi32, #tpu.memory_space<vmem>> -> memref<128xi32, #tpu.memory_space<vmem>>
          %dma_start3A_126 = arith.constant 0 : i32
          %dma_start3A_127 = arith.constant 0 : i32
          %dma_start3A_128 = tpu.memref_slice %arg4[%scan3A_36, %dma_start3A_126, %dma_start3A_127] : memref<2x10240x128xf32, #tpu.memory_space<hbm>> -> memref<1x10240x128xf32, #tpu.memory_space<hbm>>
          %dma_start3A_129 = tpu.memref_squeeze %dma_start3A_128 : memref<1x10240x128xf32, #tpu.memory_space<hbm>> -> memref<10240x128xf32, #tpu.memory_space<hbm>>
          %dma_start3A_130 = arith.constant 0 : i32
          %dma_start3A_131 = arith.constant 0 : i32
          %dma_start3A_132 = tpu.memref_slice %dma_start3A_129[%dma_start3A_130, %dma_start3A_131] : memref<10240x128xf32, #tpu.memory_space<hbm>> -> memref<10240x128xf32, #tpu.memory_space<hbm>>
          tpu.enqueue_indirect_dma source(%dma_start3A_132 : memref<10240x128xf32, #tpu.memory_space<hbm>>) target(%arg8 : memref<128x128xf32, #tpu.memory_space<vmem>>) offsets(%dma_start3A_125 : memref<128xi32, #tpu.memory_space<vmem>>) semaphore(%arg11 : memref<!tpu.dma_semaphore, #tpu.memory_space<semaphore_mem>>)
        } else {
        }
        %dma_wait3A_103 = arith.constant 0 : i32
        %dma_wait3A_104 = tpu.memref_slice %arg6[%dma_wait3A_103] : memref<5120xi32, #tpu.memory_space<vmem>> -> memref<128xi32, #tpu.memory_space<vmem>>
        %dma_wait3A_105 = arith.constant 0 : i32
        %dma_wait3A_106 = arith.constant 0 : i32
        %dma_wait3A_107 = tpu.memref_slice %arg4[%scan3A_36, %dma_wait3A_105, %dma_wait3A_106] : memref<2x10240x128xf32, #tpu.memory_space<hbm>> -> memref<1x10240x128xf32, #tpu.memory_space<hbm>>
        %dma_wait3A_108 = tpu.memref_squeeze %dma_wait3A_107 : memref<1x10240x128xf32, #tpu.memory_space<hbm>> -> memref<10240x128xf32, #tpu.memory_space<hbm>>
        %dma_wait3A_109 = arith.constant 0 : i32
        %dma_wait3A_110 = arith.constant 0 : i32
        %dma_wait3A_111 = tpu.memref_slice %dma_wait3A_108[%dma_wait3A_109, %dma_wait3A_110] : memref<10240x128xf32, #tpu.memory_space<hbm>> -> memref<10240x128xf32, #tpu.memory_space<hbm>>
        tpu.wait_indirect_dma semaphore(%arg12 : memref<!tpu.dma_semaphore, #tpu.memory_space<semaphore_mem>>) src(%dma_wait3A_111 : memref<10240x128xf32, #tpu.memory_space<hbm>>) dst(%arg9 : memref<128x128xf32, #tpu.memory_space<vmem>>)
        %mul3A_112 = arith.constant 2 : i32
        %mul3A_113 = arith.muli %mul3A_112, %scan3A_82 : i32
        %add3A_114 = arith.constant 1 : i32
        %add3A_115 = arith.addi %mul3A_113, %add3A_114 : i32
        %mul3A_116 = arith.constant 128 : i32
        %mul3A_117 = arith.muli %add3A_115, %mul3A_116 : i32
        "tpu.region"() ({
          %run_scoped3A_123 = tpu.sem_alloc : memref<!tpu.dma_semaphore, #tpu.memory_space<semaphore_mem>>
          %dma_start3A_124 = tpu.memref_slice %arg7[%mul3A_117] : memref<5120xi32, #tpu.memory_space<vmem>> -> memref<128xi32, #tpu.memory_space<vmem>>
          %dma_start3A_125 = arith.constant 0 : i32
          %dma_start3A_126 = arith.constant 0 : i32
          %dma_start3A_127 = tpu.memref_slice %arg10[%dma_start3A_125, %dma_start3A_126] : memref<10240x128xf32, #tpu.memory_space<vmem_shared>> -> memref<10240x128xf32, #tpu.memory_space<vmem_shared>>
          tpu.enqueue_indirect_dma source(%arg9 : memref<128x128xf32, #tpu.memory_space<vmem>>) target(%dma_start3A_127 : memref<10240x128xf32, #tpu.memory_space<vmem_shared>>) offsets(%dma_start3A_124 : memref<128xi32, #tpu.memory_space<vmem>>) semaphore(%run_scoped3A_123 : memref<!tpu.dma_semaphore, #tpu.memory_space<semaphore_mem>>) {add = true}
          %dma_wait3A_128 = tpu.memref_slice %arg7[%mul3A_117] : memref<5120xi32, #tpu.memory_space<vmem>> -> memref<128xi32, #tpu.memory_space<vmem>>
          %dma_wait3A_129 = arith.constant 0 : i32
          %dma_wait3A_130 = arith.constant 0 : i32
          %dma_wait3A_131 = tpu.memref_slice %arg10[%dma_wait3A_129, %dma_wait3A_130] : memref<10240x128xf32, #tpu.memory_space<vmem_shared>> -> memref<10240x128xf32, #tpu.memory_space<vmem_shared>>
          tpu.wait_indirect_dma semaphore(%run_scoped3A_123 : memref<!tpu.dma_semaphore, #tpu.memory_space<semaphore_mem>>) src(%arg9 : memref<128x128xf32, #tpu.memory_space<vmem>>) dst(%dma_wait3A_131 : memref<10240x128xf32, #tpu.memory_space<vmem_shared>>)
          tpu.yield
        }) : () -> ()
        %lt3A_118 = arith.constant 19 : i32
        %lt3A_119 = arith.cmpi slt, %scan3A_82, %lt3A_118 : i32
        %convert_element_type3A_120 = arith.extui %lt3A_119 : i1 to i32
        %cond3A_121 = arith.constant 0 : i32
        %cond3A_122 = arith.cmpi ne, %convert_element_type3A_120, %cond3A_121 : i32
        scf.if %cond3A_122 {
          %add3A_123 = arith.constant 384 : i32
          %add3A_124 = arith.addi %mul3A_86, %add3A_123 : i32
          %dma_start3A_125 = tpu.memref_slice %arg6[%add3A_124] : memref<5120xi32, #tpu.memory_space<vmem>> -> memref<128xi32, #tpu.memory_space<vmem>>
          %dma_start3A_126 = arith.constant 0 : i32
          %dma_start3A_127 = arith.constant 0 : i32
          %dma_start3A_128 = tpu.memref_slice %arg4[%scan3A_36, %dma_start3A_126, %dma_start3A_127] : memref<2x10240x128xf32, #tpu.memory_space<hbm>> -> memref<1x10240x128xf32, #tpu.memory_space<hbm>>
          %dma_start3A_129 = tpu.memref_squeeze %dma_start3A_128 : memref<1x10240x128xf32, #tpu.memory_space<hbm>> -> memref<10240x128xf32, #tpu.memory_space<hbm>>
          %dma_start3A_130 = arith.constant 0 : i32
          %dma_start3A_131 = arith.constant 0 : i32
          %dma_start3A_132 = tpu.memref_slice %dma_start3A_129[%dma_start3A_130, %dma_start3A_131] : memref<10240x128xf32, #tpu.memory_space<hbm>> -> memref<10240x128xf32, #tpu.memory_space<hbm>>
          tpu.enqueue_indirect_dma source(%dma_start3A_132 : memref<10240x128xf32, #tpu.memory_space<hbm>>) target(%arg9 : memref<128x128xf32, #tpu.memory_space<vmem>>) offsets(%dma_start3A_125 : memref<128xi32, #tpu.memory_space<vmem>>) semaphore(%arg12 : memref<!tpu.dma_semaphore, #tpu.memory_space<semaphore_mem>>)
        } else {
        }
      }
      %scan3A_41 = arith.constant 20 : i32
      %mul3A_42 = arith.constant 10240 : i32
      %mul3A_43 = arith.muli %arg1, %mul3A_42 : i32
      %add3A_44 = arith.constant 5120 : i32
      %add3A_45 = arith.addi %mul3A_43, %add3A_44 : i32
      "tpu.region"() ({
        %run_scoped3A_82 = tpu.sem_alloc : memref<!tpu.dma_semaphore, #tpu.memory_space<semaphore_mem>>
        %dma_start3A_83 = tpu.memref_slice %arg2[%add3A_45] : memref<163840xi32, #tpu.memory_space<hbm>> -> memref<5120xi32, #tpu.memory_space<hbm>>
        %dma_start3A_84 = tpu.memref_slice %arg2[%add3A_45] : memref<163840xi32, #tpu.memory_space<hbm>> -> memref<5120xi32, #tpu.memory_space<hbm>>
        tpu.enqueue_dma source(%dma_start3A_84 : memref<5120xi32, #tpu.memory_space<hbm>>) target(%arg6 : memref<5120xi32, #tpu.memory_space<vmem>>) target_semaphore(%run_scoped3A_82 : memref<!tpu.dma_semaphore, #tpu.memory_space<semaphore_mem>>)
        %dma_wait3A = tpu.memref_slice %arg2[%add3A_45] : memref<163840xi32, #tpu.memory_space<hbm>> -> memref<5120xi32, #tpu.memory_space<hbm>>
        %dma_wait3A_85 = tpu.memref_slice %arg2[%add3A_45] : memref<163840xi32, #tpu.memory_space<hbm>> -> memref<5120xi32, #tpu.memory_space<hbm>>
        tpu.wait_dma2 semaphore(%run_scoped3A_82 : memref<!tpu.dma_semaphore, #tpu.memory_space<semaphore_mem>>) src(%dma_wait3A_85 : memref<5120xi32, #tpu.memory_space<hbm>>) dst(%arg6 : memref<5120xi32, #tpu.memory_space<vmem>>)
        tpu.yield
      }) : () -> ()
      %mul3A_46 = arith.constant 10240 : i32
      %mul3A_47 = arith.muli %arg1, %mul3A_46 : i32
      %add3A_48 = arith.constant 5120 : i32
      %add3A_49 = arith.addi %mul3A_47, %add3A_48 : i32
      "tpu.region"() ({
        %run_scoped3A_82 = tpu.sem_alloc : memref<!tpu.dma_semaphore, #tpu.memory_space<semaphore_mem>>
        %dma_start3A_83 = tpu.memref_slice %arg3[%add3A_49] : memref<163840xi32, #tpu.memory_space<hbm>> -> memref<5120xi32, #tpu.memory_space<hbm>>
        %dma_start3A_84 = tpu.memref_slice %arg3[%add3A_49] : memref<163840xi32, #tpu.memory_space<hbm>> -> memref<5120xi32, #tpu.memory_space<hbm>>
        tpu.enqueue_dma source(%dma_start3A_84 : memref<5120xi32, #tpu.memory_space<hbm>>) target(%arg7 : memref<5120xi32, #tpu.memory_space<vmem>>) target_semaphore(%run_scoped3A_82 : memref<!tpu.dma_semaphore, #tpu.memory_space<semaphore_mem>>)
        %dma_wait3A = tpu.memref_slice %arg3[%add3A_49] : memref<163840xi32, #tpu.memory_space<hbm>> -> memref<5120xi32, #tpu.memory_space<hbm>>
        %dma_wait3A_85 = tpu.memref_slice %arg3[%add3A_49] : memref<163840xi32, #tpu.memory_space<hbm>> -> memref<5120xi32, #tpu.memory_space<hbm>>
        tpu.wait_dma2 semaphore(%run_scoped3A_82 : memref<!tpu.dma_semaphore, #tpu.memory_space<semaphore_mem>>) src(%dma_wait3A_85 : memref<5120xi32, #tpu.memory_space<hbm>>) dst(%arg7 : memref<5120xi32, #tpu.memory_space<vmem>>)
        tpu.yield
      }) : () -> ()
      %dma_start3A_50 = arith.constant 1 : i32
      %dma_start3A_51 = arith.constant 0 : i32
      %dma_start3A_52 = tpu.memref_slice %arg6[%dma_start3A_51] : memref<5120xi32, #tpu.memory_space<vmem>> -> memref<128xi32, #tpu.memory_space<vmem>>
      %dma_start3A_53 = arith.constant 0 : i32
      %dma_start3A_54 = arith.constant 0 : i32
      %dma_start3A_55 = tpu.memref_slice %arg4[%dma_start3A_50, %dma_start3A_53, %dma_start3A_54] : memref<2x10240x128xf32, #tpu.memory_space<hbm>> -> memref<1x10240x128xf32, #tpu.memory_space<hbm>>
      %dma_start3A_56 = tpu.memref_squeeze %dma_start3A_55 : memref<1x10240x128xf32, #tpu.memory_space<hbm>> -> memref<10240x128xf32, #tpu.memory_space<hbm>>
      %dma_start3A_57 = arith.constant 0 : i32
      %dma_start3A_58 = arith.constant 0 : i32
      %dma_start3A_59 = tpu.memref_slice %dma_start3A_56[%dma_start3A_57, %dma_start3A_58] : memref<10240x128xf32, #tpu.memory_space<hbm>> -> memref<10240x128xf32, #tpu.memory_space<hbm>>
      tpu.enqueue_indirect_dma source(%dma_start3A_59 : memref<10240x128xf32, #tpu.memory_space<hbm>>) target(%arg8 : memref<128x128xf32, #tpu.memory_space<vmem>>) offsets(%dma_start3A_52 : memref<128xi32, #tpu.memory_space<vmem>>) semaphore(%arg11 : memref<!tpu.dma_semaphore, #tpu.memory_space<semaphore_mem>>)
      %dma_start3A_60 = arith.constant 1 : i32
      %dma_start3A_61 = arith.constant 128 : i32
      %dma_start3A_62 = tpu.memref_slice %arg6[%dma_start3A_61] : memref<5120xi32, #tpu.memory_space<vmem>> -> memref<128xi32, #tpu.memory_space<vmem>>
      %dma_start3A_63 = arith.constant 0 : i32
      %dma_start3A_64 = arith.constant 0 : i32
      %dma_start3A_65 = tpu.memref_slice %arg4[%dma_start3A_60, %dma_start3A_63, %dma_start3A_64] : memref<2x10240x128xf32, #tpu.memory_space<hbm>> -> memref<1x10240x128xf32, #tpu.memory_space<hbm>>
      %dma_start3A_66 = tpu.memref_squeeze %dma_start3A_65 : memref<1x10240x128xf32, #tpu.memory_space<hbm>> -> memref<10240x128xf32, #tpu.memory_space<hbm>>
      %dma_start3A_67 = arith.constant 0 : i32
      %dma_start3A_68 = arith.constant 0 : i32
      %dma_start3A_69 = tpu.memref_slice %dma_start3A_66[%dma_start3A_67, %dma_start3A_68] : memref<10240x128xf32, #tpu.memory_space<hbm>> -> memref<10240x128xf32, #tpu.memory_space<hbm>>
      tpu.enqueue_indirect_dma source(%dma_start3A_69 : memref<10240x128xf32, #tpu.memory_space<hbm>>) target(%arg9 : memref<128x128xf32, #tpu.memory_space<vmem>>) offsets(%dma_start3A_62 : memref<128xi32, #tpu.memory_space<vmem>>) semaphore(%arg12 : memref<!tpu.dma_semaphore, #tpu.memory_space<semaphore_mem>>)
      %scan3A_70 = arith.constant 0 : i32
      %scan3A_71 = arith.constant 1 : i32
      %scan3A_72 = arith.constant 0 : i32
      %scan3A_73 = arith.constant 20 : i32
      %scan3A_74 = arith.addi %scan3A_72, %scan3A_73 : i32
      %scan3A_75 = arith.constant 1 : i32
      scf.for %scan3A_82 = %scan3A_72 to %scan3A_74 step %scan3A_75  : i32 {
        %mul3A_83 = arith.constant 2 : i32
        %mul3A_84 = arith.muli %scan3A_82, %mul3A_83 : i32
        %mul3A_85 = arith.constant 128 : i32
        %mul3A_86 = arith.muli %mul3A_84, %mul3A_85 : i32
        %dma_wait3A = arith.constant 0 : i32
        %dma_wait3A_87 = tpu.memref_slice %arg6[%dma_wait3A] : memref<5120xi32, #tpu.memory_space<vmem>> -> memref<128xi32, #tpu.memory_space<vmem>>
        %dma_wait3A_88 = arith.constant 0 : i32
        %dma_wait3A_89 = arith.constant 0 : i32
        %dma_wait3A_90 = tpu.memref_slice %arg4[%scan3A_71, %dma_wait3A_88, %dma_wait3A_89] : memref<2x10240x128xf32, #tpu.memory_space<hbm>> -> memref<1x10240x128xf32, #tpu.memory_space<hbm>>
        %dma_wait3A_91 = tpu.memref_squeeze %dma_wait3A_90 : memref<1x10240x128xf32, #tpu.memory_space<hbm>> -> memref<10240x128xf32, #tpu.memory_space<hbm>>
        %dma_wait3A_92 = arith.constant 0 : i32
        %dma_wait3A_93 = arith.constant 0 : i32
        %dma_wait3A_94 = tpu.memref_slice %dma_wait3A_91[%dma_wait3A_92, %dma_wait3A_93] : memref<10240x128xf32, #tpu.memory_space<hbm>> -> memref<10240x128xf32, #tpu.memory_space<hbm>>
        tpu.wait_indirect_dma semaphore(%arg11 : memref<!tpu.dma_semaphore, #tpu.memory_space<semaphore_mem>>) src(%dma_wait3A_94 : memref<10240x128xf32, #tpu.memory_space<hbm>>) dst(%arg8 : memref<128x128xf32, #tpu.memory_space<vmem>>)
        %mul3A_95 = arith.constant 2 : i32
        %mul3A_96 = arith.muli %mul3A_95, %scan3A_82 : i32
        %mul3A_97 = arith.constant 128 : i32
        %mul3A_98 = arith.muli %mul3A_96, %mul3A_97 : i32
        "tpu.region"() ({
          %run_scoped3A_123 = tpu.sem_alloc : memref<!tpu.dma_semaphore, #tpu.memory_space<semaphore_mem>>
          %dma_start3A_124 = tpu.memref_slice %arg7[%mul3A_98] : memref<5120xi32, #tpu.memory_space<vmem>> -> memref<128xi32, #tpu.memory_space<vmem>>
          %dma_start3A_125 = arith.constant 0 : i32
          %dma_start3A_126 = arith.constant 0 : i32
          %dma_start3A_127 = tpu.memref_slice %arg10[%dma_start3A_125, %dma_start3A_126] : memref<10240x128xf32, #tpu.memory_space<vmem_shared>> -> memref<10240x128xf32, #tpu.memory_space<vmem_shared>>
          tpu.enqueue_indirect_dma source(%arg8 : memref<128x128xf32, #tpu.memory_space<vmem>>) target(%dma_start3A_127 : memref<10240x128xf32, #tpu.memory_space<vmem_shared>>) offsets(%dma_start3A_124 : memref<128xi32, #tpu.memory_space<vmem>>) semaphore(%run_scoped3A_123 : memref<!tpu.dma_semaphore, #tpu.memory_space<semaphore_mem>>) {add = true}
          %dma_wait3A_128 = tpu.memref_slice %arg7[%mul3A_98] : memref<5120xi32, #tpu.memory_space<vmem>> -> memref<128xi32, #tpu.memory_space<vmem>>
          %dma_wait3A_129 = arith.constant 0 : i32
          %dma_wait3A_130 = arith.constant 0 : i32
          %dma_wait3A_131 = tpu.memref_slice %arg10[%dma_wait3A_129, %dma_wait3A_130] : memref<10240x128xf32, #tpu.memory_space<vmem_shared>> -> memref<10240x128xf32, #tpu.memory_space<vmem_shared>>
          tpu.wait_indirect_dma semaphore(%run_scoped3A_123 : memref<!tpu.dma_semaphore, #tpu.memory_space<semaphore_mem>>) src(%arg8 : memref<128x128xf32, #tpu.memory_space<vmem>>) dst(%dma_wait3A_131 : memref<10240x128xf32, #tpu.memory_space<vmem_shared>>)
          tpu.yield
        }) : () -> ()
        %lt3A = arith.constant 19 : i32
        %lt3A_99 = arith.cmpi slt, %scan3A_82, %lt3A : i32
        %convert_element_type3A_100 = arith.extui %lt3A_99 : i1 to i32
        %cond3A_101 = arith.constant 0 : i32
        %cond3A_102 = arith.cmpi ne, %convert_element_type3A_100, %cond3A_101 : i32
        scf.if %cond3A_102 {
          %add3A_123 = arith.constant 256 : i32
          %add3A_124 = arith.addi %mul3A_86, %add3A_123 : i32
          %dma_start3A_125 = tpu.memref_slice %arg6[%add3A_124] : memref<5120xi32, #tpu.memory_space<vmem>> -> memref<128xi32, #tpu.memory_space<vmem>>
          %dma_start3A_126 = arith.constant 0 : i32
          %dma_start3A_127 = arith.constant 0 : i32
          %dma_start3A_128 = tpu.memref_slice %arg4[%scan3A_71, %dma_start3A_126, %dma_start3A_127] : memref<2x10240x128xf32, #tpu.memory_space<hbm>> -> memref<1x10240x128xf32, #tpu.memory_space<hbm>>
          %dma_start3A_129 = tpu.memref_squeeze %dma_start3A_128 : memref<1x10240x128xf32, #tpu.memory_space<hbm>> -> memref<10240x128xf32, #tpu.memory_space<hbm>>
          %dma_start3A_130 = arith.constant 0 : i32
          %dma_start3A_131 = arith.constant 0 : i32
          %dma_start3A_132 = tpu.memref_slice %dma_start3A_129[%dma_start3A_130, %dma_start3A_131] : memref<10240x128xf32, #tpu.memory_space<hbm>> -> memref<10240x128xf32, #tpu.memory_space<hbm>>
          tpu.enqueue_indirect_dma source(%dma_start3A_132 : memref<10240x128xf32, #tpu.memory_space<hbm>>) target(%arg8 : memref<128x128xf32, #tpu.memory_space<vmem>>) offsets(%dma_start3A_125 : memref<128xi32, #tpu.memory_space<vmem>>) semaphore(%arg11 : memref<!tpu.dma_semaphore, #tpu.memory_space<semaphore_mem>>)
        } else {
        }
        %dma_wait3A_103 = arith.constant 0 : i32
        %dma_wait3A_104 = tpu.memref_slice %arg6[%dma_wait3A_103] : memref<5120xi32, #tpu.memory_space<vmem>> -> memref<128xi32, #tpu.memory_space<vmem>>
        %dma_wait3A_105 = arith.constant 0 : i32
        %dma_wait3A_106 = arith.constant 0 : i32
        %dma_wait3A_107 = tpu.memref_slice %arg4[%scan3A_71, %dma_wait3A_105, %dma_wait3A_106] : memref<2x10240x128xf32, #tpu.memory_space<hbm>> -> memref<1x10240x128xf32, #tpu.memory_space<hbm>>
        %dma_wait3A_108 = tpu.memref_squeeze %dma_wait3A_107 : memref<1x10240x128xf32, #tpu.memory_space<hbm>> -> memref<10240x128xf32, #tpu.memory_space<hbm>>
        %dma_wait3A_109 = arith.constant 0 : i32
        %dma_wait3A_110 = arith.constant 0 : i32
        %dma_wait3A_111 = tpu.memref_slice %dma_wait3A_108[%dma_wait3A_109, %dma_wait3A_110] : memref<10240x128xf32, #tpu.memory_space<hbm>> -> memref<10240x128xf32, #tpu.memory_space<hbm>>
        tpu.wait_indirect_dma semaphore(%arg12 : memref<!tpu.dma_semaphore, #tpu.memory_space<semaphore_mem>>) src(%dma_wait3A_111 : memref<10240x128xf32, #tpu.memory_space<hbm>>) dst(%arg9 : memref<128x128xf32, #tpu.memory_space<vmem>>)
        %mul3A_112 = arith.constant 2 : i32
        %mul3A_113 = arith.muli %mul3A_112, %scan3A_82 : i32
        %add3A_114 = arith.constant 1 : i32
        %add3A_115 = arith.addi %mul3A_113, %add3A_114 : i32
        %mul3A_116 = arith.constant 128 : i32
        %mul3A_117 = arith.muli %add3A_115, %mul3A_116 : i32
        "tpu.region"() ({
          %run_scoped3A_123 = tpu.sem_alloc : memref<!tpu.dma_semaphore, #tpu.memory_space<semaphore_mem>>
          %dma_start3A_124 = tpu.memref_slice %arg7[%mul3A_117] : memref<5120xi32, #tpu.memory_space<vmem>> -> memref<128xi32, #tpu.memory_space<vmem>>
          %dma_start3A_125 = arith.constant 0 : i32
          %dma_start3A_126 = arith.constant 0 : i32
          %dma_start3A_127 = tpu.memref_slice %arg10[%dma_start3A_125, %dma_start3A_126] : memref<10240x128xf32, #tpu.memory_space<vmem_shared>> -> memref<10240x128xf32, #tpu.memory_space<vmem_shared>>
          tpu.enqueue_indirect_dma source(%arg9 : memref<128x128xf32, #tpu.memory_space<vmem>>) target(%dma_start3A_127 : memref<10240x128xf32, #tpu.memory_space<vmem_shared>>) offsets(%dma_start3A_124 : memref<128xi32, #tpu.memory_space<vmem>>) semaphore(%run_scoped3A_123 : memref<!tpu.dma_semaphore, #tpu.memory_space<semaphore_mem>>) {add = true}
          %dma_wait3A_128 = tpu.memref_slice %arg7[%mul3A_117] : memref<5120xi32, #tpu.memory_space<vmem>> -> memref<128xi32, #tpu.memory_space<vmem>>
          %dma_wait3A_129 = arith.constant 0 : i32
          %dma_wait3A_130 = arith.constant 0 : i32
          %dma_wait3A_131 = tpu.memref_slice %arg10[%dma_wait3A_129, %dma_wait3A_130] : memref<10240x128xf32, #tpu.memory_space<vmem_shared>> -> memref<10240x128xf32, #tpu.memory_space<vmem_shared>>
          tpu.wait_indirect_dma semaphore(%run_scoped3A_123 : memref<!tpu.dma_semaphore, #tpu.memory_space<semaphore_mem>>) src(%arg9 : memref<128x128xf32, #tpu.memory_space<vmem>>) dst(%dma_wait3A_131 : memref<10240x128xf32, #tpu.memory_space<vmem_shared>>)
          tpu.yield
        }) : () -> ()
        %lt3A_118 = arith.constant 19 : i32
        %lt3A_119 = arith.cmpi slt, %scan3A_82, %lt3A_118 : i32
        %convert_element_type3A_120 = arith.extui %lt3A_119 : i1 to i32
        %cond3A_121 = arith.constant 0 : i32
        %cond3A_122 = arith.cmpi ne, %convert_element_type3A_120, %cond3A_121 : i32
        scf.if %cond3A_122 {
          %add3A_123 = arith.constant 384 : i32
          %add3A_124 = arith.addi %mul3A_86, %add3A_123 : i32
          %dma_start3A_125 = tpu.memref_slice %arg6[%add3A_124] : memref<5120xi32, #tpu.memory_space<vmem>> -> memref<128xi32, #tpu.memory_space<vmem>>
          %dma_start3A_126 = arith.constant 0 : i32
          %dma_start3A_127 = arith.constant 0 : i32
          %dma_start3A_128 = tpu.memref_slice %arg4[%scan3A_71, %dma_start3A_126, %dma_start3A_127] : memref<2x10240x128xf32, #tpu.memory_space<hbm>> -> memref<1x10240x128xf32, #tpu.memory_space<hbm>>
          %dma_start3A_129 = tpu.memref_squeeze %dma_start3A_128 : memref<1x10240x128xf32, #tpu.memory_space<hbm>> -> memref<10240x128xf32, #tpu.memory_space<hbm>>
          %dma_start3A_130 = arith.constant 0 : i32
          %dma_start3A_131 = arith.constant 0 : i32
          %dma_start3A_132 = tpu.memref_slice %dma_start3A_129[%dma_start3A_130, %dma_start3A_131] : memref<10240x128xf32, #tpu.memory_space<hbm>> -> memref<10240x128xf32, #tpu.memory_space<hbm>>
          tpu.enqueue_indirect_dma source(%dma_start3A_132 : memref<10240x128xf32, #tpu.memory_space<hbm>>) target(%arg9 : memref<128x128xf32, #tpu.memory_space<vmem>>) offsets(%dma_start3A_125 : memref<128xi32, #tpu.memory_space<vmem>>) semaphore(%arg12 : memref<!tpu.dma_semaphore, #tpu.memory_space<semaphore_mem>>)
        } else {
        }
      }
      %scan3A_76 = arith.constant 20 : i32
      %barrier3A_77 = arith.constant 0 : index
      tpu.barrier barrier_id(%barrier3A_77)
      %mul3A_78 = arith.constant 640 : i32
      %mul3A_79 = arith.muli %arg1, %mul3A_78 : i32
      %mul3A_80 = arith.constant 640 : i32
      %mul3A_81 = arith.muli %arg1, %mul3A_80 : i32
      "tpu.region"() ({
        %run_scoped3A_82 = tpu.sem_alloc : memref<!tpu.dma_semaphore, #tpu.memory_space<semaphore_mem>>
        %dma_start3A_83 = arith.constant 0 : i32
        %dma_start3A_84 = tpu.memref_slice %arg5[%arg0, %mul3A_81, %dma_start3A_83] : memref<2x10240x128xf32, #tpu.memory_space<hbm>> -> memref<1x640x128xf32, #tpu.memory_space<hbm>>
        %dma_start3A_85 = tpu.memref_squeeze %dma_start3A_84 : memref<1x640x128xf32, #tpu.memory_space<hbm>> -> memref<640x128xf32, #tpu.memory_space<hbm>>
        %dma_start3A_86 = arith.constant 0 : i32
        %dma_start3A_87 = tpu.memref_slice %arg10[%mul3A_79, %dma_start3A_86] : memref<10240x128xf32, #tpu.memory_space<vmem_shared>> -> memref<640x128xf32, #tpu.memory_space<vmem_shared>>
        tpu.enqueue_dma source(%dma_start3A_87 : memref<640x128xf32, #tpu.memory_space<vmem_shared>>) target(%dma_start3A_85 : memref<640x128xf32, #tpu.memory_space<hbm>>) target_semaphore(%run_scoped3A_82 : memref<!tpu.dma_semaphore, #tpu.memory_space<semaphore_mem>>)
        %dma_wait3A = arith.constant 0 : i32
        %dma_wait3A_88 = tpu.memref_slice %arg5[%arg0, %mul3A_81, %dma_wait3A] : memref<2x10240x128xf32, #tpu.memory_space<hbm>> -> memref<1x640x128xf32, #tpu.memory_space<hbm>>
        %dma_wait3A_89 = tpu.memref_squeeze %dma_wait3A_88 : memref<1x640x128xf32, #tpu.memory_space<hbm>> -> memref<640x128xf32, #tpu.memory_space<hbm>>
        %dma_wait3A_90 = arith.constant 0 : i32
        %dma_wait3A_91 = tpu.memref_slice %arg10[%mul3A_79, %dma_wait3A_90] : memref<10240x128xf32, #tpu.memory_space<vmem_shared>> -> memref<640x128xf32, #tpu.memory_space<vmem_shared>>
        tpu.wait_dma2 semaphore(%run_scoped3A_82 : memref<!tpu.dma_semaphore, #tpu.memory_space<semaphore_mem>>) src(%dma_wait3A_91 : memref<640x128xf32, #tpu.memory_space<vmem_shared>>) dst(%dma_wait3A_89 : memref<640x128xf32, #tpu.memory_space<hbm>>)
        tpu.yield
      }) : () -> ()
    } else {
    }
    return
  }
}

module attributes {stable_mosaic.version = 14 : i64} {
  func.func @body(%arg0: i32, %arg1: memref<512x256xf32, #tpu.memory_space<vmem>>, %arg2: memref<256x256xf32, #tpu.memory_space<vmem>>, %arg3: memref<512x1xf32, #tpu.memory_space<vmem>>, %arg4: memref<512x1xf32, #tpu.memory_space<vmem>>, %arg5: memref<2x512x128xf32, #tpu.memory_space<vmem>>) attributes {dimension_semantics = [#tpu.dimension_semantics<arbitrary>], iteration_bounds = array<i64: 20>, scalar_prefetch = 0 : i64, scratch_operands = 0 : i64, tpu.core_type = #tpu.core_type<tc>, window_params = [{transform_indices = @transform_0, window_bounds = array<i64: 512, 256>}, {pipeline_mode = #tpu.pipeline_mode<synchronous>, transform_indices = @transform_1, window_bounds = array<i64: 256, 256>}, {transform_indices = @transform_2, window_bounds = array<i64: 512, 1>}, {transform_indices = @transform_3, window_bounds = array<i64: 512, 1>}, {transform_indices = @transform_4, window_bounds = array<i64: 2, 512, 128>}]} {
    %get3A = arith.constant 0 : index
    %get3A_0 = arith.constant 0 : index
    %get3A_1 = vector.load %arg3[%get3A, %get3A_0] : memref<512x1xf32, #tpu.memory_space<vmem>>, vector<512x1xf32>
    %get3A_2 = arith.constant 0 : index
    %get3A_3 = arith.constant 0 : index
    %get3A_4 = vector.load %arg4[%get3A_2, %get3A_3] : memref<512x1xf32, #tpu.memory_space<vmem>>, vector<512x1xf32>
    %add3A = arith.addf %get3A_1, %get3A_4 : vector<512x1xf32>
    %add3A_5 = arith.constant 1.000000e+00 : f32
    %add3A_6 = vector.broadcast %add3A_5 : f32 to vector<512x1xf32>
    %add3A_7 = arith.addf %add3A, %add3A_6 : vector<512x1xf32>
    %rsqrt3A = math.rsqrt %add3A_7 : vector<512x1xf32>
    %get3A_8 = arith.constant 0 : index
    %get3A_9 = arith.constant 0 : index
    %get3A_10 = vector.load %arg1[%get3A_8, %get3A_9] : memref<512x256xf32, #tpu.memory_space<vmem>>, vector<512x256xf32>
    %convert_element_type3A = arith.truncf %get3A_10 : vector<512x256xf32> to vector<512x256xbf16>
    %get3A_11 = arith.constant 0 : index
    %get3A_12 = arith.constant 0 : index
    %get3A_13 = vector.load %arg2[%get3A_11, %get3A_12] : memref<256x256xf32, #tpu.memory_space<vmem>>, vector<256x256xf32>
    %convert_element_type3A_14 = arith.truncf %get3A_13 : vector<256x256xf32> to vector<256x256xbf16>
    %dot_general3A = arith.constant dense<0.000000e+00> : vector<512x256xf32>
    %dot_general3A_15 = tpu.matmul %convert_element_type3A, %convert_element_type3A_14, %dot_general3A {dimension_numbers = #tpu.dot_dimension_numbers<[1], [0], [0], [1], [0, 0, 1, 1], [], []>, transpose_lhs_hint = false} : vector<512x256xbf16>, vector<256x256xbf16>, vector<512x256xf32> -> vector<512x256xf32>
    %mul3A = vector.broadcast %rsqrt3A : vector<512x1xf32> to vector<512x256xf32>
    %mul3A_16 = arith.mulf %dot_general3A_15, %mul3A : vector<512x256xf32>
    %slice3A = vector.extract_strided_slice %mul3A_16 {offsets = [0, 0], sizes = [512, 128], strides = [1, 1]} : vector<512x256xf32> to vector<512x128xf32>
    %swap3A = arith.constant 0 : index
    %swap3A_17 = arith.constant 0 : index
    %swap3A_18 = arith.constant 0 : index
    %swap3A_19 = vector.load %arg5[%swap3A, %swap3A_17, %swap3A_18] : memref<2x512x128xf32, #tpu.memory_space<vmem>>, vector<1x512x128xf32>
    %swap3A_20 = vector.shape_cast %swap3A_19 : vector<1x512x128xf32> to vector<512x128xf32>
    %swap3A_21 = vector.shape_cast %slice3A : vector<512x128xf32> to vector<1x512x128xf32>
    tpu.vector_store %arg5[%swap3A, %swap3A_17, %swap3A_18], %swap3A_21 {strides = array<i32>} : memref<2x512x128xf32, #tpu.memory_space<vmem>>, vector<1x512x128xf32>,
    %slice3A_22 = vector.extract_strided_slice %mul3A_16 {offsets = [0, 128], sizes = [512, 128], strides = [1, 1]} : vector<512x256xf32> to vector<512x128xf32>
    %swap3A_23 = arith.constant 1 : index
    %swap3A_24 = arith.constant 0 : index
    %swap3A_25 = arith.constant 0 : index
    %swap3A_26 = vector.load %arg5[%swap3A_23, %swap3A_24, %swap3A_25] : memref<2x512x128xf32, #tpu.memory_space<vmem>>, vector<1x512x128xf32>
    %swap3A_27 = vector.shape_cast %swap3A_26 : vector<1x512x128xf32> to vector<512x128xf32>
    %swap3A_28 = vector.shape_cast %slice3A_22 : vector<512x128xf32> to vector<1x512x128xf32>
    tpu.vector_store %arg5[%swap3A_23, %swap3A_24, %swap3A_25], %swap3A_28 {strides = array<i32>} : memref<2x512x128xf32, #tpu.memory_space<vmem>>, vector<1x512x128xf32>,
    return
  }
  func.func @transform_0(%arg0: i32) -> (i32, i32) {
    %c0_i32 = arith.constant 0 : i32
    %c0_i32_0 = arith.constant 0 : i32
    return %arg0, %c0_i32 : i32, i32
  }
  func.func @transform_1(%arg0: i32) -> (i32, i32) {
    %c0_i32 = arith.constant 0 : i32
    %c0_i32_0 = arith.constant 0 : i32
    %c0_i32_1 = arith.constant 0 : i32
    return %c0_i32, %c0_i32_0 : i32, i32
  }
  func.func @transform_2(%arg0: i32) -> (i32, i32) {
    %c0_i32 = arith.constant 0 : i32
    %c0_i32_0 = arith.constant 0 : i32
    return %arg0, %c0_i32 : i32, i32
  }
  func.func @transform_3(%arg0: i32) -> (i32, i32) {
    %c0_i32 = arith.constant 0 : i32
    %c0_i32_0 = arith.constant 0 : i32
    return %arg0, %c0_i32 : i32, i32
  }
  func.func @transform_4(%arg0: i32) -> (i32, i32, i32) {
    %c0_i32 = arith.constant 0 : i32
    %c0_i32_0 = arith.constant 0 : i32
    %c0_i32_1 = arith.constant 0 : i32
    return %c0_i32, %arg0, %c0_i32_0 : i32, i32, i32
  }
}

module attributes {stable_mosaic.version = 14 : i64} {
  func.func @body(%arg0: i32, %arg1: i32, %arg2: memref<2x512x128xf32, #tpu.memory_space<vmem>>, %arg3: memref<512x1xf32, #tpu.memory_space<vmem>>, %arg4: memref<512x1xf32, #tpu.memory_space<vmem>>, %arg5: memref<1x256xf32, #tpu.memory_space<vmem>>, %arg6: memref<1x256xf32, #tpu.memory_space<vmem>>, %arg7: memref<1x256xf32, #tpu.memory_space<vmem>>, %arg8: memref<256x256xf32, #tpu.memory_space<vmem>>, %arg9: memref<2x512x128xf32, #tpu.memory_space<vmem>>, %arg10: memref<2x256xf32, #tpu.memory_space<vmem>>) attributes {dimension_semantics = [#tpu.dimension_semantics<arbitrary>, #tpu.dimension_semantics<arbitrary>], iteration_bounds = array<i64: 2, 20>, scalar_prefetch = 0 : i64, scratch_operands = 1 : i64, tpu.core_type = #tpu.core_type<tc>, window_params = [{transform_indices = @transform_0, window_bounds = array<i64: 2, 512, 128>}, {transform_indices = @transform_1, window_bounds = array<i64: 512, 1>}, {transform_indices = @transform_2, window_bounds = array<i64: 512, 1>}, {pipeline_mode = #tpu.pipeline_mode<synchronous>, transform_indices = @transform_3, window_bounds = array<i64: 1, 256>}, {pipeline_mode = #tpu.pipeline_mode<synchronous>, transform_indices = @transform_4, window_bounds = array<i64: 1, 256>}, {pipeline_mode = #tpu.pipeline_mode<synchronous>, transform_indices = @transform_5, window_bounds = array<i64: 1, 256>}, {pipeline_mode = #tpu.pipeline_mode<synchronous>, transform_indices = @transform_6, window_bounds = array<i64: 256, 256>}, {transform_indices = @transform_7, window_bounds = array<i64: 2, 512, 128>}]} {
    %get3A = arith.constant 0 : index
    %get3A_0 = arith.constant 0 : index
    %get3A_1 = vector.load %arg3[%get3A, %get3A_0] : memref<512x1xf32, #tpu.memory_space<vmem>>, vector<512x1xf32>
    %get3A_2 = arith.constant 0 : index
    %get3A_3 = arith.constant 0 : index
    %get3A_4 = vector.load %arg4[%get3A_2, %get3A_3] : memref<512x1xf32, #tpu.memory_space<vmem>>, vector<512x1xf32>
    %add3A = arith.addf %get3A_1, %get3A_4 : vector<512x1xf32>
    %add3A_5 = arith.constant 1.000000e+00 : f32
    %add3A_6 = vector.broadcast %add3A_5 : f32 to vector<512x1xf32>
    %add3A_7 = arith.addf %add3A, %add3A_6 : vector<512x1xf32>
    %rsqrt3A = math.rsqrt %add3A_7 : vector<512x1xf32>
    %get3A_8 = arith.constant 0 : index
    %get3A_9 = arith.constant 0 : index
    %get3A_10 = arith.constant 0 : index
    %get3A_11 = vector.load %arg2[%get3A_8, %get3A_9, %get3A_10] : memref<2x512x128xf32, #tpu.memory_space<vmem>>, vector<1x512x128xf32>
    %get3A_12 = vector.shape_cast %get3A_11 : vector<1x512x128xf32> to vector<512x128xf32>
    %get3A_13 = arith.constant 1 : index
    %get3A_14 = arith.constant 0 : index
    %get3A_15 = arith.constant 0 : index
    %get3A_16 = vector.load %arg2[%get3A_13, %get3A_14, %get3A_15] : memref<2x512x128xf32, #tpu.memory_space<vmem>>, vector<1x512x128xf32>
    %get3A_17 = vector.shape_cast %get3A_16 : vector<1x512x128xf32> to vector<512x128xf32>
    %concatenate3A = tpu.concatenate %get3A_12, %get3A_17 in 1 : vector<512x128xf32>, vector<512x128xf32> -> vector<512x256xf32>
    %mul3A = vector.broadcast %rsqrt3A : vector<512x1xf32> to vector<512x256xf32>
    %mul3A_18 = arith.mulf %concatenate3A, %mul3A : vector<512x256xf32>
    %get3A_19 = arith.constant 0 : index
    %get3A_20 = arith.constant 0 : index
    %get3A_21 = vector.load %arg5[%get3A_19, %get3A_20] : memref<1x256xf32, #tpu.memory_space<vmem>>, vector<1x256xf32>
    %add3A_22 = vector.broadcast %get3A_21 : vector<1x256xf32> to vector<512x256xf32>
    %add3A_23 = arith.addf %mul3A_18, %add3A_22 : vector<512x256xf32>
    %mul3A_24 = arith.constant 512 : i32
    %mul3A_25 = arith.muli %arg1, %mul3A_24 : i32
    %iota3A = tpu.iota {dimensions = array<i32: 0>} : vector<512x1xi32>
    %add3A_26 = vector.broadcast %mul3A_25 : i32 to vector<512x1xi32>
    %add3A_27 = arith.addi %add3A_26, %iota3A : vector<512x1xi32>
    %lt3A = arith.constant 10000 : i32
    %lt3A_28 = vector.broadcast %lt3A : i32 to vector<512x1xi32>
    %lt3A_29 = arith.cmpi slt, %add3A_27, %lt3A_28 : vector<512x1xi32>
    %eq3A = arith.constant 0 : i32
    %eq3A_30 = arith.cmpi eq, %arg0, %eq3A : i32
    %convert_element_type3A = arith.extui %eq3A_30 : i1 to i32
    %cond3A = arith.constant 0 : i32
    %cond3A_31 = arith.cmpi ne, %convert_element_type3A, %cond3A : i32
    scf.if %cond3A_31 {
      %eq3A_37 = arith.constant 0 : i32
      %eq3A_38 = arith.cmpi eq, %arg1, %eq3A_37 : i32
      %convert_element_type3A_39 = arith.extui %eq3A_38 : i1 to i32
      %cond3A_40 = arith.constant 0 : i32
      %cond3A_41 = arith.cmpi ne, %convert_element_type3A_39, %cond3A_40 : i32
      scf.if %cond3A_41 {
        %broadcast_in_dim3A_62 = arith.constant 0.000000e+00 : f32
        %broadcast_in_dim3A_63 = vector.broadcast %broadcast_in_dim3A_62 : f32 to vector<2x256xf32>
        %swap3A_64 = arith.constant 0 : index
        %swap3A_65 = arith.constant 0 : index
        %swap3A_66 = vector.load %arg10[%swap3A_64, %swap3A_65] : memref<2x256xf32, #tpu.memory_space<vmem>>, vector<2x256xf32>
        tpu.vector_store %arg10[%swap3A_64, %swap3A_65], %broadcast_in_dim3A_63 {strides = array<i32>} : memref<2x256xf32, #tpu.memory_space<vmem>>, vector<2x256xf32>,
      } else {
      }
      %jit3A = arith.constant 0.000000e+00 : f32
      %broadcast_in_dim3A = vector.shape_cast %lt3A_29 : vector<512x1xi1> to vector<512x1xi1>
      %broadcast_in_dim3A_42 = vector.broadcast %broadcast_in_dim3A : vector<512x1xi1> to vector<512x256xi1>
      %broadcast_in_dim3A_43 = vector.broadcast %jit3A : f32 to vector<512x256xf32>
      %select_n3A = arith.select %broadcast_in_dim3A_42, %add3A_23, %broadcast_in_dim3A_43 : vector<512x256xi1>, vector<512x256xf32>
      %reduce_sum3A = arith.constant dense<0.000000e+00> : vector<256xf32>
      %reduce_sum3A_44 = vector.multi_reduction <add>, %select_n3A, %reduce_sum3A [0] : vector<512x256xf32> to vector<256xf32>
      %broadcast_in_dim3A_45 = vector.shape_cast %reduce_sum3A_44 : vector<256xf32> to vector<1x256xf32>
      %mul3A_46 = arith.mulf %add3A_23, %add3A_23 : vector<512x256xf32>
      %jit3A_47 = arith.constant 0.000000e+00 : f32
      %broadcast_in_dim3A_48 = vector.shape_cast %lt3A_29 : vector<512x1xi1> to vector<512x1xi1>
      %broadcast_in_dim3A_49 = vector.broadcast %broadcast_in_dim3A_48 : vector<512x1xi1> to vector<512x256xi1>
      %broadcast_in_dim3A_50 = vector.broadcast %jit3A_47 : f32 to vector<512x256xf32>
      %select_n3A_51 = arith.select %broadcast_in_dim3A_49, %mul3A_46, %broadcast_in_dim3A_50 : vector<512x256xi1>, vector<512x256xf32>
      %reduce_sum3A_52 = arith.constant dense<0.000000e+00> : vector<256xf32>
      %reduce_sum3A_53 = vector.multi_reduction <add>, %select_n3A_51, %reduce_sum3A_52 [0] : vector<512x256xf32> to vector<256xf32>
      %broadcast_in_dim3A_54 = vector.shape_cast %reduce_sum3A_53 : vector<256xf32> to vector<1x256xf32>
      %get3A_55 = arith.constant 0 : index
      %get3A_56 = arith.constant 0 : index
      %get3A_57 = vector.load %arg10[%get3A_55, %get3A_56] : memref<2x256xf32, #tpu.memory_space<vmem>>, vector<2x256xf32>
      %concatenate3A_58 = tpu.concatenate %broadcast_in_dim3A_45, %broadcast_in_dim3A_54 in 0 : vector<1x256xf32>, vector<1x256xf32> -> vector<2x256xf32>
      %add3A_59 = arith.addf %get3A_57, %concatenate3A_58 : vector<2x256xf32>
      %swap3A = arith.constant 0 : index
      %swap3A_60 = arith.constant 0 : index
      %swap3A_61 = vector.load %arg10[%swap3A, %swap3A_60] : memref<2x256xf32, #tpu.memory_space<vmem>>, vector<2x256xf32>
      tpu.vector_store %arg10[%swap3A, %swap3A_60], %add3A_59 {strides = array<i32>} : memref<2x256xf32, #tpu.memory_space<vmem>>, vector<2x256xf32>,
    } else {
    }
    %eq3A_32 = arith.constant 1 : i32
    %eq3A_33 = arith.cmpi eq, %arg0, %eq3A_32 : i32
    %convert_element_type3A_34 = arith.extui %eq3A_33 : i1 to i32
    %cond3A_35 = arith.constant 0 : i32
    %cond3A_36 = arith.cmpi ne, %convert_element_type3A_34, %cond3A_35 : i32
    scf.if %cond3A_36 {
      %get3A_37 = arith.constant 0 : index
      %get3A_38 = arith.constant 0 : index
      %get3A_39 = vector.load %arg10[%get3A_37, %get3A_38] : memref<2x256xf32, #tpu.memory_space<vmem>>, vector<1x256xf32>
      %mul3A_40 = arith.constant 9.99999974E-5 : f32
      %mul3A_41 = vector.broadcast %mul3A_40 : f32 to vector<1x256xf32>
      %mul3A_42 = arith.mulf %get3A_39, %mul3A_41 : vector<1x256xf32>
      %get3A_43 = arith.constant 1 : index
      %get3A_44 = arith.constant 0 : index
      %get3A_45 = vector.load %arg10[%get3A_43, %get3A_44] : memref<2x256xf32, #tpu.memory_space<vmem>>, vector<1x256xf32>
      %mul3A_46 = arith.constant 9.99999974E-5 : f32
      %mul3A_47 = vector.broadcast %mul3A_46 : f32 to vector<1x256xf32>
      %mul3A_48 = arith.mulf %get3A_45, %mul3A_47 : vector<1x256xf32>
      %mul3A_49 = arith.mulf %mul3A_42, %mul3A_42 : vector<1x256xf32>
      %sub3A = arith.subf %mul3A_48, %mul3A_49 : vector<1x256xf32>
      %get3A_50 = arith.constant 0 : index
      %get3A_51 = arith.constant 0 : index
      %get3A_52 = vector.load %arg6[%get3A_50, %get3A_51] : memref<1x256xf32, #tpu.memory_space<vmem>>, vector<1x256xf32>
      %sub3A_53 = vector.broadcast %mul3A_42 : vector<1x256xf32> to vector<512x256xf32>
      %sub3A_54 = arith.subf %add3A_23, %sub3A_53 : vector<512x256xf32>
      %mul3A_55 = vector.broadcast %get3A_52 : vector<1x256xf32> to vector<512x256xf32>
      %mul3A_56 = arith.mulf %mul3A_55, %sub3A_54 : vector<512x256xf32>
      %add3A_57 = arith.constant 9.99999974E-6 : f32
      %add3A_58 = vector.broadcast %add3A_57 : f32 to vector<1x256xf32>
      %add3A_59 = arith.addf %sub3A, %add3A_58 : vector<1x256xf32>
      %rsqrt3A_60 = math.rsqrt %add3A_59 : vector<1x256xf32>
      %mul3A_61 = vector.broadcast %rsqrt3A_60 : vector<1x256xf32> to vector<512x256xf32>
      %mul3A_62 = arith.mulf %mul3A_56, %mul3A_61 : vector<512x256xf32>
      %get3A_63 = arith.constant 0 : index
      %get3A_64 = arith.constant 0 : index
      %get3A_65 = vector.load %arg7[%get3A_63, %get3A_64] : memref<1x256xf32, #tpu.memory_space<vmem>>, vector<1x256xf32>
      %add3A_66 = vector.broadcast %get3A_65 : vector<1x256xf32> to vector<512x256xf32>
      %add3A_67 = arith.addf %mul3A_62, %add3A_66 : vector<512x256xf32>
      %max3A = arith.constant 0.000000e+00 : f32
      %max3A_68 = vector.broadcast %max3A : f32 to vector<512x256xf32>
      %max3A_69 = arith.maximumf %add3A_67, %max3A_68 : vector<512x256xf32>
      %jit3A = arith.constant 0.000000e+00 : f32
      %broadcast_in_dim3A = vector.shape_cast %lt3A_29 : vector<512x1xi1> to vector<512x1xi1>
      %broadcast_in_dim3A_70 = vector.broadcast %broadcast_in_dim3A : vector<512x1xi1> to vector<512x256xi1>
      %broadcast_in_dim3A_71 = vector.broadcast %jit3A : f32 to vector<512x256xf32>
      %select_n3A = arith.select %broadcast_in_dim3A_70, %max3A_69, %broadcast_in_dim3A_71 : vector<512x256xi1>, vector<512x256xf32>
      %convert_element_type3A_72 = arith.truncf %select_n3A : vector<512x256xf32> to vector<512x256xbf16>
      %get3A_73 = arith.constant 0 : index
      %get3A_74 = arith.constant 0 : index
      %get3A_75 = vector.load %arg8[%get3A_73, %get3A_74] : memref<256x256xf32, #tpu.memory_space<vmem>>, vector<256x256xf32>
      %convert_element_type3A_76 = arith.truncf %get3A_75 : vector<256x256xf32> to vector<256x256xbf16>
      %dot_general3A = arith.constant dense<0.000000e+00> : vector<512x256xf32>
      %dot_general3A_77 = tpu.matmul %convert_element_type3A_72, %convert_element_type3A_76, %dot_general3A {dimension_numbers = #tpu.dot_dimension_numbers<[1], [0], [0], [1], [0, 0, 1, 1], [], []>, transpose_lhs_hint = false} : vector<512x256xbf16>, vector<256x256xbf16>, vector<512x256xf32> -> vector<512x256xf32>
      %mul3A_78 = vector.broadcast %rsqrt3A : vector<512x1xf32> to vector<512x256xf32>
      %mul3A_79 = arith.mulf %dot_general3A_77, %mul3A_78 : vector<512x256xf32>
      %slice3A = vector.extract_strided_slice %mul3A_79 {offsets = [0, 0], sizes = [512, 128], strides = [1, 1]} : vector<512x256xf32> to vector<512x128xf32>
      %swap3A = arith.constant 0 : index
      %swap3A_80 = arith.constant 0 : index
      %swap3A_81 = arith.constant 0 : index
      %swap3A_82 = vector.load %arg9[%swap3A, %swap3A_80, %swap3A_81] : memref<2x512x128xf32, #tpu.memory_space<vmem>>, vector<1x512x128xf32>
      %swap3A_83 = vector.shape_cast %swap3A_82 : vector<1x512x128xf32> to vector<512x128xf32>
      %swap3A_84 = vector.shape_cast %slice3A : vector<512x128xf32> to vector<1x512x128xf32>
      tpu.vector_store %arg9[%swap3A, %swap3A_80, %swap3A_81], %swap3A_84 {strides = array<i32>} : memref<2x512x128xf32, #tpu.memory_space<vmem>>, vector<1x512x128xf32>,
      %slice3A_85 = vector.extract_strided_slice %mul3A_79 {offsets = [0, 128], sizes = [512, 128], strides = [1, 1]} : vector<512x256xf32> to vector<512x128xf32>
      %swap3A_86 = arith.constant 1 : index
      %swap3A_87 = arith.constant 0 : index
      %swap3A_88 = arith.constant 0 : index
      %swap3A_89 = vector.load %arg9[%swap3A_86, %swap3A_87, %swap3A_88] : memref<2x512x128xf32, #tpu.memory_space<vmem>>, vector<1x512x128xf32>
      %swap3A_90 = vector.shape_cast %swap3A_89 : vector<1x512x128xf32> to vector<512x128xf32>
      %swap3A_91 = vector.shape_cast %slice3A_85 : vector<512x128xf32> to vector<1x512x128xf32>
      tpu.vector_store %arg9[%swap3A_86, %swap3A_87, %swap3A_88], %swap3A_91 {strides = array<i32>} : memref<2x512x128xf32, #tpu.memory_space<vmem>>, vector<1x512x128xf32>,
    } else {
    }
    return
  }
  func.func @transform_0(%arg0: i32, %arg1: i32) -> (i32, i32, i32) {
    %c0_i32 = arith.constant 0 : i32
    %c0_i32_0 = arith.constant 0 : i32
    %c0_i32_1 = arith.constant 0 : i32
    return %c0_i32, %arg1, %c0_i32_0 : i32, i32, i32
  }
  func.func @transform_1(%arg0: i32, %arg1: i32) -> (i32, i32) {
    %c0_i32 = arith.constant 0 : i32
    %c0_i32_0 = arith.constant 0 : i32
    return %arg1, %c0_i32 : i32, i32
  }
  func.func @transform_2(%arg0: i32, %arg1: i32) -> (i32, i32) {
    %c0_i32 = arith.constant 0 : i32
    %c0_i32_0 = arith.constant 0 : i32
    return %arg1, %c0_i32 : i32, i32
  }
  func.func @transform_3(%arg0: i32, %arg1: i32) -> (i32, i32) {
    %c0_i32 = arith.constant 0 : i32
    %c0_i32_0 = arith.constant 0 : i32
    %c0_i32_1 = arith.constant 0 : i32
    return %c0_i32, %c0_i32_0 : i32, i32
  }
  func.func @transform_4(%arg0: i32, %arg1: i32) -> (i32, i32) {
    %c0_i32 = arith.constant 0 : i32
    %c0_i32_0 = arith.constant 0 : i32
    %c0_i32_1 = arith.constant 0 : i32
    return %c0_i32, %c0_i32_0 : i32, i32
  }
  func.func @transform_5(%arg0: i32, %arg1: i32) -> (i32, i32) {
    %c0_i32 = arith.constant 0 : i32
    %c0_i32_0 = arith.constant 0 : i32
    %c0_i32_1 = arith.constant 0 : i32
    return %c0_i32, %c0_i32_0 : i32, i32
  }
  func.func @transform_6(%arg0: i32, %arg1: i32) -> (i32, i32) {
    %c0_i32 = arith.constant 0 : i32
    %c0_i32_0 = arith.constant 0 : i32
    %c0_i32_1 = arith.constant 0 : i32
    return %c0_i32, %c0_i32_0 : i32, i32
  }
  func.func @transform_7(%arg0: i32, %arg1: i32) -> (i32, i32, i32) {
    %mul3A = arith.muli %arg1, %arg0 : i32
    %c0_i32 = arith.constant 0 : i32
    %c0_i32_0 = arith.constant 0 : i32
    %c0_i32_1 = arith.constant 0 : i32
    return %c0_i32, %mul3A, %c0_i32_0 : i32, i32, i32
  }
}

module attributes {stable_mosaic.version = 14 : i64} {
  func.func @body(%arg0: i32, %arg1: i32, %arg2: memref<2x512x128xf32, #tpu.memory_space<vmem>>, %arg3: memref<512x1xf32, #tpu.memory_space<vmem>>, %arg4: memref<512x1xf32, #tpu.memory_space<vmem>>, %arg5: memref<1x256xf32, #tpu.memory_space<vmem>>, %arg6: memref<1x256xf32, #tpu.memory_space<vmem>>, %arg7: memref<1x256xf32, #tpu.memory_space<vmem>>, %arg8: memref<256x128xf32, #tpu.memory_space<vmem>>, %arg9: memref<512x128xf32, #tpu.memory_space<vmem>>, %arg10: memref<2x256xf32, #tpu.memory_space<vmem>>) attributes {dimension_semantics = [#tpu.dimension_semantics<arbitrary>, #tpu.dimension_semantics<arbitrary>], iteration_bounds = array<i64: 2, 20>, scalar_prefetch = 0 : i64, scratch_operands = 1 : i64, tpu.core_type = #tpu.core_type<tc>, window_params = [{transform_indices = @transform_0, window_bounds = array<i64: 2, 512, 128>}, {transform_indices = @transform_1, window_bounds = array<i64: 512, 1>}, {transform_indices = @transform_2, window_bounds = array<i64: 512, 1>}, {pipeline_mode = #tpu.pipeline_mode<synchronous>, transform_indices = @transform_3, window_bounds = array<i64: 1, 256>}, {pipeline_mode = #tpu.pipeline_mode<synchronous>, transform_indices = @transform_4, window_bounds = array<i64: 1, 256>}, {pipeline_mode = #tpu.pipeline_mode<synchronous>, transform_indices = @transform_5, window_bounds = array<i64: 1, 256>}, {pipeline_mode = #tpu.pipeline_mode<synchronous>, transform_indices = @transform_6, window_bounds = array<i64: 256, 128>}, {transform_indices = @transform_7, window_bounds = array<i64: 512, 128>}]} {
    %get3A = arith.constant 0 : index
    %get3A_0 = arith.constant 0 : index
    %get3A_1 = vector.load %arg3[%get3A, %get3A_0] : memref<512x1xf32, #tpu.memory_space<vmem>>, vector<512x1xf32>
    %get3A_2 = arith.constant 0 : index
    %get3A_3 = arith.constant 0 : index
    %get3A_4 = vector.load %arg4[%get3A_2, %get3A_3] : memref<512x1xf32, #tpu.memory_space<vmem>>, vector<512x1xf32>
    %add3A = arith.addf %get3A_1, %get3A_4 : vector<512x1xf32>
    %add3A_5 = arith.constant 1.000000e+00 : f32
    %add3A_6 = vector.broadcast %add3A_5 : f32 to vector<512x1xf32>
    %add3A_7 = arith.addf %add3A, %add3A_6 : vector<512x1xf32>
    %rsqrt3A = math.rsqrt %add3A_7 : vector<512x1xf32>
    %get3A_8 = arith.constant 0 : index
    %get3A_9 = arith.constant 0 : index
    %get3A_10 = arith.constant 0 : index
    %get3A_11 = vector.load %arg2[%get3A_8, %get3A_9, %get3A_10] : memref<2x512x128xf32, #tpu.memory_space<vmem>>, vector<1x512x128xf32>
    %get3A_12 = vector.shape_cast %get3A_11 : vector<1x512x128xf32> to vector<512x128xf32>
    %get3A_13 = arith.constant 1 : index
    %get3A_14 = arith.constant 0 : index
    %get3A_15 = arith.constant 0 : index
    %get3A_16 = vector.load %arg2[%get3A_13, %get3A_14, %get3A_15] : memref<2x512x128xf32, #tpu.memory_space<vmem>>, vector<1x512x128xf32>
    %get3A_17 = vector.shape_cast %get3A_16 : vector<1x512x128xf32> to vector<512x128xf32>
    %concatenate3A = tpu.concatenate %get3A_12, %get3A_17 in 1 : vector<512x128xf32>, vector<512x128xf32> -> vector<512x256xf32>
    %mul3A = vector.broadcast %rsqrt3A : vector<512x1xf32> to vector<512x256xf32>
    %mul3A_18 = arith.mulf %concatenate3A, %mul3A : vector<512x256xf32>
    %get3A_19 = arith.constant 0 : index
    %get3A_20 = arith.constant 0 : index
    %get3A_21 = vector.load %arg5[%get3A_19, %get3A_20] : memref<1x256xf32, #tpu.memory_space<vmem>>, vector<1x256xf32>
    %add3A_22 = vector.broadcast %get3A_21 : vector<1x256xf32> to vector<512x256xf32>
    %add3A_23 = arith.addf %mul3A_18, %add3A_22 : vector<512x256xf32>
    %mul3A_24 = arith.constant 512 : i32
    %mul3A_25 = arith.muli %arg1, %mul3A_24 : i32
    %iota3A = tpu.iota {dimensions = array<i32: 0>} : vector<512x1xi32>
    %add3A_26 = vector.broadcast %mul3A_25 : i32 to vector<512x1xi32>
    %add3A_27 = arith.addi %add3A_26, %iota3A : vector<512x1xi32>
    %lt3A = arith.constant 10000 : i32
    %lt3A_28 = vector.broadcast %lt3A : i32 to vector<512x1xi32>
    %lt3A_29 = arith.cmpi slt, %add3A_27, %lt3A_28 : vector<512x1xi32>
    %eq3A = arith.constant 0 : i32
    %eq3A_30 = arith.cmpi eq, %arg0, %eq3A : i32
    %convert_element_type3A = arith.extui %eq3A_30 : i1 to i32
    %cond3A = arith.constant 0 : i32
    %cond3A_31 = arith.cmpi ne, %convert_element_type3A, %cond3A : i32
    scf.if %cond3A_31 {
      %eq3A_37 = arith.constant 0 : i32
      %eq3A_38 = arith.cmpi eq, %arg1, %eq3A_37 : i32
      %convert_element_type3A_39 = arith.extui %eq3A_38 : i1 to i32
      %cond3A_40 = arith.constant 0 : i32
      %cond3A_41 = arith.cmpi ne, %convert_element_type3A_39, %cond3A_40 : i32
      scf.if %cond3A_41 {
        %broadcast_in_dim3A_62 = arith.constant 0.000000e+00 : f32
        %broadcast_in_dim3A_63 = vector.broadcast %broadcast_in_dim3A_62 : f32 to vector<2x256xf32>
        %swap3A_64 = arith.constant 0 : index
        %swap3A_65 = arith.constant 0 : index
        %swap3A_66 = vector.load %arg10[%swap3A_64, %swap3A_65] : memref<2x256xf32, #tpu.memory_space<vmem>>, vector<2x256xf32>
        tpu.vector_store %arg10[%swap3A_64, %swap3A_65], %broadcast_in_dim3A_63 {strides = array<i32>} : memref<2x256xf32, #tpu.memory_space<vmem>>, vector<2x256xf32>,
      } else {
      }
      %jit3A = arith.constant 0.000000e+00 : f32
      %broadcast_in_dim3A = vector.shape_cast %lt3A_29 : vector<512x1xi1> to vector<512x1xi1>
      %broadcast_in_dim3A_42 = vector.broadcast %broadcast_in_dim3A : vector<512x1xi1> to vector<512x256xi1>
      %broadcast_in_dim3A_43 = vector.broadcast %jit3A : f32 to vector<512x256xf32>
      %select_n3A = arith.select %broadcast_in_dim3A_42, %add3A_23, %broadcast_in_dim3A_43 : vector<512x256xi1>, vector<512x256xf32>
      %reduce_sum3A = arith.constant dense<0.000000e+00> : vector<256xf32>
      %reduce_sum3A_44 = vector.multi_reduction <add>, %select_n3A, %reduce_sum3A [0] : vector<512x256xf32> to vector<256xf32>
      %broadcast_in_dim3A_45 = vector.shape_cast %reduce_sum3A_44 : vector<256xf32> to vector<1x256xf32>
      %mul3A_46 = arith.mulf %add3A_23, %add3A_23 : vector<512x256xf32>
      %jit3A_47 = arith.constant 0.000000e+00 : f32
      %broadcast_in_dim3A_48 = vector.shape_cast %lt3A_29 : vector<512x1xi1> to vector<512x1xi1>
      %broadcast_in_dim3A_49 = vector.broadcast %broadcast_in_dim3A_48 : vector<512x1xi1> to vector<512x256xi1>
      %broadcast_in_dim3A_50 = vector.broadcast %jit3A_47 : f32 to vector<512x256xf32>
      %select_n3A_51 = arith.select %broadcast_in_dim3A_49, %mul3A_46, %broadcast_in_dim3A_50 : vector<512x256xi1>, vector<512x256xf32>
      %reduce_sum3A_52 = arith.constant dense<0.000000e+00> : vector<256xf32>
      %reduce_sum3A_53 = vector.multi_reduction <add>, %select_n3A_51, %reduce_sum3A_52 [0] : vector<512x256xf32> to vector<256xf32>
      %broadcast_in_dim3A_54 = vector.shape_cast %reduce_sum3A_53 : vector<256xf32> to vector<1x256xf32>
      %get3A_55 = arith.constant 0 : index
      %get3A_56 = arith.constant 0 : index
      %get3A_57 = vector.load %arg10[%get3A_55, %get3A_56] : memref<2x256xf32, #tpu.memory_space<vmem>>, vector<2x256xf32>
      %concatenate3A_58 = tpu.concatenate %broadcast_in_dim3A_45, %broadcast_in_dim3A_54 in 0 : vector<1x256xf32>, vector<1x256xf32> -> vector<2x256xf32>
      %add3A_59 = arith.addf %get3A_57, %concatenate3A_58 : vector<2x256xf32>
      %swap3A = arith.constant 0 : index
      %swap3A_60 = arith.constant 0 : index
      %swap3A_61 = vector.load %arg10[%swap3A, %swap3A_60] : memref<2x256xf32, #tpu.memory_space<vmem>>, vector<2x256xf32>
      tpu.vector_store %arg10[%swap3A, %swap3A_60], %add3A_59 {strides = array<i32>} : memref<2x256xf32, #tpu.memory_space<vmem>>, vector<2x256xf32>,
    } else {
    }
    %eq3A_32 = arith.constant 1 : i32
    %eq3A_33 = arith.cmpi eq, %arg0, %eq3A_32 : i32
    %convert_element_type3A_34 = arith.extui %eq3A_33 : i1 to i32
    %cond3A_35 = arith.constant 0 : i32
    %cond3A_36 = arith.cmpi ne, %convert_element_type3A_34, %cond3A_35 : i32
    scf.if %cond3A_36 {
      %get3A_37 = arith.constant 0 : index
      %get3A_38 = arith.constant 0 : index
      %get3A_39 = vector.load %arg10[%get3A_37, %get3A_38] : memref<2x256xf32, #tpu.memory_space<vmem>>, vector<1x256xf32>
      %mul3A_40 = arith.constant 9.99999974E-5 : f32
      %mul3A_41 = vector.broadcast %mul3A_40 : f32 to vector<1x256xf32>
      %mul3A_42 = arith.mulf %get3A_39, %mul3A_41 : vector<1x256xf32>
      %get3A_43 = arith.constant 1 : index
      %get3A_44 = arith.constant 0 : index
      %get3A_45 = vector.load %arg10[%get3A_43, %get3A_44] : memref<2x256xf32, #tpu.memory_space<vmem>>, vector<1x256xf32>
      %mul3A_46 = arith.constant 9.99999974E-5 : f32
      %mul3A_47 = vector.broadcast %mul3A_46 : f32 to vector<1x256xf32>
      %mul3A_48 = arith.mulf %get3A_45, %mul3A_47 : vector<1x256xf32>
      %mul3A_49 = arith.mulf %mul3A_42, %mul3A_42 : vector<1x256xf32>
      %sub3A = arith.subf %mul3A_48, %mul3A_49 : vector<1x256xf32>
      %get3A_50 = arith.constant 0 : index
      %get3A_51 = arith.constant 0 : index
      %get3A_52 = vector.load %arg6[%get3A_50, %get3A_51] : memref<1x256xf32, #tpu.memory_space<vmem>>, vector<1x256xf32>
      %sub3A_53 = vector.broadcast %mul3A_42 : vector<1x256xf32> to vector<512x256xf32>
      %sub3A_54 = arith.subf %add3A_23, %sub3A_53 : vector<512x256xf32>
      %mul3A_55 = vector.broadcast %get3A_52 : vector<1x256xf32> to vector<512x256xf32>
      %mul3A_56 = arith.mulf %mul3A_55, %sub3A_54 : vector<512x256xf32>
      %add3A_57 = arith.constant 9.99999974E-6 : f32
      %add3A_58 = vector.broadcast %add3A_57 : f32 to vector<1x256xf32>
      %add3A_59 = arith.addf %sub3A, %add3A_58 : vector<1x256xf32>
      %rsqrt3A_60 = math.rsqrt %add3A_59 : vector<1x256xf32>
      %mul3A_61 = vector.broadcast %rsqrt3A_60 : vector<1x256xf32> to vector<512x256xf32>
      %mul3A_62 = arith.mulf %mul3A_56, %mul3A_61 : vector<512x256xf32>
      %get3A_63 = arith.constant 0 : index
      %get3A_64 = arith.constant 0 : index
      %get3A_65 = vector.load %arg7[%get3A_63, %get3A_64] : memref<1x256xf32, #tpu.memory_space<vmem>>, vector<1x256xf32>
      %add3A_66 = vector.broadcast %get3A_65 : vector<1x256xf32> to vector<512x256xf32>
      %add3A_67 = arith.addf %mul3A_62, %add3A_66 : vector<512x256xf32>
      %max3A = arith.constant 0.000000e+00 : f32
      %max3A_68 = vector.broadcast %max3A : f32 to vector<512x256xf32>
      %max3A_69 = arith.maximumf %add3A_67, %max3A_68 : vector<512x256xf32>
      %jit3A = arith.constant 0.000000e+00 : f32
      %broadcast_in_dim3A = vector.shape_cast %lt3A_29 : vector<512x1xi1> to vector<512x1xi1>
      %broadcast_in_dim3A_70 = vector.broadcast %broadcast_in_dim3A : vector<512x1xi1> to vector<512x256xi1>
      %broadcast_in_dim3A_71 = vector.broadcast %jit3A : f32 to vector<512x256xf32>
      %select_n3A = arith.select %broadcast_in_dim3A_70, %max3A_69, %broadcast_in_dim3A_71 : vector<512x256xi1>, vector<512x256xf32>
      %convert_element_type3A_72 = arith.truncf %select_n3A : vector<512x256xf32> to vector<512x256xbf16>
      %get3A_73 = arith.constant 0 : index
      %get3A_74 = arith.constant 0 : index
      %get3A_75 = vector.load %arg8[%get3A_73, %get3A_74] : memref<256x128xf32, #tpu.memory_space<vmem>>, vector<256x128xf32>
      %convert_element_type3A_76 = arith.truncf %get3A_75 : vector<256x128xf32> to vector<256x128xbf16>
      %dot_general3A = arith.constant dense<0.000000e+00> : vector<512x128xf32>
      %dot_general3A_77 = tpu.matmul %convert_element_type3A_72, %convert_element_type3A_76, %dot_general3A {dimension_numbers = #tpu.dot_dimension_numbers<[1], [0], [0], [1], [0, 0, 1, 1], [], []>, transpose_lhs_hint = false} : vector<512x256xbf16>, vector<256x128xbf16>, vector<512x128xf32> -> vector<512x128xf32>
      %mul3A_78 = vector.broadcast %rsqrt3A : vector<512x1xf32> to vector<512x128xf32>
      %mul3A_79 = arith.mulf %dot_general3A_77, %mul3A_78 : vector<512x128xf32>
      %swap3A = arith.constant 0 : index
      %swap3A_80 = arith.constant 0 : index
      %swap3A_81 = vector.load %arg9[%swap3A, %swap3A_80] : memref<512x128xf32, #tpu.memory_space<vmem>>, vector<512x128xf32>
      tpu.vector_store %arg9[%swap3A, %swap3A_80], %mul3A_79 {strides = array<i32>} : memref<512x128xf32, #tpu.memory_space<vmem>>, vector<512x128xf32>,
    } else {
    }
    return
  }
  func.func @transform_0(%arg0: i32, %arg1: i32) -> (i32, i32, i32) {
    %c0_i32 = arith.constant 0 : i32
    %c0_i32_0 = arith.constant 0 : i32
    %c0_i32_1 = arith.constant 0 : i32
    return %c0_i32, %arg1, %c0_i32_0 : i32, i32, i32
  }
  func.func @transform_1(%arg0: i32, %arg1: i32) -> (i32, i32) {
    %c0_i32 = arith.constant 0 : i32
    %c0_i32_0 = arith.constant 0 : i32
    return %arg1, %c0_i32 : i32, i32
  }
  func.func @transform_2(%arg0: i32, %arg1: i32) -> (i32, i32) {
    %c0_i32 = arith.constant 0 : i32
    %c0_i32_0 = arith.constant 0 : i32
    return %arg1, %c0_i32 : i32, i32
  }
  func.func @transform_3(%arg0: i32, %arg1: i32) -> (i32, i32) {
    %c0_i32 = arith.constant 0 : i32
    %c0_i32_0 = arith.constant 0 : i32
    %c0_i32_1 = arith.constant 0 : i32
    return %c0_i32, %c0_i32_0 : i32, i32
  }
  func.func @transform_4(%arg0: i32, %arg1: i32) -> (i32, i32) {
    %c0_i32 = arith.constant 0 : i32
    %c0_i32_0 = arith.constant 0 : i32
    %c0_i32_1 = arith.constant 0 : i32
    return %c0_i32, %c0_i32_0 : i32, i32
  }
  func.func @transform_5(%arg0: i32, %arg1: i32) -> (i32, i32) {
    %c0_i32 = arith.constant 0 : i32
    %c0_i32_0 = arith.constant 0 : i32
    %c0_i32_1 = arith.constant 0 : i32
    return %c0_i32, %c0_i32_0 : i32, i32
  }
  func.func @transform_6(%arg0: i32, %arg1: i32) -> (i32, i32) {
    %c0_i32 = arith.constant 0 : i32
    %c0_i32_0 = arith.constant 0 : i32
    %c0_i32_1 = arith.constant 0 : i32
    return %c0_i32, %c0_i32_0 : i32, i32
  }
  func.func @transform_7(%arg0: i32, %arg1: i32) -> (i32, i32) {
    %mul3A = arith.muli %arg1, %arg0 : i32
    %c0_i32 = arith.constant 0 : i32
    %c0_i32_0 = arith.constant 0 : i32
    return %mul3A, %c0_i32 : i32, i32
  }
}

module attributes {stable_mosaic.version = 14 : i64} {
  func.func @body(%arg0: i32, %arg1: memref<2x512x128xf32, #tpu.memory_space<vmem>>, %arg2: memref<512x128xf32, #tpu.memory_space<vmem>>, %arg3: memref<512x1xf32, #tpu.memory_space<vmem>>, %arg4: memref<512x1xf32, #tpu.memory_space<vmem>>, %arg5: memref<1x128xf32, #tpu.memory_space<vmem>>, %arg6: memref<512x128xf32, #tpu.memory_space<vmem>>) attributes {dimension_semantics = [#tpu.dimension_semantics<arbitrary>], iteration_bounds = array<i64: 20>, scalar_prefetch = 0 : i64, scratch_operands = 0 : i64, tpu.core_type = #tpu.core_type<tc>, window_params = [{transform_indices = @transform_0, window_bounds = array<i64: 2, 512, 128>}, {transform_indices = @transform_1, window_bounds = array<i64: 512, 128>}, {transform_indices = @transform_2, window_bounds = array<i64: 512, 1>}, {transform_indices = @transform_3, window_bounds = array<i64: 512, 1>}, {pipeline_mode = #tpu.pipeline_mode<synchronous>, transform_indices = @transform_4, window_bounds = array<i64: 1, 128>}, {transform_indices = @transform_5, window_bounds = array<i64: 512, 128>}]} {
    %get3A = arith.constant 0 : index
    %get3A_0 = arith.constant 0 : index
    %get3A_1 = vector.load %arg3[%get3A, %get3A_0] : memref<512x1xf32, #tpu.memory_space<vmem>>, vector<512x1xf32>
    %get3A_2 = arith.constant 0 : index
    %get3A_3 = arith.constant 0 : index
    %get3A_4 = vector.load %arg4[%get3A_2, %get3A_3] : memref<512x1xf32, #tpu.memory_space<vmem>>, vector<512x1xf32>
    %add3A = arith.addf %get3A_1, %get3A_4 : vector<512x1xf32>
    %add3A_5 = arith.constant 1.000000e+00 : f32
    %add3A_6 = vector.broadcast %add3A_5 : f32 to vector<512x1xf32>
    %add3A_7 = arith.addf %add3A, %add3A_6 : vector<512x1xf32>
    %rsqrt3A = math.rsqrt %add3A_7 : vector<512x1xf32>
    %get3A_8 = arith.constant 0 : index
    %get3A_9 = arith.constant 0 : index
    %get3A_10 = arith.constant 0 : index
    %get3A_11 = vector.load %arg1[%get3A_8, %get3A_9, %get3A_10] : memref<2x512x128xf32, #tpu.memory_space<vmem>>, vector<1x512x128xf32>
    %get3A_12 = vector.shape_cast %get3A_11 : vector<1x512x128xf32> to vector<512x128xf32>
    %get3A_13 = arith.constant 1 : index
    %get3A_14 = arith.constant 0 : index
    %get3A_15 = arith.constant 0 : index
    %get3A_16 = vector.load %arg1[%get3A_13, %get3A_14, %get3A_15] : memref<2x512x128xf32, #tpu.memory_space<vmem>>, vector<1x512x128xf32>
    %get3A_17 = vector.shape_cast %get3A_16 : vector<1x512x128xf32> to vector<512x128xf32>
    %add3A_18 = arith.addf %get3A_12, %get3A_17 : vector<512x128xf32>
    %get3A_19 = arith.constant 0 : index
    %get3A_20 = arith.constant 0 : index
    %get3A_21 = vector.load %arg2[%get3A_19, %get3A_20] : memref<512x128xf32, #tpu.memory_space<vmem>>, vector<512x128xf32>
    %sub3A = arith.subf %add3A_18, %get3A_21 : vector<512x128xf32>
    %mul3A = vector.broadcast %rsqrt3A : vector<512x1xf32> to vector<512x128xf32>
    %mul3A_22 = arith.mulf %sub3A, %mul3A : vector<512x128xf32>
    %get3A_23 = arith.constant 0 : index
    %get3A_24 = arith.constant 0 : index
    %get3A_25 = vector.load %arg5[%get3A_23, %get3A_24] : memref<1x128xf32, #tpu.memory_space<vmem>>, vector<1x128xf32>
    %add3A_26 = vector.broadcast %get3A_25 : vector<1x128xf32> to vector<512x128xf32>
    %add3A_27 = arith.addf %mul3A_22, %add3A_26 : vector<512x128xf32>
    %swap3A = arith.constant 0 : index
    %swap3A_28 = arith.constant 0 : index
    %swap3A_29 = vector.load %arg6[%swap3A, %swap3A_28] : memref<512x128xf32, #tpu.memory_space<vmem>>, vector<512x128xf32>
    tpu.vector_store %arg6[%swap3A, %swap3A_28], %add3A_27 {strides = array<i32>} : memref<512x128xf32, #tpu.memory_space<vmem>>, vector<512x128xf32>,
    return
  }
  func.func @transform_0(%arg0: i32) -> (i32, i32, i32) {
    %c0_i32 = arith.constant 0 : i32
    %c0_i32_0 = arith.constant 0 : i32
    %c0_i32_1 = arith.constant 0 : i32
    return %c0_i32, %arg0, %c0_i32_0 : i32, i32, i32
  }
  func.func @transform_1(%arg0: i32) -> (i32, i32) {
    %c0_i32 = arith.constant 0 : i32
    %c0_i32_0 = arith.constant 0 : i32
    return %arg0, %c0_i32 : i32, i32
  }
  func.func @transform_2(%arg0: i32) -> (i32, i32) {
    %c0_i32 = arith.constant 0 : i32
    %c0_i32_0 = arith.constant 0 : i32
    return %arg0, %c0_i32 : i32, i32
  }
  func.func @transform_3(%arg0: i32) -> (i32, i32) {
    %c0_i32 = arith.constant 0 : i32
    %c0_i32_0 = arith.constant 0 : i32
    return %arg0, %c0_i32 : i32, i32
  }
  func.func @transform_4(%arg0: i32) -> (i32, i32) {
    %c0_i32 = arith.constant 0 : i32
    %c0_i32_0 = arith.constant 0 : i32
    %c0_i32_1 = arith.constant 0 : i32
    return %c0_i32, %c0_i32_0 : i32, i32
  }
  func.func @transform_5(%arg0: i32) -> (i32, i32) {
    %c0_i32 = arith.constant 0 : i32
    %c0_i32_0 = arith.constant 0 : i32
    return %arg0, %c0_i32 : i32, i32
  }
}

</mosaic_0001>

<sc_bundles>
// kernel: kernel.10.cloned.1.call-start
scs
__scs_entry_jumppad:
0x0: {  	(pc) =	sbr.rel $0x88, $3  }
0x1: {  	(tag) =	ssettag $0x0;
	lr =	simm.s32 $0x1  }
0x2: {  	[smem:$0x3F95] =	sst lr;
	_ =	strace $0xD0000000  }
0x3: {  	_ = 	snop  }
0x4: {  	_ = 	snop  }
0x5: {  	_ = 	snop  }
0x6: {  	_ = 	snop  }
0x7: {  	_ = 	snop  }
__scs_overlays_trampoline_lowered:
0x8: {  	[smem:$0x3FA4] =	sst s0  }
0x9: {  	[smem:$0x3FA5] =	sst s1  }
0xa: {  	[smem:$0x3FA6] =	sst s2  }
0xb: {  	[smem:$0x3FA7] =	sst s3  }
0xc: {  	[smem:$0x3FA8] =	sst s4  }
0xd: {  	[smem:$0x3FA9] =	sst s5  }
0xe: {  	[smem:$0x3FAA] =	sst s6  }
0xf: {  	[smem:$0x3FAB] =	sst s7  }
0x10: {  	[smem:$0x3FAC] =	sst s8  }
0x11: {  	[smem:$0x3FAD] =	sst s9;
	s0 =	simm.s32 @!p0 $0x0  }
0x12: {  	s1 =	sld [smem:$0x3F93];
	s0 =	simm.s32 @p0 $0x1  }
0x13: {  	[smem:$0x3FAE] =	sst s0;
	s0 =	simm.s32 @!p1 $0x0  }
0x14: {  	s2 =	sld [smem:$0x3F92];
	s0 =	simm.s32 @p1 $0x1  }
0x15: {  	[smem:$0x3FAF] =	sst s0;
	s0 =	simm.s32 @!p2 $0x0  }
0x16: {  	s3 =	sld [smem:$0x3FDB];
	s0 =	simm.s32 @p2 $0x1  }
0x17: {  	s4 =	simm.s32 $0x1BF5;
	[smem:$0x3FB1] =	sst s0  }
0x18: {  	s0 =	sld [smem:$0x3F94];
	_ =	swait.ge [sflag:s4], $0x0  }
0x19: {  	s7 =	sld [smem:$0x3F95]  }
0x1a: {  	s8 =	sadd.s32 $0xFFFFE003, lr  }
0x1b: {  	s9 =	sadd.s32 $0xFFFFFEF7, lr;
	s5 =	simm.s32 $0xFFFFFFFF;
	p2 =	slt.u32 s8, $0xFFFFF086  }
0x1c: {  	p1 =	slt.u32 s9, $0xF7A;
	s5 =	simm.s32 @!p2 $0x0  }
0x1d: {  	s5 =	simm.s32 @p1 $0x1;
	p0 =	seq.s32 s7, s2  }
0x1e: {  	s7 =	smul.u32 @!p0 $0xF7A, s2;
	p2 =	seq.s32 @!p0 s5, $0x0  }
0x1f: {  	s9 =	smul.u32 $0xF7A, s1;
	s8 =	simm.s32 @!p0 $0x1BF5;
	p2 =	por !p2, p0  }
0x20: {  	[sflag:s8] =	ssyncset.s32 @!p0 $0xFFFFF086;
	s6 =	sadd.s32 @!p0 s3, s7;
	s7 =	simm.s32 @!p0 $0x108  }
0x21: {  	s3 =	sadd.s32 s3, s9;
	s6 =	sadd.s32 @!p0 $0x88, s6;
	s7 =	simm.s32 @p2 $0x1082  }
0x22: {  	[simem:s7], [sflag:s8] =	dma.local @!p0 [hbm:s6], $0xF7A  }
0x23: {  	s9 =	sor.u32 $0xD0000000, s2;
	s6 =	simm.s32 $0x108;
	_ =	swait.ge @!p0 [sflag:s8], $0x0  }
0x24: {  	s3 =	sadd.s32 $0x88, s3;
	s6 =	simm.s32 @!p1 $0x1082;
	[sflag:s4] =	ssyncset.s32 $0xFFFFF086  }
0x25: {  	[simem:s6], [sflag:s4] =	dma.local [hbm:s3], $0xF7A  }
0x26: {  	[smem:$0x3F95] =	sst s1;
	(tag) =	ssettag s2;
	_ =	strace s9  }
0x27: {  	s1 =	sld [smem:$0x3FA5]  }
0x28: {  	s2 =	sld [smem:$0x3FA6]  }
0x29: {  	s4 =	sld [smem:$0x3FA8]  }
0x2a: {  	p0 =	seq.s32 s5, $0x0;
	s5 =	sld [smem:$0x3FA9]  }
0x2b: {  	s6 =	sld [smem:$0x3FAA]  }
0x2c: {  	s7 =	sld [smem:$0x3FAB]  }
0x2d: {  	s3 =	simm.s32 $0x108;
	s8 =	sld [smem:$0x3FAC]  }
0x2e: {  	s3 =	simm.s32 @!p0 $0x1082;
	s9 =	sld [smem:$0x3FAD]  }
0x2f: {  	lr =	sadd.s32 s0, s3;
	s0 =	sld [smem:$0x3FA4]  }
0x30: {  	s3 =	sld [smem:$0x3FA7]  }
0x31: {  	[smem:$0x3FB0] =	sst s10  }
0x32: {  	s10 =	sld [smem:$0x3FAE];
	_ =	sdelay $0x3  }
0x33: {  	p0 =	seq.s32 s10, $0x1;
	s10 =	sld [smem:$0x3FB0];
	_ =	sdelay $0x3  }
0x34: {  	[smem:$0x3FB0] =	sst s10  }
0x35: {  	s10 =	sld [smem:$0x3FAF];
	_ =	sdelay $0x3  }
0x36: {  	p1 =	seq.s32 s10, $0x1;
	s10 =	sld [smem:$0x3FB0];
	_ =	sdelay $0x3  }
0x37: {  	[smem:$0x3FB0] =	sst s10  }
0x38: {  	s10 =	sld [smem:$0x3FB1]  }
0x39: {  	_ = 	snop;
	(pc) =	sbr.ind lr, $3  }
0x3a: {  	_ = 	snop  }
0x3b: {  	_ = 	snop  }
0x3c: {  	p2 =	seq.s32 s10, $0x1;
	s10 =	sld [smem:$0x3FB0]  }
0x3d: {  	_ =	shalt  }
0x3e: {  	_ =	shalt  }
0x3f: {  	_ =	shalt  }
0x40: {  	_ =	shalt  }
0x41: {  	_ =	shalt  }
0x42: {  	_ =	shalt  }
0x43: {  	_ =	shalt  }
0x44: {  	_ =	shalt  }
0x45: {  	_ =	shalt  }
0x46: {  	_ =	shalt  }
0x47: {  	_ =	shalt  }
0x48: {  	_ =	shalt  }
0x49: {  	_ =	shalt  }
0x4a: {  	_ =	shalt  }
0x4b: {  	_ =	shalt  }
0x4c: {  	_ =	shalt  }
0x4d: {  	_ =	shalt  }
0x4e: {  	_ =	shalt  }
0x4f: {  	_ =	shalt  }
0x50: {  	_ =	shalt  }
0x51: {  	_ =	shalt  }
0x52: {  	_ =	shalt  }
0x53: {  	_ =	shalt  }
0x54: {  	_ =	shalt  }
0x55: {  	_ =	shalt  }
0x56: {  	_ =	shalt  }
0x57: {  	_ =	shalt  }
0x58: {  	_ =	shalt  }
0x59: {  	_ =	shalt  }
0x5a: {  	_ =	shalt  }
0x5b: {  	_ =	shalt  }
0x5c: {  	_ =	shalt  }
0x5d: {  	_ =	shalt  }
0x5e: {  	_ =	shalt  }
0x5f: {  	_ =	shalt  }
0x60: {  	_ =	shalt  }
0x61: {  	_ =	shalt  }
0x62: {  	_ =	shalt  }
0x63: {  	_ =	shalt  }
0x64: {  	_ =	shalt  }
0x65: {  	_ =	shalt  }
0x66: {  	_ =	shalt  }
0x67: {  	_ =	shalt  }
0x68: {  	_ =	shalt  }
0x69: {  	_ =	shalt  }
0x6a: {  	_ =	shalt  }
0x6b: {  	_ =	shalt  }
0x6c: {  	_ =	shalt  }
0x6d: {  	_ =	shalt  }
0x6e: {  	_ =	shalt  }
0x6f: {  	_ =	shalt  }
0x70: {  	_ =	shalt  }
0x71: {  	_ =	shalt  }
0x72: {  	_ =	shalt  }
0x73: {  	_ =	shalt  }
0x74: {  	_ =	shalt  }
0x75: {  	_ =	shalt  }
0x76: {  	_ =	shalt  }
0x77: {  	_ =	shalt  }
0x78: {  	_ =	shalt  }
0x79: {  	_ =	shalt  }
0x7a: {  	_ =	shalt  }
0x7b: {  	_ =	shalt  }
0x7c: {  	_ =	shalt  }
0x7d: {  	_ =	shalt  }
0x7e: {  	_ =	shalt  }
0x7f: {  	_ =	shalt  }
0x80: {  	_ =	shalt  }
0x81: {  	_ =	shalt  }
0x82: {  	_ =	shalt  }
0x83: {  	_ =	shalt  }
0x84: {  	_ =	shalt  }
0x85: {  	_ =	shalt  }
0x86: {  	_ =	shalt  }
0x87: {  	_ =	shalt  }
.Lfunc_end0:
.L_simem_size_0:
called_computation_lowered:
.L_overlay_start_0:
0x88: {  	s2 =	sld [smem:$0x3FD9]  }
0x89: {  	s3 =	sld [smem:$0x3FFE];
	_ =	sdelay $0x1  }
0x8a: {  	s1 =	srdreg.scid  }
0x8b: {  	s0 =	sand.u32 $0x1, s1  }
0x8c: {  	s17 =	sshll.u32 s0, $0xA;
	s2 =	sadd.s32 s3, s2  }
0x8d: {  	s2 =	sadd.s32 s2, s17  }
0x8e: {  	[smem:$0x3FBC] =	sst s2  }
0x8f: {  	_ = 	snop  }
0x90: {  	s2 =	sld [smem:$0x3FD0];
	(tm) =	ssettm $0x1  }
0x91: {  	s18 =	sld [smem:$0x3FFB];
	_ =	sdelay $0x3  }
0x92: {  	_ =	strace s18  }
0x93: {  	s3 =	sld [smem:$0x3FFC];
	_ =	sdelay $0x3  }
0x94: {  	_ =	strace s3  }
0x95: {  	s3 =	sld [smem:$0x3FFD];
	_ =	sdelay $0x3  }
0x96: {  	_ =	strace s3  }
0x97: {  	_ =	strace $0x8FFFFFFF  }
0x98: {  	s19 =	sld [smem:$0x3FDB];
	_ =	sdelay $0x1  }
0x99: {  	s4 =	simm.s32 $_scs_section_size  }
0x9a: {  	s5 =	simm.s32 $_size__tile_overlayer_lowered;
	s6 =	simm.s32 $_tile_overlayer_lowered  }
0x9b: {  	s22 =	simm.s32 $0x1BFF;
	s21 =	sshll.u32 s6, $0x1;
	s3 =	sadd.s32 s4, s19  }
0x9c: {  	s7 =	simm.s32 $0x0;
	s20 =	sshll.u32 s5, $0x1;
	s5 =	sadd.s32 s21, s3  }
0x9d: {  	[timem:s7], [sflag:s22] =	dma.local [hbm:s5], s20  }
0x9e: {  	_ =	swait.ge [sflag:s22], s20  }
0x9f: {  	s4 =	ssub.s32 $0x0, s20;
	[sflag:s22] =	ssyncset.done $0x0  }
0xa0: {  	[sflag:s22] =	ssyncadd.s32 s4;
	_ =	sdelay $0x1  }
0xa1: {  	s23 =	simm.s32 $0x1B8B  }
0xa2: {  	_ =	swait.ge [sflag:s23], $0x1  }
0xa3: {  	[sflag:s23] =	ssyncset.done $0x0  }
0xa4: {  	s25 =	simm.s32 $0x1B8E;
	s24 =	sld [smem:$0x3FFE];
	[sflag:s23] =	ssyncadd.s32 $0xFFFFFFFF  }
0xa5: {  	s26 =	simm.s32 $execute0_lowered;
	[smem:$0x3FD2] =	sst s25  }
0xa6: {  	s5 =	sshll.u32 s26, $0x1;
	_ =	strace $0x80000046;
	[dreg:$0x1] =	wrdreg $0xFFFFFFFF  }
0xa7: {  	s28 =	simm.s32 $_size_execute0_lowered;
	s3 =	sadd.s32 s3, s5;
	[dreg:$0x0] =	wrdreg $0x0  }
0xa8: {  	s5 =	sshll.u32 s28, $0x1;
	[dreg:$0x2] =	wrdreg s3  }
0xa9: {  	[dreg:$0x3] =	wrdreg s5  }
0xaa: {  	[dreg:$0x4] =	wrdreg $0xC0  }
0xab: {  	_ =	task [dreg:s7], $0x5FFFF  }
0xac: {  	[dreg:$0x1] =	wrdreg $0xFFFFFFFF  }
0xad: {  	[dreg:$0x0] =	wrdreg $0x60  }
0xae: {  	[dreg:$0x2] =	wrdreg s2  }
0xaf: {  	[dreg:$0x3] =	wrdreg s24  }
0xb0: {  	[dreg:$0x4] =	wrdreg $0x17000  }
0xb1: {  	[dreg:$0x5] =	wrdreg $0x9  }
0xb2: {  	_ =	task.clear_ibuf [dreg:s7], $0x6FFFF;
	_ =	strace $0x90000046  }
0xb3: {  	s29 =	simm.s32 $0x9;
	_ =	strace $0x80000048  }
0xb4: {  	_ =	swait.ge [sflag:s29], $0x1  }
0xb5: {  	[sflag:s29] =	ssyncadd.s32 $0xFFFFFFFF  }
0xb6: {  	_ =	strace $0x90000048  }
0xb7: {  	_ =	sfence  }
0xb8: {  	s30 =	sld [smem:$0x0];
	_ =	sdelay $0x2  }
0xb9: {  	s31 =	sshll.u32 s1, $0xD;
	s1 =	sshrl.u32 s1, $0x2  }
0xba: {  	s3 =	sand.u32 $0x4000, s31;
	s1 =	sadd.s32 s1, s30  }
0xbb: {  	s0 =	sor.u32 s3, s0;
	s1 =	sshll.u32 s1, $0x11  }
0xbc: {  	s0 =	sor.u32 s1, s0  }
0xbd: {  	s0 =	sadd.s32 $0x8F2B, s0  }
0xbe: {  	[sflag:s0] =	ssyncadd.remote.s32 $0x1  }
0xbf: {  	_ =	sfence.sel $0xFFFF  }
0xc0: {  	[dreg:$0x0] =	wrdreg $0xFFFFFFFF;
	(pc) =	sbr.abs _section_cstart, $3  }
0xc1: {  	[dreg:$0x1] =	wrdreg $0xFFFFFFFF  }
0xc2: {  	_ =	task.clear_ibuf [dreg:s7], $0x2FFFF;
	_ =	strace $0x9FFFFFFF  }
0xc3: {  	(tm) =	ssettm $0x7FFFFFFF  }
tec
execute0_lowered:
.L_overlay_start_1:
0x0: {  	(tag) =	ssettag $0x1  }
0x1: {  	s5 =	rddreg [dreg:$0x0]  }
0x2: {  	s4 =	rddreg [dreg:$0x1]  }
0x3: {  	s2 =	rddreg [dreg:$0x2]  }
0x4: {  	s0 =	rddreg [dreg:$0x3]  }
0x5: {  	s3 =	simm.s32 $0x0;
	s6 =	srdreg.scid;
	s1 =	stileid.u32  }
0x6: {  	s11 =	simm.s32 $0x1400;
	s14 =	simm.s32 $0x20;
	s15 =	simm.s32 $0x10  }
0x7: {  	s16 =	simm.s32 $0x0;
	[smem:$0x7FF] =	sst s3;
	s7 =	smul.u32 $0x500, s1  }
0x8: {  	s6 =	sand.u32 $0x1, s6;
	s30 =	smul.u32 $0xA00, s1;
	s12 =	sshll.u32 s1, $0x6  }
0x9: {  	_ =	strace $0x80000047;
	s8 =	sshll.u32 s6, $0x7;
	s9 =	sshll.u32 s6, $0x4  }
0xa: {  	s6 =	ssub.s32 $0x2, s6;
	s12 =	sor.u32 $0x1C01, s12;
	s7 =	sor.u32 s8, s7  }
0xb: {  	s9 =	sor.u32 s1, s9;
	s31 =	sshrl.u32 s6, $0x1;
	s8 =	sshrl.u32 s30, $0x2  }
0xc: {  	s7 =	sshrl.u32 s7, $0x3;
	s9 =	smul.u32 $0x280, s9;
	s10 =	ssub.s32 s6, s31  }
0xd: {  	s7 =	sadd.s32 s7, s4;
	s4 =	sadd.s32 s8, s2;
	s8 =	simm.s32 $0x1480  }
0xe: {  	s5 =	sadd.s32 s5, s9;
	s6 =	sadd.s32 $0x7800, s7;
	s7 =	smax.u32 s10, $0x1  }
0xf: {  	v0 =	vimm.f32 $1.000000000e+00;
	v1 =	vimm.f32 $0.0e+00;
	s9 =	simm.s32 $0x1;
	s10 =	simm.s32 $0x80;
	s13 =	sshrl.u32 s4, $0x3  }
.LBB2_1:
0x10: {  	[tilespmem:$0x1400] =	vst v0  }
0x11: {  	[tilespmem:$0x1410] =	vst v0  }
0x12: {  	[tilespmem:$0x1420] =	vst v0  }
0x13: {  	[tilespmem:$0x1430] =	vst v0  }
0x14: {  	[tilespmem:$0x1440] =	vst v0  }
0x15: {  	[tilespmem:$0x1450] =	vst v0  }
0x16: {  	[tilespmem:$0x1460] =	vst v0  }
0x17: {  	[tilespmem:$0x1470] =	vst v0  }
0x18: {  	[tilespmem:$0x1480] =	vst v1  }
0x19: {  	[tilespmem:$0x1490] =	vst v1  }
0x1a: {  	[tilespmem:$0x14A0] =	vst v1  }
0x1b: {  	[tilespmem:$0x14B0] =	vst v1  }
0x1c: {  	[tilespmem:$0x14C0] =	vst v1  }
0x1d: {  	[tilespmem:$0x14D0] =	vst v1  }
0x1e: {  	[tilespmem:$0x14E0] =	vst v1  }
0x1f: {  	[tilespmem:$0x14F0] =	vst v1  }
0x20: {  	[tilespmem:$0x1500] =	vst v1  }
0x21: {  	[tilespmem:$0x1510] =	vst v1  }
0x22: {  	[tilespmem:$0x1520] =	vst v1  }
0x23: {  	[tilespmem:$0x1530] =	vst v1  }
0x24: {  	[tilespmem:$0x1540] =	vst v1  }
0x25: {  	[tilespmem:$0x1550] =	vst v1  }
0x26: {  	[tilespmem:$0x1560] =	vst v1  }
0x27: {  	[tilespmem:$0x1570] =	vst v1  }
0x28: {  	[tilespmem:$0x1580] =	vst v1  }
0x29: {  	[tilespmem:$0x1590] =	vst v1  }
0x2a: {  	[tilespmem:$0x15A0] =	vst v1  }
0x2b: {  	[tilespmem:$0x15B0] =	vst v1  }
0x2c: {  	[tilespmem:$0x15C0] =	vst v1  }
0x2d: {  	[tilespmem:$0x15D0] =	vst v1  }
0x2e: {  	[tilespmem:$0x15E0] =	vst v1  }
0x2f: {  	[tilespmem:$0x15F0] =	vst v1  }
0x30: {  	[tilespmem:$0x1600] =	vst v1  }
0x31: {  	[tilespmem:$0x1610] =	vst v1  }
0x32: {  	[tilespmem:$0x1620] =	vst v1  }
0x33: {  	[tilespmem:$0x1630] =	vst v1  }
0x34: {  	[tilespmem:$0x1640] =	vst v1  }
0x35: {  	[tilespmem:$0x1650] =	vst v1  }
0x36: {  	[tilespmem:$0x1660] =	vst v1  }
0x37: {  	[tilespmem:$0x1670] =	vst v1  }
0x38: {  	[tilespmem:$0x1680] =	vst v1  }
0x39: {  	[tilespmem:$0x1690] =	vst v1  }
0x3a: {  	[tilespmem:$0x16A0] =	vst v1  }
0x3b: {  	[tilespmem:$0x16B0] =	vst v1  }
0x3c: {  	[tilespmem:$0x16C0] =	vst v1  }
0x3d: {  	[tilespmem:$0x16D0] =	vst v1  }
0x3e: {  	[tilespmem:$0x16E0] =	vst v1  }
0x3f: {  	[tilespmem:$0x16F0] =	vst v1  }
0x40: {  	[spmem:s4] =	stream.linear.scatter [tilespmem:s8], [sflag:$0x1], $0x280, $0x38;
	[tilespmem:$0x1980] =	vst v63  }
0x41: {  	_ =	swait.ge [sflag:s9], $0x280  }
0x42: {  	[sflag:s9] =	ssyncset.done $0x0  }
0x43: {  	[sflag:s9] =	ssyncadd.s32 $0xFFFFFD80  }
0x44: {  	[tilespmem:s3], [sflag:$0x1] =	stream.linear.gather [hbm4b:s5+s3], $0x1400, $0x38;
	[tilespmem:$0x1980] =	vst v63  }
0x45: {  	_ =	swait.ge [sflag:s9], $0x1400  }
0x46: {  	[sflag:s9] =	ssyncset.done $0x0  }
0x47: {  	[sflag:s9] =	ssyncadd.s32 $0xFFFFEC00  }
0x48: {  	s17 =	simm.s32 $0x0;
	[bflag:$0x0] =	sbarrier.arrive $0xFFFF  }
0x49: {  	[spmem:s2] =	stream.indirect.scatter.add.f32 [tilespmem:s11], [sflag:$0x1], $0x1, s17, s10, $0xb8;
	[tilespmem:$0x1980] =	vst v63  }
0x4a: {  	_ =	swait.ge [sflag:s9], $0x80  }
0x4b: {  	s17 =	simm.s32 $0x200;
	[sflag:s9] =	ssyncset.done $0x0  }
.LBB2_2:
0x4c: {  	s18 =	sshra.s32 s17, $0x2;
	[sflag:s9] =	ssyncadd.s32 $0xFFFFFF80;
	p0 =	sne.s32 s17, $0x4E00  }
0x4d: {  	[spmem:s2] =	stream.indirect.scatter.add.f32 [tilespmem:s11], [sflag:$0x1], $0x1, s18, s10, $0xb8;
	[tilespmem:$0x1980] =	vst v63  }
.Ltmp0:
0x4e: {  	_ = 	snop;
	(pc) =	sbr.rel @p0 .LBB2_2-.Ltmp0, $4  }
0x4f: {  	_ = 	snop  }
0x50: {  	s17 =	sadd.s32 $0x200, s17  }
0x51: {  	_ =	swait.ge [sflag:s9], $0x80  }
0x52: {  	[sflag:s9] =	ssyncset.done $0x0  }
0x53: {  	s16 =	sadd.s32 $0x1, s16  }
0x54: {  	[sflag:s9] =	ssyncadd.s32 $0xFFFFFF80;
	p0 =	sne.s32 s16, s7  }
.Ltmp1:
0x55: {  	[bflag:$0x0] =	sbarrier.arrive $0xFFFF;
	(pc) =	sbr.rel @p0 .LBB2_1-.Ltmp1, $4  }
0x56: {  	[hbm:s6@s14], [sflag:s12] =	dma.strided [spmem:s13@s15], $0x50, s9, $0x10   }
0x57: {  	_ =	swait.ge [sflag:s9], $0x50  }
0x58: {  	[sflag:s9] =	ssyncset.done $0x0  }
0x59: {  	[sflag:s9] =	ssyncadd.s32 $0xFFFFFFB0  }
0x5a: {  	_ =	sfence.sel $0x180000  }
0x5b: {  	[bflag:$0x0] =	sbarrier.arrive $0xFFFF  }
0x5c: {  	p0 =	sne.s32 s1, $0x0;
	_ =	strace $0x90000047  }
0x5d: {  	s0 =	sadd.s32 @!p0 $0x100000, s0;
	[bflag:$0x2] =	sbarrier.arrive $0xFFFF  }
0x5e: {  	[sflag:s0] =	ssyncadd.tile.s32 @!p0 $0x1;
	_ =	shalt  }
.Lfunc_end2:
_tile_overlayer_lowered:
.L_overlay_start_2:
0x5f: {  	(tag) =	ssettag $0x2  }
0x60: {  	s0 =	rddreg [dreg:$0x0];
	s2 =	stileid.u32  }
0x61: {  	s1 =	rddreg [dreg:$0x1];
	p0 =	sne.s32 s2, $0x0  }
0x62: {  	s3 =	rddreg [dreg:$0x2];
	[bflag:$0x3] =	sbarrier.arrive $0xFFFF;
	s2 =	simm.s32 @!p0 $0x1C01  }
0x63: {  	[timem:s3], [sflag:s2] =	dma.local @!p0 [hbm:s0], s1  }
0x64: {  	s0 =	simm.s32 @!p0 $0x1  }
0x65: {  	_ =	swait.ge @!p0 [sflag:s0], s1  }
0x66: {  	s1 =	ssub.s32 @!p0 $0x0, s1;
	[sflag:s0] =	ssyncset.done @!p0 $0x0  }
0x67: {  	[sflag:s0] =	ssyncadd.s32 @!p0 s1  }
0x68: {  	[bflag:$0x3] =	sbarrier.arrive $0xFFFF  }
0x69: {  	_ =	shalt  }

// kernel: kernel.13.cloned.1.call-start
scs
__scs_entry_jumppad:
0x0: {  	(pc) =	sbr.rel $0x88, $3  }
0x1: {  	(tag) =	ssettag $0x0;
	lr =	simm.s32 $0x1  }
0x2: {  	[smem:$0x3F95] =	sst lr;
	_ =	strace $0xD0000000  }
0x3: {  	_ = 	snop  }
0x4: {  	_ = 	snop  }
0x5: {  	_ = 	snop  }
0x6: {  	_ = 	snop  }
0x7: {  	_ = 	snop  }
__scs_overlays_trampoline_lowered:
0x8: {  	[smem:$0x3FA4] =	sst s0  }
0x9: {  	[smem:$0x3FA5] =	sst s1  }
0xa: {  	[smem:$0x3FA6] =	sst s2  }
0xb: {  	[smem:$0x3FA7] =	sst s3  }
0xc: {  	[smem:$0x3FA8] =	sst s4  }
0xd: {  	[smem:$0x3FA9] =	sst s5  }
0xe: {  	[smem:$0x3FAA] =	sst s6  }
0xf: {  	[smem:$0x3FAB] =	sst s7  }
0x10: {  	[smem:$0x3FAC] =	sst s8  }
0x11: {  	[smem:$0x3FAD] =	sst s9;
	s0 =	simm.s32 @!p0 $0x0  }
0x12: {  	s1 =	sld [smem:$0x3F93];
	s0 =	simm.s32 @p0 $0x1  }
0x13: {  	[smem:$0x3FAE] =	sst s0;
	s0 =	simm.s32 @!p1 $0x0  }
0x14: {  	s2 =	sld [smem:$0x3F92];
	s0 =	simm.s32 @p1 $0x1  }
0x15: {  	[smem:$0x3FAF] =	sst s0;
	s0 =	simm.s32 @!p2 $0x0  }
0x16: {  	s3 =	sld [smem:$0x3FDB];
	s0 =	simm.s32 @p2 $0x1  }
0x17: {  	s4 =	simm.s32 $0x1BF5;
	[smem:$0x3FB1] =	sst s0  }
0x18: {  	s0 =	sld [smem:$0x3F94];
	_ =	swait.ge [sflag:s4], $0x0  }
0x19: {  	s7 =	sld [smem:$0x3F95]  }
0x1a: {  	s8 =	sadd.s32 $0xFFFFE003, lr  }
0x1b: {  	s9 =	sadd.s32 $0xFFFFFEF7, lr;
	s5 =	simm.s32 $0xFFFFFFFF;
	p2 =	slt.u32 s8, $0xFFFFF086  }
0x1c: {  	p1 =	slt.u32 s9, $0xF7A;
	s5 =	simm.s32 @!p2 $0x0  }
0x1d: {  	s5 =	simm.s32 @p1 $0x1;
	p0 =	seq.s32 s7, s2  }
0x1e: {  	s7 =	smul.u32 @!p0 $0xF7A, s2;
	p2 =	seq.s32 @!p0 s5, $0x0  }
0x1f: {  	s9 =	smul.u32 $0xF7A, s1;
	s8 =	simm.s32 @!p0 $0x1BF5;
	p2 =	por !p2, p0  }
0x20: {  	[sflag:s8] =	ssyncset.s32 @!p0 $0xFFFFF086;
	s6 =	sadd.s32 @!p0 s3, s7;
	s7 =	simm.s32 @!p0 $0x108  }
0x21: {  	s3 =	sadd.s32 s3, s9;
	s6 =	sadd.s32 @!p0 $0x88, s6;
	s7 =	simm.s32 @p2 $0x1082  }
0x22: {  	[simem:s7], [sflag:s8] =	dma.local @!p0 [hbm:s6], $0xF7A  }
0x23: {  	s9 =	sor.u32 $0xD0000000, s2;
	s6 =	simm.s32 $0x108;
	_ =	swait.ge @!p0 [sflag:s8], $0x0  }
0x24: {  	s3 =	sadd.s32 $0x88, s3;
	s6 =	simm.s32 @!p1 $0x1082;
	[sflag:s4] =	ssyncset.s32 $0xFFFFF086  }
0x25: {  	[simem:s6], [sflag:s4] =	dma.local [hbm:s3], $0xF7A  }
0x26: {  	[smem:$0x3F95] =	sst s1;
	(tag) =	ssettag s2;
	_ =	strace s9  }
0x27: {  	s1 =	sld [smem:$0x3FA5]  }
0x28: {  	s2 =	sld [smem:$0x3FA6]  }
0x29: {  	s4 =	sld [smem:$0x3FA8]  }
0x2a: {  	p0 =	seq.s32 s5, $0x0;
	s5 =	sld [smem:$0x3FA9]  }
0x2b: {  	s6 =	sld [smem:$0x3FAA]  }
0x2c: {  	s7 =	sld [smem:$0x3FAB]  }
0x2d: {  	s3 =	simm.s32 $0x108;
	s8 =	sld [smem:$0x3FAC]  }
0x2e: {  	s3 =	simm.s32 @!p0 $0x1082;
	s9 =	sld [smem:$0x3FAD]  }
0x2f: {  	lr =	sadd.s32 s0, s3;
	s0 =	sld [smem:$0x3FA4]  }
0x30: {  	s3 =	sld [smem:$0x3FA7]  }
0x31: {  	[smem:$0x3FB0] =	sst s10  }
0x32: {  	s10 =	sld [smem:$0x3FAE];
	_ =	sdelay $0x3  }
0x33: {  	p0 =	seq.s32 s10, $0x1;
	s10 =	sld [smem:$0x3FB0];
	_ =	sdelay $0x3  }
0x34: {  	[smem:$0x3FB0] =	sst s10  }
0x35: {  	s10 =	sld [smem:$0x3FAF];
	_ =	sdelay $0x3  }
0x36: {  	p1 =	seq.s32 s10, $0x1;
	s10 =	sld [smem:$0x3FB0];
	_ =	sdelay $0x3  }
0x37: {  	[smem:$0x3FB0] =	sst s10  }
0x38: {  	s10 =	sld [smem:$0x3FB1]  }
0x39: {  	_ = 	snop;
	(pc) =	sbr.ind lr, $3  }
0x3a: {  	_ = 	snop  }
0x3b: {  	_ = 	snop  }
0x3c: {  	p2 =	seq.s32 s10, $0x1;
	s10 =	sld [smem:$0x3FB0]  }
0x3d: {  	_ =	shalt  }
0x3e: {  	_ =	shalt  }
0x3f: {  	_ =	shalt  }
0x40: {  	_ =	shalt  }
0x41: {  	_ =	shalt  }
0x42: {  	_ =	shalt  }
0x43: {  	_ =	shalt  }
0x44: {  	_ =	shalt  }
0x45: {  	_ =	shalt  }
0x46: {  	_ =	shalt  }
0x47: {  	_ =	shalt  }
0x48: {  	_ =	shalt  }
0x49: {  	_ =	shalt  }
0x4a: {  	_ =	shalt  }
0x4b: {  	_ =	shalt  }
0x4c: {  	_ =	shalt  }
0x4d: {  	_ =	shalt  }
0x4e: {  	_ =	shalt  }
0x4f: {  	_ =	shalt  }
0x50: {  	_ =	shalt  }
0x51: {  	_ =	shalt  }
0x52: {  	_ =	shalt  }
0x53: {  	_ =	shalt  }
0x54: {  	_ =	shalt  }
0x55: {  	_ =	shalt  }
0x56: {  	_ =	shalt  }
0x57: {  	_ =	shalt  }
0x58: {  	_ =	shalt  }
0x59: {  	_ =	shalt  }
0x5a: {  	_ =	shalt  }
0x5b: {  	_ =	shalt  }
0x5c: {  	_ =	shalt  }
0x5d: {  	_ =	shalt  }
0x5e: {  	_ =	shalt  }
0x5f: {  	_ =	shalt  }
0x60: {  	_ =	shalt  }
0x61: {  	_ =	shalt  }
0x62: {  	_ =	shalt  }
0x63: {  	_ =	shalt  }
0x64: {  	_ =	shalt  }
0x65: {  	_ =	shalt  }
0x66: {  	_ =	shalt  }
0x67: {  	_ =	shalt  }
0x68: {  	_ =	shalt  }
0x69: {  	_ =	shalt  }
0x6a: {  	_ =	shalt  }
0x6b: {  	_ =	shalt  }
0x6c: {  	_ =	shalt  }
0x6d: {  	_ =	shalt  }
0x6e: {  	_ =	shalt  }
0x6f: {  	_ =	shalt  }
0x70: {  	_ =	shalt  }
0x71: {  	_ =	shalt  }
0x72: {  	_ =	shalt  }
0x73: {  	_ =	shalt  }
0x74: {  	_ =	shalt  }
0x75: {  	_ =	shalt  }
0x76: {  	_ =	shalt  }
0x77: {  	_ =	shalt  }
0x78: {  	_ =	shalt  }
0x79: {  	_ =	shalt  }
0x7a: {  	_ =	shalt  }
0x7b: {  	_ =	shalt  }
0x7c: {  	_ =	shalt  }
0x7d: {  	_ =	shalt  }
0x7e: {  	_ =	shalt  }
0x7f: {  	_ =	shalt  }
0x80: {  	_ =	shalt  }
0x81: {  	_ =	shalt  }
0x82: {  	_ =	shalt  }
0x83: {  	_ =	shalt  }
0x84: {  	_ =	shalt  }
0x85: {  	_ =	shalt  }
0x86: {  	_ =	shalt  }
0x87: {  	_ =	shalt  }
.Lfunc_end0:
.L_simem_size_0:
called_computation.1_lowered:
.L_overlay_start_0:
0x88: {  	s2 =	sld [smem:$0x3FD9]  }
0x89: {  	s3 =	sld [smem:$0x3FFE];
	_ =	sdelay $0x1  }
0x8a: {  	s1 =	srdreg.scid  }
0x8b: {  	s0 =	sand.u32 $0x1, s1  }
0x8c: {  	s17 =	sshll.u32 s0, $0xA;
	s2 =	sadd.s32 s3, s2  }
0x8d: {  	s2 =	sadd.s32 s2, s17  }
0x8e: {  	[smem:$0x3FBC] =	sst s2  }
0x8f: {  	_ = 	snop  }
0x90: {  	s2 =	sld [smem:$0x3FD0];
	(tm) =	ssettm $0x1  }
0x91: {  	s18 =	sld [smem:$0x3FFB];
	_ =	sdelay $0x3  }
0x92: {  	_ =	strace s18  }
0x93: {  	s3 =	sld [smem:$0x3FFC];
	_ =	sdelay $0x3  }
0x94: {  	_ =	strace s3  }
0x95: {  	s3 =	sld [smem:$0x3FFD];
	_ =	sdelay $0x3  }
0x96: {  	_ =	strace s3  }
0x97: {  	_ =	strace $0x8FFFFFFF  }
0x98: {  	s19 =	sld [smem:$0x3FDB];
	_ =	sdelay $0x1  }
0x99: {  	s4 =	simm.s32 $_scs_section_size  }
0x9a: {  	s5 =	simm.s32 $_size__tile_overlayer_lowered;
	s6 =	simm.s32 $_tile_overlayer_lowered  }
0x9b: {  	s22 =	simm.s32 $0x1BFF;
	s21 =	sshll.u32 s6, $0x1;
	s3 =	sadd.s32 s4, s19  }
0x9c: {  	s7 =	simm.s32 $0x0;
	s20 =	sshll.u32 s5, $0x1;
	s5 =	sadd.s32 s21, s3  }
0x9d: {  	[timem:s7], [sflag:s22] =	dma.local [hbm:s5], s20  }
0x9e: {  	_ =	swait.ge [sflag:s22], s20  }
0x9f: {  	s4 =	ssub.s32 $0x0, s20;
	[sflag:s22] =	ssyncset.done $0x0  }
0xa0: {  	[sflag:s22] =	ssyncadd.s32 s4;
	_ =	sdelay $0x1  }
0xa1: {  	s23 =	simm.s32 $0x1B8B  }
0xa2: {  	_ =	swait.ge [sflag:s23], $0x1  }
0xa3: {  	[sflag:s23] =	ssyncset.done $0x0  }
0xa4: {  	s25 =	simm.s32 $0x1B8E;
	s24 =	sld [smem:$0x3FFE];
	[sflag:s23] =	ssyncadd.s32 $0xFFFFFFFF  }
0xa5: {  	s26 =	simm.s32 $execute0_lowered;
	[smem:$0x3FD2] =	sst s25  }
0xa6: {  	s5 =	sshll.u32 s26, $0x1;
	_ =	strace $0x80000049;
	[dreg:$0x1] =	wrdreg $0xFFFFFFFF  }
0xa7: {  	s28 =	simm.s32 $_size_execute0_lowered;
	s3 =	sadd.s32 s3, s5;
	[dreg:$0x0] =	wrdreg $0x0  }
0xa8: {  	s5 =	sshll.u32 s28, $0x1;
	[dreg:$0x2] =	wrdreg s3  }
0xa9: {  	[dreg:$0x3] =	wrdreg s5  }
0xaa: {  	[dreg:$0x4] =	wrdreg $0xC0  }
0xab: {  	_ =	task [dreg:s7], $0x5FFFF  }
0xac: {  	[dreg:$0x1] =	wrdreg $0xFFFFFFFF  }
0xad: {  	[dreg:$0x0] =	wrdreg $0x60  }
0xae: {  	[dreg:$0x2] =	wrdreg s24  }
0xaf: {  	[dreg:$0x3] =	wrdreg s2  }
0xb0: {  	[dreg:$0x4] =	wrdreg $0xA8000  }
0xb1: {  	[dreg:$0x5] =	wrdreg $0x9  }
0xb2: {  	_ =	task.clear_ibuf [dreg:s7], $0x6FFFF;
	_ =	strace $0x90000049  }
0xb3: {  	s29 =	simm.s32 $0x9;
	_ =	strace $0x8000004B  }
0xb4: {  	_ =	swait.ge [sflag:s29], $0x1  }
0xb5: {  	[sflag:s29] =	ssyncadd.s32 $0xFFFFFFFF  }
0xb6: {  	_ =	strace $0x9000004B  }
0xb7: {  	_ =	sfence  }
0xb8: {  	s30 =	sld [smem:$0x0];
	_ =	sdelay $0x2  }
0xb9: {  	s31 =	sshll.u32 s1, $0xD;
	s1 =	sshrl.u32 s1, $0x2  }
0xba: {  	s3 =	sand.u32 $0x4000, s31;
	s1 =	sadd.s32 s1, s30  }
0xbb: {  	s0 =	sor.u32 s3, s0;
	s1 =	sshll.u32 s1, $0x11  }
0xbc: {  	s0 =	sor.u32 s1, s0  }
0xbd: {  	s0 =	sadd.s32 $0x8F2B, s0  }
0xbe: {  	[sflag:s0] =	ssyncadd.remote.s32 $0x1  }
0xbf: {  	_ =	sfence.sel $0xFFFF  }
0xc0: {  	[dreg:$0x0] =	wrdreg $0xFFFFFFFF;
	(pc) =	sbr.abs _section_cstart, $3  }
0xc1: {  	[dreg:$0x1] =	wrdreg $0xFFFFFFFF  }
0xc2: {  	_ =	task.clear_ibuf [dreg:s7], $0x2FFFF;
	_ =	strace $0x9FFFFFFF  }
0xc3: {  	(tm) =	ssettm $0x7FFFFFFF  }
tec
execute0_lowered:
.L_overlay_start_1:
0x0: {  	(tag) =	ssettag $0x1  }
0x1: {  	s12 =	rddreg [dreg:$0x0]  }
0x2: {  	s11 =	rddreg [dreg:$0x1]  }
0x3: {  	s1 =	rddreg [dreg:$0x2];
	s3 =	simm.s32 $0x0  }
0x4: {  	s4 =	srdreg.scid;
	s2 =	stileid.u32;
	s19 =	simm.s32 $0x3  }
0x5: {  	s20 =	simm.s32 $0x1400;
	s21 =	simm.s32 $0x80;
	s22 =	simm.s32 $0x2800  }
0x6: {  	s23 =	simm.s32 $0x6800;
	s24 =	simm.s32 $0x1;
	s25 =	simm.s32 $0x2  }
0x7: {  	s26 =	simm.s32 $0x2700;
	s28 =	simm.s32 $0x2780;
	[smem:$0x7FF] =	sst s3  }
0x8: {  	s7 =	sand.u32 $0x1, s4;
	s10 =	sadd.s32 $0x2800, s12;
	s9 =	smul.u32 $0x50000, s2  }
0x9: {  	s4 =	sadd.s32 $0x7800, s12;
	s5 =	smul.u32 $0x2800, s2;
	s6 =	sadd.s32 $0x57800, s12  }
0xa: {  	s15 =	smul.u32 $0x14000, s2;
	s12 =	sadd.s32 $0x2F800, s12;
	s8 =	ssub.s32 $0x2, s7  }
0xb: {  	_ =	strace $0x8000004A;
	p0 =	seq.s32 s7, $0x1;
	s13 =	sshrl.u32 s8, $0x1  }
0xc: {  	s29 =	sshrl.u32 s9, $0x2;
	s30 =	sshrl.u32 s5, $0x3;
	s7 =	sadd.s32 s4, s5  }
.Ltmp0:
0xd: {  	s16 =	sshrl.u32 s15, $0x3;
	s15 =	sshll.u32 s2, $0x6;
	(pc) =	sbr.rel .LBB2_1-.Ltmp0, $4  }
0xe: {  	s14 =	ssub.s32 s8, s13;
	s18 =	sadd.s32 s29, s1;
	s31 =	sadd.s32 $0x280, s30  }
0xf: {  	s8 =	sadd.s32 s10, s30;
	s9 =	sadd.s32 s11, s30;
	s13 =	sadd.s32 $0x28000, s16  }
0x10: {  	s16 =	sadd.s32 s16, s12;
	s17 =	sor.u32 $0x1C03, s15;
	s10 =	sadd.s32 s10, s31  }
0x11: {  	s11 =	sadd.s32 s11, s31;
	s14 =	smax.u32 s14, $0x1;
	s18 =	sshrl.u32 s18, $0x3  }
.LBB2_11:
0x12: {  	[tilespmem:s23], [sflag:$0x2] =	stream.indirect.gather [hbm4b:s12+s21], $0x80, s30, s21, $0xb8;
	[tilespmem:$0x1E800] =	vst v63  }
0x13: {  	s30 =	smov.u32 s13;
	s29 =	smov.u32 s17  }
.LBB2_12:
0x14: {  	_ =	swait.ge [sflag:s24], $0x4000  }
0x15: {  	[sflag:s24] =	ssyncset.done $0x0  }
0x16: {  	[sflag:s24] =	ssyncadd.s32 $0xFFFFC000  }
0x17: {  	[spmem:s1] =	stream.indirect.scatter.add.f32 [tilespmem:s22], [sflag:$0x3], $0x80, s26, s21, $0xb8;
	[tilespmem:$0x1E800] =	vst v63  }
0x18: {  	_ =	swait.ge [sflag:s19], $0x4000  }
0x19: {  	[sflag:s19] =	ssyncset.done $0x0  }
0x1a: {  	[sflag:s19] =	ssyncadd.s32 $0xFFFFC000  }
0x1b: {  	_ =	swait.ge [sflag:s25], $0x4000  }
0x1c: {  	[sflag:s25] =	ssyncset.done $0x0  }
0x1d: {  	[sflag:s25] =	ssyncadd.s32 $0xFFFFC000  }
0x1e: {  	[spmem:s1] =	stream.indirect.scatter.add.f32 [tilespmem:s23], [sflag:$0x3], $0x80, s28, s21, $0xb8;
	[tilespmem:$0x1E800] =	vst v63  }
0x1f: {  	_ =	swait.ge [sflag:s19], $0x4000  }
0x20: {  	s3 =	sadd.s32 $0x1, s3;
	[sflag:s19] =	ssyncset.done $0x0  }
0x21: {  	p1 =	sne.s32 s3, s14;
	[sflag:s19] =	ssyncadd.s32 $0xFFFFC000  }
.Ltmp1:
0x22: {  	s0 =	sadd.s32 s6, s30;
	[bflag:$0x0] =	sbarrier.arrive $0xFFFF;
	(pc) =	sbr.rel @!p1 .LBB2_13-.Ltmp1, $4  }
0x23: {  	[hbm:s0], [sflag:s29] =	dma.local [spmem:s18], $0x2800  }
0x24: {  	_ =	swait.ge [sflag:s19], $0x2800  }
0x25: {  	[sflag:s19] =	ssyncset.done $0x0  }
0x26: {  	[sflag:s19] =	ssyncadd.s32 $0xFFFFD800  }
.LBB2_1:
.Ltmp2:
0x27: {  	(pc) =	sbr.rel @!p0 .LBB2_2-.Ltmp2, $1  }
0x28: {  	_ =	sdelay $0x3  }
0x29: {  	[spmem:s18], [sflag:s17] =	dma.local [hbm:s16], $0x2800  }
0x2a: {  	_ =	swait.ge [sflag:s19], $0x2800  }
0x2b: {  	[sflag:s19] =	ssyncset.done $0x0  }
0x2c: {  	[sflag:s19] =	ssyncadd.s32 $0xFFFFD800  }
0x2d: {  	s0 =	simm.s32 $0x0;
	[bflag:$0x0] =	sbarrier.arrive $0xFFFF  }
0x2e: {  	[tilespmem:s0], [sflag:$0x3] =	stream.linear.gather [hbm4b:s8+s0], $0x1400, $0x38;
	[tilespmem:$0x1E800] =	vst v63  }
0x2f: {  	_ =	swait.ge [sflag:s19], $0x1400  }
0x30: {  	[sflag:s19] =	ssyncset.done $0x0  }
0x31: {  	[sflag:s19] =	ssyncadd.s32 $0xFFFFEC00  }
0x32: {  	[tilespmem:s20], [sflag:$0x3] =	stream.linear.gather [hbm4b:s9+s0], $0x1400, $0x38;
	[tilespmem:$0x1E800] =	vst v63  }
0x33: {  	_ =	swait.ge [sflag:s19], $0x1400  }
0x34: {  	[sflag:s19] =	ssyncset.done $0x0  }
0x35: {  	[sflag:s19] =	ssyncadd.s32 $0xFFFFEC00  }
0x36: {  	[tilespmem:s22], [sflag:$0x1] =	stream.indirect.gather [hbm4b:s12+s21], $0x80, s0, s21, $0xb8;
	[tilespmem:$0x1E800] =	vst v63  }
0x37: {  	_ = 	snop  }
0x38: {  	[tilespmem:s23], [sflag:$0x2] =	stream.indirect.gather [hbm4b:s12+s21], $0x80, s21, s21, $0xb8;
	[tilespmem:$0x1E800] =	vst v63  }
0x39: {  	_ =	swait.ge [sflag:s24], $0x4000  }
0x3a: {  	[sflag:s24] =	ssyncset.done $0x0  }
0x3b: {  	s31 =	simm.s32 $0x1400;
	[sflag:s24] =	ssyncadd.s32 $0xFFFFC000  }
0x3c: {  	[spmem:s1] =	stream.indirect.scatter.add.f32 [tilespmem:s22], [sflag:$0x3], $0x80, s31, s21, $0xb8;
	[tilespmem:$0x1E800] =	vst v63  }
0x3d: {  	_ =	swait.ge [sflag:s19], $0x4000  }
0x3e: {  	[sflag:s19] =	ssyncset.done $0x0  }
0x3f: {  	s31 =	simm.s32 $0x100;
	[sflag:s19] =	ssyncadd.s32 $0xFFFFC000  }
0x40: {  	[tilespmem:s22], [sflag:$0x1] =	stream.indirect.gather [hbm4b:s12+s21], $0x80, s31, s21, $0xb8;
	[tilespmem:$0x1E800] =	vst v63  }
0x41: {  	_ =	swait.ge [sflag:s25], $0x4000  }
0x42: {  	[sflag:s25] =	ssyncset.done $0x0  }
0x43: {  	s31 =	simm.s32 $0x1480;
	[sflag:s25] =	ssyncadd.s32 $0xFFFFC000  }
0x44: {  	[spmem:s1] =	stream.indirect.scatter.add.f32 [tilespmem:s23], [sflag:$0x3], $0x80, s31, s21, $0xb8;
	[tilespmem:$0x1E800] =	vst v63  }
0x45: {  	_ =	swait.ge [sflag:s19], $0x4000  }
0x46: {  	[sflag:s19] =	ssyncset.done $0x0  }
0x47: {  	s29 =	simm.s32 $0x400;
	s30 =	simm.s32 $0x180;
	[sflag:s19] =	ssyncadd.s32 $0xFFFFC000  }
.LBB2_8:
0x48: {  	[tilespmem:s23], [sflag:$0x2] =	stream.indirect.gather [hbm4b:s12+s21], $0x80, s30, s21, $0xb8;
	[tilespmem:$0x1E800] =	vst v63  }
0x49: {  	s0 =	smov.u32 s29  }
0x4a: {  	p1 =	sne.s32 s29, $0x4800;
	s29 =	sadd.s32 $0x400, s29;
	_ =	swait.ge [sflag:s24], $0x4000  }
0x4b: {  	s0 =	sshra.s32 s0, $0x2;
	[sflag:s24] =	ssyncset.done $0x0  }
0x4c: {  	s30 =	sadd.s32 $0x1400, s0;
	[sflag:s24] =	ssyncadd.s32 $0xFFFFC000  }
0x4d: {  	[spmem:s1] =	stream.indirect.scatter.add.f32 [tilespmem:s22], [sflag:$0x3], $0x80, s30, s21, $0xb8;
	[tilespmem:$0x1E800] =	vst v63  }
0x4e: {  	_ =	swait.ge [sflag:s19], $0x4000  }
0x4f: {  	[sflag:s19] =	ssyncset.done $0x0  }
0x50: {  	s30 =	sadd.s32 $0x100, s0;
	[sflag:s19] =	ssyncadd.s32 $0xFFFFC000  }
0x51: {  	[tilespmem:s22], [sflag:$0x1] =	stream.indirect.gather [hbm4b:s12+s21], $0x80, s30, s21, $0xb8;
	[tilespmem:$0x1E800] =	vst v63  }
0x52: {  	_ =	swait.ge [sflag:s25], $0x4000  }
0x53: {  	[sflag:s25] =	ssyncset.done $0x0  }
.Ltmp3:
0x54: {  	s30 =	sadd.s32 $0x1480, s0;
	[sflag:s25] =	ssyncadd.s32 $0xFFFFC000;
	(pc) =	sbr.rel @p1 .LBB2_8-.Ltmp3, $4  }
0x55: {  	[spmem:s1] =	stream.indirect.scatter.add.f32 [tilespmem:s23], [sflag:$0x3], $0x80, s30, s21, $0xb8;
	[tilespmem:$0x1E800] =	vst v63  }
0x56: {  	_ =	swait.ge [sflag:s19], $0x4000  }
0x57: {  	[sflag:s19] =	ssyncset.done $0x0  }
0x58: {  	s30 =	sadd.s32 $0x180, s0;
	[sflag:s19] =	ssyncadd.s32 $0xFFFFC000  }
0x59: {  	[tilespmem:s23], [sflag:$0x2] =	stream.indirect.gather [hbm4b:s12+s21], $0x80, s30, s21, $0xb8;
	[tilespmem:$0x1E800] =	vst v63  }
0x5a: {  	_ =	swait.ge [sflag:s24], $0x4000  }
0x5b: {  	[sflag:s24] =	ssyncset.done $0x0  }
0x5c: {  	[sflag:s24] =	ssyncadd.s32 $0xFFFFC000  }
0x5d: {  	[spmem:s1] =	stream.indirect.scatter.add.f32 [tilespmem:s22], [sflag:$0x3], $0x80, s26, s21, $0xb8;
	[tilespmem:$0x1E800] =	vst v63  }
0x5e: {  	_ =	swait.ge [sflag:s19], $0x4000  }
0x5f: {  	[sflag:s19] =	ssyncset.done $0x0  }
0x60: {  	[sflag:s19] =	ssyncadd.s32 $0xFFFFC000  }
0x61: {  	_ =	swait.ge [sflag:s25], $0x4000  }
0x62: {  	[sflag:s25] =	ssyncset.done $0x0  }
0x63: {  	[sflag:s25] =	ssyncadd.s32 $0xFFFFC000  }
0x64: {  	[spmem:s1] =	stream.indirect.scatter.add.f32 [tilespmem:s23], [sflag:$0x3], $0x80, s28, s21, $0xb8;
	[tilespmem:$0x1E800] =	vst v63  }
0x65: {  	_ =	swait.ge [sflag:s19], $0x4000  }
0x66: {  	[sflag:s19] =	ssyncset.done $0x0  }
0x67: {  	s0 =	simm.s32 $0x0;
	[sflag:s19] =	ssyncadd.s32 $0xFFFFC000  }
0x68: {  	[tilespmem:s0], [sflag:$0x3] =	stream.linear.gather [hbm4b:s10+s0], $0x1400, $0x38;
	[tilespmem:$0x1E800] =	vst v63  }
0x69: {  	_ =	swait.ge [sflag:s19], $0x1400  }
0x6a: {  	[sflag:s19] =	ssyncset.done $0x0  }
0x6b: {  	[sflag:s19] =	ssyncadd.s32 $0xFFFFEC00  }
0x6c: {  	[tilespmem:s20], [sflag:$0x3] =	stream.linear.gather [hbm4b:s11+s0], $0x1400, $0x38;
	[tilespmem:$0x1E800] =	vst v63  }
0x6d: {  	_ =	swait.ge [sflag:s19], $0x1400  }
0x6e: {  	[sflag:s19] =	ssyncset.done $0x0  }
0x6f: {  	[sflag:s19] =	ssyncadd.s32 $0xFFFFEC00  }
0x70: {  	[tilespmem:s22], [sflag:$0x1] =	stream.indirect.gather [hbm4b:s12+s21], $0x80, s0, s21, $0xb8;
	[tilespmem:$0x1E800] =	vst v63  }
0x71: {  	_ = 	snop  }
0x72: {  	[tilespmem:s23], [sflag:$0x2] =	stream.indirect.gather [hbm4b:s12+s21], $0x80, s21, s21, $0xb8;
	[tilespmem:$0x1E800] =	vst v63  }
0x73: {  	_ =	swait.ge [sflag:s24], $0x4000  }
0x74: {  	[sflag:s24] =	ssyncset.done $0x0  }
0x75: {  	s31 =	simm.s32 $0x1400;
	[sflag:s24] =	ssyncadd.s32 $0xFFFFC000  }
0x76: {  	[spmem:s1] =	stream.indirect.scatter.add.f32 [tilespmem:s22], [sflag:$0x3], $0x80, s31, s21, $0xb8;
	[tilespmem:$0x1E800] =	vst v63  }
0x77: {  	_ =	swait.ge [sflag:s19], $0x4000  }
0x78: {  	[sflag:s19] =	ssyncset.done $0x0  }
0x79: {  	s31 =	simm.s32 $0x100;
	[sflag:s19] =	ssyncadd.s32 $0xFFFFC000  }
0x7a: {  	[tilespmem:s22], [sflag:$0x1] =	stream.indirect.gather [hbm4b:s12+s21], $0x80, s31, s21, $0xb8;
	[tilespmem:$0x1E800] =	vst v63  }
0x7b: {  	_ =	swait.ge [sflag:s25], $0x4000  }
0x7c: {  	[sflag:s25] =	ssyncset.done $0x0  }
0x7d: {  	s31 =	simm.s32 $0x1480;
	[sflag:s25] =	ssyncadd.s32 $0xFFFFC000  }
0x7e: {  	[spmem:s1] =	stream.indirect.scatter.add.f32 [tilespmem:s23], [sflag:$0x3], $0x80, s31, s21, $0xb8;
	[tilespmem:$0x1E800] =	vst v63  }
0x7f: {  	_ =	swait.ge [sflag:s19], $0x4000  }
0x80: {  	[sflag:s19] =	ssyncset.done $0x0  }
0x81: {  	s29 =	simm.s32 $0x400;
	s30 =	simm.s32 $0x180;
	[sflag:s19] =	ssyncadd.s32 $0xFFFFC000  }
.LBB2_10:
0x82: {  	[tilespmem:s23], [sflag:$0x2] =	stream.indirect.gather [hbm4b:s12+s21], $0x80, s30, s21, $0xb8;
	[tilespmem:$0x1E800] =	vst v63  }
0x83: {  	s0 =	smov.u32 s29  }
0x84: {  	p1 =	sne.s32 s29, $0x4800;
	s29 =	sadd.s32 $0x400, s29;
	_ =	swait.ge [sflag:s24], $0x4000  }
0x85: {  	s0 =	sshra.s32 s0, $0x2;
	[sflag:s24] =	ssyncset.done $0x0  }
0x86: {  	s30 =	sadd.s32 $0x1400, s0;
	[sflag:s24] =	ssyncadd.s32 $0xFFFFC000  }
0x87: {  	[spmem:s1] =	stream.indirect.scatter.add.f32 [tilespmem:s22], [sflag:$0x3], $0x80, s30, s21, $0xb8;
	[tilespmem:$0x1E800] =	vst v63  }
0x88: {  	_ =	swait.ge [sflag:s19], $0x4000  }
0x89: {  	[sflag:s19] =	ssyncset.done $0x0  }
0x8a: {  	s30 =	sadd.s32 $0x100, s0;
	[sflag:s19] =	ssyncadd.s32 $0xFFFFC000  }
0x8b: {  	[tilespmem:s22], [sflag:$0x1] =	stream.indirect.gather [hbm4b:s12+s21], $0x80, s30, s21, $0xb8;
	[tilespmem:$0x1E800] =	vst v63  }
0x8c: {  	_ =	swait.ge [sflag:s25], $0x4000  }
0x8d: {  	[sflag:s25] =	ssyncset.done $0x0  }
.Ltmp4:
0x8e: {  	s30 =	sadd.s32 $0x1480, s0;
	[sflag:s25] =	ssyncadd.s32 $0xFFFFC000;
	(pc) =	sbr.rel @p1 .LBB2_10-.Ltmp4, $4  }
0x8f: {  	[spmem:s1] =	stream.indirect.scatter.add.f32 [tilespmem:s23], [sflag:$0x3], $0x80, s30, s21, $0xb8;
	[tilespmem:$0x1E800] =	vst v63  }
0x90: {  	_ =	swait.ge [sflag:s19], $0x4000  }
0x91: {  	[sflag:s19] =	ssyncset.done $0x0  }
0x92: {  	s30 =	sadd.s32 $0x180, s0;
	[sflag:s19] =	ssyncadd.s32 $0xFFFFC000  }
.Ltmp5:
0x93: {  	_ = 	snop;
	(pc) =	sbr.rel .LBB2_11-.Ltmp5, $1  }
0x94: {  	_ =	sdelay $0x3  }
.LBB2_2:
0x95: {  	s29 =	sor.u32 $0x1C03, s15  }
0x96: {  	[spmem:s18], [sflag:s29] =	dma.local [hbm:s7], $0x2800  }
0x97: {  	_ =	swait.ge [sflag:s19], $0x2800  }
0x98: {  	[sflag:s19] =	ssyncset.done $0x0  }
0x99: {  	[sflag:s19] =	ssyncadd.s32 $0xFFFFD800  }
0x9a: {  	s30 =	simm.s32 $0x0;
	[bflag:$0x0] =	sbarrier.arrive $0xFFFF  }
0x9b: {  	[tilespmem:s30], [sflag:$0x3] =	stream.linear.gather [hbm4b:s8+s30], $0x1400, $0x38;
	[tilespmem:$0x1E800] =	vst v63  }
0x9c: {  	_ =	swait.ge [sflag:s19], $0x1400  }
0x9d: {  	[sflag:s19] =	ssyncset.done $0x0  }
0x9e: {  	[sflag:s19] =	ssyncadd.s32 $0xFFFFEC00  }
0x9f: {  	[tilespmem:s20], [sflag:$0x3] =	stream.linear.gather [hbm4b:s9+s30], $0x1400, $0x38;
	[tilespmem:$0x1E800] =	vst v63  }
0xa0: {  	_ =	swait.ge [sflag:s19], $0x1400  }
0xa1: {  	[sflag:s19] =	ssyncset.done $0x0  }
0xa2: {  	[sflag:s19] =	ssyncadd.s32 $0xFFFFEC00  }
0xa3: {  	[tilespmem:s22], [sflag:$0x1] =	stream.indirect.gather [hbm4b:s4+s21], $0x80, s30, s21, $0xb8;
	[tilespmem:$0x1E800] =	vst v63  }
0xa4: {  	_ = 	snop  }
0xa5: {  	[tilespmem:s23], [sflag:$0x2] =	stream.indirect.gather [hbm4b:s4+s21], $0x80, s21, s21, $0xb8;
	[tilespmem:$0x1E800] =	vst v63  }
0xa6: {  	_ =	swait.ge [sflag:s24], $0x4000  }
0xa7: {  	[sflag:s24] =	ssyncset.done $0x0  }
0xa8: {  	s30 =	simm.s32 $0x1400;
	[sflag:s24] =	ssyncadd.s32 $0xFFFFC000  }
0xa9: {  	[spmem:s1] =	stream.indirect.scatter.add.f32 [tilespmem:s22], [sflag:$0x3], $0x80, s30, s21, $0xb8;
	[tilespmem:$0x1E800] =	vst v63  }
0xaa: {  	_ =	swait.ge [sflag:s19], $0x4000  }
0xab: {  	[sflag:s19] =	ssyncset.done $0x0  }
0xac: {  	s30 =	simm.s32 $0x100;
	[sflag:s19] =	ssyncadd.s32 $0xFFFFC000  }
0xad: {  	[tilespmem:s22], [sflag:$0x1] =	stream.indirect.gather [hbm4b:s4+s21], $0x80, s30, s21, $0xb8;
	[tilespmem:$0x1E800] =	vst v63  }
0xae: {  	_ =	swait.ge [sflag:s25], $0x4000  }
0xaf: {  	[sflag:s25] =	ssyncset.done $0x0  }
0xb0: {  	s30 =	simm.s32 $0x1480;
	[sflag:s25] =	ssyncadd.s32 $0xFFFFC000  }
0xb1: {  	[spmem:s1] =	stream.indirect.scatter.add.f32 [tilespmem:s23], [sflag:$0x3], $0x80, s30, s21, $0xb8;
	[tilespmem:$0x1E800] =	vst v63  }
0xb2: {  	_ =	swait.ge [sflag:s19], $0x4000  }
0xb3: {  	[sflag:s19] =	ssyncset.done $0x0  }
0xb4: {  	s31 =	simm.s32 $0x180;
	s30 =	simm.s32 $0x400;
	[sflag:s19] =	ssyncadd.s32 $0xFFFFC000  }
.LBB2_3:
0xb5: {  	[tilespmem:s23], [sflag:$0x2] =	stream.indirect.gather [hbm4b:s4+s21], $0x80, s31, s21, $0xb8;
	[tilespmem:$0x1E800] =	vst v63  }
0xb6: {  	s31 =	smov.u32 s30  }
0xb7: {  	p1 =	sne.s32 s30, $0x4800;
	s30 =	sadd.s32 $0x400, s30;
	_ =	swait.ge [sflag:s24], $0x4000  }
0xb8: {  	s31 =	sshra.s32 s31, $0x2;
	[sflag:s24] =	ssyncset.done $0x0  }
0xb9: {  	s0 =	sadd.s32 $0x1400, s31;
	[sflag:s24] =	ssyncadd.s32 $0xFFFFC000  }
0xba: {  	[spmem:s1] =	stream.indirect.scatter.add.f32 [tilespmem:s22], [sflag:$0x3], $0x80, s0, s21, $0xb8;
	[tilespmem:$0x1E800] =	vst v63  }
0xbb: {  	_ =	swait.ge [sflag:s19], $0x4000  }
0xbc: {  	[sflag:s19] =	ssyncset.done $0x0  }
0xbd: {  	s0 =	sadd.s32 $0x100, s31;
	[sflag:s19] =	ssyncadd.s32 $0xFFFFC000  }
0xbe: {  	[tilespmem:s22], [sflag:$0x1] =	stream.indirect.gather [hbm4b:s4+s21], $0x80, s0, s21, $0xb8;
	[tilespmem:$0x1E800] =	vst v63  }
0xbf: {  	_ =	swait.ge [sflag:s25], $0x4000  }
0xc0: {  	[sflag:s25] =	ssyncset.done $0x0  }
.Ltmp6:
0xc1: {  	s0 =	sadd.s32 $0x1480, s31;
	[sflag:s25] =	ssyncadd.s32 $0xFFFFC000;
	(pc) =	sbr.rel @p1 .LBB2_3-.Ltmp6, $4  }
0xc2: {  	[spmem:s1] =	stream.indirect.scatter.add.f32 [tilespmem:s23], [sflag:$0x3], $0x80, s0, s21, $0xb8;
	[tilespmem:$0x1E800] =	vst v63  }
0xc3: {  	_ =	swait.ge [sflag:s19], $0x4000  }
0xc4: {  	[sflag:s19] =	ssyncset.done $0x0  }
0xc5: {  	s31 =	sadd.s32 $0x180, s31;
	[sflag:s19] =	ssyncadd.s32 $0xFFFFC000  }
0xc6: {  	[tilespmem:s23], [sflag:$0x2] =	stream.indirect.gather [hbm4b:s4+s21], $0x80, s31, s21, $0xb8;
	[tilespmem:$0x1E800] =	vst v63  }
0xc7: {  	_ =	swait.ge [sflag:s24], $0x4000  }
0xc8: {  	[sflag:s24] =	ssyncset.done $0x0  }
0xc9: {  	[sflag:s24] =	ssyncadd.s32 $0xFFFFC000  }
0xca: {  	[spmem:s1] =	stream.indirect.scatter.add.f32 [tilespmem:s22], [sflag:$0x3], $0x80, s26, s21, $0xb8;
	[tilespmem:$0x1E800] =	vst v63  }
0xcb: {  	_ =	swait.ge [sflag:s19], $0x4000  }
0xcc: {  	[sflag:s19] =	ssyncset.done $0x0  }
0xcd: {  	[sflag:s19] =	ssyncadd.s32 $0xFFFFC000  }
0xce: {  	_ =	swait.ge [sflag:s25], $0x4000  }
0xcf: {  	[sflag:s25] =	ssyncset.done $0x0  }
0xd0: {  	[sflag:s25] =	ssyncadd.s32 $0xFFFFC000  }
0xd1: {  	[spmem:s1] =	stream.indirect.scatter.add.f32 [tilespmem:s23], [sflag:$0x3], $0x80, s28, s21, $0xb8;
	[tilespmem:$0x1E800] =	vst v63  }
0xd2: {  	_ =	swait.ge [sflag:s19], $0x4000  }
0xd3: {  	[sflag:s19] =	ssyncset.done $0x0  }
0xd4: {  	s0 =	simm.s32 $0x0;
	[sflag:s19] =	ssyncadd.s32 $0xFFFFC000  }
0xd5: {  	[tilespmem:s0], [sflag:$0x3] =	stream.linear.gather [hbm4b:s10+s0], $0x1400, $0x38;
	[tilespmem:$0x1E800] =	vst v63  }
0xd6: {  	_ =	swait.ge [sflag:s19], $0x1400  }
0xd7: {  	[sflag:s19] =	ssyncset.done $0x0  }
0xd8: {  	[sflag:s19] =	ssyncadd.s32 $0xFFFFEC00  }
0xd9: {  	[tilespmem:s20], [sflag:$0x3] =	stream.linear.gather [hbm4b:s11+s0], $0x1400, $0x38;
	[tilespmem:$0x1E800] =	vst v63  }
0xda: {  	_ =	swait.ge [sflag:s19], $0x1400  }
0xdb: {  	[sflag:s19] =	ssyncset.done $0x0  }
0xdc: {  	[sflag:s19] =	ssyncadd.s32 $0xFFFFEC00  }
0xdd: {  	[tilespmem:s22], [sflag:$0x1] =	stream.indirect.gather [hbm4b:s4+s21], $0x80, s0, s21, $0xb8;
	[tilespmem:$0x1E800] =	vst v63  }
0xde: {  	_ = 	snop  }
0xdf: {  	[tilespmem:s23], [sflag:$0x2] =	stream.indirect.gather [hbm4b:s4+s21], $0x80, s21, s21, $0xb8;
	[tilespmem:$0x1E800] =	vst v63  }
0xe0: {  	_ =	swait.ge [sflag:s24], $0x4000  }
0xe1: {  	[sflag:s24] =	ssyncset.done $0x0  }
0xe2: {  	s0 =	simm.s32 $0x1400;
	[sflag:s24] =	ssyncadd.s32 $0xFFFFC000  }
0xe3: {  	[spmem:s1] =	stream.indirect.scatter.add.f32 [tilespmem:s22], [sflag:$0x3], $0x80, s0, s21, $0xb8;
	[tilespmem:$0x1E800] =	vst v63  }
0xe4: {  	_ =	swait.ge [sflag:s19], $0x4000  }
0xe5: {  	[sflag:s19] =	ssyncset.done $0x0  }
0xe6: {  	s0 =	simm.s32 $0x100;
	[sflag:s19] =	ssyncadd.s32 $0xFFFFC000  }
0xe7: {  	[tilespmem:s22], [sflag:$0x1] =	stream.indirect.gather [hbm4b:s4+s21], $0x80, s0, s21, $0xb8;
	[tilespmem:$0x1E800] =	vst v63  }
0xe8: {  	_ =	swait.ge [sflag:s25], $0x4000  }
0xe9: {  	[sflag:s25] =	ssyncset.done $0x0  }
0xea: {  	s0 =	simm.s32 $0x1480;
	[sflag:s25] =	ssyncadd.s32 $0xFFFFC000  }
0xeb: {  	[spmem:s1] =	stream.indirect.scatter.add.f32 [tilespmem:s23], [sflag:$0x3], $0x80, s0, s21, $0xb8;
	[tilespmem:$0x1E800] =	vst v63  }
0xec: {  	_ =	swait.ge [sflag:s19], $0x4000  }
0xed: {  	[sflag:s19] =	ssyncset.done $0x0  }
0xee: {  	s30 =	simm.s32 $0x400;
	s31 =	simm.s32 $0x180;
	[sflag:s19] =	ssyncadd.s32 $0xFFFFC000  }
.LBB2_5:
0xef: {  	[tilespmem:s23], [sflag:$0x2] =	stream.indirect.gather [hbm4b:s4+s21], $0x80, s31, s21, $0xb8;
	[tilespmem:$0x1E800] =	vst v63  }
0xf0: {  	s0 =	smov.u32 s30  }
0xf1: {  	p1 =	seq.s32 s30, $0x4800;
	s30 =	sadd.s32 $0x400, s30;
	_ =	swait.ge [sflag:s24], $0x4000  }
0xf2: {  	s0 =	sshra.s32 s0, $0x2;
	[sflag:s24] =	ssyncset.done $0x0  }
0xf3: {  	s31 =	sadd.s32 $0x1400, s0;
	[sflag:s24] =	ssyncadd.s32 $0xFFFFC000  }
0xf4: {  	[spmem:s1] =	stream.indirect.scatter.add.f32 [tilespmem:s22], [sflag:$0x3], $0x80, s31, s21, $0xb8;
	[tilespmem:$0x1E800] =	vst v63  }
0xf5: {  	_ =	swait.ge [sflag:s19], $0x4000  }
0xf6: {  	[sflag:s19] =	ssyncset.done $0x0  }
0xf7: {  	s31 =	sadd.s32 $0x100, s0;
	[sflag:s19] =	ssyncadd.s32 $0xFFFFC000  }
0xf8: {  	[tilespmem:s22], [sflag:$0x1] =	stream.indirect.gather [hbm4b:s4+s21], $0x80, s31, s21, $0xb8;
	[tilespmem:$0x1E800] =	vst v63  }
0xf9: {  	_ =	swait.ge [sflag:s25], $0x4000  }
0xfa: {  	[sflag:s25] =	ssyncset.done $0x0  }
.Ltmp7:
0xfb: {  	s31 =	sadd.s32 $0x1480, s0;
	[sflag:s25] =	ssyncadd.s32 $0xFFFFC000;
	(pc) =	sbr.rel @!p1 .LBB2_5-.Ltmp7, $4  }
0xfc: {  	[spmem:s1] =	stream.indirect.scatter.add.f32 [tilespmem:s23], [sflag:$0x3], $0x80, s31, s21, $0xb8;
	[tilespmem:$0x1E800] =	vst v63  }
0xfd: {  	_ =	swait.ge [sflag:s19], $0x4000  }
0xfe: {  	[sflag:s19] =	ssyncset.done $0x0  }
0xff: {  	s31 =	sadd.s32 $0x180, s0;
	[sflag:s19] =	ssyncadd.s32 $0xFFFFC000  }
.Ltmp8:
0x100: {  	(pc) =	sbr.rel .LBB2_12-.Ltmp8, $3  }
0x101: {  	_ =	sdelay $0x1  }
0x102: {  	[tilespmem:s23], [sflag:$0x2] =	stream.indirect.gather [hbm4b:s4+s21], $0x80, s31, s21, $0xb8;
	[tilespmem:$0x1E800] =	vst v63  }
0x103: {  	s30 =	smov.u32 s5  }
.LBB2_13:
0x104: {  	_ =	sfence.sel $0x180000  }
0x105: {  	[bflag:$0x0] =	sbarrier.arrive $0xFFFF  }
0x106: {  	_ =	strace $0x9000004A  }
0x107: {  	[bflag:$0x2] =	sbarrier.arrive $0xFFFF  }
0x108: {  	p0 =	sne.s32 s2, $0x0;
	s0 =	rddreg [dreg:$0x3]  }
0x109: {  	s0 =	sadd.s32 @!p0 $0x100000, s0  }
0x10a: {  	[sflag:s0] =	ssyncadd.tile.s32 @!p0 $0x1;
	_ =	shalt  }
.Lfunc_end2:
_tile_overlayer_lowered:
.L_overlay_start_2:
0x10b: {  	(tag) =	ssettag $0x2  }
0x10c: {  	s0 =	rddreg [dreg:$0x0];
	s2 =	stileid.u32  }
0x10d: {  	s1 =	rddreg [dreg:$0x1];
	p0 =	sne.s32 s2, $0x0  }
0x10e: {  	s3 =	rddreg [dreg:$0x2];
	[bflag:$0x3] =	sbarrier.arrive $0xFFFF;
	s2 =	simm.s32 @!p0 $0x1C03  }
0x10f: {  	[timem:s3], [sflag:s2] =	dma.local @!p0 [hbm:s0], s1  }
0x110: {  	s0 =	simm.s32 @!p0 $0x3  }
0x111: {  	_ =	swait.ge @!p0 [sflag:s0], s1  }
0x112: {  	s1 =	ssub.s32 @!p0 $0x0, s1;
	[sflag:s0] =	ssyncset.done @!p0 $0x0  }
0x113: {  	[sflag:s0] =	ssyncadd.s32 @!p0 s1  }
0x114: {  	[bflag:$0x3] =	sbarrier.arrive $0xFFFF  }
0x115: {  	_ =	shalt  }

// kernel: kernel.16.cloned.1.call-start
scs
__scs_entry_jumppad:
0x0: {  	(pc) =	sbr.rel $0x88, $3  }
0x1: {  	(tag) =	ssettag $0x0;
	lr =	simm.s32 $0x1  }
0x2: {  	[smem:$0x3F95] =	sst lr;
	_ =	strace $0xD0000000  }
0x3: {  	_ = 	snop  }
0x4: {  	_ = 	snop  }
0x5: {  	_ = 	snop  }
0x6: {  	_ = 	snop  }
0x7: {  	_ = 	snop  }
__scs_overlays_trampoline_lowered:
0x8: {  	[smem:$0x3FA4] =	sst s0  }
0x9: {  	[smem:$0x3FA5] =	sst s1  }
0xa: {  	[smem:$0x3FA6] =	sst s2  }
0xb: {  	[smem:$0x3FA7] =	sst s3  }
0xc: {  	[smem:$0x3FA8] =	sst s4  }
0xd: {  	[smem:$0x3FA9] =	sst s5  }
0xe: {  	[smem:$0x3FAA] =	sst s6  }
0xf: {  	[smem:$0x3FAB] =	sst s7  }
0x10: {  	[smem:$0x3FAC] =	sst s8  }
0x11: {  	[smem:$0x3FAD] =	sst s9;
	s0 =	simm.s32 @!p0 $0x0  }
0x12: {  	s1 =	sld [smem:$0x3F93];
	s0 =	simm.s32 @p0 $0x1  }
0x13: {  	[smem:$0x3FAE] =	sst s0;
	s0 =	simm.s32 @!p1 $0x0  }
0x14: {  	s2 =	sld [smem:$0x3F92];
	s0 =	simm.s32 @p1 $0x1  }
0x15: {  	[smem:$0x3FAF] =	sst s0;
	s0 =	simm.s32 @!p2 $0x0  }
0x16: {  	s3 =	sld [smem:$0x3FDB];
	s0 =	simm.s32 @p2 $0x1  }
0x17: {  	s4 =	simm.s32 $0x1BF5;
	[smem:$0x3FB1] =	sst s0  }
0x18: {  	s0 =	sld [smem:$0x3F94];
	_ =	swait.ge [sflag:s4], $0x0  }
0x19: {  	s7 =	sld [smem:$0x3F95]  }
0x1a: {  	s8 =	sadd.s32 $0xFFFFE003, lr  }
0x1b: {  	s9 =	sadd.s32 $0xFFFFFEF7, lr;
	s5 =	simm.s32 $0xFFFFFFFF;
	p2 =	slt.u32 s8, $0xFFFFF086  }
0x1c: {  	p1 =	slt.u32 s9, $0xF7A;
	s5 =	simm.s32 @!p2 $0x0  }
0x1d: {  	s5 =	simm.s32 @p1 $0x1;
	p0 =	seq.s32 s7, s2  }
0x1e: {  	s7 =	smul.u32 @!p0 $0xF7A, s2;
	p2 =	seq.s32 @!p0 s5, $0x0  }
0x1f: {  	s9 =	smul.u32 $0xF7A, s1;
	s8 =	simm.s32 @!p0 $0x1BF5;
	p2 =	por !p2, p0  }
0x20: {  	[sflag:s8] =	ssyncset.s32 @!p0 $0xFFFFF086;
	s6 =	sadd.s32 @!p0 s3, s7;
	s7 =	simm.s32 @!p0 $0x108  }
0x21: {  	s3 =	sadd.s32 s3, s9;
	s6 =	sadd.s32 @!p0 $0x88, s6;
	s7 =	simm.s32 @p2 $0x1082  }
0x22: {  	[simem:s7], [sflag:s8] =	dma.local @!p0 [hbm:s6], $0xF7A  }
0x23: {  	s9 =	sor.u32 $0xD0000000, s2;
	s6 =	simm.s32 $0x108;
	_ =	swait.ge @!p0 [sflag:s8], $0x0  }
0x24: {  	s3 =	sadd.s32 $0x88, s3;
	s6 =	simm.s32 @!p1 $0x1082;
	[sflag:s4] =	ssyncset.s32 $0xFFFFF086  }
0x25: {  	[simem:s6], [sflag:s4] =	dma.local [hbm:s3], $0xF7A  }
0x26: {  	[smem:$0x3F95] =	sst s1;
	(tag) =	ssettag s2;
	_ =	strace s9  }
0x27: {  	s1 =	sld [smem:$0x3FA5]  }
0x28: {  	s2 =	sld [smem:$0x3FA6]  }
0x29: {  	s4 =	sld [smem:$0x3FA8]  }
0x2a: {  	p0 =	seq.s32 s5, $0x0;
	s5 =	sld [smem:$0x3FA9]  }
0x2b: {  	s6 =	sld [smem:$0x3FAA]  }
0x2c: {  	s7 =	sld [smem:$0x3FAB]  }
0x2d: {  	s3 =	simm.s32 $0x108;
	s8 =	sld [smem:$0x3FAC]  }
0x2e: {  	s3 =	simm.s32 @!p0 $0x1082;
	s9 =	sld [smem:$0x3FAD]  }
0x2f: {  	lr =	sadd.s32 s0, s3;
	s0 =	sld [smem:$0x3FA4]  }
0x30: {  	s3 =	sld [smem:$0x3FA7]  }
0x31: {  	[smem:$0x3FB0] =	sst s10  }
0x32: {  	s10 =	sld [smem:$0x3FAE];
	_ =	sdelay $0x3  }
0x33: {  	p0 =	seq.s32 s10, $0x1;
	s10 =	sld [smem:$0x3FB0];
	_ =	sdelay $0x3  }
0x34: {  	[smem:$0x3FB0] =	sst s10  }
0x35: {  	s10 =	sld [smem:$0x3FAF];
	_ =	sdelay $0x3  }
0x36: {  	p1 =	seq.s32 s10, $0x1;
	s10 =	sld [smem:$0x3FB0];
	_ =	sdelay $0x3  }
0x37: {  	[smem:$0x3FB0] =	sst s10  }
0x38: {  	s10 =	sld [smem:$0x3FB1]  }
0x39: {  	_ = 	snop;
	(pc) =	sbr.ind lr, $3  }
0x3a: {  	_ = 	snop  }
0x3b: {  	_ = 	snop  }
0x3c: {  	p2 =	seq.s32 s10, $0x1;
	s10 =	sld [smem:$0x3FB0]  }
0x3d: {  	_ =	shalt  }
0x3e: {  	_ =	shalt  }
0x3f: {  	_ =	shalt  }
0x40: {  	_ =	shalt  }
0x41: {  	_ =	shalt  }
0x42: {  	_ =	shalt  }
0x43: {  	_ =	shalt  }
0x44: {  	_ =	shalt  }
0x45: {  	_ =	shalt  }
0x46: {  	_ =	shalt  }
0x47: {  	_ =	shalt  }
0x48: {  	_ =	shalt  }
0x49: {  	_ =	shalt  }
0x4a: {  	_ =	shalt  }
0x4b: {  	_ =	shalt  }
0x4c: {  	_ =	shalt  }
0x4d: {  	_ =	shalt  }
0x4e: {  	_ =	shalt  }
0x4f: {  	_ =	shalt  }
0x50: {  	_ =	shalt  }
0x51: {  	_ =	shalt  }
0x52: {  	_ =	shalt  }
0x53: {  	_ =	shalt  }
0x54: {  	_ =	shalt  }
0x55: {  	_ =	shalt  }
0x56: {  	_ =	shalt  }
0x57: {  	_ =	shalt  }
0x58: {  	_ =	shalt  }
0x59: {  	_ =	shalt  }
0x5a: {  	_ =	shalt  }
0x5b: {  	_ =	shalt  }
0x5c: {  	_ =	shalt  }
0x5d: {  	_ =	shalt  }
0x5e: {  	_ =	shalt  }
0x5f: {  	_ =	shalt  }
0x60: {  	_ =	shalt  }
0x61: {  	_ =	shalt  }
0x62: {  	_ =	shalt  }
0x63: {  	_ =	shalt  }
0x64: {  	_ =	shalt  }
0x65: {  	_ =	shalt  }
0x66: {  	_ =	shalt  }
0x67: {  	_ =	shalt  }
0x68: {  	_ =	shalt  }
0x69: {  	_ =	shalt  }
0x6a: {  	_ =	shalt  }
0x6b: {  	_ =	shalt  }
0x6c: {  	_ =	shalt  }
0x6d: {  	_ =	shalt  }
0x6e: {  	_ =	shalt  }
0x6f: {  	_ =	shalt  }
0x70: {  	_ =	shalt  }
0x71: {  	_ =	shalt  }
0x72: {  	_ =	shalt  }
0x73: {  	_ =	shalt  }
0x74: {  	_ =	shalt  }
0x75: {  	_ =	shalt  }
0x76: {  	_ =	shalt  }
0x77: {  	_ =	shalt  }
0x78: {  	_ =	shalt  }
0x79: {  	_ =	shalt  }
0x7a: {  	_ =	shalt  }
0x7b: {  	_ =	shalt  }
0x7c: {  	_ =	shalt  }
0x7d: {  	_ =	shalt  }
0x7e: {  	_ =	shalt  }
0x7f: {  	_ =	shalt  }
0x80: {  	_ =	shalt  }
0x81: {  	_ =	shalt  }
0x82: {  	_ =	shalt  }
0x83: {  	_ =	shalt  }
0x84: {  	_ =	shalt  }
0x85: {  	_ =	shalt  }
0x86: {  	_ =	shalt  }
0x87: {  	_ =	shalt  }
.Lfunc_end0:
.L_simem_size_0:
called_computation.2_lowered:
.L_overlay_start_0:
0x88: {  	s2 =	sld [smem:$0x3FD9]  }
0x89: {  	s3 =	sld [smem:$0x3FFE];
	_ =	sdelay $0x1  }
0x8a: {  	s1 =	srdreg.scid  }
0x8b: {  	s0 =	sand.u32 $0x1, s1  }
0x8c: {  	s17 =	sshll.u32 s0, $0xA;
	s2 =	sadd.s32 s3, s2  }
0x8d: {  	s2 =	sadd.s32 s2, s17  }
0x8e: {  	[smem:$0x3FBC] =	sst s2  }
0x8f: {  	_ = 	snop  }
0x90: {  	s2 =	sld [smem:$0x3FD0];
	(tm) =	ssettm $0x1  }
0x91: {  	s18 =	sld [smem:$0x3FFB];
	_ =	sdelay $0x3  }
0x92: {  	_ =	strace s18  }
0x93: {  	s3 =	sld [smem:$0x3FFC];
	_ =	sdelay $0x3  }
0x94: {  	_ =	strace s3  }
0x95: {  	s3 =	sld [smem:$0x3FFD];
	_ =	sdelay $0x3  }
0x96: {  	_ =	strace s3  }
0x97: {  	_ =	strace $0x8FFFFFFF  }
0x98: {  	s19 =	sld [smem:$0x3FDB];
	_ =	sdelay $0x1  }
0x99: {  	s4 =	simm.s32 $_scs_section_size  }
0x9a: {  	s5 =	simm.s32 $_size__tile_overlayer_lowered;
	s6 =	simm.s32 $_tile_overlayer_lowered  }
0x9b: {  	s22 =	simm.s32 $0x1BFF;
	s21 =	sshll.u32 s6, $0x1;
	s3 =	sadd.s32 s4, s19  }
0x9c: {  	s7 =	simm.s32 $0x0;
	s20 =	sshll.u32 s5, $0x1;
	s5 =	sadd.s32 s21, s3  }
0x9d: {  	[timem:s7], [sflag:s22] =	dma.local [hbm:s5], s20  }
0x9e: {  	_ =	swait.ge [sflag:s22], s20  }
0x9f: {  	s4 =	ssub.s32 $0x0, s20;
	[sflag:s22] =	ssyncset.done $0x0  }
0xa0: {  	[sflag:s22] =	ssyncadd.s32 s4;
	_ =	sdelay $0x1  }
0xa1: {  	s23 =	simm.s32 $0x1B8B  }
0xa2: {  	_ =	swait.ge [sflag:s23], $0x1  }
0xa3: {  	[sflag:s23] =	ssyncset.done $0x0  }
0xa4: {  	s25 =	simm.s32 $0x1B8E;
	s24 =	sld [smem:$0x3FFE];
	[sflag:s23] =	ssyncadd.s32 $0xFFFFFFFF  }
0xa5: {  	s26 =	simm.s32 $execute0_lowered;
	[smem:$0x3FD2] =	sst s25  }
0xa6: {  	s5 =	sshll.u32 s26, $0x1;
	_ =	strace $0x8000004C;
	[dreg:$0x1] =	wrdreg $0xFFFFFFFF  }
0xa7: {  	s28 =	simm.s32 $_size_execute0_lowered;
	s3 =	sadd.s32 s3, s5;
	[dreg:$0x0] =	wrdreg $0x0  }
0xa8: {  	s5 =	sshll.u32 s28, $0x1;
	[dreg:$0x2] =	wrdreg s3  }
0xa9: {  	[dreg:$0x3] =	wrdreg s5  }
0xaa: {  	[dreg:$0x4] =	wrdreg $0xC0  }
0xab: {  	_ =	task [dreg:s7], $0x5FFFF  }
0xac: {  	[dreg:$0x1] =	wrdreg $0xFFFFFFFF  }
0xad: {  	[dreg:$0x0] =	wrdreg $0x60  }
0xae: {  	[dreg:$0x2] =	wrdreg s24  }
0xaf: {  	[dreg:$0x3] =	wrdreg s2  }
0xb0: {  	[dreg:$0x4] =	wrdreg $0xA8000  }
0xb1: {  	[dreg:$0x5] =	wrdreg $0x9  }
0xb2: {  	_ =	task.clear_ibuf [dreg:s7], $0x6FFFF;
	_ =	strace $0x9000004C  }
0xb3: {  	s29 =	simm.s32 $0x9;
	_ =	strace $0x8000004E  }
0xb4: {  	_ =	swait.ge [sflag:s29], $0x1  }
0xb5: {  	[sflag:s29] =	ssyncadd.s32 $0xFFFFFFFF  }
0xb6: {  	_ =	strace $0x9000004E  }
0xb7: {  	_ =	sfence  }
0xb8: {  	s30 =	sld [smem:$0x0];
	_ =	sdelay $0x2  }
0xb9: {  	s31 =	sshll.u32 s1, $0xD;
	s1 =	sshrl.u32 s1, $0x2  }
0xba: {  	s3 =	sand.u32 $0x4000, s31;
	s1 =	sadd.s32 s1, s30  }
0xbb: {  	s0 =	sor.u32 s3, s0;
	s1 =	sshll.u32 s1, $0x11  }
0xbc: {  	s0 =	sor.u32 s1, s0  }
0xbd: {  	s0 =	sadd.s32 $0x8F2B, s0  }
0xbe: {  	[sflag:s0] =	ssyncadd.remote.s32 $0x1  }
0xbf: {  	_ =	sfence.sel $0xFFFF  }
0xc0: {  	[dreg:$0x0] =	wrdreg $0xFFFFFFFF;
	(pc) =	sbr.abs _section_cstart, $3  }
0xc1: {  	[dreg:$0x1] =	wrdreg $0xFFFFFFFF  }
0xc2: {  	_ =	task.clear_ibuf [dreg:s7], $0x2FFFF;
	_ =	strace $0x9FFFFFFF  }
0xc3: {  	(tm) =	ssettm $0x7FFFFFFF  }
tec
execute0_lowered:
.L_overlay_start_1:
0x0: {  	(tag) =	ssettag $0x1  }
0x1: {  	s12 =	rddreg [dreg:$0x0]  }
0x2: {  	s11 =	rddreg [dreg:$0x1]  }
0x3: {  	s1 =	rddreg [dreg:$0x2];
	s3 =	simm.s32 $0x0  }
0x4: {  	s4 =	srdreg.scid;
	s2 =	stileid.u32;
	s19 =	simm.s32 $0x3  }
0x5: {  	s20 =	simm.s32 $0x1400;
	s21 =	simm.s32 $0x80;
	s22 =	simm.s32 $0x2800  }
0x6: {  	s23 =	simm.s32 $0x6800;
	s24 =	simm.s32 $0x1;
	s25 =	simm.s32 $0x2  }
0x7: {  	s26 =	simm.s32 $0x2700;
	s28 =	simm.s32 $0x2780;
	[smem:$0x7FF] =	sst s3  }
0x8: {  	s7 =	sand.u32 $0x1, s4;
	s10 =	sadd.s32 $0x2800, s12;
	s9 =	smul.u32 $0x50000, s2  }
0x9: {  	s4 =	sadd.s32 $0x7800, s12;
	s5 =	smul.u32 $0x2800, s2;
	s6 =	sadd.s32 $0x57800, s12  }
0xa: {  	s15 =	smul.u32 $0x14000, s2;
	s12 =	sadd.s32 $0x2F800, s12;
	s8 =	ssub.s32 $0x2, s7  }
0xb: {  	_ =	strace $0x8000004D;
	p0 =	seq.s32 s7, $0x1;
	s13 =	sshrl.u32 s8, $0x1  }
0xc: {  	s29 =	sshrl.u32 s9, $0x2;
	s30 =	sshrl.u32 s5, $0x3;
	s7 =	sadd.s32 s4, s5  }
.Ltmp0:
0xd: {  	s16 =	sshrl.u32 s15, $0x3;
	s15 =	sshll.u32 s2, $0x6;
	(pc) =	sbr.rel .LBB2_1-.Ltmp0, $4  }
0xe: {  	s14 =	ssub.s32 s8, s13;
	s18 =	sadd.s32 s29, s1;
	s31 =	sadd.s32 $0x280, s30  }
0xf: {  	s8 =	sadd.s32 s10, s30;
	s9 =	sadd.s32 s11, s30;
	s13 =	sadd.s32 $0x28000, s16  }
0x10: {  	s16 =	sadd.s32 s16, s12;
	s17 =	sor.u32 $0x1C03, s15;
	s10 =	sadd.s32 s10, s31  }
0x11: {  	s11 =	sadd.s32 s11, s31;
	s14 =	smax.u32 s14, $0x1;
	s18 =	sshrl.u32 s18, $0x3  }
.LBB2_11:
0x12: {  	[tilespmem:s23], [sflag:$0x2] =	stream.indirect.gather [hbm4b:s12+s21], $0x80, s30, s21, $0xb8;
	[tilespmem:$0x1E800] =	vst v63  }
0x13: {  	s30 =	smov.u32 s13;
	s29 =	smov.u32 s17  }
.LBB2_12:
0x14: {  	_ =	swait.ge [sflag:s24], $0x4000  }
0x15: {  	[sflag:s24] =	ssyncset.done $0x0  }
0x16: {  	[sflag:s24] =	ssyncadd.s32 $0xFFFFC000  }
0x17: {  	[spmem:s1] =	stream.indirect.scatter.add.f32 [tilespmem:s22], [sflag:$0x3], $0x80, s26, s21, $0xb8;
	[tilespmem:$0x1E800] =	vst v63  }
0x18: {  	_ =	swait.ge [sflag:s19], $0x4000  }
0x19: {  	[sflag:s19] =	ssyncset.done $0x0  }
0x1a: {  	[sflag:s19] =	ssyncadd.s32 $0xFFFFC000  }
0x1b: {  	_ =	swait.ge [sflag:s25], $0x4000  }
0x1c: {  	[sflag:s25] =	ssyncset.done $0x0  }
0x1d: {  	[sflag:s25] =	ssyncadd.s32 $0xFFFFC000  }
0x1e: {  	[spmem:s1] =	stream.indirect.scatter.add.f32 [tilespmem:s23], [sflag:$0x3], $0x80, s28, s21, $0xb8;
	[tilespmem:$0x1E800] =	vst v63  }
0x1f: {  	_ =	swait.ge [sflag:s19], $0x4000  }
0x20: {  	s3 =	sadd.s32 $0x1, s3;
	[sflag:s19] =	ssyncset.done $0x0  }
0x21: {  	p1 =	sne.s32 s3, s14;
	[sflag:s19] =	ssyncadd.s32 $0xFFFFC000  }
.Ltmp1:
0x22: {  	s0 =	sadd.s32 s6, s30;
	[bflag:$0x0] =	sbarrier.arrive $0xFFFF;
	(pc) =	sbr.rel @!p1 .LBB2_13-.Ltmp1, $4  }
0x23: {  	[hbm:s0], [sflag:s29] =	dma.local [spmem:s18], $0x2800  }
0x24: {  	_ =	swait.ge [sflag:s19], $0x2800  }
0x25: {  	[sflag:s19] =	ssyncset.done $0x0  }
0x26: {  	[sflag:s19] =	ssyncadd.s32 $0xFFFFD800  }
.LBB2_1:
.Ltmp2:
0x27: {  	(pc) =	sbr.rel @!p0 .LBB2_2-.Ltmp2, $1  }
0x28: {  	_ =	sdelay $0x3  }
0x29: {  	[spmem:s18], [sflag:s17] =	dma.local [hbm:s16], $0x2800  }
0x2a: {  	_ =	swait.ge [sflag:s19], $0x2800  }
0x2b: {  	[sflag:s19] =	ssyncset.done $0x0  }
0x2c: {  	[sflag:s19] =	ssyncadd.s32 $0xFFFFD800  }
0x2d: {  	s0 =	simm.s32 $0x0;
	[bflag:$0x0] =	sbarrier.arrive $0xFFFF  }
0x2e: {  	[tilespmem:s0], [sflag:$0x3] =	stream.linear.gather [hbm4b:s8+s0], $0x1400, $0x38;
	[tilespmem:$0x1E800] =	vst v63  }
0x2f: {  	_ =	swait.ge [sflag:s19], $0x1400  }
0x30: {  	[sflag:s19] =	ssyncset.done $0x0  }
0x31: {  	[sflag:s19] =	ssyncadd.s32 $0xFFFFEC00  }
0x32: {  	[tilespmem:s20], [sflag:$0x3] =	stream.linear.gather [hbm4b:s9+s0], $0x1400, $0x38;
	[tilespmem:$0x1E800] =	vst v63  }
0x33: {  	_ =	swait.ge [sflag:s19], $0x1400  }
0x34: {  	[sflag:s19] =	ssyncset.done $0x0  }
0x35: {  	[sflag:s19] =	ssyncadd.s32 $0xFFFFEC00  }
0x36: {  	[tilespmem:s22], [sflag:$0x1] =	stream.indirect.gather [hbm4b:s12+s21], $0x80, s0, s21, $0xb8;
	[tilespmem:$0x1E800] =	vst v63  }
0x37: {  	_ = 	snop  }
0x38: {  	[tilespmem:s23], [sflag:$0x2] =	stream.indirect.gather [hbm4b:s12+s21], $0x80, s21, s21, $0xb8;
	[tilespmem:$0x1E800] =	vst v63  }
0x39: {  	_ =	swait.ge [sflag:s24], $0x4000  }
0x3a: {  	[sflag:s24] =	ssyncset.done $0x0  }
0x3b: {  	s31 =	simm.s32 $0x1400;
	[sflag:s24] =	ssyncadd.s32 $0xFFFFC000  }
0x3c: {  	[spmem:s1] =	stream.indirect.scatter.add.f32 [tilespmem:s22], [sflag:$0x3], $0x80, s31, s21, $0xb8;
	[tilespmem:$0x1E800] =	vst v63  }
0x3d: {  	_ =	swait.ge [sflag:s19], $0x4000  }
0x3e: {  	[sflag:s19] =	ssyncset.done $0x0  }
0x3f: {  	s31 =	simm.s32 $0x100;
	[sflag:s19] =	ssyncadd.s32 $0xFFFFC000  }
0x40: {  	[tilespmem:s22], [sflag:$0x1] =	stream.indirect.gather [hbm4b:s12+s21], $0x80, s31, s21, $0xb8;
	[tilespmem:$0x1E800] =	vst v63  }
0x41: {  	_ =	swait.ge [sflag:s25], $0x4000  }
0x42: {  	[sflag:s25] =	ssyncset.done $0x0  }
0x43: {  	s31 =	simm.s32 $0x1480;
	[sflag:s25] =	ssyncadd.s32 $0xFFFFC000  }
0x44: {  	[spmem:s1] =	stream.indirect.scatter.add.f32 [tilespmem:s23], [sflag:$0x3], $0x80, s31, s21, $0xb8;
	[tilespmem:$0x1E800] =	vst v63  }
0x45: {  	_ =	swait.ge [sflag:s19], $0x4000  }
0x46: {  	[sflag:s19] =	ssyncset.done $0x0  }
0x47: {  	s29 =	simm.s32 $0x400;
	s30 =	simm.s32 $0x180;
	[sflag:s19] =	ssyncadd.s32 $0xFFFFC000  }
.LBB2_8:
0x48: {  	[tilespmem:s23], [sflag:$0x2] =	stream.indirect.gather [hbm4b:s12+s21], $0x80, s30, s21, $0xb8;
	[tilespmem:$0x1E800] =	vst v63  }
0x49: {  	s0 =	smov.u32 s29  }
0x4a: {  	p1 =	sne.s32 s29, $0x4800;
	s29 =	sadd.s32 $0x400, s29;
	_ =	swait.ge [sflag:s24], $0x4000  }
0x4b: {  	s0 =	sshra.s32 s0, $0x2;
	[sflag:s24] =	ssyncset.done $0x0  }
0x4c: {  	s30 =	sadd.s32 $0x1400, s0;
	[sflag:s24] =	ssyncadd.s32 $0xFFFFC000  }
0x4d: {  	[spmem:s1] =	stream.indirect.scatter.add.f32 [tilespmem:s22], [sflag:$0x3], $0x80, s30, s21, $0xb8;
	[tilespmem:$0x1E800] =	vst v63  }
0x4e: {  	_ =	swait.ge [sflag:s19], $0x4000  }
0x4f: {  	[sflag:s19] =	ssyncset.done $0x0  }
0x50: {  	s30 =	sadd.s32 $0x100, s0;
	[sflag:s19] =	ssyncadd.s32 $0xFFFFC000  }
0x51: {  	[tilespmem:s22], [sflag:$0x1] =	stream.indirect.gather [hbm4b:s12+s21], $0x80, s30, s21, $0xb8;
	[tilespmem:$0x1E800] =	vst v63  }
0x52: {  	_ =	swait.ge [sflag:s25], $0x4000  }
0x53: {  	[sflag:s25] =	ssyncset.done $0x0  }
.Ltmp3:
0x54: {  	s30 =	sadd.s32 $0x1480, s0;
	[sflag:s25] =	ssyncadd.s32 $0xFFFFC000;
	(pc) =	sbr.rel @p1 .LBB2_8-.Ltmp3, $4  }
0x55: {  	[spmem:s1] =	stream.indirect.scatter.add.f32 [tilespmem:s23], [sflag:$0x3], $0x80, s30, s21, $0xb8;
	[tilespmem:$0x1E800] =	vst v63  }
0x56: {  	_ =	swait.ge [sflag:s19], $0x4000  }
0x57: {  	[sflag:s19] =	ssyncset.done $0x0  }
0x58: {  	s30 =	sadd.s32 $0x180, s0;
	[sflag:s19] =	ssyncadd.s32 $0xFFFFC000  }
0x59: {  	[tilespmem:s23], [sflag:$0x2] =	stream.indirect.gather [hbm4b:s12+s21], $0x80, s30, s21, $0xb8;
	[tilespmem:$0x1E800] =	vst v63  }
0x5a: {  	_ =	swait.ge [sflag:s24], $0x4000  }
0x5b: {  	[sflag:s24] =	ssyncset.done $0x0  }
0x5c: {  	[sflag:s24] =	ssyncadd.s32 $0xFFFFC000  }
0x5d: {  	[spmem:s1] =	stream.indirect.scatter.add.f32 [tilespmem:s22], [sflag:$0x3], $0x80, s26, s21, $0xb8;
	[tilespmem:$0x1E800] =	vst v63  }
0x5e: {  	_ =	swait.ge [sflag:s19], $0x4000  }
0x5f: {  	[sflag:s19] =	ssyncset.done $0x0  }
0x60: {  	[sflag:s19] =	ssyncadd.s32 $0xFFFFC000  }
0x61: {  	_ =	swait.ge [sflag:s25], $0x4000  }
0x62: {  	[sflag:s25] =	ssyncset.done $0x0  }
0x63: {  	[sflag:s25] =	ssyncadd.s32 $0xFFFFC000  }
0x64: {  	[spmem:s1] =	stream.indirect.scatter.add.f32 [tilespmem:s23], [sflag:$0x3], $0x80, s28, s21, $0xb8;
	[tilespmem:$0x1E800] =	vst v63  }
0x65: {  	_ =	swait.ge [sflag:s19], $0x4000  }
0x66: {  	[sflag:s19] =	ssyncset.done $0x0  }
0x67: {  	s0 =	simm.s32 $0x0;
	[sflag:s19] =	ssyncadd.s32 $0xFFFFC000  }
0x68: {  	[tilespmem:s0], [sflag:$0x3] =	stream.linear.gather [hbm4b:s10+s0], $0x1400, $0x38;
	[tilespmem:$0x1E800] =	vst v63  }
0x69: {  	_ =	swait.ge [sflag:s19], $0x1400  }
0x6a: {  	[sflag:s19] =	ssyncset.done $0x0  }
0x6b: {  	[sflag:s19] =	ssyncadd.s32 $0xFFFFEC00  }
0x6c: {  	[tilespmem:s20], [sflag:$0x3] =	stream.linear.gather [hbm4b:s11+s0], $0x1400, $0x38;
	[tilespmem:$0x1E800] =	vst v63  }
0x6d: {  	_ =	swait.ge [sflag:s19], $0x1400  }
0x6e: {  	[sflag:s19] =	ssyncset.done $0x0  }
0x6f: {  	[sflag:s19] =	ssyncadd.s32 $0xFFFFEC00  }
0x70: {  	[tilespmem:s22], [sflag:$0x1] =	stream.indirect.gather [hbm4b:s12+s21], $0x80, s0, s21, $0xb8;
	[tilespmem:$0x1E800] =	vst v63  }
0x71: {  	_ = 	snop  }
0x72: {  	[tilespmem:s23], [sflag:$0x2] =	stream.indirect.gather [hbm4b:s12+s21], $0x80, s21, s21, $0xb8;
	[tilespmem:$0x1E800] =	vst v63  }
0x73: {  	_ =	swait.ge [sflag:s24], $0x4000  }
0x74: {  	[sflag:s24] =	ssyncset.done $0x0  }
0x75: {  	s31 =	simm.s32 $0x1400;
	[sflag:s24] =	ssyncadd.s32 $0xFFFFC000  }
0x76: {  	[spmem:s1] =	stream.indirect.scatter.add.f32 [tilespmem:s22], [sflag:$0x3], $0x80, s31, s21, $0xb8;
	[tilespmem:$0x1E800] =	vst v63  }
0x77: {  	_ =	swait.ge [sflag:s19], $0x4000  }
0x78: {  	[sflag:s19] =	ssyncset.done $0x0  }
0x79: {  	s31 =	simm.s32 $0x100;
	[sflag:s19] =	ssyncadd.s32 $0xFFFFC000  }
0x7a: {  	[tilespmem:s22], [sflag:$0x1] =	stream.indirect.gather [hbm4b:s12+s21], $0x80, s31, s21, $0xb8;
	[tilespmem:$0x1E800] =	vst v63  }
0x7b: {  	_ =	swait.ge [sflag:s25], $0x4000  }
0x7c: {  	[sflag:s25] =	ssyncset.done $0x0  }
0x7d: {  	s31 =	simm.s32 $0x1480;
	[sflag:s25] =	ssyncadd.s32 $0xFFFFC000  }
0x7e: {  	[spmem:s1] =	stream.indirect.scatter.add.f32 [tilespmem:s23], [sflag:$0x3], $0x80, s31, s21, $0xb8;
	[tilespmem:$0x1E800] =	vst v63  }
0x7f: {  	_ =	swait.ge [sflag:s19], $0x4000  }
0x80: {  	[sflag:s19] =	ssyncset.done $0x0  }
0x81: {  	s29 =	simm.s32 $0x400;
	s30 =	simm.s32 $0x180;
	[sflag:s19] =	ssyncadd.s32 $0xFFFFC000  }
.LBB2_10:
0x82: {  	[tilespmem:s23], [sflag:$0x2] =	stream.indirect.gather [hbm4b:s12+s21], $0x80, s30, s21, $0xb8;
	[tilespmem:$0x1E800] =	vst v63  }
0x83: {  	s0 =	smov.u32 s29  }
0x84: {  	p1 =	sne.s32 s29, $0x4800;
	s29 =	sadd.s32 $0x400, s29;
	_ =	swait.ge [sflag:s24], $0x4000  }
0x85: {  	s0 =	sshra.s32 s0, $0x2;
	[sflag:s24] =	ssyncset.done $0x0  }
0x86: {  	s30 =	sadd.s32 $0x1400, s0;
	[sflag:s24] =	ssyncadd.s32 $0xFFFFC000  }
0x87: {  	[spmem:s1] =	stream.indirect.scatter.add.f32 [tilespmem:s22], [sflag:$0x3], $0x80, s30, s21, $0xb8;
	[tilespmem:$0x1E800] =	vst v63  }
0x88: {  	_ =	swait.ge [sflag:s19], $0x4000  }
0x89: {  	[sflag:s19] =	ssyncset.done $0x0  }
0x8a: {  	s30 =	sadd.s32 $0x100, s0;
	[sflag:s19] =	ssyncadd.s32 $0xFFFFC000  }
0x8b: {  	[tilespmem:s22], [sflag:$0x1] =	stream.indirect.gather [hbm4b:s12+s21], $0x80, s30, s21, $0xb8;
	[tilespmem:$0x1E800] =	vst v63  }
0x8c: {  	_ =	swait.ge [sflag:s25], $0x4000  }
0x8d: {  	[sflag:s25] =	ssyncset.done $0x0  }
.Ltmp4:
0x8e: {  	s30 =	sadd.s32 $0x1480, s0;
	[sflag:s25] =	ssyncadd.s32 $0xFFFFC000;
	(pc) =	sbr.rel @p1 .LBB2_10-.Ltmp4, $4  }
0x8f: {  	[spmem:s1] =	stream.indirect.scatter.add.f32 [tilespmem:s23], [sflag:$0x3], $0x80, s30, s21, $0xb8;
	[tilespmem:$0x1E800] =	vst v63  }
0x90: {  	_ =	swait.ge [sflag:s19], $0x4000  }
0x91: {  	[sflag:s19] =	ssyncset.done $0x0  }
0x92: {  	s30 =	sadd.s32 $0x180, s0;
	[sflag:s19] =	ssyncadd.s32 $0xFFFFC000  }
.Ltmp5:
0x93: {  	_ = 	snop;
	(pc) =	sbr.rel .LBB2_11-.Ltmp5, $1  }
0x94: {  	_ =	sdelay $0x3  }
.LBB2_2:
0x95: {  	s29 =	sor.u32 $0x1C03, s15  }
0x96: {  	[spmem:s18], [sflag:s29] =	dma.local [hbm:s7], $0x2800  }
0x97: {  	_ =	swait.ge [sflag:s19], $0x2800  }
0x98: {  	[sflag:s19] =	ssyncset.done $0x0  }
0x99: {  	[sflag:s19] =	ssyncadd.s32 $0xFFFFD800  }
0x9a: {  	s30 =	simm.s32 $0x0;
	[bflag:$0x0] =	sbarrier.arrive $0xFFFF  }
0x9b: {  	[tilespmem:s30], [sflag:$0x3] =	stream.linear.gather [hbm4b:s8+s30], $0x1400, $0x38;
	[tilespmem:$0x1E800] =	vst v63  }
0x9c: {  	_ =	swait.ge [sflag:s19], $0x1400  }
0x9d: {  	[sflag:s19] =	ssyncset.done $0x0  }
0x9e: {  	[sflag:s19] =	ssyncadd.s32 $0xFFFFEC00  }
0x9f: {  	[tilespmem:s20], [sflag:$0x3] =	stream.linear.gather [hbm4b:s9+s30], $0x1400, $0x38;
	[tilespmem:$0x1E800] =	vst v63  }
0xa0: {  	_ =	swait.ge [sflag:s19], $0x1400  }
0xa1: {  	[sflag:s19] =	ssyncset.done $0x0  }
0xa2: {  	[sflag:s19] =	ssyncadd.s32 $0xFFFFEC00  }
0xa3: {  	[tilespmem:s22], [sflag:$0x1] =	stream.indirect.gather [hbm4b:s4+s21], $0x80, s30, s21, $0xb8;
	[tilespmem:$0x1E800] =	vst v63  }
0xa4: {  	_ = 	snop  }
0xa5: {  	[tilespmem:s23], [sflag:$0x2] =	stream.indirect.gather [hbm4b:s4+s21], $0x80, s21, s21, $0xb8;
	[tilespmem:$0x1E800] =	vst v63  }
0xa6: {  	_ =	swait.ge [sflag:s24], $0x4000  }
0xa7: {  	[sflag:s24] =	ssyncset.done $0x0  }
0xa8: {  	s30 =	simm.s32 $0x1400;
	[sflag:s24] =	ssyncadd.s32 $0xFFFFC000  }
0xa9: {  	[spmem:s1] =	stream.indirect.scatter.add.f32 [tilespmem:s22], [sflag:$0x3], $0x80, s30, s21, $0xb8;
	[tilespmem:$0x1E800] =	vst v63  }
0xaa: {  	_ =	swait.ge [sflag:s19], $0x4000  }
0xab: {  	[sflag:s19] =	ssyncset.done $0x0  }
0xac: {  	s30 =	simm.s32 $0x100;
	[sflag:s19] =	ssyncadd.s32 $0xFFFFC000  }
0xad: {  	[tilespmem:s22], [sflag:$0x1] =	stream.indirect.gather [hbm4b:s4+s21], $0x80, s30, s21, $0xb8;
	[tilespmem:$0x1E800] =	vst v63  }
0xae: {  	_ =	swait.ge [sflag:s25], $0x4000  }
0xaf: {  	[sflag:s25] =	ssyncset.done $0x0  }
0xb0: {  	s30 =	simm.s32 $0x1480;
	[sflag:s25] =	ssyncadd.s32 $0xFFFFC000  }
0xb1: {  	[spmem:s1] =	stream.indirect.scatter.add.f32 [tilespmem:s23], [sflag:$0x3], $0x80, s30, s21, $0xb8;
	[tilespmem:$0x1E800] =	vst v63  }
0xb2: {  	_ =	swait.ge [sflag:s19], $0x4000  }
0xb3: {  	[sflag:s19] =	ssyncset.done $0x0  }
0xb4: {  	s31 =	simm.s32 $0x180;
	s30 =	simm.s32 $0x400;
	[sflag:s19] =	ssyncadd.s32 $0xFFFFC000  }
.LBB2_3:
0xb5: {  	[tilespmem:s23], [sflag:$0x2] =	stream.indirect.gather [hbm4b:s4+s21], $0x80, s31, s21, $0xb8;
	[tilespmem:$0x1E800] =	vst v63  }
0xb6: {  	s31 =	smov.u32 s30  }
0xb7: {  	p1 =	sne.s32 s30, $0x4800;
	s30 =	sadd.s32 $0x400, s30;
	_ =	swait.ge [sflag:s24], $0x4000  }
0xb8: {  	s31 =	sshra.s32 s31, $0x2;
	[sflag:s24] =	ssyncset.done $0x0  }
0xb9: {  	s0 =	sadd.s32 $0x1400, s31;
	[sflag:s24] =	ssyncadd.s32 $0xFFFFC000  }
0xba: {  	[spmem:s1] =	stream.indirect.scatter.add.f32 [tilespmem:s22], [sflag:$0x3], $0x80, s0, s21, $0xb8;
	[tilespmem:$0x1E800] =	vst v63  }
0xbb: {  	_ =	swait.ge [sflag:s19], $0x4000  }
0xbc: {  	[sflag:s19] =	ssyncset.done $0x0  }
0xbd: {  	s0 =	sadd.s32 $0x100, s31;
	[sflag:s19] =	ssyncadd.s32 $0xFFFFC000  }
0xbe: {  	[tilespmem:s22], [sflag:$0x1] =	stream.indirect.gather [hbm4b:s4+s21], $0x80, s0, s21, $0xb8;
	[tilespmem:$0x1E800] =	vst v63  }
0xbf: {  	_ =	swait.ge [sflag:s25], $0x4000  }
0xc0: {  	[sflag:s25] =	ssyncset.done $0x0  }
.Ltmp6:
0xc1: {  	s0 =	sadd.s32 $0x1480, s31;
	[sflag:s25] =	ssyncadd.s32 $0xFFFFC000;
	(pc) =	sbr.rel @p1 .LBB2_3-.Ltmp6, $4  }
0xc2: {  	[spmem:s1] =	stream.indirect.scatter.add.f32 [tilespmem:s23], [sflag:$0x3], $0x80, s0, s21, $0xb8;
	[tilespmem:$0x1E800] =	vst v63  }
0xc3: {  	_ =	swait.ge [sflag:s19], $0x4000  }
0xc4: {  	[sflag:s19] =	ssyncset.done $0x0  }
0xc5: {  	s31 =	sadd.s32 $0x180, s31;
	[sflag:s19] =	ssyncadd.s32 $0xFFFFC000  }
0xc6: {  	[tilespmem:s23], [sflag:$0x2] =	stream.indirect.gather [hbm4b:s4+s21], $0x80, s31, s21, $0xb8;
	[tilespmem:$0x1E800] =	vst v63  }
0xc7: {  	_ =	swait.ge [sflag:s24], $0x4000  }
0xc8: {  	[sflag:s24] =	ssyncset.done $0x0  }
0xc9: {  	[sflag:s24] =	ssyncadd.s32 $0xFFFFC000  }
0xca: {  	[spmem:s1] =	stream.indirect.scatter.add.f32 [tilespmem:s22], [sflag:$0x3], $0x80, s26, s21, $0xb8;
	[tilespmem:$0x1E800] =	vst v63  }
0xcb: {  	_ =	swait.ge [sflag:s19], $0x4000  }
0xcc: {  	[sflag:s19] =	ssyncset.done $0x0  }
0xcd: {  	[sflag:s19] =	ssyncadd.s32 $0xFFFFC000  }
0xce: {  	_ =	swait.ge [sflag:s25], $0x4000  }
0xcf: {  	[sflag:s25] =	ssyncset.done $0x0  }
0xd0: {  	[sflag:s25] =	ssyncadd.s32 $0xFFFFC000  }
0xd1: {  	[spmem:s1] =	stream.indirect.scatter.add.f32 [tilespmem:s23], [sflag:$0x3], $0x80, s28, s21, $0xb8;
	[tilespmem:$0x1E800] =	vst v63  }
0xd2: {  	_ =	swait.ge [sflag:s19], $0x4000  }
0xd3: {  	[sflag:s19] =	ssyncset.done $0x0  }
0xd4: {  	s0 =	simm.s32 $0x0;
	[sflag:s19] =	ssyncadd.s32 $0xFFFFC000  }
0xd5: {  	[tilespmem:s0], [sflag:$0x3] =	stream.linear.gather [hbm4b:s10+s0], $0x1400, $0x38;
	[tilespmem:$0x1E800] =	vst v63  }
0xd6: {  	_ =	swait.ge [sflag:s19], $0x1400  }
0xd7: {  	[sflag:s19] =	ssyncset.done $0x0  }
0xd8: {  	[sflag:s19] =	ssyncadd.s32 $0xFFFFEC00  }
0xd9: {  	[tilespmem:s20], [sflag:$0x3] =	stream.linear.gather [hbm4b:s11+s0], $0x1400, $0x38;
	[tilespmem:$0x1E800] =	vst v63  }
0xda: {  	_ =	swait.ge [sflag:s19], $0x1400  }
0xdb: {  	[sflag:s19] =	ssyncset.done $0x0  }
0xdc: {  	[sflag:s19] =	ssyncadd.s32 $0xFFFFEC00  }
0xdd: {  	[tilespmem:s22], [sflag:$0x1] =	stream.indirect.gather [hbm4b:s4+s21], $0x80, s0, s21, $0xb8;
	[tilespmem:$0x1E800] =	vst v63  }
0xde: {  	_ = 	snop  }
0xdf: {  	[tilespmem:s23], [sflag:$0x2] =	stream.indirect.gather [hbm4b:s4+s21], $0x80, s21, s21, $0xb8;
	[tilespmem:$0x1E800] =	vst v63  }
0xe0: {  	_ =	swait.ge [sflag:s24], $0x4000  }
0xe1: {  	[sflag:s24] =	ssyncset.done $0x0  }
0xe2: {  	s0 =	simm.s32 $0x1400;
	[sflag:s24] =	ssyncadd.s32 $0xFFFFC000  }
0xe3: {  	[spmem:s1] =	stream.indirect.scatter.add.f32 [tilespmem:s22], [sflag:$0x3], $0x80, s0, s21, $0xb8;
	[tilespmem:$0x1E800] =	vst v63  }
0xe4: {  	_ =	swait.ge [sflag:s19], $0x4000  }
0xe5: {  	[sflag:s19] =	ssyncset.done $0x0  }
0xe6: {  	s0 =	simm.s32 $0x100;
	[sflag:s19] =	ssyncadd.s32 $0xFFFFC000  }
0xe7: {  	[tilespmem:s22], [sflag:$0x1] =	stream.indirect.gather [hbm4b:s4+s21], $0x80, s0, s21, $0xb8;
	[tilespmem:$0x1E800] =	vst v63  }
0xe8: {  	_ =	swait.ge [sflag:s25], $0x4000  }
0xe9: {  	[sflag:s25] =	ssyncset.done $0x0  }
0xea: {  	s0 =	simm.s32 $0x1480;
	[sflag:s25] =	ssyncadd.s32 $0xFFFFC000  }
0xeb: {  	[spmem:s1] =	stream.indirect.scatter.add.f32 [tilespmem:s23], [sflag:$0x3], $0x80, s0, s21, $0xb8;
	[tilespmem:$0x1E800] =	vst v63  }
0xec: {  	_ =	swait.ge [sflag:s19], $0x4000  }
0xed: {  	[sflag:s19] =	ssyncset.done $0x0  }
0xee: {  	s30 =	simm.s32 $0x400;
	s31 =	simm.s32 $0x180;
	[sflag:s19] =	ssyncadd.s32 $0xFFFFC000  }
.LBB2_5:
0xef: {  	[tilespmem:s23], [sflag:$0x2] =	stream.indirect.gather [hbm4b:s4+s21], $0x80, s31, s21, $0xb8;
	[tilespmem:$0x1E800] =	vst v63  }
0xf0: {  	s0 =	smov.u32 s30  }
0xf1: {  	p1 =	seq.s32 s30, $0x4800;
	s30 =	sadd.s32 $0x400, s30;
	_ =	swait.ge [sflag:s24], $0x4000  }
0xf2: {  	s0 =	sshra.s32 s0, $0x2;
	[sflag:s24] =	ssyncset.done $0x0  }
0xf3: {  	s31 =	sadd.s32 $0x1400, s0;
	[sflag:s24] =	ssyncadd.s32 $0xFFFFC000  }
0xf4: {  	[spmem:s1] =	stream.indirect.scatter.add.f32 [tilespmem:s22], [sflag:$0x3], $0x80, s31, s21, $0xb8;
	[tilespmem:$0x1E800] =	vst v63  }
0xf5: {  	_ =	swait.ge [sflag:s19], $0x4000  }
0xf6: {  	[sflag:s19] =	ssyncset.done $0x0  }
0xf7: {  	s31 =	sadd.s32 $0x100, s0;
	[sflag:s19] =	ssyncadd.s32 $0xFFFFC000  }
0xf8: {  	[tilespmem:s22], [sflag:$0x1] =	stream.indirect.gather [hbm4b:s4+s21], $0x80, s31, s21, $0xb8;
	[tilespmem:$0x1E800] =	vst v63  }
0xf9: {  	_ =	swait.ge [sflag:s25], $0x4000  }
0xfa: {  	[sflag:s25] =	ssyncset.done $0x0  }
.Ltmp7:
0xfb: {  	s31 =	sadd.s32 $0x1480, s0;
	[sflag:s25] =	ssyncadd.s32 $0xFFFFC000;
	(pc) =	sbr.rel @!p1 .LBB2_5-.Ltmp7, $4  }
0xfc: {  	[spmem:s1] =	stream.indirect.scatter.add.f32 [tilespmem:s23], [sflag:$0x3], $0x80, s31, s21, $0xb8;
	[tilespmem:$0x1E800] =	vst v63  }
0xfd: {  	_ =	swait.ge [sflag:s19], $0x4000  }
0xfe: {  	[sflag:s19] =	ssyncset.done $0x0  }
0xff: {  	s31 =	sadd.s32 $0x180, s0;
	[sflag:s19] =	ssyncadd.s32 $0xFFFFC000  }
.Ltmp8:
0x100: {  	(pc) =	sbr.rel .LBB2_12-.Ltmp8, $3  }
0x101: {  	_ =	sdelay $0x1  }
0x102: {  	[tilespmem:s23], [sflag:$0x2] =	stream.indirect.gather [hbm4b:s4+s21], $0x80, s31, s21, $0xb8;
	[tilespmem:$0x1E800] =	vst v63  }
0x103: {  	s30 =	smov.u32 s5  }
.LBB2_13:
0x104: {  	_ =	sfence.sel $0x180000  }
0x105: {  	[bflag:$0x0] =	sbarrier.arrive $0xFFFF  }
0x106: {  	_ =	strace $0x9000004D  }
0x107: {  	[bflag:$0x2] =	sbarrier.arrive $0xFFFF  }
0x108: {  	p0 =	sne.s32 s2, $0x0;
	s0 =	rddreg [dreg:$0x3]  }
0x109: {  	s0 =	sadd.s32 @!p0 $0x100000, s0  }
0x10a: {  	[sflag:s0] =	ssyncadd.tile.s32 @!p0 $0x1;
	_ =	shalt  }
.Lfunc_end2:
_tile_overlayer_lowered:
.L_overlay_start_2:
0x10b: {  	(tag) =	ssettag $0x2  }
0x10c: {  	s0 =	rddreg [dreg:$0x0];
	s2 =	stileid.u32  }
0x10d: {  	s1 =	rddreg [dreg:$0x1];
	p0 =	sne.s32 s2, $0x0  }
0x10e: {  	s3 =	rddreg [dreg:$0x2];
	[bflag:$0x3] =	sbarrier.arrive $0xFFFF;
	s2 =	simm.s32 @!p0 $0x1C03  }
0x10f: {  	[timem:s3], [sflag:s2] =	dma.local @!p0 [hbm:s0], s1  }
0x110: {  	s0 =	simm.s32 @!p0 $0x3  }
0x111: {  	_ =	swait.ge @!p0 [sflag:s0], s1  }
0x112: {  	s1 =	ssub.s32 @!p0 $0x0, s1;
	[sflag:s0] =	ssyncset.done @!p0 $0x0  }
0x113: {  	[sflag:s0] =	ssyncadd.s32 @!p0 s1  }
0x114: {  	[bflag:$0x3] =	sbarrier.arrive $0xFFFF  }
0x115: {  	_ =	shalt  }

// kernel: kernel.19.cloned.1.call-start
scs
__scs_entry_jumppad:
0x0: {  	(pc) =	sbr.rel $0x88, $3  }
0x1: {  	(tag) =	ssettag $0x0;
	lr =	simm.s32 $0x1  }
0x2: {  	[smem:$0x3F95] =	sst lr;
	_ =	strace $0xD0000000  }
0x3: {  	_ = 	snop  }
0x4: {  	_ = 	snop  }
0x5: {  	_ = 	snop  }
0x6: {  	_ = 	snop  }
0x7: {  	_ = 	snop  }
__scs_overlays_trampoline_lowered:
0x8: {  	[smem:$0x3FA4] =	sst s0  }
0x9: {  	[smem:$0x3FA5] =	sst s1  }
0xa: {  	[smem:$0x3FA6] =	sst s2  }
0xb: {  	[smem:$0x3FA7] =	sst s3  }
0xc: {  	[smem:$0x3FA8] =	sst s4  }
0xd: {  	[smem:$0x3FA9] =	sst s5  }
0xe: {  	[smem:$0x3FAA] =	sst s6  }
0xf: {  	[smem:$0x3FAB] =	sst s7  }
0x10: {  	[smem:$0x3FAC] =	sst s8  }
0x11: {  	[smem:$0x3FAD] =	sst s9;
	s0 =	simm.s32 @!p0 $0x0  }
0x12: {  	s1 =	sld [smem:$0x3F93];
	s0 =	simm.s32 @p0 $0x1  }
0x13: {  	[smem:$0x3FAE] =	sst s0;
	s0 =	simm.s32 @!p1 $0x0  }
0x14: {  	s2 =	sld [smem:$0x3F92];
	s0 =	simm.s32 @p1 $0x1  }
0x15: {  	[smem:$0x3FAF] =	sst s0;
	s0 =	simm.s32 @!p2 $0x0  }
0x16: {  	s3 =	sld [smem:$0x3FDB];
	s0 =	simm.s32 @p2 $0x1  }
0x17: {  	s4 =	simm.s32 $0x1BF5;
	[smem:$0x3FB1] =	sst s0  }
0x18: {  	s0 =	sld [smem:$0x3F94];
	_ =	swait.ge [sflag:s4], $0x0  }
0x19: {  	s7 =	sld [smem:$0x3F95]  }
0x1a: {  	s8 =	sadd.s32 $0xFFFFE003, lr  }
0x1b: {  	s9 =	sadd.s32 $0xFFFFFEF7, lr;
	s5 =	simm.s32 $0xFFFFFFFF;
	p2 =	slt.u32 s8, $0xFFFFF086  }
0x1c: {  	p1 =	slt.u32 s9, $0xF7A;
	s5 =	simm.s32 @!p2 $0x0  }
0x1d: {  	s5 =	simm.s32 @p1 $0x1;
	p0 =	seq.s32 s7, s2  }
0x1e: {  	s7 =	smul.u32 @!p0 $0xF7A, s2;
	p2 =	seq.s32 @!p0 s5, $0x0  }
0x1f: {  	s9 =	smul.u32 $0xF7A, s1;
	s8 =	simm.s32 @!p0 $0x1BF5;
	p2 =	por !p2, p0  }
0x20: {  	[sflag:s8] =	ssyncset.s32 @!p0 $0xFFFFF086;
	s6 =	sadd.s32 @!p0 s3, s7;
	s7 =	simm.s32 @!p0 $0x108  }
0x21: {  	s3 =	sadd.s32 s3, s9;
	s6 =	sadd.s32 @!p0 $0x88, s6;
	s7 =	simm.s32 @p2 $0x1082  }
0x22: {  	[simem:s7], [sflag:s8] =	dma.local @!p0 [hbm:s6], $0xF7A  }
0x23: {  	s9 =	sor.u32 $0xD0000000, s2;
	s6 =	simm.s32 $0x108;
	_ =	swait.ge @!p0 [sflag:s8], $0x0  }
0x24: {  	s3 =	sadd.s32 $0x88, s3;
	s6 =	simm.s32 @!p1 $0x1082;
	[sflag:s4] =	ssyncset.s32 $0xFFFFF086  }
0x25: {  	[simem:s6], [sflag:s4] =	dma.local [hbm:s3], $0xF7A  }
0x26: {  	[smem:$0x3F95] =	sst s1;
	(tag) =	ssettag s2;
	_ =	strace s9  }
0x27: {  	s1 =	sld [smem:$0x3FA5]  }
0x28: {  	s2 =	sld [smem:$0x3FA6]  }
0x29: {  	s4 =	sld [smem:$0x3FA8]  }
0x2a: {  	p0 =	seq.s32 s5, $0x0;
	s5 =	sld [smem:$0x3FA9]  }
0x2b: {  	s6 =	sld [smem:$0x3FAA]  }
0x2c: {  	s7 =	sld [smem:$0x3FAB]  }
0x2d: {  	s3 =	simm.s32 $0x108;
	s8 =	sld [smem:$0x3FAC]  }
0x2e: {  	s3 =	simm.s32 @!p0 $0x1082;
	s9 =	sld [smem:$0x3FAD]  }
0x2f: {  	lr =	sadd.s32 s0, s3;
	s0 =	sld [smem:$0x3FA4]  }
0x30: {  	s3 =	sld [smem:$0x3FA7]  }
0x31: {  	[smem:$0x3FB0] =	sst s10  }
0x32: {  	s10 =	sld [smem:$0x3FAE];
	_ =	sdelay $0x3  }
0x33: {  	p0 =	seq.s32 s10, $0x1;
	s10 =	sld [smem:$0x3FB0];
	_ =	sdelay $0x3  }
0x34: {  	[smem:$0x3FB0] =	sst s10  }
0x35: {  	s10 =	sld [smem:$0x3FAF];
	_ =	sdelay $0x3  }
0x36: {  	p1 =	seq.s32 s10, $0x1;
	s10 =	sld [smem:$0x3FB0];
	_ =	sdelay $0x3  }
0x37: {  	[smem:$0x3FB0] =	sst s10  }
0x38: {  	s10 =	sld [smem:$0x3FB1]  }
0x39: {  	_ = 	snop;
	(pc) =	sbr.ind lr, $3  }
0x3a: {  	_ = 	snop  }
0x3b: {  	_ = 	snop  }
0x3c: {  	p2 =	seq.s32 s10, $0x1;
	s10 =	sld [smem:$0x3FB0]  }
0x3d: {  	_ =	shalt  }
0x3e: {  	_ =	shalt  }
0x3f: {  	_ =	shalt  }
0x40: {  	_ =	shalt  }
0x41: {  	_ =	shalt  }
0x42: {  	_ =	shalt  }
0x43: {  	_ =	shalt  }
0x44: {  	_ =	shalt  }
0x45: {  	_ =	shalt  }
0x46: {  	_ =	shalt  }
0x47: {  	_ =	shalt  }
0x48: {  	_ =	shalt  }
0x49: {  	_ =	shalt  }
0x4a: {  	_ =	shalt  }
0x4b: {  	_ =	shalt  }
0x4c: {  	_ =	shalt  }
0x4d: {  	_ =	shalt  }
0x4e: {  	_ =	shalt  }
0x4f: {  	_ =	shalt  }
0x50: {  	_ =	shalt  }
0x51: {  	_ =	shalt  }
0x52: {  	_ =	shalt  }
0x53: {  	_ =	shalt  }
0x54: {  	_ =	shalt  }
0x55: {  	_ =	shalt  }
0x56: {  	_ =	shalt  }
0x57: {  	_ =	shalt  }
0x58: {  	_ =	shalt  }
0x59: {  	_ =	shalt  }
0x5a: {  	_ =	shalt  }
0x5b: {  	_ =	shalt  }
0x5c: {  	_ =	shalt  }
0x5d: {  	_ =	shalt  }
0x5e: {  	_ =	shalt  }
0x5f: {  	_ =	shalt  }
0x60: {  	_ =	shalt  }
0x61: {  	_ =	shalt  }
0x62: {  	_ =	shalt  }
0x63: {  	_ =	shalt  }
0x64: {  	_ =	shalt  }
0x65: {  	_ =	shalt  }
0x66: {  	_ =	shalt  }
0x67: {  	_ =	shalt  }
0x68: {  	_ =	shalt  }
0x69: {  	_ =	shalt  }
0x6a: {  	_ =	shalt  }
0x6b: {  	_ =	shalt  }
0x6c: {  	_ =	shalt  }
0x6d: {  	_ =	shalt  }
0x6e: {  	_ =	shalt  }
0x6f: {  	_ =	shalt  }
0x70: {  	_ =	shalt  }
0x71: {  	_ =	shalt  }
0x72: {  	_ =	shalt  }
0x73: {  	_ =	shalt  }
0x74: {  	_ =	shalt  }
0x75: {  	_ =	shalt  }
0x76: {  	_ =	shalt  }
0x77: {  	_ =	shalt  }
0x78: {  	_ =	shalt  }
0x79: {  	_ =	shalt  }
0x7a: {  	_ =	shalt  }
0x7b: {  	_ =	shalt  }
0x7c: {  	_ =	shalt  }
0x7d: {  	_ =	shalt  }
0x7e: {  	_ =	shalt  }
0x7f: {  	_ =	shalt  }
0x80: {  	_ =	shalt  }
0x81: {  	_ =	shalt  }
0x82: {  	_ =	shalt  }
0x83: {  	_ =	shalt  }
0x84: {  	_ =	shalt  }
0x85: {  	_ =	shalt  }
0x86: {  	_ =	shalt  }
0x87: {  	_ =	shalt  }
.Lfunc_end0:
.L_simem_size_0:
called_computation.3_lowered:
.L_overlay_start_0:
0x88: {  	s2 =	sld [smem:$0x3FD9]  }
0x89: {  	s3 =	sld [smem:$0x3FFE];
	_ =	sdelay $0x1  }
0x8a: {  	s1 =	srdreg.scid  }
0x8b: {  	s0 =	sand.u32 $0x1, s1  }
0x8c: {  	s17 =	sshll.u32 s0, $0xA;
	s2 =	sadd.s32 s3, s2  }
0x8d: {  	s2 =	sadd.s32 s2, s17  }
0x8e: {  	[smem:$0x3FBC] =	sst s2  }
0x8f: {  	_ = 	snop  }
0x90: {  	s2 =	sld [smem:$0x3FD0];
	(tm) =	ssettm $0x1  }
0x91: {  	s18 =	sld [smem:$0x3FFB];
	_ =	sdelay $0x3  }
0x92: {  	_ =	strace s18  }
0x93: {  	s3 =	sld [smem:$0x3FFC];
	_ =	sdelay $0x3  }
0x94: {  	_ =	strace s3  }
0x95: {  	s3 =	sld [smem:$0x3FFD];
	_ =	sdelay $0x3  }
0x96: {  	_ =	strace s3  }
0x97: {  	_ =	strace $0x8FFFFFFF  }
0x98: {  	s19 =	sld [smem:$0x3FDB];
	_ =	sdelay $0x1  }
0x99: {  	s4 =	simm.s32 $_scs_section_size  }
0x9a: {  	s5 =	simm.s32 $_size__tile_overlayer_lowered;
	s6 =	simm.s32 $_tile_overlayer_lowered  }
0x9b: {  	s22 =	simm.s32 $0x1BFF;
	s21 =	sshll.u32 s6, $0x1;
	s3 =	sadd.s32 s4, s19  }
0x9c: {  	s7 =	simm.s32 $0x0;
	s20 =	sshll.u32 s5, $0x1;
	s5 =	sadd.s32 s21, s3  }
0x9d: {  	[timem:s7], [sflag:s22] =	dma.local [hbm:s5], s20  }
0x9e: {  	_ =	swait.ge [sflag:s22], s20  }
0x9f: {  	s4 =	ssub.s32 $0x0, s20;
	[sflag:s22] =	ssyncset.done $0x0  }
0xa0: {  	[sflag:s22] =	ssyncadd.s32 s4;
	_ =	sdelay $0x1  }
0xa1: {  	s23 =	simm.s32 $0x1B8B  }
0xa2: {  	_ =	swait.ge [sflag:s23], $0x1  }
0xa3: {  	[sflag:s23] =	ssyncset.done $0x0  }
0xa4: {  	s25 =	simm.s32 $0x1B8E;
	s24 =	sld [smem:$0x3FFE];
	[sflag:s23] =	ssyncadd.s32 $0xFFFFFFFF  }
0xa5: {  	s26 =	simm.s32 $execute0_lowered;
	[smem:$0x3FD2] =	sst s25  }
0xa6: {  	s5 =	sshll.u32 s26, $0x1;
	_ =	strace $0x8000004F;
	[dreg:$0x1] =	wrdreg $0xFFFFFFFF  }
0xa7: {  	s28 =	simm.s32 $_size_execute0_lowered;
	s3 =	sadd.s32 s3, s5;
	[dreg:$0x0] =	wrdreg $0x0  }
0xa8: {  	s5 =	sshll.u32 s28, $0x1;
	[dreg:$0x2] =	wrdreg s3  }
0xa9: {  	[dreg:$0x3] =	wrdreg s5  }
0xaa: {  	[dreg:$0x4] =	wrdreg $0xC0  }
0xab: {  	_ =	task [dreg:s7], $0x5FFFF  }
0xac: {  	[dreg:$0x1] =	wrdreg $0xFFFFFFFF  }
0xad: {  	[dreg:$0x0] =	wrdreg $0x60  }
0xae: {  	[dreg:$0x2] =	wrdreg s24  }
0xaf: {  	[dreg:$0x3] =	wrdreg s2  }
0xb0: {  	[dreg:$0x4] =	wrdreg $0x94000  }
0xb1: {  	[dreg:$0x5] =	wrdreg $0x9  }
0xb2: {  	_ =	task.clear_ibuf [dreg:s7], $0x6FFFF;
	_ =	strace $0x9000004F  }
0xb3: {  	s29 =	simm.s32 $0x9;
	_ =	strace $0x80000051  }
0xb4: {  	_ =	swait.ge [sflag:s29], $0x1  }
0xb5: {  	[sflag:s29] =	ssyncadd.s32 $0xFFFFFFFF  }
0xb6: {  	_ =	strace $0x90000051  }
0xb7: {  	_ =	sfence  }
0xb8: {  	s30 =	sld [smem:$0x0];
	_ =	sdelay $0x2  }
0xb9: {  	s31 =	sshll.u32 s1, $0xD;
	s1 =	sshrl.u32 s1, $0x2  }
0xba: {  	s3 =	sand.u32 $0x4000, s31;
	s1 =	sadd.s32 s1, s30  }
0xbb: {  	s0 =	sor.u32 s3, s0;
	s1 =	sshll.u32 s1, $0x11  }
0xbc: {  	s0 =	sor.u32 s1, s0  }
0xbd: {  	s0 =	sadd.s32 $0x8F2B, s0  }
0xbe: {  	[sflag:s0] =	ssyncadd.remote.s32 $0x1  }
0xbf: {  	_ =	sfence.sel $0xFFFF  }
0xc0: {  	[dreg:$0x0] =	wrdreg $0xFFFFFFFF;
	(pc) =	sbr.abs _section_cstart, $3  }
0xc1: {  	[dreg:$0x1] =	wrdreg $0xFFFFFFFF  }
0xc2: {  	_ =	task.clear_ibuf [dreg:s7], $0x2FFFF;
	_ =	strace $0x9FFFFFFF  }
0xc3: {  	(tm) =	ssettm $0x7FFFFFFF  }
tec
execute0_lowered:
.L_overlay_start_1:
0x0: {  	(tag) =	ssettag $0x1  }
0x1: {  	s0 =	rddreg [dreg:$0x0]  }
0x2: {  	s5 =	rddreg [dreg:$0x1]  }
0x3: {  	s1 =	srdreg.scid;
	s11 =	stileid.u32  }
0x4: {  	s2 =	rddreg [dreg:$0x2];
	s1 =	sand.u32 $0x1, s1;
	s6 =	smul.u32 $0x14000, s11  }
0x5: {  	s13 =	simm.s32 $0x0;
	s10 =	smul.u32 $0x50000, s11;
	s4 =	sshll.u32 s1, $0x4  }
0x6: {  	[smem:$0x7FF] =	sst s13;
	s7 =	smul.u32 $0x140000, s1;
	s4 =	sor.u32 s11, s4  }
0x7: {  	s8 =	sadd.s32 $0x2800, s0;
	s29 =	sshll.u32 s11, $0x6;
	s9 =	smul.u32 $0x1400, s4  }
0x8: {  	s4 =	sadd.s32 $0x7800, s0;
	s7 =	sadd.s32 s6, s7;
	s6 =	sshrl.u32 s6, $0x3  }
0x9: {  	[dreg:$0xc] =	wrdreg s1;
	s31 =	sor.u32 $0x1C03, s29;
	s6 =	sadd.s32 s4, s6  }
0xa: {  	_ =	strace $0x80000050;
	s9 =	sshrl.u32 s9, $0x3;
	[dreg:$0x4] =	wrdreg s6  }
0xb: {  	s7 =	sshrl.u32 s7, $0x3;
	s24 =	sadd.s32 s8, s9;
	s1 =	rddreg [dreg:$0x4]  }
0xc: {  	s0 =	sadd.s32 s7, s0;
	s25 =	sadd.s32 s5, s9;
	[dreg:$0x5] =	wrdreg s24  }
0xd: {  	s9 =	sadd.s32 $0x140, s9;
	s0 =	sadd.s32 $0x2F800, s0;
	[dreg:$0x6] =	wrdreg s25  }
0xe: {  	s10 =	sshrl.u32 s10, $0x2;
	s26 =	sadd.s32 s8, s9;
	[dreg:$0x9] =	wrdreg s0  }
0xf: {  	s28 =	sadd.s32 s10, s2;
	s30 =	sadd.s32 s5, s9;
	[dreg:$0x7] =	wrdreg s26  }
0x10: {  	s7 =	sshrl.u32 s28, $0x3;
	s6 =	simm.s32 $0x3;
	[dreg:$0x8] =	wrdreg s30  }
0x11: {  	[spmem:s7], [sflag:s31] =	dma.local [hbm:s1], $0x2800  }
0x12: {  	_ =	swait.ge [sflag:s6], $0x2800  }
0x13: {  	[sflag:s6] =	ssyncset.done $0x0  }
0x14: {  	[sflag:s6] =	ssyncadd.s32 $0xFFFFD800  }
0x15: {  	[bflag:$0x0] =	sbarrier.arrive $0xFFFF  }
0x16: {  	s3 =	rddreg [dreg:$0x5]  }
0x17: {  	[tilespmem:s13], [sflag:$0x3] =	stream.linear.gather [hbm4b:s3+s13], $0xA00, $0x38;
	[tilespmem:$0x1D400] =	vst v63  }
0x18: {  	_ =	swait.ge [sflag:s6], $0xA00  }
0x19: {  	[sflag:s6] =	ssyncset.done $0x0  }
0x1a: {  	s3 =	simm.s32 $0xA00;
	s5 =	rddreg [dreg:$0x6];
	[sflag:s6] =	ssyncadd.s32 $0xFFFFF600  }
0x1b: {  	[tilespmem:s3], [sflag:$0x3] =	stream.linear.gather [hbm4b:s5+s13], $0xA00, $0x38;
	[tilespmem:$0x1D400] =	vst v63  }
0x1c: {  	_ =	swait.ge [sflag:s6], $0xA00  }
0x1d: {  	[sflag:s6] =	ssyncset.done $0x0  }
0x1e: {  	s10 =	simm.s32 $0x1400;
	s9 =	simm.s32 $0x80;
	[sflag:s6] =	ssyncadd.s32 $0xFFFFF600  }
0x1f: {  	[tilespmem:s10], [sflag:$0x1] =	stream.indirect.gather [hbm4b:s4+s9], $0x80, s13, s9, $0xb8;
	[tilespmem:$0x1D400] =	vst v63  }
0x20: {  	s12 =	simm.s32 $0x1;
	s11 =	simm.s32 $0x5400  }
0x21: {  	[tilespmem:s11], [sflag:$0x2] =	stream.indirect.gather [hbm4b:s4+s9], $0x80, s9, s9, $0xb8;
	[tilespmem:$0x1D400] =	vst v63  }
0x22: {  	_ =	swait.ge [sflag:s12], $0x4000  }
0x23: {  	[sflag:s12] =	ssyncset.done $0x0  }
0x24: {  	[sflag:s12] =	ssyncadd.s32 $0xFFFFC000  }
0x25: {  	[spmem:s2] =	stream.indirect.scatter.add.f32 [tilespmem:s10], [sflag:$0x3], $0x80, s3, s9, $0xb8;
	[tilespmem:$0x1D400] =	vst v63  }
0x26: {  	_ =	swait.ge [sflag:s6], $0x4000  }
0x27: {  	[sflag:s6] =	ssyncset.done $0x0  }
0x28: {  	s14 =	simm.s32 $0x2;
	s8 =	simm.s32 $0x100;
	[sflag:s6] =	ssyncadd.s32 $0xFFFFC000  }
0x29: {  	[tilespmem:s10], [sflag:$0x1] =	stream.indirect.gather [hbm4b:s4+s9], $0x80, s8, s9, $0xb8;
	[tilespmem:$0x1D400] =	vst v63  }
0x2a: {  	_ =	swait.ge [sflag:s14], $0x4000  }
0x2b: {  	[sflag:s14] =	ssyncset.done $0x0  }
0x2c: {  	s15 =	simm.s32 $0xA80;
	[sflag:s14] =	ssyncadd.s32 $0xFFFFC000  }
0x2d: {  	[spmem:s2] =	stream.indirect.scatter.add.f32 [tilespmem:s11], [sflag:$0x3], $0x80, s15, s9, $0xb8;
	[tilespmem:$0x1D400] =	vst v63  }
0x2e: {  	_ =	swait.ge [sflag:s6], $0x4000  }
0x2f: {  	[sflag:s6] =	ssyncset.done $0x0  }
0x30: {  	s16 =	simm.s32 $0x180;
	[sflag:s6] =	ssyncadd.s32 $0xFFFFC000  }
0x31: {  	[tilespmem:s11], [sflag:$0x2] =	stream.indirect.gather [hbm4b:s4+s9], $0x80, s16, s9, $0xb8;
	[tilespmem:$0x1D400] =	vst v63  }
0x32: {  	_ =	swait.ge [sflag:s12], $0x4000  }
0x33: {  	[sflag:s12] =	ssyncset.done $0x0  }
0x34: {  	s17 =	simm.s32 $0xB00;
	[sflag:s12] =	ssyncadd.s32 $0xFFFFC000  }
0x35: {  	[spmem:s2] =	stream.indirect.scatter.add.f32 [tilespmem:s10], [sflag:$0x3], $0x80, s17, s9, $0xb8;
	[tilespmem:$0x1D400] =	vst v63  }
0x36: {  	_ =	swait.ge [sflag:s6], $0x4000  }
0x37: {  	[sflag:s6] =	ssyncset.done $0x0  }
0x38: {  	s18 =	simm.s32 $0x200;
	[sflag:s6] =	ssyncadd.s32 $0xFFFFC000  }
0x39: {  	[tilespmem:s10], [sflag:$0x1] =	stream.indirect.gather [hbm4b:s4+s9], $0x80, s18, s9, $0xb8;
	[tilespmem:$0x1D400] =	vst v63  }
0x3a: {  	_ =	swait.ge [sflag:s14], $0x4000  }
0x3b: {  	[sflag:s14] =	ssyncset.done $0x0  }
0x3c: {  	s19 =	simm.s32 $0xB80;
	[sflag:s14] =	ssyncadd.s32 $0xFFFFC000  }
0x3d: {  	[spmem:s2] =	stream.indirect.scatter.add.f32 [tilespmem:s11], [sflag:$0x3], $0x80, s19, s9, $0xb8;
	[tilespmem:$0x1D400] =	vst v63  }
0x3e: {  	_ =	swait.ge [sflag:s6], $0x4000  }
0x3f: {  	[sflag:s6] =	ssyncset.done $0x0  }
0x40: {  	s20 =	simm.s32 $0x280;
	[sflag:s6] =	ssyncadd.s32 $0xFFFFC000  }
0x41: {  	[tilespmem:s11], [sflag:$0x2] =	stream.indirect.gather [hbm4b:s4+s9], $0x80, s20, s9, $0xb8;
	[tilespmem:$0x1D400] =	vst v63  }
0x42: {  	_ =	swait.ge [sflag:s12], $0x4000  }
0x43: {  	[sflag:s12] =	ssyncset.done $0x0  }
0x44: {  	s21 =	simm.s32 $0xC00;
	[sflag:s12] =	ssyncadd.s32 $0xFFFFC000  }
0x45: {  	[spmem:s2] =	stream.indirect.scatter.add.f32 [tilespmem:s10], [sflag:$0x3], $0x80, s21, s9, $0xb8;
	[tilespmem:$0x1D400] =	vst v63  }
0x46: {  	_ =	swait.ge [sflag:s6], $0x4000  }
0x47: {  	[sflag:s6] =	ssyncset.done $0x0  }
0x48: {  	s22 =	simm.s32 $0x300;
	[sflag:s6] =	ssyncadd.s32 $0xFFFFC000  }
0x49: {  	[tilespmem:s10], [sflag:$0x1] =	stream.indirect.gather [hbm4b:s4+s9], $0x80, s22, s9, $0xb8;
	[tilespmem:$0x1D400] =	vst v63  }
0x4a: {  	_ =	swait.ge [sflag:s14], $0x4000  }
0x4b: {  	[sflag:s14] =	ssyncset.done $0x0  }
0x4c: {  	s23 =	simm.s32 $0xC80;
	[sflag:s14] =	ssyncadd.s32 $0xFFFFC000  }
0x4d: {  	[spmem:s2] =	stream.indirect.scatter.add.f32 [tilespmem:s11], [sflag:$0x3], $0x80, s23, s9, $0xb8;
	[tilespmem:$0x1D400] =	vst v63  }
0x4e: {  	_ =	swait.ge [sflag:s6], $0x4000  }
0x4f: {  	[sflag:s6] =	ssyncset.done $0x0  }
0x50: {  	s24 =	simm.s32 $0x380;
	[sflag:s6] =	ssyncadd.s32 $0xFFFFC000  }
0x51: {  	[tilespmem:s11], [sflag:$0x2] =	stream.indirect.gather [hbm4b:s4+s9], $0x80, s24, s9, $0xb8;
	[tilespmem:$0x1D400] =	vst v63  }
0x52: {  	_ =	swait.ge [sflag:s12], $0x4000  }
0x53: {  	[sflag:s12] =	ssyncset.done $0x0  }
0x54: {  	s25 =	simm.s32 $0xD00;
	[sflag:s12] =	ssyncadd.s32 $0xFFFFC000  }
0x55: {  	[spmem:s2] =	stream.indirect.scatter.add.f32 [tilespmem:s10], [sflag:$0x3], $0x80, s25, s9, $0xb8;
	[tilespmem:$0x1D400] =	vst v63  }
0x56: {  	_ =	swait.ge [sflag:s6], $0x4000  }
0x57: {  	[sflag:s6] =	ssyncset.done $0x0  }
0x58: {  	s26 =	simm.s32 $0x400;
	[sflag:s6] =	ssyncadd.s32 $0xFFFFC000  }
0x59: {  	[tilespmem:s10], [sflag:$0x1] =	stream.indirect.gather [hbm4b:s4+s9], $0x80, s26, s9, $0xb8;
	[tilespmem:$0x1D400] =	vst v63  }
0x5a: {  	_ =	swait.ge [sflag:s14], $0x4000  }
0x5b: {  	[sflag:s14] =	ssyncset.done $0x0  }
0x5c: {  	s28 =	simm.s32 $0xD80;
	[sflag:s14] =	ssyncadd.s32 $0xFFFFC000  }
0x5d: {  	[spmem:s2] =	stream.indirect.scatter.add.f32 [tilespmem:s11], [sflag:$0x3], $0x80, s28, s9, $0xb8;
	[tilespmem:$0x1D400] =	vst v63  }
0x5e: {  	_ =	swait.ge [sflag:s6], $0x4000  }
0x5f: {  	[sflag:s6] =	ssyncset.done $0x0  }
0x60: {  	s29 =	simm.s32 $0x480;
	[sflag:s6] =	ssyncadd.s32 $0xFFFFC000  }
0x61: {  	[tilespmem:s11], [sflag:$0x2] =	stream.indirect.gather [hbm4b:s4+s9], $0x80, s29, s9, $0xb8;
	[tilespmem:$0x1D400] =	vst v63  }
0x62: {  	_ =	swait.ge [sflag:s12], $0x4000  }
0x63: {  	[sflag:s12] =	ssyncset.done $0x0  }
0x64: {  	s30 =	simm.s32 $0xE00;
	[sflag:s12] =	ssyncadd.s32 $0xFFFFC000  }
0x65: {  	[spmem:s2] =	stream.indirect.scatter.add.f32 [tilespmem:s10], [sflag:$0x3], $0x80, s30, s9, $0xb8;
	[tilespmem:$0x1D400] =	vst v63  }
0x66: {  	_ =	swait.ge [sflag:s6], $0x4000  }
0x67: {  	[sflag:s6] =	ssyncset.done $0x0  }
0x68: {  	s1 =	simm.s32 $0x500;
	[sflag:s6] =	ssyncadd.s32 $0xFFFFC000  }
0x69: {  	[tilespmem:s10], [sflag:$0x1] =	stream.indirect.gather [hbm4b:s4+s9], $0x80, s1, s9, $0xb8;
	[tilespmem:$0x1D400] =	vst v63  }
0x6a: {  	_ =	swait.ge [sflag:s14], $0x4000  }
0x6b: {  	[sflag:s14] =	ssyncset.done $0x0  }
0x6c: {  	s5 =	simm.s32 $0xE80;
	[sflag:s14] =	ssyncadd.s32 $0xFFFFC000  }
0x6d: {  	[spmem:s2] =	stream.indirect.scatter.add.f32 [tilespmem:s11], [sflag:$0x3], $0x80, s5, s9, $0xb8;
	[tilespmem:$0x1D400] =	vst v63  }
0x6e: {  	_ =	swait.ge [sflag:s6], $0x4000  }
0x6f: {  	[sflag:s6] =	ssyncset.done $0x0  }
0x70: {  	s8 =	simm.s32 $0x580;
	[sflag:s6] =	ssyncadd.s32 $0xFFFFC000  }
0x71: {  	[tilespmem:s11], [sflag:$0x2] =	stream.indirect.gather [hbm4b:s4+s9], $0x80, s8, s9, $0xb8;
	[tilespmem:$0x1D400] =	vst v63  }
0x72: {  	_ =	swait.ge [sflag:s12], $0x4000  }
0x73: {  	[sflag:s12] =	ssyncset.done $0x0  }
0x74: {  	s30 =	simm.s32 $0xF00;
	[sflag:s12] =	ssyncadd.s32 $0xFFFFC000  }
0x75: {  	[spmem:s2] =	stream.indirect.scatter.add.f32 [tilespmem:s10], [sflag:$0x3], $0x80, s30, s9, $0xb8;
	[tilespmem:$0x1D400] =	vst v63  }
0x76: {  	_ =	swait.ge [sflag:s6], $0x4000  }
0x77: {  	[sflag:s6] =	ssyncset.done $0x0  }
0x78: {  	s29 =	simm.s32 $0x600;
	[sflag:s6] =	ssyncadd.s32 $0xFFFFC000  }
0x79: {  	[tilespmem:s10], [sflag:$0x1] =	stream.indirect.gather [hbm4b:s4+s9], $0x80, s29, s9, $0xb8;
	[tilespmem:$0x1D400] =	vst v63  }
0x7a: {  	_ =	swait.ge [sflag:s14], $0x4000  }
0x7b: {  	[sflag:s14] =	ssyncset.done $0x0  }
0x7c: {  	s28 =	simm.s32 $0xF80;
	[sflag:s14] =	ssyncadd.s32 $0xFFFFC000  }
0x7d: {  	[spmem:s2] =	stream.indirect.scatter.add.f32 [tilespmem:s11], [sflag:$0x3], $0x80, s28, s9, $0xb8;
	[tilespmem:$0x1D400] =	vst v63  }
0x7e: {  	_ =	swait.ge [sflag:s6], $0x4000  }
0x7f: {  	[sflag:s6] =	ssyncset.done $0x0  }
0x80: {  	s26 =	simm.s32 $0x680;
	[sflag:s6] =	ssyncadd.s32 $0xFFFFC000  }
0x81: {  	[tilespmem:s11], [sflag:$0x2] =	stream.indirect.gather [hbm4b:s4+s9], $0x80, s26, s9, $0xb8;
	[tilespmem:$0x1D400] =	vst v63  }
0x82: {  	_ =	swait.ge [sflag:s12], $0x4000  }
0x83: {  	[sflag:s12] =	ssyncset.done $0x0  }
0x84: {  	s25 =	simm.s32 $0x1000;
	[sflag:s12] =	ssyncadd.s32 $0xFFFFC000  }
0x85: {  	[spmem:s2] =	stream.indirect.scatter.add.f32 [tilespmem:s10], [sflag:$0x3], $0x80, s25, s9, $0xb8;
	[tilespmem:$0x1D400] =	vst v63  }
0x86: {  	_ =	swait.ge [sflag:s6], $0x4000  }
0x87: {  	[sflag:s6] =	ssyncset.done $0x0  }
0x88: {  	s24 =	simm.s32 $0x700;
	[sflag:s6] =	ssyncadd.s32 $0xFFFFC000  }
0x89: {  	[tilespmem:s10], [sflag:$0x1] =	stream.indirect.gather [hbm4b:s4+s9], $0x80, s24, s9, $0xb8;
	[tilespmem:$0x1D400] =	vst v63  }
0x8a: {  	_ =	swait.ge [sflag:s14], $0x4000  }
0x8b: {  	[sflag:s14] =	ssyncset.done $0x0  }
0x8c: {  	s23 =	simm.s32 $0x1080;
	[sflag:s14] =	ssyncadd.s32 $0xFFFFC000  }
0x8d: {  	[spmem:s2] =	stream.indirect.scatter.add.f32 [tilespmem:s11], [sflag:$0x3], $0x80, s23, s9, $0xb8;
	[tilespmem:$0x1D400] =	vst v63  }
0x8e: {  	_ =	swait.ge [sflag:s6], $0x4000  }
0x8f: {  	[sflag:s6] =	ssyncset.done $0x0  }
0x90: {  	s22 =	simm.s32 $0x780;
	[sflag:s6] =	ssyncadd.s32 $0xFFFFC000  }
0x91: {  	[tilespmem:s11], [sflag:$0x2] =	stream.indirect.gather [hbm4b:s4+s9], $0x80, s22, s9, $0xb8;
	[tilespmem:$0x1D400] =	vst v63  }
0x92: {  	_ =	swait.ge [sflag:s12], $0x4000  }
0x93: {  	[sflag:s12] =	ssyncset.done $0x0  }
0x94: {  	s21 =	simm.s32 $0x1100;
	[sflag:s12] =	ssyncadd.s32 $0xFFFFC000  }
0x95: {  	[spmem:s2] =	stream.indirect.scatter.add.f32 [tilespmem:s10], [sflag:$0x3], $0x80, s21, s9, $0xb8;
	[tilespmem:$0x1D400] =	vst v63  }
0x96: {  	_ =	swait.ge [sflag:s6], $0x4000  }
0x97: {  	[sflag:s6] =	ssyncset.done $0x0  }
0x98: {  	s20 =	simm.s32 $0x800;
	[sflag:s6] =	ssyncadd.s32 $0xFFFFC000  }
0x99: {  	[tilespmem:s10], [sflag:$0x1] =	stream.indirect.gather [hbm4b:s4+s9], $0x80, s20, s9, $0xb8;
	[tilespmem:$0x1D400] =	vst v63  }
0x9a: {  	_ =	swait.ge [sflag:s14], $0x4000  }
0x9b: {  	[sflag:s14] =	ssyncset.done $0x0  }
0x9c: {  	s19 =	simm.s32 $0x1180;
	[sflag:s14] =	ssyncadd.s32 $0xFFFFC000  }
0x9d: {  	[spmem:s2] =	stream.indirect.scatter.add.f32 [tilespmem:s11], [sflag:$0x3], $0x80, s19, s9, $0xb8;
	[tilespmem:$0x1D400] =	vst v63  }
0x9e: {  	_ =	swait.ge [sflag:s6], $0x4000  }
0x9f: {  	[sflag:s6] =	ssyncset.done $0x0  }
0xa0: {  	s18 =	simm.s32 $0x880;
	[sflag:s6] =	ssyncadd.s32 $0xFFFFC000  }
0xa1: {  	[tilespmem:s11], [sflag:$0x2] =	stream.indirect.gather [hbm4b:s4+s9], $0x80, s18, s9, $0xb8;
	[tilespmem:$0x1D400] =	vst v63  }
0xa2: {  	_ =	swait.ge [sflag:s12], $0x4000  }
0xa3: {  	[sflag:s12] =	ssyncset.done $0x0  }
0xa4: {  	s17 =	simm.s32 $0x1200;
	[sflag:s12] =	ssyncadd.s32 $0xFFFFC000  }
0xa5: {  	[spmem:s2] =	stream.indirect.scatter.add.f32 [tilespmem:s10], [sflag:$0x3], $0x80, s17, s9, $0xb8;
	[tilespmem:$0x1D400] =	vst v63  }
0xa6: {  	_ =	swait.ge [sflag:s6], $0x4000  }
0xa7: {  	[sflag:s6] =	ssyncset.done $0x0  }
0xa8: {  	s16 =	simm.s32 $0x900;
	[sflag:s6] =	ssyncadd.s32 $0xFFFFC000  }
0xa9: {  	[tilespmem:s10], [sflag:$0x1] =	stream.indirect.gather [hbm4b:s4+s9], $0x80, s16, s9, $0xb8;
	[tilespmem:$0x1D400] =	vst v63  }
0xaa: {  	_ =	swait.ge [sflag:s14], $0x4000  }
0xab: {  	[sflag:s14] =	ssyncset.done $0x0  }
0xac: {  	s15 =	simm.s32 $0x1280;
	[sflag:s14] =	ssyncadd.s32 $0xFFFFC000  }
0xad: {  	[spmem:s2] =	stream.indirect.scatter.add.f32 [tilespmem:s11], [sflag:$0x3], $0x80, s15, s9, $0xb8;
	[tilespmem:$0x1D400] =	vst v63  }
0xae: {  	_ =	swait.ge [sflag:s6], $0x4000  }
0xaf: {  	[sflag:s6] =	ssyncset.done $0x0  }
0xb0: {  	s8 =	simm.s32 $0x980;
	[sflag:s6] =	ssyncadd.s32 $0xFFFFC000  }
0xb1: {  	[tilespmem:s11], [sflag:$0x2] =	stream.indirect.gather [hbm4b:s4+s9], $0x80, s8, s9, $0xb8;
	[tilespmem:$0x1D400] =	vst v63  }
0xb2: {  	_ =	swait.ge [sflag:s12], $0x4000  }
0xb3: {  	[sflag:s12] =	ssyncset.done $0x0  }
0xb4: {  	s5 =	simm.s32 $0x1300;
	[sflag:s12] =	ssyncadd.s32 $0xFFFFC000  }
0xb5: {  	[spmem:s2] =	stream.indirect.scatter.add.f32 [tilespmem:s10], [sflag:$0x3], $0x80, s5, s9, $0xb8;
	[tilespmem:$0x1D400] =	vst v63  }
0xb6: {  	_ =	swait.ge [sflag:s6], $0x4000  }
0xb7: {  	[sflag:s6] =	ssyncset.done $0x0  }
0xb8: {  	[sflag:s6] =	ssyncadd.s32 $0xFFFFC000  }
0xb9: {  	_ =	swait.ge [sflag:s14], $0x4000  }
0xba: {  	[sflag:s14] =	ssyncset.done $0x0  }
0xbb: {  	s0 =	simm.s32 $0x1380;
	[sflag:s14] =	ssyncadd.s32 $0xFFFFC000  }
0xbc: {  	[spmem:s2] =	stream.indirect.scatter.add.f32 [tilespmem:s11], [sflag:$0x3], $0x80, s0, s9, $0xb8;
	[tilespmem:$0x1D400] =	vst v63  }
0xbd: {  	_ =	swait.ge [sflag:s6], $0x4000  }
0xbe: {  	[sflag:s6] =	ssyncset.done $0x0  }
0xbf: {  	s1 =	rddreg [dreg:$0x7];
	[sflag:s6] =	ssyncadd.s32 $0xFFFFC000  }
0xc0: {  	[tilespmem:s13], [sflag:$0x3] =	stream.linear.gather [hbm4b:s1+s13], $0xA00, $0x38;
	[tilespmem:$0x1D400] =	vst v63  }
0xc1: {  	_ =	swait.ge [sflag:s6], $0xA00  }
0xc2: {  	[sflag:s6] =	ssyncset.done $0x0  }
0xc3: {  	s1 =	rddreg [dreg:$0x8];
	[sflag:s6] =	ssyncadd.s32 $0xFFFFF600  }
0xc4: {  	[tilespmem:s3], [sflag:$0x3] =	stream.linear.gather [hbm4b:s1+s13], $0xA00, $0x38;
	[tilespmem:$0x1D400] =	vst v63  }
0xc5: {  	_ =	swait.ge [sflag:s6], $0xA00  }
0xc6: {  	[sflag:s6] =	ssyncset.done $0x0  }
0xc7: {  	[sflag:s6] =	ssyncadd.s32 $0xFFFFF600  }
0xc8: {  	[tilespmem:s10], [sflag:$0x1] =	stream.indirect.gather [hbm4b:s4+s9], $0x80, s13, s9, $0xb8;
	[tilespmem:$0x1D400] =	vst v63  }
0xc9: {  	_ = 	snop  }
0xca: {  	[tilespmem:s11], [sflag:$0x2] =	stream.indirect.gather [hbm4b:s4+s9], $0x80, s9, s9, $0xb8;
	[tilespmem:$0x1D400] =	vst v63  }
0xcb: {  	_ =	swait.ge [sflag:s12], $0x4000  }
0xcc: {  	[sflag:s12] =	ssyncset.done $0x0  }
0xcd: {  	[sflag:s12] =	ssyncadd.s32 $0xFFFFC000  }
0xce: {  	[spmem:s2] =	stream.indirect.scatter.add.f32 [tilespmem:s10], [sflag:$0x3], $0x80, s3, s9, $0xb8;
	[tilespmem:$0x1D400] =	vst v63  }
0xcf: {  	_ =	swait.ge [sflag:s6], $0x4000  }
0xd0: {  	[sflag:s6] =	ssyncset.done $0x0  }
0xd1: {  	s13 =	simm.s32 $0x100;
	[sflag:s6] =	ssyncadd.s32 $0xFFFFC000  }
0xd2: {  	[tilespmem:s10], [sflag:$0x1] =	stream.indirect.gather [hbm4b:s4+s9], $0x80, s13, s9, $0xb8;
	[tilespmem:$0x1D400] =	vst v63  }
0xd3: {  	_ =	swait.ge [sflag:s14], $0x4000  }
0xd4: {  	[sflag:s14] =	ssyncset.done $0x0  }
0xd5: {  	s3 =	simm.s32 $0xA80;
	[sflag:s14] =	ssyncadd.s32 $0xFFFFC000  }
0xd6: {  	[spmem:s2] =	stream.indirect.scatter.add.f32 [tilespmem:s11], [sflag:$0x3], $0x80, s3, s9, $0xb8;
	[tilespmem:$0x1D400] =	vst v63  }
0xd7: {  	_ =	swait.ge [sflag:s6], $0x4000  }
0xd8: {  	[sflag:s6] =	ssyncset.done $0x0  }
0xd9: {  	s13 =	simm.s32 $0x180;
	[sflag:s6] =	ssyncadd.s32 $0xFFFFC000  }
0xda: {  	[tilespmem:s11], [sflag:$0x2] =	stream.indirect.gather [hbm4b:s4+s9], $0x80, s13, s9, $0xb8;
	[tilespmem:$0x1D400] =	vst v63  }
0xdb: {  	_ =	swait.ge [sflag:s12], $0x4000  }
0xdc: {  	[sflag:s12] =	ssyncset.done $0x0  }
0xdd: {  	s3 =	simm.s32 $0xB00;
	[sflag:s12] =	ssyncadd.s32 $0xFFFFC000  }
0xde: {  	[spmem:s2] =	stream.indirect.scatter.add.f32 [tilespmem:s10], [sflag:$0x3], $0x80, s3, s9, $0xb8;
	[tilespmem:$0x1D400] =	vst v63  }
0xdf: {  	_ =	swait.ge [sflag:s6], $0x4000  }
0xe0: {  	[sflag:s6] =	ssyncset.done $0x0  }
0xe1: {  	s13 =	simm.s32 $0x200;
	[sflag:s6] =	ssyncadd.s32 $0xFFFFC000  }
0xe2: {  	[tilespmem:s10], [sflag:$0x1] =	stream.indirect.gather [hbm4b:s4+s9], $0x80, s13, s9, $0xb8;
	[tilespmem:$0x1D400] =	vst v63  }
0xe3: {  	_ =	swait.ge [sflag:s14], $0x4000  }
0xe4: {  	[sflag:s14] =	ssyncset.done $0x0  }
0xe5: {  	s3 =	simm.s32 $0xB80;
	[sflag:s14] =	ssyncadd.s32 $0xFFFFC000  }
0xe6: {  	[spmem:s2] =	stream.indirect.scatter.add.f32 [tilespmem:s11], [sflag:$0x3], $0x80, s3, s9, $0xb8;
	[tilespmem:$0x1D400] =	vst v63  }
0xe7: {  	_ =	swait.ge [sflag:s6], $0x4000  }
0xe8: {  	[sflag:s6] =	ssyncset.done $0x0  }
0xe9: {  	s13 =	simm.s32 $0x280;
	[sflag:s6] =	ssyncadd.s32 $0xFFFFC000  }
0xea: {  	[tilespmem:s11], [sflag:$0x2] =	stream.indirect.gather [hbm4b:s4+s9], $0x80, s13, s9, $0xb8;
	[tilespmem:$0x1D400] =	vst v63  }
0xeb: {  	_ =	swait.ge [sflag:s12], $0x4000  }
0xec: {  	[sflag:s12] =	ssyncset.done $0x0  }
0xed: {  	s3 =	simm.s32 $0xC00;
	[sflag:s12] =	ssyncadd.s32 $0xFFFFC000  }
0xee: {  	[spmem:s2] =	stream.indirect.scatter.add.f32 [tilespmem:s10], [sflag:$0x3], $0x80, s3, s9, $0xb8;
	[tilespmem:$0x1D400] =	vst v63  }
0xef: {  	_ =	swait.ge [sflag:s6], $0x4000  }
0xf0: {  	[sflag:s6] =	ssyncset.done $0x0  }
0xf1: {  	s13 =	simm.s32 $0x300;
	[sflag:s6] =	ssyncadd.s32 $0xFFFFC000  }
0xf2: {  	[tilespmem:s10], [sflag:$0x1] =	stream.indirect.gather [hbm4b:s4+s9], $0x80, s13, s9, $0xb8;
	[tilespmem:$0x1D400] =	vst v63  }
0xf3: {  	_ =	swait.ge [sflag:s14], $0x4000  }
0xf4: {  	[sflag:s14] =	ssyncset.done $0x0  }
0xf5: {  	s3 =	simm.s32 $0xC80;
	[sflag:s14] =	ssyncadd.s32 $0xFFFFC000  }
0xf6: {  	[spmem:s2] =	stream.indirect.scatter.add.f32 [tilespmem:s11], [sflag:$0x3], $0x80, s3, s9, $0xb8;
	[tilespmem:$0x1D400] =	vst v63  }
0xf7: {  	_ =	swait.ge [sflag:s6], $0x4000  }
0xf8: {  	[sflag:s6] =	ssyncset.done $0x0  }
0xf9: {  	s13 =	simm.s32 $0x380;
	[sflag:s6] =	ssyncadd.s32 $0xFFFFC000  }
0xfa: {  	[tilespmem:s11], [sflag:$0x2] =	stream.indirect.gather [hbm4b:s4+s9], $0x80, s13, s9, $0xb8;
	[tilespmem:$0x1D400] =	vst v63  }
0xfb: {  	_ =	swait.ge [sflag:s12], $0x4000  }
0xfc: {  	[sflag:s12] =	ssyncset.done $0x0  }
0xfd: {  	s3 =	simm.s32 $0xD00;
	[sflag:s12] =	ssyncadd.s32 $0xFFFFC000  }
0xfe: {  	[spmem:s2] =	stream.indirect.scatter.add.f32 [tilespmem:s10], [sflag:$0x3], $0x80, s3, s9, $0xb8;
	[tilespmem:$0x1D400] =	vst v63  }
0xff: {  	_ =	swait.ge [sflag:s6], $0x4000  }
0x100: {  	[sflag:s6] =	ssyncset.done $0x0  }
0x101: {  	s13 =	simm.s32 $0x400;
	[sflag:s6] =	ssyncadd.s32 $0xFFFFC000  }
0x102: {  	[tilespmem:s10], [sflag:$0x1] =	stream.indirect.gather [hbm4b:s4+s9], $0x80, s13, s9, $0xb8;
	[tilespmem:$0x1D400] =	vst v63  }
0x103: {  	_ =	swait.ge [sflag:s14], $0x4000  }
0x104: {  	[sflag:s14] =	ssyncset.done $0x0  }
0x105: {  	s3 =	simm.s32 $0xD80;
	[sflag:s14] =	ssyncadd.s32 $0xFFFFC000  }
0x106: {  	[spmem:s2] =	stream.indirect.scatter.add.f32 [tilespmem:s11], [sflag:$0x3], $0x80, s3, s9, $0xb8;
	[tilespmem:$0x1D400] =	vst v63  }
0x107: {  	_ =	swait.ge [sflag:s6], $0x4000  }
0x108: {  	[sflag:s6] =	ssyncset.done $0x0  }
0x109: {  	s13 =	simm.s32 $0x480;
	[sflag:s6] =	ssyncadd.s32 $0xFFFFC000  }
0x10a: {  	[tilespmem:s11], [sflag:$0x2] =	stream.indirect.gather [hbm4b:s4+s9], $0x80, s13, s9, $0xb8;
	[tilespmem:$0x1D400] =	vst v63  }
0x10b: {  	_ =	swait.ge [sflag:s12], $0x4000  }
0x10c: {  	[sflag:s12] =	ssyncset.done $0x0  }
0x10d: {  	s3 =	simm.s32 $0xE00;
	[sflag:s12] =	ssyncadd.s32 $0xFFFFC000  }
0x10e: {  	[spmem:s2] =	stream.indirect.scatter.add.f32 [tilespmem:s10], [sflag:$0x3], $0x80, s3, s9, $0xb8;
	[tilespmem:$0x1D400] =	vst v63  }
0x10f: {  	_ =	swait.ge [sflag:s6], $0x4000  }
0x110: {  	[sflag:s6] =	ssyncset.done $0x0  }
0x111: {  	s13 =	simm.s32 $0x500;
	[sflag:s6] =	ssyncadd.s32 $0xFFFFC000  }
0x112: {  	[tilespmem:s10], [sflag:$0x1] =	stream.indirect.gather [hbm4b:s4+s9], $0x80, s13, s9, $0xb8;
	[tilespmem:$0x1D400] =	vst v63  }
0x113: {  	_ =	swait.ge [sflag:s14], $0x4000  }
0x114: {  	[sflag:s14] =	ssyncset.done $0x0  }
0x115: {  	s3 =	simm.s32 $0xE80;
	[sflag:s14] =	ssyncadd.s32 $0xFFFFC000  }
0x116: {  	[spmem:s2] =	stream.indirect.scatter.add.f32 [tilespmem:s11], [sflag:$0x3], $0x80, s3, s9, $0xb8;
	[tilespmem:$0x1D400] =	vst v63  }
0x117: {  	_ =	swait.ge [sflag:s6], $0x4000  }
0x118: {  	[sflag:s6] =	ssyncset.done $0x0  }
0x119: {  	s13 =	simm.s32 $0x580;
	[sflag:s6] =	ssyncadd.s32 $0xFFFFC000  }
0x11a: {  	[tilespmem:s11], [sflag:$0x2] =	stream.indirect.gather [hbm4b:s4+s9], $0x80, s13, s9, $0xb8;
	[tilespmem:$0x1D400] =	vst v63  }
0x11b: {  	_ =	swait.ge [sflag:s12], $0x4000  }
0x11c: {  	[sflag:s12] =	ssyncset.done $0x0  }
0x11d: {  	[sflag:s12] =	ssyncadd.s32 $0xFFFFC000  }
0x11e: {  	[spmem:s2] =	stream.indirect.scatter.add.f32 [tilespmem:s10], [sflag:$0x3], $0x80, s30, s9, $0xb8;
	[tilespmem:$0x1D400] =	vst v63  }
0x11f: {  	_ =	swait.ge [sflag:s6], $0x4000  }
0x120: {  	[sflag:s6] =	ssyncset.done $0x0  }
0x121: {  	[sflag:s6] =	ssyncadd.s32 $0xFFFFC000  }
0x122: {  	[tilespmem:s10], [sflag:$0x1] =	stream.indirect.gather [hbm4b:s4+s9], $0x80, s29, s9, $0xb8;
	[tilespmem:$0x1D400] =	vst v63  }
0x123: {  	_ =	swait.ge [sflag:s14], $0x4000  }
0x124: {  	[sflag:s14] =	ssyncset.done $0x0  }
0x125: {  	[sflag:s14] =	ssyncadd.s32 $0xFFFFC000  }
0x126: {  	[spmem:s2] =	stream.indirect.scatter.add.f32 [tilespmem:s11], [sflag:$0x3], $0x80, s28, s9, $0xb8;
	[tilespmem:$0x1D400] =	vst v63  }
0x127: {  	_ =	swait.ge [sflag:s6], $0x4000  }
0x128: {  	[sflag:s6] =	ssyncset.done $0x0  }
0x129: {  	[sflag:s6] =	ssyncadd.s32 $0xFFFFC000  }
0x12a: {  	[tilespmem:s11], [sflag:$0x2] =	stream.indirect.gather [hbm4b:s4+s9], $0x80, s26, s9, $0xb8;
	[tilespmem:$0x1D400] =	vst v63  }
0x12b: {  	_ =	swait.ge [sflag:s12], $0x4000  }
0x12c: {  	[sflag:s12] =	ssyncset.done $0x0  }
0x12d: {  	[sflag:s12] =	ssyncadd.s32 $0xFFFFC000  }
0x12e: {  	[spmem:s2] =	stream.indirect.scatter.add.f32 [tilespmem:s10], [sflag:$0x3], $0x80, s25, s9, $0xb8;
	[tilespmem:$0x1D400] =	vst v63  }
0x12f: {  	_ =	swait.ge [sflag:s6], $0x4000  }
0x130: {  	[sflag:s6] =	ssyncset.done $0x0  }
0x131: {  	[sflag:s6] =	ssyncadd.s32 $0xFFFFC000  }
0x132: {  	[tilespmem:s10], [sflag:$0x1] =	stream.indirect.gather [hbm4b:s4+s9], $0x80, s24, s9, $0xb8;
	[tilespmem:$0x1D400] =	vst v63  }
0x133: {  	_ =	swait.ge [sflag:s14], $0x4000  }
0x134: {  	[sflag:s14] =	ssyncset.done $0x0  }
0x135: {  	[sflag:s14] =	ssyncadd.s32 $0xFFFFC000  }
0x136: {  	[spmem:s2] =	stream.indirect.scatter.add.f32 [tilespmem:s11], [sflag:$0x3], $0x80, s23, s9, $0xb8;
	[tilespmem:$0x1D400] =	vst v63  }
0x137: {  	_ =	swait.ge [sflag:s6], $0x4000  }
0x138: {  	[sflag:s6] =	ssyncset.done $0x0  }
0x139: {  	[sflag:s6] =	ssyncadd.s32 $0xFFFFC000  }
0x13a: {  	[tilespmem:s11], [sflag:$0x2] =	stream.indirect.gather [hbm4b:s4+s9], $0x80, s22, s9, $0xb8;
	[tilespmem:$0x1D400] =	vst v63  }
0x13b: {  	_ =	swait.ge [sflag:s12], $0x4000  }
0x13c: {  	[sflag:s12] =	ssyncset.done $0x0  }
0x13d: {  	[sflag:s12] =	ssyncadd.s32 $0xFFFFC000  }
0x13e: {  	[spmem:s2] =	stream.indirect.scatter.add.f32 [tilespmem:s10], [sflag:$0x3], $0x80, s21, s9, $0xb8;
	[tilespmem:$0x1D400] =	vst v63  }
0x13f: {  	_ =	swait.ge [sflag:s6], $0x4000  }
0x140: {  	[sflag:s6] =	ssyncset.done $0x0  }
0x141: {  	[sflag:s6] =	ssyncadd.s32 $0xFFFFC000  }
0x142: {  	[tilespmem:s10], [sflag:$0x1] =	stream.indirect.gather [hbm4b:s4+s9], $0x80, s20, s9, $0xb8;
	[tilespmem:$0x1D400] =	vst v63  }
0x143: {  	_ =	swait.ge [sflag:s14], $0x4000  }
0x144: {  	[sflag:s14] =	ssyncset.done $0x0  }
0x145: {  	[sflag:s14] =	ssyncadd.s32 $0xFFFFC000  }
0x146: {  	[spmem:s2] =	stream.indirect.scatter.add.f32 [tilespmem:s11], [sflag:$0x3], $0x80, s19, s9, $0xb8;
	[tilespmem:$0x1D400] =	vst v63  }
0x147: {  	_ =	swait.ge [sflag:s6], $0x4000  }
0x148: {  	[sflag:s6] =	ssyncset.done $0x0  }
0x149: {  	[sflag:s6] =	ssyncadd.s32 $0xFFFFC000  }
0x14a: {  	[tilespmem:s11], [sflag:$0x2] =	stream.indirect.gather [hbm4b:s4+s9], $0x80, s18, s9, $0xb8;
	[tilespmem:$0x1D400] =	vst v63  }
0x14b: {  	_ =	swait.ge [sflag:s12], $0x4000  }
0x14c: {  	[sflag:s12] =	ssyncset.done $0x0  }
0x14d: {  	[sflag:s12] =	ssyncadd.s32 $0xFFFFC000  }
0x14e: {  	[spmem:s2] =	stream.indirect.scatter.add.f32 [tilespmem:s10], [sflag:$0x3], $0x80, s17, s9, $0xb8;
	[tilespmem:$0x1D400] =	vst v63  }
0x14f: {  	_ =	swait.ge [sflag:s6], $0x4000  }
0x150: {  	[sflag:s6] =	ssyncset.done $0x0  }
0x151: {  	[sflag:s6] =	ssyncadd.s32 $0xFFFFC000  }
0x152: {  	[tilespmem:s10], [sflag:$0x1] =	stream.indirect.gather [hbm4b:s4+s9], $0x80, s16, s9, $0xb8;
	[tilespmem:$0x1D400] =	vst v63  }
0x153: {  	_ =	swait.ge [sflag:s14], $0x4000  }
0x154: {  	[sflag:s14] =	ssyncset.done $0x0  }
0x155: {  	[sflag:s14] =	ssyncadd.s32 $0xFFFFC000  }
0x156: {  	[spmem:s2] =	stream.indirect.scatter.add.f32 [tilespmem:s11], [sflag:$0x3], $0x80, s15, s9, $0xb8;
	[tilespmem:$0x1D400] =	vst v63  }
0x157: {  	_ =	swait.ge [sflag:s6], $0x4000  }
0x158: {  	[sflag:s6] =	ssyncset.done $0x0  }
0x159: {  	[sflag:s6] =	ssyncadd.s32 $0xFFFFC000  }
0x15a: {  	[tilespmem:s11], [sflag:$0x2] =	stream.indirect.gather [hbm4b:s4+s9], $0x80, s8, s9, $0xb8;
	[tilespmem:$0x1D400] =	vst v63  }
0x15b: {  	_ =	swait.ge [sflag:s12], $0x4000  }
0x15c: {  	[sflag:s12] =	ssyncset.done $0x0  }
0x15d: {  	[sflag:s12] =	ssyncadd.s32 $0xFFFFC000  }
0x15e: {  	[spmem:s2] =	stream.indirect.scatter.add.f32 [tilespmem:s10], [sflag:$0x3], $0x80, s5, s9, $0xb8;
	[tilespmem:$0x1D400] =	vst v63  }
0x15f: {  	_ =	swait.ge [sflag:s6], $0x4000  }
0x160: {  	[sflag:s6] =	ssyncset.done $0x0  }
0x161: {  	[sflag:s6] =	ssyncadd.s32 $0xFFFFC000  }
0x162: {  	_ =	swait.ge [sflag:s14], $0x4000  }
0x163: {  	[sflag:s14] =	ssyncset.done $0x0  }
0x164: {  	[sflag:s14] =	ssyncadd.s32 $0xFFFFC000  }
0x165: {  	[spmem:s2] =	stream.indirect.scatter.add.f32 [tilespmem:s11], [sflag:$0x3], $0x80, s0, s9, $0xb8;
	[tilespmem:$0x1D400] =	vst v63  }
0x166: {  	_ =	swait.ge [sflag:s6], $0x4000  }
0x167: {  	[sflag:s6] =	ssyncset.done $0x0  }
0x168: {  	[sflag:s6] =	ssyncadd.s32 $0xFFFFC000  }
0x169: {  	[bflag:$0x0] =	sbarrier.arrive $0xFFFF  }
0x16a: {  	s28 =	rddreg [dreg:$0xc]  }
0x16b: {  	s0 =	ssub.s32 $0x2, s28  }
0x16c: {  	s30 =	sshrl.u32 s0, $0x1  }
0x16d: {  	s1 =	ssub.s32 s0, s30  }
0x16e: {  	s1 =	smax.u32 s1, $0x1  }
0x16f: {  	p0 =	sne.s32 s1, $0x1  }
.Ltmp0:
0x170: {  	s29 =	rddreg [dreg:$0x9];
	(pc) =	sbr.rel @!p0 .LBB2_3-.Ltmp0, $4  }
0x171: {  	[dreg:$0xa] =	wrdreg s31  }
0x172: {  	[dreg:$0xb] =	wrdreg s7  }
0x173: {  	[hbm:s29], [sflag:s31] =	dma.local [spmem:s7], $0x2800  }
0x174: {  	_ =	swait.ge [sflag:s6], $0x2800;
	s1 =	sadd.s32 $0xFFFFFFFF, s1  }
0x175: {  	s3 =	simm.s32 $0xA00;
	s15 =	simm.s32 $0x100  }
0x176: {  	s16 =	simm.s32 $0xA80;
	s17 =	simm.s32 $0x180;
	s18 =	simm.s32 $0xB00  }
0x177: {  	s19 =	simm.s32 $0x200;
	s20 =	simm.s32 $0xB80;
	s21 =	simm.s32 $0x280  }
0x178: {  	s22 =	simm.s32 $0xC00;
	s23 =	simm.s32 $0x300;
	s24 =	simm.s32 $0xC80  }
0x179: {  	s25 =	simm.s32 $0x380;
	s26 =	simm.s32 $0xD00;
	s28 =	simm.s32 $0x400  }
0x17a: {  	s29 =	simm.s32 $0xD80;
	s30 =	simm.s32 $0x480;
	s31 =	simm.s32 $0xE00  }
.LBB2_2:
0x17b: {  	s13 =	rddreg [dreg:$0x4]  }
0x17c: {  	[sflag:s6] =	ssyncset.done $0x0;
	s7 =	rddreg [dreg:$0xa]  }
0x17d: {  	s8 =	rddreg [dreg:$0xb];
	[sflag:s6] =	ssyncadd.s32 $0xFFFFD800  }
0x17e: {  	[spmem:s8], [sflag:s7] =	dma.local [hbm:s13], $0x2800  }
0x17f: {  	_ =	swait.ge [sflag:s6], $0x2800  }
0x180: {  	[sflag:s6] =	ssyncset.done $0x0  }
0x181: {  	[sflag:s6] =	ssyncadd.s32 $0xFFFFD800  }
0x182: {  	[bflag:$0x0] =	sbarrier.arrive $0xFFFF  }
0x183: {  	s0 =	simm.s32 $0x0;
	s5 =	rddreg [dreg:$0x5]  }
0x184: {  	[tilespmem:s0], [sflag:$0x3] =	stream.linear.gather [hbm4b:s5+s0], $0xA00, $0x38;
	[tilespmem:$0x1D400] =	vst v63  }
0x185: {  	_ =	swait.ge [sflag:s6], $0xA00  }
0x186: {  	[sflag:s6] =	ssyncset.done $0x0  }
0x187: {  	s5 =	rddreg [dreg:$0x6];
	[sflag:s6] =	ssyncadd.s32 $0xFFFFF600  }
0x188: {  	[tilespmem:s3], [sflag:$0x3] =	stream.linear.gather [hbm4b:s5+s0], $0xA00, $0x38;
	[tilespmem:$0x1D400] =	vst v63  }
0x189: {  	_ =	swait.ge [sflag:s6], $0xA00  }
0x18a: {  	[sflag:s6] =	ssyncset.done $0x0  }
0x18b: {  	[sflag:s6] =	ssyncadd.s32 $0xFFFFF600  }
0x18c: {  	[tilespmem:s10], [sflag:$0x1] =	stream.indirect.gather [hbm4b:s4+s9], $0x80, s0, s9, $0xb8;
	[tilespmem:$0x1D400] =	vst v63  }
0x18d: {  	_ = 	snop  }
0x18e: {  	[tilespmem:s11], [sflag:$0x2] =	stream.indirect.gather [hbm4b:s4+s9], $0x80, s9, s9, $0xb8;
	[tilespmem:$0x1D400] =	vst v63  }
0x18f: {  	_ =	swait.ge [sflag:s12], $0x4000  }
0x190: {  	[sflag:s12] =	ssyncset.done $0x0  }
0x191: {  	[sflag:s12] =	ssyncadd.s32 $0xFFFFC000  }
0x192: {  	[spmem:s2] =	stream.indirect.scatter.add.f32 [tilespmem:s10], [sflag:$0x3], $0x80, s3, s9, $0xb8;
	[tilespmem:$0x1D400] =	vst v63  }
0x193: {  	_ =	swait.ge [sflag:s6], $0x4000  }
0x194: {  	[sflag:s6] =	ssyncset.done $0x0  }
0x195: {  	[sflag:s6] =	ssyncadd.s32 $0xFFFFC000  }
0x196: {  	[tilespmem:s10], [sflag:$0x1] =	stream.indirect.gather [hbm4b:s4+s9], $0x80, s15, s9, $0xb8;
	[tilespmem:$0x1D400] =	vst v63  }
0x197: {  	_ =	swait.ge [sflag:s14], $0x4000  }
0x198: {  	[sflag:s14] =	ssyncset.done $0x0  }
0x199: {  	[sflag:s14] =	ssyncadd.s32 $0xFFFFC000  }
0x19a: {  	[spmem:s2] =	stream.indirect.scatter.add.f32 [tilespmem:s11], [sflag:$0x3], $0x80, s16, s9, $0xb8;
	[tilespmem:$0x1D400] =	vst v63  }
0x19b: {  	_ =	swait.ge [sflag:s6], $0x4000  }
0x19c: {  	[sflag:s6] =	ssyncset.done $0x0  }
0x19d: {  	[sflag:s6] =	ssyncadd.s32 $0xFFFFC000  }
0x19e: {  	[tilespmem:s11], [sflag:$0x2] =	stream.indirect.gather [hbm4b:s4+s9], $0x80, s17, s9, $0xb8;
	[tilespmem:$0x1D400] =	vst v63  }
0x19f: {  	_ =	swait.ge [sflag:s12], $0x4000  }
0x1a0: {  	[sflag:s12] =	ssyncset.done $0x0  }
0x1a1: {  	[sflag:s12] =	ssyncadd.s32 $0xFFFFC000  }
0x1a2: {  	[spmem:s2] =	stream.indirect.scatter.add.f32 [tilespmem:s10], [sflag:$0x3], $0x80, s18, s9, $0xb8;
	[tilespmem:$0x1D400] =	vst v63  }
0x1a3: {  	_ =	swait.ge [sflag:s6], $0x4000  }
0x1a4: {  	[sflag:s6] =	ssyncset.done $0x0  }
0x1a5: {  	[sflag:s6] =	ssyncadd.s32 $0xFFFFC000  }
0x1a6: {  	[tilespmem:s10], [sflag:$0x1] =	stream.indirect.gather [hbm4b:s4+s9], $0x80, s19, s9, $0xb8;
	[tilespmem:$0x1D400] =	vst v63  }
0x1a7: {  	_ =	swait.ge [sflag:s14], $0x4000  }
0x1a8: {  	[sflag:s14] =	ssyncset.done $0x0  }
0x1a9: {  	[sflag:s14] =	ssyncadd.s32 $0xFFFFC000  }
0x1aa: {  	[spmem:s2] =	stream.indirect.scatter.add.f32 [tilespmem:s11], [sflag:$0x3], $0x80, s20, s9, $0xb8;
	[tilespmem:$0x1D400] =	vst v63  }
0x1ab: {  	_ =	swait.ge [sflag:s6], $0x4000  }
0x1ac: {  	[sflag:s6] =	ssyncset.done $0x0  }
0x1ad: {  	[sflag:s6] =	ssyncadd.s32 $0xFFFFC000  }
0x1ae: {  	[tilespmem:s11], [sflag:$0x2] =	stream.indirect.gather [hbm4b:s4+s9], $0x80, s21, s9, $0xb8;
	[tilespmem:$0x1D400] =	vst v63  }
0x1af: {  	_ =	swait.ge [sflag:s12], $0x4000  }
0x1b0: {  	[sflag:s12] =	ssyncset.done $0x0  }
0x1b1: {  	[sflag:s12] =	ssyncadd.s32 $0xFFFFC000  }
0x1b2: {  	[spmem:s2] =	stream.indirect.scatter.add.f32 [tilespmem:s10], [sflag:$0x3], $0x80, s22, s9, $0xb8;
	[tilespmem:$0x1D400] =	vst v63  }
0x1b3: {  	_ =	swait.ge [sflag:s6], $0x4000  }
0x1b4: {  	[sflag:s6] =	ssyncset.done $0x0  }
0x1b5: {  	[sflag:s6] =	ssyncadd.s32 $0xFFFFC000  }
0x1b6: {  	[tilespmem:s10], [sflag:$0x1] =	stream.indirect.gather [hbm4b:s4+s9], $0x80, s23, s9, $0xb8;
	[tilespmem:$0x1D400] =	vst v63  }
0x1b7: {  	_ =	swait.ge [sflag:s14], $0x4000  }
0x1b8: {  	[sflag:s14] =	ssyncset.done $0x0  }
0x1b9: {  	[sflag:s14] =	ssyncadd.s32 $0xFFFFC000  }
0x1ba: {  	[spmem:s2] =	stream.indirect.scatter.add.f32 [tilespmem:s11], [sflag:$0x3], $0x80, s24, s9, $0xb8;
	[tilespmem:$0x1D400] =	vst v63  }
0x1bb: {  	_ =	swait.ge [sflag:s6], $0x4000  }
0x1bc: {  	[sflag:s6] =	ssyncset.done $0x0  }
0x1bd: {  	[sflag:s6] =	ssyncadd.s32 $0xFFFFC000  }
0x1be: {  	[tilespmem:s11], [sflag:$0x2] =	stream.indirect.gather [hbm4b:s4+s9], $0x80, s25, s9, $0xb8;
	[tilespmem:$0x1D400] =	vst v63  }
0x1bf: {  	_ =	swait.ge [sflag:s12], $0x4000  }
0x1c0: {  	[sflag:s12] =	ssyncset.done $0x0  }
0x1c1: {  	[sflag:s12] =	ssyncadd.s32 $0xFFFFC000  }
0x1c2: {  	[spmem:s2] =	stream.indirect.scatter.add.f32 [tilespmem:s10], [sflag:$0x3], $0x80, s26, s9, $0xb8;
	[tilespmem:$0x1D400] =	vst v63  }
0x1c3: {  	_ =	swait.ge [sflag:s6], $0x4000  }
0x1c4: {  	[sflag:s6] =	ssyncset.done $0x0  }
0x1c5: {  	[sflag:s6] =	ssyncadd.s32 $0xFFFFC000  }
0x1c6: {  	[tilespmem:s10], [sflag:$0x1] =	stream.indirect.gather [hbm4b:s4+s9], $0x80, s28, s9, $0xb8;
	[tilespmem:$0x1D400] =	vst v63  }
0x1c7: {  	_ =	swait.ge [sflag:s14], $0x4000  }
0x1c8: {  	[sflag:s14] =	ssyncset.done $0x0  }
0x1c9: {  	[sflag:s14] =	ssyncadd.s32 $0xFFFFC000  }
0x1ca: {  	[spmem:s2] =	stream.indirect.scatter.add.f32 [tilespmem:s11], [sflag:$0x3], $0x80, s29, s9, $0xb8;
	[tilespmem:$0x1D400] =	vst v63  }
0x1cb: {  	_ =	swait.ge [sflag:s6], $0x4000  }
0x1cc: {  	[sflag:s6] =	ssyncset.done $0x0  }
0x1cd: {  	[sflag:s6] =	ssyncadd.s32 $0xFFFFC000  }
0x1ce: {  	[tilespmem:s11], [sflag:$0x2] =	stream.indirect.gather [hbm4b:s4+s9], $0x80, s30, s9, $0xb8;
	[tilespmem:$0x1D400] =	vst v63  }
0x1cf: {  	_ =	swait.ge [sflag:s12], $0x4000  }
0x1d0: {  	[sflag:s12] =	ssyncset.done $0x0  }
0x1d1: {  	[sflag:s12] =	ssyncadd.s32 $0xFFFFC000  }
0x1d2: {  	[spmem:s2] =	stream.indirect.scatter.add.f32 [tilespmem:s10], [sflag:$0x3], $0x80, s31, s9, $0xb8;
	[tilespmem:$0x1D400] =	vst v63  }
0x1d3: {  	_ =	swait.ge [sflag:s6], $0x4000  }
0x1d4: {  	[sflag:s6] =	ssyncset.done $0x0  }
0x1d5: {  	s5 =	simm.s32 $0x500;
	[sflag:s6] =	ssyncadd.s32 $0xFFFFC000  }
0x1d6: {  	[tilespmem:s10], [sflag:$0x1] =	stream.indirect.gather [hbm4b:s4+s9], $0x80, s5, s9, $0xb8;
	[tilespmem:$0x1D400] =	vst v63  }
0x1d7: {  	_ =	swait.ge [sflag:s14], $0x4000  }
0x1d8: {  	[sflag:s14] =	ssyncset.done $0x0  }
0x1d9: {  	s5 =	simm.s32 $0xE80;
	[sflag:s14] =	ssyncadd.s32 $0xFFFFC000  }
0x1da: {  	[spmem:s2] =	stream.indirect.scatter.add.f32 [tilespmem:s11], [sflag:$0x3], $0x80, s5, s9, $0xb8;
	[tilespmem:$0x1D400] =	vst v63  }
0x1db: {  	_ =	swait.ge [sflag:s6], $0x4000  }
0x1dc: {  	[sflag:s6] =	ssyncset.done $0x0  }
0x1dd: {  	s13 =	simm.s32 $0x580;
	[sflag:s6] =	ssyncadd.s32 $0xFFFFC000  }
0x1de: {  	[tilespmem:s11], [sflag:$0x2] =	stream.indirect.gather [hbm4b:s4+s9], $0x80, s13, s9, $0xb8;
	[tilespmem:$0x1D400] =	vst v63  }
0x1df: {  	_ =	swait.ge [sflag:s12], $0x4000  }
0x1e0: {  	[sflag:s12] =	ssyncset.done $0x0  }
0x1e1: {  	s13 =	simm.s32 $0xF00;
	[sflag:s12] =	ssyncadd.s32 $0xFFFFC000  }
0x1e2: {  	[spmem:s2] =	stream.indirect.scatter.add.f32 [tilespmem:s10], [sflag:$0x3], $0x80, s13, s9, $0xb8;
	[tilespmem:$0x1D400] =	vst v63  }
0x1e3: {  	_ =	swait.ge [sflag:s6], $0x4000  }
0x1e4: {  	[sflag:s6] =	ssyncset.done $0x0  }
0x1e5: {  	s13 =	simm.s32 $0x600;
	[sflag:s6] =	ssyncadd.s32 $0xFFFFC000  }
0x1e6: {  	[tilespmem:s10], [sflag:$0x1] =	stream.indirect.gather [hbm4b:s4+s9], $0x80, s13, s9, $0xb8;
	[tilespmem:$0x1D400] =	vst v63  }
0x1e7: {  	_ =	swait.ge [sflag:s14], $0x4000  }
0x1e8: {  	[sflag:s14] =	ssyncset.done $0x0  }
0x1e9: {  	s13 =	simm.s32 $0xF80;
	[sflag:s14] =	ssyncadd.s32 $0xFFFFC000  }
0x1ea: {  	[spmem:s2] =	stream.indirect.scatter.add.f32 [tilespmem:s11], [sflag:$0x3], $0x80, s13, s9, $0xb8;
	[tilespmem:$0x1D400] =	vst v63  }
0x1eb: {  	_ =	swait.ge [sflag:s6], $0x4000  }
0x1ec: {  	[sflag:s6] =	ssyncset.done $0x0  }
0x1ed: {  	s13 =	simm.s32 $0x680;
	[sflag:s6] =	ssyncadd.s32 $0xFFFFC000  }
0x1ee: {  	[tilespmem:s11], [sflag:$0x2] =	stream.indirect.gather [hbm4b:s4+s9], $0x80, s13, s9, $0xb8;
	[tilespmem:$0x1D400] =	vst v63  }
0x1ef: {  	_ =	swait.ge [sflag:s12], $0x4000  }
0x1f0: {  	[sflag:s12] =	ssyncset.done $0x0  }
0x1f1: {  	s13 =	simm.s32 $0x1000;
	[sflag:s12] =	ssyncadd.s32 $0xFFFFC000  }
0x1f2: {  	[spmem:s2] =	stream.indirect.scatter.add.f32 [tilespmem:s10], [sflag:$0x3], $0x80, s13, s9, $0xb8;
	[tilespmem:$0x1D400] =	vst v63  }
0x1f3: {  	_ =	swait.ge [sflag:s6], $0x4000  }
0x1f4: {  	[sflag:s6] =	ssyncset.done $0x0  }
0x1f5: {  	s13 =	simm.s32 $0x700;
	[sflag:s6] =	ssyncadd.s32 $0xFFFFC000  }
0x1f6: {  	[tilespmem:s10], [sflag:$0x1] =	stream.indirect.gather [hbm4b:s4+s9], $0x80, s13, s9, $0xb8;
	[tilespmem:$0x1D400] =	vst v63  }
0x1f7: {  	_ =	swait.ge [sflag:s14], $0x4000  }
0x1f8: {  	[sflag:s14] =	ssyncset.done $0x0  }
0x1f9: {  	s13 =	simm.s32 $0x1080;
	[sflag:s14] =	ssyncadd.s32 $0xFFFFC000  }
0x1fa: {  	[spmem:s2] =	stream.indirect.scatter.add.f32 [tilespmem:s11], [sflag:$0x3], $0x80, s13, s9, $0xb8;
	[tilespmem:$0x1D400] =	vst v63  }
0x1fb: {  	_ =	swait.ge [sflag:s6], $0x4000  }
0x1fc: {  	[sflag:s6] =	ssyncset.done $0x0  }
0x1fd: {  	s13 =	simm.s32 $0x780;
	[sflag:s6] =	ssyncadd.s32 $0xFFFFC000  }
0x1fe: {  	[tilespmem:s11], [sflag:$0x2] =	stream.indirect.gather [hbm4b:s4+s9], $0x80, s13, s9, $0xb8;
	[tilespmem:$0x1D400] =	vst v63  }
0x1ff: {  	_ =	swait.ge [sflag:s12], $0x4000  }
0x200: {  	[sflag:s12] =	ssyncset.done $0x0  }
0x201: {  	s13 =	simm.s32 $0x1100;
	[sflag:s12] =	ssyncadd.s32 $0xFFFFC000  }
0x202: {  	[spmem:s2] =	stream.indirect.scatter.add.f32 [tilespmem:s10], [sflag:$0x3], $0x80, s13, s9, $0xb8;
	[tilespmem:$0x1D400] =	vst v63  }
0x203: {  	_ =	swait.ge [sflag:s6], $0x4000  }
0x204: {  	[sflag:s6] =	ssyncset.done $0x0  }
0x205: {  	s13 =	simm.s32 $0x800;
	[sflag:s6] =	ssyncadd.s32 $0xFFFFC000  }
0x206: {  	[tilespmem:s10], [sflag:$0x1] =	stream.indirect.gather [hbm4b:s4+s9], $0x80, s13, s9, $0xb8;
	[tilespmem:$0x1D400] =	vst v63  }
0x207: {  	_ =	swait.ge [sflag:s14], $0x4000  }
0x208: {  	[sflag:s14] =	ssyncset.done $0x0  }
0x209: {  	s13 =	simm.s32 $0x1180;
	[sflag:s14] =	ssyncadd.s32 $0xFFFFC000  }
0x20a: {  	[spmem:s2] =	stream.indirect.scatter.add.f32 [tilespmem:s11], [sflag:$0x3], $0x80, s13, s9, $0xb8;
	[tilespmem:$0x1D400] =	vst v63  }
0x20b: {  	_ =	swait.ge [sflag:s6], $0x4000  }
0x20c: {  	[sflag:s6] =	ssyncset.done $0x0  }
0x20d: {  	s13 =	simm.s32 $0x880;
	[sflag:s6] =	ssyncadd.s32 $0xFFFFC000  }
0x20e: {  	[tilespmem:s11], [sflag:$0x2] =	stream.indirect.gather [hbm4b:s4+s9], $0x80, s13, s9, $0xb8;
	[tilespmem:$0x1D400] =	vst v63  }
0x20f: {  	_ =	swait.ge [sflag:s12], $0x4000  }
0x210: {  	[sflag:s12] =	ssyncset.done $0x0  }
0x211: {  	s13 =	simm.s32 $0x1200;
	[sflag:s12] =	ssyncadd.s32 $0xFFFFC000  }
0x212: {  	[spmem:s2] =	stream.indirect.scatter.add.f32 [tilespmem:s10], [sflag:$0x3], $0x80, s13, s9, $0xb8;
	[tilespmem:$0x1D400] =	vst v63  }
0x213: {  	_ =	swait.ge [sflag:s6], $0x4000  }
0x214: {  	[sflag:s6] =	ssyncset.done $0x0  }
0x215: {  	s13 =	simm.s32 $0x900;
	[sflag:s6] =	ssyncadd.s32 $0xFFFFC000  }
0x216: {  	[tilespmem:s10], [sflag:$0x1] =	stream.indirect.gather [hbm4b:s4+s9], $0x80, s13, s9, $0xb8;
	[tilespmem:$0x1D400] =	vst v63  }
0x217: {  	_ =	swait.ge [sflag:s14], $0x4000  }
0x218: {  	[sflag:s14] =	ssyncset.done $0x0  }
0x219: {  	s13 =	simm.s32 $0x1280;
	[sflag:s14] =	ssyncadd.s32 $0xFFFFC000  }
0x21a: {  	[spmem:s2] =	stream.indirect.scatter.add.f32 [tilespmem:s11], [sflag:$0x3], $0x80, s13, s9, $0xb8;
	[tilespmem:$0x1D400] =	vst v63  }
0x21b: {  	_ =	swait.ge [sflag:s6], $0x4000  }
0x21c: {  	[sflag:s6] =	ssyncset.done $0x0  }
0x21d: {  	s13 =	simm.s32 $0x980;
	[sflag:s6] =	ssyncadd.s32 $0xFFFFC000  }
0x21e: {  	[tilespmem:s11], [sflag:$0x2] =	stream.indirect.gather [hbm4b:s4+s9], $0x80, s13, s9, $0xb8;
	[tilespmem:$0x1D400] =	vst v63  }
0x21f: {  	_ =	swait.ge [sflag:s12], $0x4000  }
0x220: {  	[sflag:s12] =	ssyncset.done $0x0  }
0x221: {  	s13 =	simm.s32 $0x1300;
	[sflag:s12] =	ssyncadd.s32 $0xFFFFC000  }
0x222: {  	[spmem:s2] =	stream.indirect.scatter.add.f32 [tilespmem:s10], [sflag:$0x3], $0x80, s13, s9, $0xb8;
	[tilespmem:$0x1D400] =	vst v63  }
0x223: {  	_ =	swait.ge [sflag:s6], $0x4000  }
0x224: {  	[sflag:s6] =	ssyncset.done $0x0  }
0x225: {  	[sflag:s6] =	ssyncadd.s32 $0xFFFFC000  }
0x226: {  	_ =	swait.ge [sflag:s14], $0x4000  }
0x227: {  	[sflag:s14] =	ssyncset.done $0x0  }
0x228: {  	s13 =	simm.s32 $0x1380;
	[sflag:s14] =	ssyncadd.s32 $0xFFFFC000  }
0x229: {  	[spmem:s2] =	stream.indirect.scatter.add.f32 [tilespmem:s11], [sflag:$0x3], $0x80, s13, s9, $0xb8;
	[tilespmem:$0x1D400] =	vst v63  }
0x22a: {  	_ =	swait.ge [sflag:s6], $0x4000  }
0x22b: {  	[sflag:s6] =	ssyncset.done $0x0  }
0x22c: {  	s13 =	rddreg [dreg:$0x7];
	[sflag:s6] =	ssyncadd.s32 $0xFFFFC000  }
0x22d: {  	[tilespmem:s0], [sflag:$0x3] =	stream.linear.gather [hbm4b:s13+s0], $0xA00, $0x38;
	[tilespmem:$0x1D400] =	vst v63  }
0x22e: {  	_ =	swait.ge [sflag:s6], $0xA00  }
0x22f: {  	[sflag:s6] =	ssyncset.done $0x0  }
0x230: {  	s13 =	rddreg [dreg:$0x8];
	[sflag:s6] =	ssyncadd.s32 $0xFFFFF600  }
0x231: {  	[tilespmem:s3], [sflag:$0x3] =	stream.linear.gather [hbm4b:s13+s0], $0xA00, $0x38;
	[tilespmem:$0x1D400] =	vst v63  }
0x232: {  	_ =	swait.ge [sflag:s6], $0xA00  }
0x233: {  	[sflag:s6] =	ssyncset.done $0x0  }
0x234: {  	[sflag:s6] =	ssyncadd.s32 $0xFFFFF600  }
0x235: {  	[tilespmem:s10], [sflag:$0x1] =	stream.indirect.gather [hbm4b:s4+s9], $0x80, s0, s9, $0xb8;
	[tilespmem:$0x1D400] =	vst v63  }
0x236: {  	_ = 	snop  }
0x237: {  	[tilespmem:s11], [sflag:$0x2] =	stream.indirect.gather [hbm4b:s4+s9], $0x80, s9, s9, $0xb8;
	[tilespmem:$0x1D400] =	vst v63  }
0x238: {  	_ =	swait.ge [sflag:s12], $0x4000  }
0x239: {  	[sflag:s12] =	ssyncset.done $0x0  }
0x23a: {  	[sflag:s12] =	ssyncadd.s32 $0xFFFFC000  }
0x23b: {  	[spmem:s2] =	stream.indirect.scatter.add.f32 [tilespmem:s10], [sflag:$0x3], $0x80, s3, s9, $0xb8;
	[tilespmem:$0x1D400] =	vst v63  }
0x23c: {  	_ =	swait.ge [sflag:s6], $0x4000  }
0x23d: {  	[sflag:s6] =	ssyncset.done $0x0  }
0x23e: {  	[sflag:s6] =	ssyncadd.s32 $0xFFFFC000  }
0x23f: {  	[tilespmem:s10], [sflag:$0x1] =	stream.indirect.gather [hbm4b:s4+s9], $0x80, s15, s9, $0xb8;
	[tilespmem:$0x1D400] =	vst v63  }
0x240: {  	_ =	swait.ge [sflag:s14], $0x4000  }
0x241: {  	[sflag:s14] =	ssyncset.done $0x0  }
0x242: {  	[sflag:s14] =	ssyncadd.s32 $0xFFFFC000  }
0x243: {  	[spmem:s2] =	stream.indirect.scatter.add.f32 [tilespmem:s11], [sflag:$0x3], $0x80, s16, s9, $0xb8;
	[tilespmem:$0x1D400] =	vst v63  }
0x244: {  	_ =	swait.ge [sflag:s6], $0x4000  }
0x245: {  	[sflag:s6] =	ssyncset.done $0x0  }
0x246: {  	[sflag:s6] =	ssyncadd.s32 $0xFFFFC000  }
0x247: {  	[tilespmem:s11], [sflag:$0x2] =	stream.indirect.gather [hbm4b:s4+s9], $0x80, s17, s9, $0xb8;
	[tilespmem:$0x1D400] =	vst v63  }
0x248: {  	_ =	swait.ge [sflag:s12], $0x4000  }
0x249: {  	[sflag:s12] =	ssyncset.done $0x0  }
0x24a: {  	[sflag:s12] =	ssyncadd.s32 $0xFFFFC000  }
0x24b: {  	[spmem:s2] =	stream.indirect.scatter.add.f32 [tilespmem:s10], [sflag:$0x3], $0x80, s18, s9, $0xb8;
	[tilespmem:$0x1D400] =	vst v63  }
0x24c: {  	_ =	swait.ge [sflag:s6], $0x4000  }
0x24d: {  	[sflag:s6] =	ssyncset.done $0x0  }
0x24e: {  	[sflag:s6] =	ssyncadd.s32 $0xFFFFC000  }
0x24f: {  	[tilespmem:s10], [sflag:$0x1] =	stream.indirect.gather [hbm4b:s4+s9], $0x80, s19, s9, $0xb8;
	[tilespmem:$0x1D400] =	vst v63  }
0x250: {  	_ =	swait.ge [sflag:s14], $0x4000  }
0x251: {  	[sflag:s14] =	ssyncset.done $0x0  }
0x252: {  	[sflag:s14] =	ssyncadd.s32 $0xFFFFC000  }
0x253: {  	[spmem:s2] =	stream.indirect.scatter.add.f32 [tilespmem:s11], [sflag:$0x3], $0x80, s20, s9, $0xb8;
	[tilespmem:$0x1D400] =	vst v63  }
0x254: {  	_ =	swait.ge [sflag:s6], $0x4000  }
0x255: {  	[sflag:s6] =	ssyncset.done $0x0  }
0x256: {  	[sflag:s6] =	ssyncadd.s32 $0xFFFFC000  }
0x257: {  	[tilespmem:s11], [sflag:$0x2] =	stream.indirect.gather [hbm4b:s4+s9], $0x80, s21, s9, $0xb8;
	[tilespmem:$0x1D400] =	vst v63  }
0x258: {  	_ =	swait.ge [sflag:s12], $0x4000  }
0x259: {  	[sflag:s12] =	ssyncset.done $0x0  }
0x25a: {  	[sflag:s12] =	ssyncadd.s32 $0xFFFFC000  }
0x25b: {  	[spmem:s2] =	stream.indirect.scatter.add.f32 [tilespmem:s10], [sflag:$0x3], $0x80, s22, s9, $0xb8;
	[tilespmem:$0x1D400] =	vst v63  }
0x25c: {  	_ =	swait.ge [sflag:s6], $0x4000  }
0x25d: {  	[sflag:s6] =	ssyncset.done $0x0  }
0x25e: {  	[sflag:s6] =	ssyncadd.s32 $0xFFFFC000  }
0x25f: {  	[tilespmem:s10], [sflag:$0x1] =	stream.indirect.gather [hbm4b:s4+s9], $0x80, s23, s9, $0xb8;
	[tilespmem:$0x1D400] =	vst v63  }
0x260: {  	_ =	swait.ge [sflag:s14], $0x4000  }
0x261: {  	[sflag:s14] =	ssyncset.done $0x0  }
0x262: {  	[sflag:s14] =	ssyncadd.s32 $0xFFFFC000  }
0x263: {  	[spmem:s2] =	stream.indirect.scatter.add.f32 [tilespmem:s11], [sflag:$0x3], $0x80, s24, s9, $0xb8;
	[tilespmem:$0x1D400] =	vst v63  }
0x264: {  	_ =	swait.ge [sflag:s6], $0x4000  }
0x265: {  	[sflag:s6] =	ssyncset.done $0x0  }
0x266: {  	[sflag:s6] =	ssyncadd.s32 $0xFFFFC000  }
0x267: {  	[tilespmem:s11], [sflag:$0x2] =	stream.indirect.gather [hbm4b:s4+s9], $0x80, s25, s9, $0xb8;
	[tilespmem:$0x1D400] =	vst v63  }
0x268: {  	_ =	swait.ge [sflag:s12], $0x4000  }
0x269: {  	[sflag:s12] =	ssyncset.done $0x0  }
0x26a: {  	[sflag:s12] =	ssyncadd.s32 $0xFFFFC000  }
0x26b: {  	[spmem:s2] =	stream.indirect.scatter.add.f32 [tilespmem:s10], [sflag:$0x3], $0x80, s26, s9, $0xb8;
	[tilespmem:$0x1D400] =	vst v63  }
0x26c: {  	_ =	swait.ge [sflag:s6], $0x4000  }
0x26d: {  	[sflag:s6] =	ssyncset.done $0x0  }
0x26e: {  	[sflag:s6] =	ssyncadd.s32 $0xFFFFC000  }
0x26f: {  	[tilespmem:s10], [sflag:$0x1] =	stream.indirect.gather [hbm4b:s4+s9], $0x80, s28, s9, $0xb8;
	[tilespmem:$0x1D400] =	vst v63  }
0x270: {  	_ =	swait.ge [sflag:s14], $0x4000  }
0x271: {  	[sflag:s14] =	ssyncset.done $0x0  }
0x272: {  	[sflag:s14] =	ssyncadd.s32 $0xFFFFC000  }
0x273: {  	[spmem:s2] =	stream.indirect.scatter.add.f32 [tilespmem:s11], [sflag:$0x3], $0x80, s29, s9, $0xb8;
	[tilespmem:$0x1D400] =	vst v63  }
0x274: {  	_ =	swait.ge [sflag:s6], $0x4000  }
0x275: {  	[sflag:s6] =	ssyncset.done $0x0  }
0x276: {  	[sflag:s6] =	ssyncadd.s32 $0xFFFFC000  }
0x277: {  	[tilespmem:s11], [sflag:$0x2] =	stream.indirect.gather [hbm4b:s4+s9], $0x80, s30, s9, $0xb8;
	[tilespmem:$0x1D400] =	vst v63  }
0x278: {  	_ =	swait.ge [sflag:s12], $0x4000  }
0x279: {  	[sflag:s12] =	ssyncset.done $0x0  }
0x27a: {  	[sflag:s12] =	ssyncadd.s32 $0xFFFFC000  }
0x27b: {  	[spmem:s2] =	stream.indirect.scatter.add.f32 [tilespmem:s10], [sflag:$0x3], $0x80, s31, s9, $0xb8;
	[tilespmem:$0x1D400] =	vst v63  }
0x27c: {  	_ =	swait.ge [sflag:s6], $0x4000  }
0x27d: {  	[sflag:s6] =	ssyncset.done $0x0  }
0x27e: {  	s13 =	simm.s32 $0x500;
	[sflag:s6] =	ssyncadd.s32 $0xFFFFC000  }
0x27f: {  	[tilespmem:s10], [sflag:$0x1] =	stream.indirect.gather [hbm4b:s4+s9], $0x80, s13, s9, $0xb8;
	[tilespmem:$0x1D400] =	vst v63  }
0x280: {  	_ =	swait.ge [sflag:s14], $0x4000  }
0x281: {  	[sflag:s14] =	ssyncset.done $0x0  }
0x282: {  	[sflag:s14] =	ssyncadd.s32 $0xFFFFC000  }
0x283: {  	[spmem:s2] =	stream.indirect.scatter.add.f32 [tilespmem:s11], [sflag:$0x3], $0x80, s5, s9, $0xb8;
	[tilespmem:$0x1D400] =	vst v63  }
0x284: {  	_ =	swait.ge [sflag:s6], $0x4000  }
0x285: {  	[sflag:s6] =	ssyncset.done $0x0  }
0x286: {  	s13 =	simm.s32 $0x580;
	[sflag:s6] =	ssyncadd.s32 $0xFFFFC000  }
0x287: {  	[tilespmem:s11], [sflag:$0x2] =	stream.indirect.gather [hbm4b:s4+s9], $0x80, s13, s9, $0xb8;
	[tilespmem:$0x1D400] =	vst v63  }
0x288: {  	_ =	swait.ge [sflag:s12], $0x4000  }
0x289: {  	[sflag:s12] =	ssyncset.done $0x0  }
0x28a: {  	s5 =	simm.s32 $0xF00;
	[sflag:s12] =	ssyncadd.s32 $0xFFFFC000  }
0x28b: {  	[spmem:s2] =	stream.indirect.scatter.add.f32 [tilespmem:s10], [sflag:$0x3], $0x80, s5, s9, $0xb8;
	[tilespmem:$0x1D400] =	vst v63  }
0x28c: {  	_ =	swait.ge [sflag:s6], $0x4000  }
0x28d: {  	[sflag:s6] =	ssyncset.done $0x0  }
0x28e: {  	s13 =	simm.s32 $0x600;
	[sflag:s6] =	ssyncadd.s32 $0xFFFFC000  }
0x28f: {  	[tilespmem:s10], [sflag:$0x1] =	stream.indirect.gather [hbm4b:s4+s9], $0x80, s13, s9, $0xb8;
	[tilespmem:$0x1D400] =	vst v63  }
0x290: {  	_ =	swait.ge [sflag:s14], $0x4000  }
0x291: {  	[sflag:s14] =	ssyncset.done $0x0  }
0x292: {  	s5 =	simm.s32 $0xF80;
	[sflag:s14] =	ssyncadd.s32 $0xFFFFC000  }
0x293: {  	[spmem:s2] =	stream.indirect.scatter.add.f32 [tilespmem:s11], [sflag:$0x3], $0x80, s5, s9, $0xb8;
	[tilespmem:$0x1D400] =	vst v63  }
0x294: {  	_ =	swait.ge [sflag:s6], $0x4000  }
0x295: {  	[sflag:s6] =	ssyncset.done $0x0  }
0x296: {  	s13 =	simm.s32 $0x680;
	[sflag:s6] =	ssyncadd.s32 $0xFFFFC000  }
0x297: {  	[tilespmem:s11], [sflag:$0x2] =	stream.indirect.gather [hbm4b:s4+s9], $0x80, s13, s9, $0xb8;
	[tilespmem:$0x1D400] =	vst v63  }
0x298: {  	_ =	swait.ge [sflag:s12], $0x4000  }
0x299: {  	[sflag:s12] =	ssyncset.done $0x0  }
0x29a: {  	s5 =	simm.s32 $0x1000;
	[sflag:s12] =	ssyncadd.s32 $0xFFFFC000  }
0x29b: {  	[spmem:s2] =	stream.indirect.scatter.add.f32 [tilespmem:s10], [sflag:$0x3], $0x80, s5, s9, $0xb8;
	[tilespmem:$0x1D400] =	vst v63  }
0x29c: {  	_ =	swait.ge [sflag:s6], $0x4000  }
0x29d: {  	[sflag:s6] =	ssyncset.done $0x0  }
0x29e: {  	s13 =	simm.s32 $0x700;
	[sflag:s6] =	ssyncadd.s32 $0xFFFFC000  }
0x29f: {  	[tilespmem:s10], [sflag:$0x1] =	stream.indirect.gather [hbm4b:s4+s9], $0x80, s13, s9, $0xb8;
	[tilespmem:$0x1D400] =	vst v63  }
0x2a0: {  	_ =	swait.ge [sflag:s14], $0x4000  }
0x2a1: {  	[sflag:s14] =	ssyncset.done $0x0  }
0x2a2: {  	s5 =	simm.s32 $0x1080;
	[sflag:s14] =	ssyncadd.s32 $0xFFFFC000  }
0x2a3: {  	[spmem:s2] =	stream.indirect.scatter.add.f32 [tilespmem:s11], [sflag:$0x3], $0x80, s5, s9, $0xb8;
	[tilespmem:$0x1D400] =	vst v63  }
0x2a4: {  	_ =	swait.ge [sflag:s6], $0x4000  }
0x2a5: {  	[sflag:s6] =	ssyncset.done $0x0  }
0x2a6: {  	s13 =	simm.s32 $0x780;
	[sflag:s6] =	ssyncadd.s32 $0xFFFFC000  }
0x2a7: {  	[tilespmem:s11], [sflag:$0x2] =	stream.indirect.gather [hbm4b:s4+s9], $0x80, s13, s9, $0xb8;
	[tilespmem:$0x1D400] =	vst v63  }
0x2a8: {  	_ =	swait.ge [sflag:s12], $0x4000  }
0x2a9: {  	[sflag:s12] =	ssyncset.done $0x0  }
0x2aa: {  	s5 =	simm.s32 $0x1100;
	[sflag:s12] =	ssyncadd.s32 $0xFFFFC000  }
0x2ab: {  	[spmem:s2] =	stream.indirect.scatter.add.f32 [tilespmem:s10], [sflag:$0x3], $0x80, s5, s9, $0xb8;
	[tilespmem:$0x1D400] =	vst v63  }
0x2ac: {  	_ =	swait.ge [sflag:s6], $0x4000  }
0x2ad: {  	[sflag:s6] =	ssyncset.done $0x0  }
0x2ae: {  	s13 =	simm.s32 $0x800;
	[sflag:s6] =	ssyncadd.s32 $0xFFFFC000  }
0x2af: {  	[tilespmem:s10], [sflag:$0x1] =	stream.indirect.gather [hbm4b:s4+s9], $0x80, s13, s9, $0xb8;
	[tilespmem:$0x1D400] =	vst v63  }
0x2b0: {  	_ =	swait.ge [sflag:s14], $0x4000  }
0x2b1: {  	[sflag:s14] =	ssyncset.done $0x0  }
0x2b2: {  	s5 =	simm.s32 $0x1180;
	[sflag:s14] =	ssyncadd.s32 $0xFFFFC000  }
0x2b3: {  	[spmem:s2] =	stream.indirect.scatter.add.f32 [tilespmem:s11], [sflag:$0x3], $0x80, s5, s9, $0xb8;
	[tilespmem:$0x1D400] =	vst v63  }
0x2b4: {  	_ =	swait.ge [sflag:s6], $0x4000  }
0x2b5: {  	[sflag:s6] =	ssyncset.done $0x0  }
0x2b6: {  	s13 =	simm.s32 $0x880;
	[sflag:s6] =	ssyncadd.s32 $0xFFFFC000  }
0x2b7: {  	[tilespmem:s11], [sflag:$0x2] =	stream.indirect.gather [hbm4b:s4+s9], $0x80, s13, s9, $0xb8;
	[tilespmem:$0x1D400] =	vst v63  }
0x2b8: {  	_ =	swait.ge [sflag:s12], $0x4000  }
0x2b9: {  	[sflag:s12] =	ssyncset.done $0x0  }
0x2ba: {  	s5 =	simm.s32 $0x1200;
	[sflag:s12] =	ssyncadd.s32 $0xFFFFC000  }
0x2bb: {  	[spmem:s2] =	stream.indirect.scatter.add.f32 [tilespmem:s10], [sflag:$0x3], $0x80, s5, s9, $0xb8;
	[tilespmem:$0x1D400] =	vst v63  }
0x2bc: {  	_ =	swait.ge [sflag:s6], $0x4000  }
0x2bd: {  	[sflag:s6] =	ssyncset.done $0x0  }
0x2be: {  	s13 =	simm.s32 $0x900;
	[sflag:s6] =	ssyncadd.s32 $0xFFFFC000  }
0x2bf: {  	[tilespmem:s10], [sflag:$0x1] =	stream.indirect.gather [hbm4b:s4+s9], $0x80, s13, s9, $0xb8;
	[tilespmem:$0x1D400] =	vst v63  }
0x2c0: {  	_ =	swait.ge [sflag:s14], $0x4000  }
0x2c1: {  	[sflag:s14] =	ssyncset.done $0x0  }
0x2c2: {  	s5 =	simm.s32 $0x1280;
	[sflag:s14] =	ssyncadd.s32 $0xFFFFC000  }
0x2c3: {  	[spmem:s2] =	stream.indirect.scatter.add.f32 [tilespmem:s11], [sflag:$0x3], $0x80, s5, s9, $0xb8;
	[tilespmem:$0x1D400] =	vst v63  }
0x2c4: {  	_ =	swait.ge [sflag:s6], $0x4000  }
0x2c5: {  	[sflag:s6] =	ssyncset.done $0x0  }
0x2c6: {  	s13 =	simm.s32 $0x980;
	[sflag:s6] =	ssyncadd.s32 $0xFFFFC000  }
0x2c7: {  	[tilespmem:s11], [sflag:$0x2] =	stream.indirect.gather [hbm4b:s4+s9], $0x80, s13, s9, $0xb8;
	[tilespmem:$0x1D400] =	vst v63  }
0x2c8: {  	_ =	swait.ge [sflag:s12], $0x4000  }
0x2c9: {  	[sflag:s12] =	ssyncset.done $0x0  }
0x2ca: {  	s5 =	simm.s32 $0x1300;
	[sflag:s12] =	ssyncadd.s32 $0xFFFFC000  }
0x2cb: {  	[spmem:s2] =	stream.indirect.scatter.add.f32 [tilespmem:s10], [sflag:$0x3], $0x80, s5, s9, $0xb8;
	[tilespmem:$0x1D400] =	vst v63  }
0x2cc: {  	_ =	swait.ge [sflag:s6], $0x4000  }
0x2cd: {  	[sflag:s6] =	ssyncset.done $0x0  }
0x2ce: {  	[sflag:s6] =	ssyncadd.s32 $0xFFFFC000  }
0x2cf: {  	_ =	swait.ge [sflag:s14], $0x4000  }
0x2d0: {  	[sflag:s14] =	ssyncset.done $0x0  }
0x2d1: {  	s13 =	simm.s32 $0x1380;
	[sflag:s14] =	ssyncadd.s32 $0xFFFFC000  }
0x2d2: {  	[spmem:s2] =	stream.indirect.scatter.add.f32 [tilespmem:s11], [sflag:$0x3], $0x80, s13, s9, $0xb8;
	[tilespmem:$0x1D400] =	vst v63  }
0x2d3: {  	_ =	swait.ge [sflag:s6], $0x4000  }
0x2d4: {  	p0 =	sne.s32 s1, $0x1;
	[sflag:s6] =	ssyncset.done $0x0  }
.Ltmp1:
0x2d5: {  	[sflag:s6] =	ssyncadd.s32 $0xFFFFC000;
	(pc) =	sbr.rel @p0 .LBB2_2-.Ltmp1, $4  }
0x2d6: {  	[bflag:$0x0] =	sbarrier.arrive $0xFFFF  }
0x2d7: {  	s5 =	rddreg [dreg:$0x9]  }
0x2d8: {  	[hbm:s5], [sflag:s7] =	dma.local [spmem:s8], $0x2800  }
0x2d9: {  	s1 =	sadd.s32 $0xFFFFFFFF, s1;
	_ =	swait.ge [sflag:s6], $0x2800  }
.LBB2_3:
0x2da: {  	[sflag:s6] =	ssyncset.done $0x0  }
0x2db: {  	[sflag:s6] =	ssyncadd.s32 $0xFFFFD800  }
0x2dc: {  	_ =	sfence.sel $0x180000  }
0x2dd: {  	[bflag:$0x0] =	sbarrier.arrive $0xFFFF  }
0x2de: {  	_ =	strace $0x90000050  }
0x2df: {  	s0 =	stileid.u32;
	[bflag:$0x2] =	sbarrier.arrive $0xFFFF  }
0x2e0: {  	p0 =	sne.s32 s0, $0x0;
	s0 =	rddreg [dreg:$0x3]  }
0x2e1: {  	s0 =	sadd.s32 @!p0 $0x100000, s0  }
0x2e2: {  	[sflag:s0] =	ssyncadd.tile.s32 @!p0 $0x1;
	_ =	shalt  }
.Lfunc_end2:
_tile_overlayer_lowered:
.L_overlay_start_2:
0x2e3: {  	(tag) =	ssettag $0x2  }
0x2e4: {  	s0 =	rddreg [dreg:$0x0];
	s2 =	stileid.u32  }
0x2e5: {  	s1 =	rddreg [dreg:$0x1];
	p0 =	sne.s32 s2, $0x0  }
0x2e6: {  	s3 =	rddreg [dreg:$0x2];
	[bflag:$0x3] =	sbarrier.arrive $0xFFFF;
	s2 =	simm.s32 @!p0 $0x1C03  }
0x2e7: {  	[timem:s3], [sflag:s2] =	dma.local @!p0 [hbm:s0], s1  }
0x2e8: {  	s0 =	simm.s32 @!p0 $0x3  }
0x2e9: {  	_ =	swait.ge @!p0 [sflag:s0], s1  }
0x2ea: {  	s1 =	ssub.s32 @!p0 $0x0, s1;
	[sflag:s0] =	ssyncset.done @!p0 $0x0  }
0x2eb: {  	[sflag:s0] =	ssyncadd.s32 @!p0 s1  }
0x2ec: {  	[bflag:$0x3] =	sbarrier.arrive $0xFFFF  }
0x2ed: {  	_ =	shalt  }

</sc_bundles>
